<compile_context>
chip_gen: v7x
topology: tpu7x:2x2x1
jax: 0.10.2.dev20260603
libtpu: 0.0.44.dev20260713+nightly
codegen_flags: <defaults>
</compile_context>

<pallas_src>
import functools

import jax
import jax.numpy as jnp
from jax import lax
from jax.experimental import pallas as pl
from jax.experimental.pallas import tpu as pltpu
from jax.experimental.pallas import tpu_sc as plsc

B = 30000
N = 100000
D = 128
A = 64
K = 16

NW = 32
CHUNK = 120
NBUF = 5

TB = 1200


def _sc_gather(table, idx3):
  w = table.shape[1]
  nchunk = idx3.shape[1]
  ngroup = nchunk // NBUF
  rows_per_w = nchunk * CHUNK
  mesh = plsc.VectorSubcoreMesh(core_axis_name="c", subcore_axis_name="s")

  @functools.partial(
      pl.kernel,
      out_type=jax.ShapeDtypeStruct((NW * rows_per_w, w), table.dtype),
      mesh=mesh,
      scratch_types=[
          pltpu.VMEM((nchunk, CHUNK), jnp.int32),
          pltpu.VMEM((NBUF, CHUNK, w), table.dtype),
      ] + [pltpu.SemaphoreType.DMA] * (2 * NBUF),
  )
  def gather_kernel(table_hbm, idx_hbm, out_hbm, idx_v, rows, *sems):
    gsem = sems[:NBUF]
    wsem = sems[NBUF:]
    wid = lax.axis_index("s") * 2 + lax.axis_index("c")
    base = wid * rows_per_w
    pltpu.sync_copy(idx_hbm.at[wid], idx_v)
    for b in range(NBUF):
      pltpu.async_copy(table_hbm.at[idx_v.at[b]], rows.at[b], gsem[b])

    def wait_write(b):
      pltpu.make_async_copy(rows.at[b], out_hbm.at[pl.ds(base, CHUNK)],
                            wsem[b]).wait()

    def group(g, carry):
      for b in range(NBUF):
        c = g * NBUF + b
        b2 = (b - 1) % NBUF
        pltpu.make_async_copy(table_hbm.at[idx_v.at[0]], rows.at[b],
                              gsem[b]).wait()
        pltpu.async_copy(rows.at[b], out_hbm.at[pl.ds(base + c * CHUNK,
                                                      CHUNK)], wsem[b])
        @pl.when(c >= 1)
        def _():
          wait_write(b2)

          @pl.when(c + NBUF - 1 < nchunk)
          def _():
            pltpu.async_copy(table_hbm.at[idx_v.at[c + NBUF - 1]],
                             rows.at[b2], gsem[b2])
      return carry

    lax.fori_loop(0, ngroup, group, 0)
    wait_write(NBUF - 1)

  return gather_kernel(table, idx3)


def _tc_body(q_ref, nb_ref, w_ref, e_ref, wq_ref, wk_ref, wv_ref, gw_ref,
             gb_ref, g_ref, b_ref, out_ref):
  q = q_ref[...]
  w = w_ref[...]
  t = lax.dot_general(q, wq_ref[...], (((1,), (1,)), ((), ())),
                      preferred_element_type=jnp.float32)
  u = jnp.dot(t, wk_ref[...], preferred_element_type=jnp.float32)
  u = u * (A ** -0.5)
  scores = jnp.dot(nb_ref[0] * u, e_ref[0],
                   preferred_element_type=jnp.float32)
  for j in range(1, K):
    scores = scores + jnp.dot(nb_ref[j] * u, e_ref[j],
                              preferred_element_type=jnp.float32)
  s = jnp.sum(w, axis=-1, keepdims=True)
  scores = scores + jnp.log(w + 1e-6 * s + 1e-12)
  m = jnp.max(scores, axis=-1, keepdims=True)
  e = jnp.exp(scores - m)
  attn = e / jnp.sum(e, axis=-1, keepdims=True)
  acc = attn[:, 0:1] * nb_ref[0]
  for j in range(1, K):
    acc = acc + attn[:, j:j + 1] * nb_ref[j]
  ctx = lax.dot_general(acc, wv_ref[...], (((1,), (1,)), ((), ())),
                        preferred_element_type=jnp.float32)
  gate = jax.nn.sigmoid(jnp.sum(q * gw_ref[...], axis=-1, keepdims=True)
                        + gb_ref[0, 0])
  x = q + gate * ctx
  mu = jnp.mean(x, axis=-1, keepdims=True)
  var = jnp.mean((x - mu) ** 2, axis=-1, keepdims=True)
  out_ref[...] = (x - mu) * lax.rsqrt(var + 1e-5) * g_ref[...] + b_ref[...]


def _tc_math(query_emb, nb3, neighbor_weights, esel, Wq, Wk, Wv, gate_w,
             gate_b2, ln_g2, ln_b2, cb, off, prev):
  grid = (cb // TB,)
  specs = [
      pl.BlockSpec((TB, D), lambda i: (i + off, 0)),
      pl.BlockSpec((K, TB, D), lambda i: (0, i, 0)),
      pl.BlockSpec((TB, K), lambda i: (i + off, 0)),
      pl.BlockSpec((K, D, K), lambda i: (0, 0, 0)),
      pl.BlockSpec((A, D), lambda i: (0, 0)),
      pl.BlockSpec((A, D), lambda i: (0, 0)),
      pl.BlockSpec((D, D), lambda i: (0, 0)),
      pl.BlockSpec((1, D), lambda i: (0, 0)),
      pl.BlockSpec((1, 1), lambda i: (0, 0)),
      pl.BlockSpec((1, D), lambda i: (0, 0)),
      pl.BlockSpec((1, D), lambda i: (0, 0)),
  ]
  args = [query_emb, nb3, neighbor_weights, esel, Wq, Wk, Wv, gate_w,
          gate_b2, ln_g2, ln_b2]
  if prev is None:
    body = _tc_body
    aliases = {}
  else:
    body = lambda prev_ref, *refs: _tc_body(*refs)
    specs = [pl.BlockSpec(memory_space=pl.ANY)] + specs
    args = [prev] + args
    aliases = {0: 0}
  return pl.pallas_call(
      body,
      out_shape=jax.ShapeDtypeStruct((B, D), jnp.float32),
      grid=grid,
      in_specs=specs,
      out_specs=pl.BlockSpec((TB, D), lambda i: (i + off, 0)),
      input_output_aliases=aliases,
      compiler_params=pltpu.CompilerParams(
          dimension_semantics=("parallel",)),
  )(*args)


SPLITS = (9600, 9600, 10800)


def kernel(query_emb, all_emb, neighbor_indices, neighbor_weights, Wq, Wk, Wv,
           gate_w, gate_b, ln_g, ln_b):
  gb2 = gate_b.reshape(1, 1)
  lg2 = ln_g.reshape(1, D)
  lb2 = ln_b.reshape(1, D)
  idxT = neighbor_indices.T
  esel = jnp.zeros((K, D, K), jnp.float32).at[
      jnp.arange(K)[:, None], jnp.arange(D)[None, :],
      jnp.arange(K)[:, None]].set(1.0)
  out = None
  b0 = 0
  for cb in SPLITS:
    idx3 = idxT[:, b0:b0 + cb].reshape(NW, cb * K // (NW * CHUNK), CHUNK)
    nb3 = _sc_gather(all_emb, idx3).reshape(K, cb, D)
    out = _tc_math(query_emb, nb3, neighbor_weights, esel, Wq, Wk, Wv,
                   gate_w, gb2, lg2, lb2, cb, b0 // TB, out)
    b0 += cb
  return out

# --- scband reference (transcript-rebuilt; emitter-appended) ---
"""Pipeline reference for scband-neighborhood-attention-aggregator-6923487282080 (READ-ONLY COPY).

The authoritative reference and input builder live on the scoring server;
editing this copy changes nothing except your own understanding.
"""

import jax, jax.numpy as jnp
import numpy as np

B = 30000
N = 100000
D = 128
A = 64
K = 16


def setup_inputs(seed: int = 0) -> dict:
    key = jax.random.key(seed)
    ks = jax.random.split(key, 9)
    sd = 1.0 / np.sqrt(D)
    return {
        "query_emb": jax.random.normal(ks[0], (B, D), dtype=jnp.float32),
        "all_emb": jax.random.normal(ks[1], (N, D), dtype=jnp.float32),
        "neighbor_indices": jax.random.randint(ks[2], (B, K), 0, N, dtype=jnp.int32),
        "neighbor_weights": jax.random.uniform(ks[3], (B, K), dtype=jnp.float32),
        "Wq": jax.random.normal(ks[4], (A, D), dtype=jnp.float32) * sd,
        "Wk": jax.random.normal(ks[5], (A, D), dtype=jnp.float32) * sd,
        "Wv": jax.random.normal(ks[6], (D, D), dtype=jnp.float32) * sd,
        "gate_w": jax.random.normal(ks[7], (1, D), dtype=jnp.float32) * sd,
        "gate_b": jnp.zeros((1,), dtype=jnp.float32),
        "ln_g": jnp.ones((D,), dtype=jnp.float32),
        "ln_b": jnp.zeros((D,), dtype=jnp.float32),
    }


def reference(query_emb, all_emb, neighbor_indices, neighbor_weights, Wq, Wk, Wv, gate_w, gate_b, ln_g, ln_b):
    Bq, Dd = query_emb.shape
    Kk = neighbor_indices.shape[1]
    # gather top-K neighbor embeddings (SparseCore gather)
    neighbor_emb = jnp.take(all_emb, neighbor_indices.reshape(-1), axis=0).reshape(Bq, Kk, Dd)
    q = query_emb @ Wq.T                      # [B, A]
    k = neighbor_emb @ Wk.T                   # [B, K, A]
    scale = Wq.shape[0] ** (-0.5)
    scores = (q[:, None, :] * k).sum(-1) * scale  # [B, K]
    conf_w = neighbor_weights / (neighbor_weights.sum(-1, keepdims=True) + 1e-06)
    scores = scores + jnp.log(conf_w + 1e-06)
    attn = jax.nn.softmax(scores, axis=-1)    # dropout p=0.0 -> identity
    v = neighbor_emb @ Wv.T                   # [B, K, D]
    context = (attn[..., None] * v).sum(1)    # [B, D]
    gate = jax.nn.sigmoid(query_emb @ gate_w.T + gate_b)  # [B, 1]
    x = query_emb + gate * context
    mu = x.mean(-1, keepdims=True)
    var = x.var(-1, keepdims=True)
    return (x - mu) / jnp.sqrt(var + 1e-05) * ln_g + ln_b

if __name__ == "__main__":
    import jax
    _d = setup_inputs()
    print(jax.jit(kernel)(*tuple(_d.values())))

</pallas_src>

<mosaic_0001>
#map = affine_map<(d0, d1) -> (0, 0)>
#map1 = affine_map<(d0, d1) -> (0, 0, 0)>
module attributes {stable_mosaic.version = 14 : i64} {
  func.func @gather_kernel(%arg0: i32, %arg1: i32, %arg2: memref<100000x128xf32, #tpu.memory_space<hbm>>, %arg3: memref<32x40x120xi32, #tpu.memory_space<hbm>>, %arg4: memref<153600x128xf32, #tpu.memory_space<hbm>>, %arg5: memref<40x120xi32, #tpu.memory_space<vmem>>, %arg6: memref<5x120x128xf32, #tpu.memory_space<vmem>>, %arg7: memref<!tpu.dma_semaphore, #tpu.memory_space<semaphore_mem>>, %arg8: memref<!tpu.dma_semaphore, #tpu.memory_space<semaphore_mem>>, %arg9: memref<!tpu.dma_semaphore, #tpu.memory_space<semaphore_mem>>, %arg10: memref<!tpu.dma_semaphore, #tpu.memory_space<semaphore_mem>>, %arg11: memref<!tpu.dma_semaphore, #tpu.memory_space<semaphore_mem>>, %arg12: memref<!tpu.dma_semaphore, #tpu.memory_space<semaphore_mem>>, %arg13: memref<!tpu.dma_semaphore, #tpu.memory_space<semaphore_mem>>, %arg14: memref<!tpu.dma_semaphore, #tpu.memory_space<semaphore_mem>>, %arg15: memref<!tpu.dma_semaphore, #tpu.memory_space<semaphore_mem>>, %arg16: memref<!tpu.dma_semaphore, #tpu.memory_space<semaphore_mem>>) attributes {dimension_semantics = [#tpu.dimension_semantics<core_parallel>, #tpu.dimension_semantics<subcore_parallel>], iteration_bounds = array<i64: 2, 16>, scalar_prefetch = 0 : i64, scratch_operands = 12 : i64, tpu.core_type = #tpu.core_type<sc_vector_subcore>, window_params = [{transform_indices = #map}, {transform_indices = #map1}, {transform_indices = #map}]} {
    %mul3A = arith.constant 2 : i32
    %mul3A_0 = arith.muli %arg1, %mul3A : i32
    %add3A = arith.addi %mul3A_0, %arg0 : i32
    %mul3A_1 = arith.constant 4800 : i32
    %mul3A_2 = arith.muli %add3A, %mul3A_1 : i32
    "tpu.region"() ({
      %run_scoped3A = tpu.sem_alloc : memref<!tpu.dma_semaphore, #tpu.memory_space<semaphore_mem>>
      %dma_start3A_79 = arith.constant 0 : i32
      %dma_start3A_80 = arith.constant 0 : i32
      %dma_start3A_81 = tpu.memref_slice %arg3[%add3A, %dma_start3A_79, %dma_start3A_80] : memref<32x40x120xi32, #tpu.memory_space<hbm>> -> memref<1x40x120xi32, #tpu.memory_space<hbm>>
      %dma_start3A_82 = tpu.memref_squeeze %dma_start3A_81 : memref<1x40x120xi32, #tpu.memory_space<hbm>> -> memref<40x120xi32, #tpu.memory_space<hbm>>
      %dma_start3A_83 = arith.constant 0 : i32
      %dma_start3A_84 = arith.constant 0 : i32
      %dma_start3A_85 = tpu.memref_slice %arg3[%add3A, %dma_start3A_83, %dma_start3A_84] : memref<32x40x120xi32, #tpu.memory_space<hbm>> -> memref<1x40x120xi32, #tpu.memory_space<hbm>>
      %dma_start3A_86 = tpu.memref_squeeze %dma_start3A_85 : memref<1x40x120xi32, #tpu.memory_space<hbm>> -> memref<40x120xi32, #tpu.memory_space<hbm>>
      tpu.enqueue_dma source(%dma_start3A_86 : memref<40x120xi32, #tpu.memory_space<hbm>>) target(%arg5 : memref<40x120xi32, #tpu.memory_space<vmem>>) target_semaphore(%run_scoped3A : memref<!tpu.dma_semaphore, #tpu.memory_space<semaphore_mem>>)
      %dma_wait3A_87 = arith.constant 0 : i32
      %dma_wait3A_88 = arith.constant 0 : i32
      %dma_wait3A_89 = tpu.memref_slice %arg3[%add3A, %dma_wait3A_87, %dma_wait3A_88] : memref<32x40x120xi32, #tpu.memory_space<hbm>> -> memref<1x40x120xi32, #tpu.memory_space<hbm>>
      %dma_wait3A_90 = tpu.memref_squeeze %dma_wait3A_89 : memref<1x40x120xi32, #tpu.memory_space<hbm>> -> memref<40x120xi32, #tpu.memory_space<hbm>>
      %dma_wait3A_91 = arith.constant 0 : i32
      %dma_wait3A_92 = arith.constant 0 : i32
      %dma_wait3A_93 = tpu.memref_slice %arg3[%add3A, %dma_wait3A_91, %dma_wait3A_92] : memref<32x40x120xi32, #tpu.memory_space<hbm>> -> memref<1x40x120xi32, #tpu.memory_space<hbm>>
      %dma_wait3A_94 = tpu.memref_squeeze %dma_wait3A_93 : memref<1x40x120xi32, #tpu.memory_space<hbm>> -> memref<40x120xi32, #tpu.memory_space<hbm>>
      tpu.wait_dma2 semaphore(%run_scoped3A : memref<!tpu.dma_semaphore, #tpu.memory_space<semaphore_mem>>) src(%dma_wait3A_94 : memref<40x120xi32, #tpu.memory_space<hbm>>) dst(%arg5 : memref<40x120xi32, #tpu.memory_space<vmem>>)
      tpu.yield
    }) : () -> ()
    %dma_start3A = arith.constant 0 : i32
    %dma_start3A_3 = arith.constant 0 : i32
    %dma_start3A_4 = arith.constant 0 : i32
    %dma_start3A_5 = arith.constant 0 : i32
    %dma_start3A_6 = tpu.memref_slice %arg6[%dma_start3A_3, %dma_start3A_4, %dma_start3A_5] : memref<5x120x128xf32, #tpu.memory_space<vmem>> -> memref<1x120x128xf32, #tpu.memory_space<vmem>>
    %dma_start3A_7 = tpu.memref_squeeze %dma_start3A_6 : memref<1x120x128xf32, #tpu.memory_space<vmem>> -> memref<120x128xf32, #tpu.memory_space<vmem>>
    %dma_start3A_8 = arith.constant 0 : i32
    %dma_start3A_9 = tpu.memref_slice %arg5[%dma_start3A, %dma_start3A_8] : memref<40x120xi32, #tpu.memory_space<vmem>> -> memref<1x120xi32, #tpu.memory_space<vmem>>
    %dma_start3A_10 = tpu.memref_squeeze %dma_start3A_9 : memref<1x120xi32, #tpu.memory_space<vmem>> -> memref<120xi32, #tpu.memory_space<vmem>>
    %dma_start3A_11 = arith.constant 0 : i32
    %dma_start3A_12 = arith.constant 0 : i32
    %dma_start3A_13 = tpu.memref_slice %arg2[%dma_start3A_11, %dma_start3A_12] : memref<100000x128xf32, #tpu.memory_space<hbm>> -> memref<100000x128xf32, #tpu.memory_space<hbm>>
    tpu.enqueue_indirect_dma source(%dma_start3A_13 : memref<100000x128xf32, #tpu.memory_space<hbm>>) target(%dma_start3A_7 : memref<120x128xf32, #tpu.memory_space<vmem>>) offsets(%dma_start3A_10 : memref<120xi32, #tpu.memory_space<vmem>>) semaphore(%arg7 : memref<!tpu.dma_semaphore, #tpu.memory_space<semaphore_mem>>)
    %dma_start3A_14 = arith.constant 1 : i32
    %dma_start3A_15 = arith.constant 1 : i32
    %dma_start3A_16 = arith.constant 0 : i32
    %dma_start3A_17 = arith.constant 0 : i32
    %dma_start3A_18 = tpu.memref_slice %arg6[%dma_start3A_15, %dma_start3A_16, %dma_start3A_17] : memref<5x120x128xf32, #tpu.memory_space<vmem>> -> memref<1x120x128xf32, #tpu.memory_space<vmem>>
    %dma_start3A_19 = tpu.memref_squeeze %dma_start3A_18 : memref<1x120x128xf32, #tpu.memory_space<vmem>> -> memref<120x128xf32, #tpu.memory_space<vmem>>
    %dma_start3A_20 = arith.constant 0 : i32
    %dma_start3A_21 = tpu.memref_slice %arg5[%dma_start3A_14, %dma_start3A_20] : memref<40x120xi32, #tpu.memory_space<vmem>> -> memref<1x120xi32, #tpu.memory_space<vmem>>
    %dma_start3A_22 = tpu.memref_squeeze %dma_start3A_21 : memref<1x120xi32, #tpu.memory_space<vmem>> -> memref<120xi32, #tpu.memory_space<vmem>>
    %dma_start3A_23 = arith.constant 0 : i32
    %dma_start3A_24 = arith.constant 0 : i32
    %dma_start3A_25 = tpu.memref_slice %arg2[%dma_start3A_23, %dma_start3A_24] : memref<100000x128xf32, #tpu.memory_space<hbm>> -> memref<100000x128xf32, #tpu.memory_space<hbm>>
    tpu.enqueue_indirect_dma source(%dma_start3A_25 : memref<100000x128xf32, #tpu.memory_space<hbm>>) target(%dma_start3A_19 : memref<120x128xf32, #tpu.memory_space<vmem>>) offsets(%dma_start3A_22 : memref<120xi32, #tpu.memory_space<vmem>>) semaphore(%arg8 : memref<!tpu.dma_semaphore, #tpu.memory_space<semaphore_mem>>)
    %dma_start3A_26 = arith.constant 2 : i32
    %dma_start3A_27 = arith.constant 2 : i32
    %dma_start3A_28 = arith.constant 0 : i32
    %dma_start3A_29 = arith.constant 0 : i32
    %dma_start3A_30 = tpu.memref_slice %arg6[%dma_start3A_27, %dma_start3A_28, %dma_start3A_29] : memref<5x120x128xf32, #tpu.memory_space<vmem>> -> memref<1x120x128xf32, #tpu.memory_space<vmem>>
    %dma_start3A_31 = tpu.memref_squeeze %dma_start3A_30 : memref<1x120x128xf32, #tpu.memory_space<vmem>> -> memref<120x128xf32, #tpu.memory_space<vmem>>
    %dma_start3A_32 = arith.constant 0 : i32
    %dma_start3A_33 = tpu.memref_slice %arg5[%dma_start3A_26, %dma_start3A_32] : memref<40x120xi32, #tpu.memory_space<vmem>> -> memref<1x120xi32, #tpu.memory_space<vmem>>
    %dma_start3A_34 = tpu.memref_squeeze %dma_start3A_33 : memref<1x120xi32, #tpu.memory_space<vmem>> -> memref<120xi32, #tpu.memory_space<vmem>>
    %dma_start3A_35 = arith.constant 0 : i32
    %dma_start3A_36 = arith.constant 0 : i32
    %dma_start3A_37 = tpu.memref_slice %arg2[%dma_start3A_35, %dma_start3A_36] : memref<100000x128xf32, #tpu.memory_space<hbm>> -> memref<100000x128xf32, #tpu.memory_space<hbm>>
    tpu.enqueue_indirect_dma source(%dma_start3A_37 : memref<100000x128xf32, #tpu.memory_space<hbm>>) target(%dma_start3A_31 : memref<120x128xf32, #tpu.memory_space<vmem>>) offsets(%dma_start3A_34 : memref<120xi32, #tpu.memory_space<vmem>>) semaphore(%arg9 : memref<!tpu.dma_semaphore, #tpu.memory_space<semaphore_mem>>)
    %dma_start3A_38 = arith.constant 3 : i32
    %dma_start3A_39 = arith.constant 3 : i32
    %dma_start3A_40 = arith.constant 0 : i32
    %dma_start3A_41 = arith.constant 0 : i32
    %dma_start3A_42 = tpu.memref_slice %arg6[%dma_start3A_39, %dma_start3A_40, %dma_start3A_41] : memref<5x120x128xf32, #tpu.memory_space<vmem>> -> memref<1x120x128xf32, #tpu.memory_space<vmem>>
    %dma_start3A_43 = tpu.memref_squeeze %dma_start3A_42 : memref<1x120x128xf32, #tpu.memory_space<vmem>> -> memref<120x128xf32, #tpu.memory_space<vmem>>
    %dma_start3A_44 = arith.constant 0 : i32
    %dma_start3A_45 = tpu.memref_slice %arg5[%dma_start3A_38, %dma_start3A_44] : memref<40x120xi32, #tpu.memory_space<vmem>> -> memref<1x120xi32, #tpu.memory_space<vmem>>
    %dma_start3A_46 = tpu.memref_squeeze %dma_start3A_45 : memref<1x120xi32, #tpu.memory_space<vmem>> -> memref<120xi32, #tpu.memory_space<vmem>>
    %dma_start3A_47 = arith.constant 0 : i32
    %dma_start3A_48 = arith.constant 0 : i32
    %dma_start3A_49 = tpu.memref_slice %arg2[%dma_start3A_47, %dma_start3A_48] : memref<100000x128xf32, #tpu.memory_space<hbm>> -> memref<100000x128xf32, #tpu.memory_space<hbm>>
    tpu.enqueue_indirect_dma source(%dma_start3A_49 : memref<100000x128xf32, #tpu.memory_space<hbm>>) target(%dma_start3A_43 : memref<120x128xf32, #tpu.memory_space<vmem>>) offsets(%dma_start3A_46 : memref<120xi32, #tpu.memory_space<vmem>>) semaphore(%arg10 : memref<!tpu.dma_semaphore, #tpu.memory_space<semaphore_mem>>)
    %dma_start3A_50 = arith.constant 4 : i32
    %dma_start3A_51 = arith.constant 4 : i32
    %dma_start3A_52 = arith.constant 0 : i32
    %dma_start3A_53 = arith.constant 0 : i32
    %dma_start3A_54 = tpu.memref_slice %arg6[%dma_start3A_51, %dma_start3A_52, %dma_start3A_53] : memref<5x120x128xf32, #tpu.memory_space<vmem>> -> memref<1x120x128xf32, #tpu.memory_space<vmem>>
    %dma_start3A_55 = tpu.memref_squeeze %dma_start3A_54 : memref<1x120x128xf32, #tpu.memory_space<vmem>> -> memref<120x128xf32, #tpu.memory_space<vmem>>
    %dma_start3A_56 = arith.constant 0 : i32
    %dma_start3A_57 = tpu.memref_slice %arg5[%dma_start3A_50, %dma_start3A_56] : memref<40x120xi32, #tpu.memory_space<vmem>> -> memref<1x120xi32, #tpu.memory_space<vmem>>
    %dma_start3A_58 = tpu.memref_squeeze %dma_start3A_57 : memref<1x120xi32, #tpu.memory_space<vmem>> -> memref<120xi32, #tpu.memory_space<vmem>>
    %dma_start3A_59 = arith.constant 0 : i32
    %dma_start3A_60 = arith.constant 0 : i32
    %dma_start3A_61 = tpu.memref_slice %arg2[%dma_start3A_59, %dma_start3A_60] : memref<100000x128xf32, #tpu.memory_space<hbm>> -> memref<100000x128xf32, #tpu.memory_space<hbm>>
    tpu.enqueue_indirect_dma source(%dma_start3A_61 : memref<100000x128xf32, #tpu.memory_space<hbm>>) target(%dma_start3A_55 : memref<120x128xf32, #tpu.memory_space<vmem>>) offsets(%dma_start3A_58 : memref<120xi32, #tpu.memory_space<vmem>>) semaphore(%arg11 : memref<!tpu.dma_semaphore, #tpu.memory_space<semaphore_mem>>)
    %scan3A = arith.constant 0 : i32
    %scan3A_62 = arith.constant 0 : i32
    %scan3A_63 = arith.constant 8 : i32
    %scan3A_64 = arith.addi %scan3A_62, %scan3A_63 : i32
    %scan3A_65 = arith.constant 1 : i32
    scf.for %scan3A_79 = %scan3A_62 to %scan3A_64 step %scan3A_65  : i32 {
      %mul3A_80 = arith.constant 5 : i32
      %mul3A_81 = arith.muli %scan3A_79, %mul3A_80 : i32
      %add3A_82 = arith.constant 0 : i32
      %add3A_83 = arith.addi %mul3A_81, %add3A_82 : i32
      %dma_wait3A_84 = arith.constant 0 : i32
      %dma_wait3A_85 = arith.constant 0 : i32
      %dma_wait3A_86 = arith.constant 0 : i32
      %dma_wait3A_87 = arith.constant 0 : i32
      %dma_wait3A_88 = tpu.memref_slice %arg6[%dma_wait3A_85, %dma_wait3A_86, %dma_wait3A_87] : memref<5x120x128xf32, #tpu.memory_space<vmem>> -> memref<1x120x128xf32, #tpu.memory_space<vmem>>
      %dma_wait3A_89 = tpu.memref_squeeze %dma_wait3A_88 : memref<1x120x128xf32, #tpu.memory_space<vmem>> -> memref<120x128xf32, #tpu.memory_space<vmem>>
      %dma_wait3A_90 = arith.constant 0 : i32
      %dma_wait3A_91 = tpu.memref_slice %arg5[%dma_wait3A_84, %dma_wait3A_90] : memref<40x120xi32, #tpu.memory_space<vmem>> -> memref<1x120xi32, #tpu.memory_space<vmem>>
      %dma_wait3A_92 = tpu.memref_squeeze %dma_wait3A_91 : memref<1x120xi32, #tpu.memory_space<vmem>> -> memref<120xi32, #tpu.memory_space<vmem>>
      %dma_wait3A_93 = arith.constant 0 : i32
      %dma_wait3A_94 = arith.constant 0 : i32
      %dma_wait3A_95 = tpu.memref_slice %arg2[%dma_wait3A_93, %dma_wait3A_94] : memref<100000x128xf32, #tpu.memory_space<hbm>> -> memref<100000x128xf32, #tpu.memory_space<hbm>>
      tpu.wait_indirect_dma semaphore(%arg7 : memref<!tpu.dma_semaphore, #tpu.memory_space<semaphore_mem>>) src(%dma_wait3A_95 : memref<100000x128xf32, #tpu.memory_space<hbm>>) dst(%dma_wait3A_89 : memref<120x128xf32, #tpu.memory_space<vmem>>)
      %mul3A_96 = arith.constant 120 : i32
      %mul3A_97 = arith.muli %add3A_83, %mul3A_96 : i32
      %add3A_98 = arith.addi %mul3A_2, %mul3A_97 : i32
      %dma_start3A_99 = arith.constant 0 : i32
      %dma_start3A_100 = arith.constant 0 : i32
      %dma_start3A_101 = arith.constant 0 : i32
      %dma_start3A_102 = tpu.memref_slice %arg6[%dma_start3A_99, %dma_start3A_100, %dma_start3A_101] : memref<5x120x128xf32, #tpu.memory_space<vmem>> -> memref<1x120x128xf32, #tpu.memory_space<vmem>>
      %dma_start3A_103 = tpu.memref_squeeze %dma_start3A_102 : memref<1x120x128xf32, #tpu.memory_space<vmem>> -> memref<120x128xf32, #tpu.memory_space<vmem>>
      %dma_start3A_104 = arith.constant 0 : i32
      %dma_start3A_105 = tpu.memref_slice %arg4[%add3A_98, %dma_start3A_104] : memref<153600x128xf32, #tpu.memory_space<hbm>> -> memref<120x128xf32, #tpu.memory_space<hbm>>
      %dma_start3A_106 = arith.constant 0 : i32
      %dma_start3A_107 = tpu.memref_slice %arg4[%add3A_98, %dma_start3A_106] : memref<153600x128xf32, #tpu.memory_space<hbm>> -> memref<120x128xf32, #tpu.memory_space<hbm>>
      %dma_start3A_108 = arith.constant 0 : i32
      %dma_start3A_109 = arith.constant 0 : i32
      %dma_start3A_110 = tpu.memref_slice %arg6[%dma_start3A_99, %dma_start3A_108, %dma_start3A_109] : memref<5x120x128xf32, #tpu.memory_space<vmem>> -> memref<1x120x128xf32, #tpu.memory_space<vmem>>
      %dma_start3A_111 = tpu.memref_squeeze %dma_start3A_110 : memref<1x120x128xf32, #tpu.memory_space<vmem>> -> memref<120x128xf32, #tpu.memory_space<vmem>>
      tpu.enqueue_dma source(%dma_start3A_111 : memref<120x128xf32, #tpu.memory_space<vmem>>) target(%dma_start3A_107 : memref<120x128xf32, #tpu.memory_space<hbm>>) target_semaphore(%arg12 : memref<!tpu.dma_semaphore, #tpu.memory_space<semaphore_mem>>)
      %ge3A = arith.constant 1 : i32
      %ge3A_112 = arith.cmpi sge, %add3A_83, %ge3A : i32
      %convert_element_type3A = arith.extui %ge3A_112 : i1 to i32
      %cond3A = arith.constant 0 : i32
      %cond3A_113 = arith.cmpi ne, %convert_element_type3A, %cond3A : i32
      scf.if %cond3A_113 {
        %dma_wait3A_262 = arith.constant 4 : i32
        %dma_wait3A_263 = arith.constant 0 : i32
        %dma_wait3A_264 = arith.constant 0 : i32
        %dma_wait3A_265 = tpu.memref_slice %arg6[%dma_wait3A_262, %dma_wait3A_263, %dma_wait3A_264] : memref<5x120x128xf32, #tpu.memory_space<vmem>> -> memref<1x120x128xf32, #tpu.memory_space<vmem>>
        %dma_wait3A_266 = tpu.memref_squeeze %dma_wait3A_265 : memref<1x120x128xf32, #tpu.memory_space<vmem>> -> memref<120x128xf32, #tpu.memory_space<vmem>>
        %dma_wait3A_267 = arith.constant 0 : i32
        %dma_wait3A_268 = tpu.memref_slice %arg4[%mul3A_2, %dma_wait3A_267] : memref<153600x128xf32, #tpu.memory_space<hbm>> -> memref<120x128xf32, #tpu.memory_space<hbm>>
        %dma_wait3A_269 = arith.constant 0 : i32
        %dma_wait3A_270 = tpu.memref_slice %arg4[%mul3A_2, %dma_wait3A_269] : memref<153600x128xf32, #tpu.memory_space<hbm>> -> memref<120x128xf32, #tpu.memory_space<hbm>>
        %dma_wait3A_271 = arith.constant 0 : i32
        %dma_wait3A_272 = arith.constant 0 : i32
        %dma_wait3A_273 = tpu.memref_slice %arg6[%dma_wait3A_262, %dma_wait3A_271, %dma_wait3A_272] : memref<5x120x128xf32, #tpu.memory_space<vmem>> -> memref<1x120x128xf32, #tpu.memory_space<vmem>>
        %dma_wait3A_274 = tpu.memref_squeeze %dma_wait3A_273 : memref<1x120x128xf32, #tpu.memory_space<vmem>> -> memref<120x128xf32, #tpu.memory_space<vmem>>
        tpu.wait_dma2 semaphore(%arg16 : memref<!tpu.dma_semaphore, #tpu.memory_space<semaphore_mem>>) src(%dma_wait3A_274 : memref<120x128xf32, #tpu.memory_space<vmem>>) dst(%dma_wait3A_270 : memref<120x128xf32, #tpu.memory_space<hbm>>)
        %add3A_275 = arith.constant 5 : i32
        %add3A_276 = arith.addi %add3A_83, %add3A_275 : i32
        %sub3A = arith.constant 1 : i32
        %sub3A_277 = arith.subi %add3A_276, %sub3A : i32
        %lt3A = arith.constant 40 : i32
        %lt3A_278 = arith.cmpi slt, %sub3A_277, %lt3A : i32
        %convert_element_type3A_279 = arith.extui %lt3A_278 : i1 to i32
        %cond3A_280 = arith.constant 0 : i32
        %cond3A_281 = arith.cmpi ne, %convert_element_type3A_279, %cond3A_280 : i32
        scf.if %cond3A_281 {
          %add3A_282 = arith.constant 5 : i32
          %add3A_283 = arith.addi %add3A_83, %add3A_282 : i32
          %sub3A_284 = arith.constant 1 : i32
          %sub3A_285 = arith.subi %add3A_283, %sub3A_284 : i32
          %dma_start3A_286 = arith.constant 4 : i32
          %dma_start3A_287 = arith.constant 0 : i32
          %dma_start3A_288 = arith.constant 0 : i32
          %dma_start3A_289 = tpu.memref_slice %arg6[%dma_start3A_286, %dma_start3A_287, %dma_start3A_288] : memref<5x120x128xf32, #tpu.memory_space<vmem>> -> memref<1x120x128xf32, #tpu.memory_space<vmem>>
          %dma_start3A_290 = tpu.memref_squeeze %dma_start3A_289 : memref<1x120x128xf32, #tpu.memory_space<vmem>> -> memref<120x128xf32, #tpu.memory_space<vmem>>
          %dma_start3A_291 = arith.constant 0 : i32
          %dma_start3A_292 = tpu.memref_slice %arg5[%sub3A_285, %dma_start3A_291] : memref<40x120xi32, #tpu.memory_space<vmem>> -> memref<1x120xi32, #tpu.memory_space<vmem>>
          %dma_start3A_293 = tpu.memref_squeeze %dma_start3A_292 : memref<1x120xi32, #tpu.memory_space<vmem>> -> memref<120xi32, #tpu.memory_space<vmem>>
          %dma_start3A_294 = arith.constant 0 : i32
          %dma_start3A_295 = arith.constant 0 : i32
          %dma_start3A_296 = tpu.memref_slice %arg2[%dma_start3A_294, %dma_start3A_295] : memref<100000x128xf32, #tpu.memory_space<hbm>> -> memref<100000x128xf32, #tpu.memory_space<hbm>>
          tpu.enqueue_indirect_dma source(%dma_start3A_296 : memref<100000x128xf32, #tpu.memory_space<hbm>>) target(%dma_start3A_290 : memref<120x128xf32, #tpu.memory_space<vmem>>) offsets(%dma_start3A_293 : memref<120xi32, #tpu.memory_space<vmem>>) semaphore(%arg11 : memref<!tpu.dma_semaphore, #tpu.memory_space<semaphore_mem>>)
        } else {
        }
      } else {
      }
      %mul3A_114 = arith.constant 5 : i32
      %mul3A_115 = arith.muli %scan3A_79, %mul3A_114 : i32
      %add3A_116 = arith.constant 1 : i32
      %add3A_117 = arith.addi %mul3A_115, %add3A_116 : i32
      %dma_wait3A_118 = arith.constant 0 : i32
      %dma_wait3A_119 = arith.constant 1 : i32
      %dma_wait3A_120 = arith.constant 0 : i32
      %dma_wait3A_121 = arith.constant 0 : i32
      %dma_wait3A_122 = tpu.memref_slice %arg6[%dma_wait3A_119, %dma_wait3A_120, %dma_wait3A_121] : memref<5x120x128xf32, #tpu.memory_space<vmem>> -> memref<1x120x128xf32, #tpu.memory_space<vmem>>
      %dma_wait3A_123 = tpu.memref_squeeze %dma_wait3A_122 : memref<1x120x128xf32, #tpu.memory_space<vmem>> -> memref<120x128xf32, #tpu.memory_space<vmem>>
      %dma_wait3A_124 = arith.constant 0 : i32
      %dma_wait3A_125 = tpu.memref_slice %arg5[%dma_wait3A_118, %dma_wait3A_124] : memref<40x120xi32, #tpu.memory_space<vmem>> -> memref<1x120xi32, #tpu.memory_space<vmem>>
      %dma_wait3A_126 = tpu.memref_squeeze %dma_wait3A_125 : memref<1x120xi32, #tpu.memory_space<vmem>> -> memref<120xi32, #tpu.memory_space<vmem>>
      %dma_wait3A_127 = arith.constant 0 : i32
      %dma_wait3A_128 = arith.constant 0 : i32
      %dma_wait3A_129 = tpu.memref_slice %arg2[%dma_wait3A_127, %dma_wait3A_128] : memref<100000x128xf32, #tpu.memory_space<hbm>> -> memref<100000x128xf32, #tpu.memory_space<hbm>>
      tpu.wait_indirect_dma semaphore(%arg8 : memref<!tpu.dma_semaphore, #tpu.memory_space<semaphore_mem>>) src(%dma_wait3A_129 : memref<100000x128xf32, #tpu.memory_space<hbm>>) dst(%dma_wait3A_123 : memref<120x128xf32, #tpu.memory_space<vmem>>)
      %mul3A_130 = arith.constant 120 : i32
      %mul3A_131 = arith.muli %add3A_117, %mul3A_130 : i32
      %add3A_132 = arith.addi %mul3A_2, %mul3A_131 : i32
      %dma_start3A_133 = arith.constant 1 : i32
      %dma_start3A_134 = arith.constant 0 : i32
      %dma_start3A_135 = arith.constant 0 : i32
      %dma_start3A_136 = tpu.memref_slice %arg6[%dma_start3A_133, %dma_start3A_134, %dma_start3A_135] : memref<5x120x128xf32, #tpu.memory_space<vmem>> -> memref<1x120x128xf32, #tpu.memory_space<vmem>>
      %dma_start3A_137 = tpu.memref_squeeze %dma_start3A_136 : memref<1x120x128xf32, #tpu.memory_space<vmem>> -> memref<120x128xf32, #tpu.memory_space<vmem>>
      %dma_start3A_138 = arith.constant 0 : i32
      %dma_start3A_139 = tpu.memref_slice %arg4[%add3A_132, %dma_start3A_138] : memref<153600x128xf32, #tpu.memory_space<hbm>> -> memref<120x128xf32, #tpu.memory_space<hbm>>
      %dma_start3A_140 = arith.constant 0 : i32
      %dma_start3A_141 = tpu.memref_slice %arg4[%add3A_132, %dma_start3A_140] : memref<153600x128xf32, #tpu.memory_space<hbm>> -> memref<120x128xf32, #tpu.memory_space<hbm>>
      %dma_start3A_142 = arith.constant 0 : i32
      %dma_start3A_143 = arith.constant 0 : i32
      %dma_start3A_144 = tpu.memref_slice %arg6[%dma_start3A_133, %dma_start3A_142, %dma_start3A_143] : memref<5x120x128xf32, #tpu.memory_space<vmem>> -> memref<1x120x128xf32, #tpu.memory_space<vmem>>
      %dma_start3A_145 = tpu.memref_squeeze %dma_start3A_144 : memref<1x120x128xf32, #tpu.memory_space<vmem>> -> memref<120x128xf32, #tpu.memory_space<vmem>>
      tpu.enqueue_dma source(%dma_start3A_145 : memref<120x128xf32, #tpu.memory_space<vmem>>) target(%dma_start3A_141 : memref<120x128xf32, #tpu.memory_space<hbm>>) target_semaphore(%arg13 : memref<!tpu.dma_semaphore, #tpu.memory_space<semaphore_mem>>)
      %ge3A_146 = arith.constant 1 : i32
      %ge3A_147 = arith.cmpi sge, %add3A_117, %ge3A_146 : i32
      %convert_element_type3A_148 = arith.extui %ge3A_147 : i1 to i32
      %cond3A_149 = arith.constant 0 : i32
      %cond3A_150 = arith.cmpi ne, %convert_element_type3A_148, %cond3A_149 : i32
      scf.if %cond3A_150 {
        %dma_wait3A_262 = arith.constant 0 : i32
        %dma_wait3A_263 = arith.constant 0 : i32
        %dma_wait3A_264 = arith.constant 0 : i32
        %dma_wait3A_265 = tpu.memref_slice %arg6[%dma_wait3A_262, %dma_wait3A_263, %dma_wait3A_264] : memref<5x120x128xf32, #tpu.memory_space<vmem>> -> memref<1x120x128xf32, #tpu.memory_space<vmem>>
        %dma_wait3A_266 = tpu.memref_squeeze %dma_wait3A_265 : memref<1x120x128xf32, #tpu.memory_space<vmem>> -> memref<120x128xf32, #tpu.memory_space<vmem>>
        %dma_wait3A_267 = arith.constant 0 : i32
        %dma_wait3A_268 = tpu.memref_slice %arg4[%mul3A_2, %dma_wait3A_267] : memref<153600x128xf32, #tpu.memory_space<hbm>> -> memref<120x128xf32, #tpu.memory_space<hbm>>
        %dma_wait3A_269 = arith.constant 0 : i32
        %dma_wait3A_270 = tpu.memref_slice %arg4[%mul3A_2, %dma_wait3A_269] : memref<153600x128xf32, #tpu.memory_space<hbm>> -> memref<120x128xf32, #tpu.memory_space<hbm>>
        %dma_wait3A_271 = arith.constant 0 : i32
        %dma_wait3A_272 = arith.constant 0 : i32
        %dma_wait3A_273 = tpu.memref_slice %arg6[%dma_wait3A_262, %dma_wait3A_271, %dma_wait3A_272] : memref<5x120x128xf32, #tpu.memory_space<vmem>> -> memref<1x120x128xf32, #tpu.memory_space<vmem>>
        %dma_wait3A_274 = tpu.memref_squeeze %dma_wait3A_273 : memref<1x120x128xf32, #tpu.memory_space<vmem>> -> memref<120x128xf32, #tpu.memory_space<vmem>>
        tpu.wait_dma2 semaphore(%arg12 : memref<!tpu.dma_semaphore, #tpu.memory_space<semaphore_mem>>) src(%dma_wait3A_274 : memref<120x128xf32, #tpu.memory_space<vmem>>) dst(%dma_wait3A_270 : memref<120x128xf32, #tpu.memory_space<hbm>>)
        %add3A_275 = arith.constant 5 : i32
        %add3A_276 = arith.addi %add3A_117, %add3A_275 : i32
        %sub3A = arith.constant 1 : i32
        %sub3A_277 = arith.subi %add3A_276, %sub3A : i32
        %lt3A = arith.constant 40 : i32
        %lt3A_278 = arith.cmpi slt, %sub3A_277, %lt3A : i32
        %convert_element_type3A_279 = arith.extui %lt3A_278 : i1 to i32
        %cond3A_280 = arith.constant 0 : i32
        %cond3A_281 = arith.cmpi ne, %convert_element_type3A_279, %cond3A_280 : i32
        scf.if %cond3A_281 {
          %add3A_282 = arith.constant 5 : i32
          %add3A_283 = arith.addi %add3A_117, %add3A_282 : i32
          %sub3A_284 = arith.constant 1 : i32
          %sub3A_285 = arith.subi %add3A_283, %sub3A_284 : i32
          %dma_start3A_286 = arith.constant 0 : i32
          %dma_start3A_287 = arith.constant 0 : i32
          %dma_start3A_288 = arith.constant 0 : i32
          %dma_start3A_289 = tpu.memref_slice %arg6[%dma_start3A_286, %dma_start3A_287, %dma_start3A_288] : memref<5x120x128xf32, #tpu.memory_space<vmem>> -> memref<1x120x128xf32, #tpu.memory_space<vmem>>
          %dma_start3A_290 = tpu.memref_squeeze %dma_start3A_289 : memref<1x120x128xf32, #tpu.memory_space<vmem>> -> memref<120x128xf32, #tpu.memory_space<vmem>>
          %dma_start3A_291 = arith.constant 0 : i32
          %dma_start3A_292 = tpu.memref_slice %arg5[%sub3A_285, %dma_start3A_291] : memref<40x120xi32, #tpu.memory_space<vmem>> -> memref<1x120xi32, #tpu.memory_space<vmem>>
          %dma_start3A_293 = tpu.memref_squeeze %dma_start3A_292 : memref<1x120xi32, #tpu.memory_space<vmem>> -> memref<120xi32, #tpu.memory_space<vmem>>
          %dma_start3A_294 = arith.constant 0 : i32
          %dma_start3A_295 = arith.constant 0 : i32
          %dma_start3A_296 = tpu.memref_slice %arg2[%dma_start3A_294, %dma_start3A_295] : memref<100000x128xf32, #tpu.memory_space<hbm>> -> memref<100000x128xf32, #tpu.memory_space<hbm>>
          tpu.enqueue_indirect_dma source(%dma_start3A_296 : memref<100000x128xf32, #tpu.memory_space<hbm>>) target(%dma_start3A_290 : memref<120x128xf32, #tpu.memory_space<vmem>>) offsets(%dma_start3A_293 : memref<120xi32, #tpu.memory_space<vmem>>) semaphore(%arg7 : memref<!tpu.dma_semaphore, #tpu.memory_space<semaphore_mem>>)
        } else {
        }
      } else {
      }
      %mul3A_151 = arith.constant 5 : i32
      %mul3A_152 = arith.muli %scan3A_79, %mul3A_151 : i32
      %add3A_153 = arith.constant 2 : i32
      %add3A_154 = arith.addi %mul3A_152, %add3A_153 : i32
      %dma_wait3A_155 = arith.constant 0 : i32
      %dma_wait3A_156 = arith.constant 2 : i32
      %dma_wait3A_157 = arith.constant 0 : i32
      %dma_wait3A_158 = arith.constant 0 : i32
      %dma_wait3A_159 = tpu.memref_slice %arg6[%dma_wait3A_156, %dma_wait3A_157, %dma_wait3A_158] : memref<5x120x128xf32, #tpu.memory_space<vmem>> -> memref<1x120x128xf32, #tpu.memory_space<vmem>>
      %dma_wait3A_160 = tpu.memref_squeeze %dma_wait3A_159 : memref<1x120x128xf32, #tpu.memory_space<vmem>> -> memref<120x128xf32, #tpu.memory_space<vmem>>
      %dma_wait3A_161 = arith.constant 0 : i32
      %dma_wait3A_162 = tpu.memref_slice %arg5[%dma_wait3A_155, %dma_wait3A_161] : memref<40x120xi32, #tpu.memory_space<vmem>> -> memref<1x120xi32, #tpu.memory_space<vmem>>
      %dma_wait3A_163 = tpu.memref_squeeze %dma_wait3A_162 : memref<1x120xi32, #tpu.memory_space<vmem>> -> memref<120xi32, #tpu.memory_space<vmem>>
      %dma_wait3A_164 = arith.constant 0 : i32
      %dma_wait3A_165 = arith.constant 0 : i32
      %dma_wait3A_166 = tpu.memref_slice %arg2[%dma_wait3A_164, %dma_wait3A_165] : memref<100000x128xf32, #tpu.memory_space<hbm>> -> memref<100000x128xf32, #tpu.memory_space<hbm>>
      tpu.wait_indirect_dma semaphore(%arg9 : memref<!tpu.dma_semaphore, #tpu.memory_space<semaphore_mem>>) src(%dma_wait3A_166 : memref<100000x128xf32, #tpu.memory_space<hbm>>) dst(%dma_wait3A_160 : memref<120x128xf32, #tpu.memory_space<vmem>>)
      %mul3A_167 = arith.constant 120 : i32
      %mul3A_168 = arith.muli %add3A_154, %mul3A_167 : i32
      %add3A_169 = arith.addi %mul3A_2, %mul3A_168 : i32
      %dma_start3A_170 = arith.constant 2 : i32
      %dma_start3A_171 = arith.constant 0 : i32
      %dma_start3A_172 = arith.constant 0 : i32
      %dma_start3A_173 = tpu.memref_slice %arg6[%dma_start3A_170, %dma_start3A_171, %dma_start3A_172] : memref<5x120x128xf32, #tpu.memory_space<vmem>> -> memref<1x120x128xf32, #tpu.memory_space<vmem>>
      %dma_start3A_174 = tpu.memref_squeeze %dma_start3A_173 : memref<1x120x128xf32, #tpu.memory_space<vmem>> -> memref<120x128xf32, #tpu.memory_space<vmem>>
      %dma_start3A_175 = arith.constant 0 : i32
      %dma_start3A_176 = tpu.memref_slice %arg4[%add3A_169, %dma_start3A_175] : memref<153600x128xf32, #tpu.memory_space<hbm>> -> memref<120x128xf32, #tpu.memory_space<hbm>>
      %dma_start3A_177 = arith.constant 0 : i32
      %dma_start3A_178 = tpu.memref_slice %arg4[%add3A_169, %dma_start3A_177] : memref<153600x128xf32, #tpu.memory_space<hbm>> -> memref<120x128xf32, #tpu.memory_space<hbm>>
      %dma_start3A_179 = arith.constant 0 : i32
      %dma_start3A_180 = arith.constant 0 : i32
      %dma_start3A_181 = tpu.memref_slice %arg6[%dma_start3A_170, %dma_start3A_179, %dma_start3A_180] : memref<5x120x128xf32, #tpu.memory_space<vmem>> -> memref<1x120x128xf32, #tpu.memory_space<vmem>>
      %dma_start3A_182 = tpu.memref_squeeze %dma_start3A_181 : memref<1x120x128xf32, #tpu.memory_space<vmem>> -> memref<120x128xf32, #tpu.memory_space<vmem>>
      tpu.enqueue_dma source(%dma_start3A_182 : memref<120x128xf32, #tpu.memory_space<vmem>>) target(%dma_start3A_178 : memref<120x128xf32, #tpu.memory_space<hbm>>) target_semaphore(%arg14 : memref<!tpu.dma_semaphore, #tpu.memory_space<semaphore_mem>>)
      %ge3A_183 = arith.constant 1 : i32
      %ge3A_184 = arith.cmpi sge, %add3A_154, %ge3A_183 : i32
      %convert_element_type3A_185 = arith.extui %ge3A_184 : i1 to i32
      %cond3A_186 = arith.constant 0 : i32
      %cond3A_187 = arith.cmpi ne, %convert_element_type3A_185, %cond3A_186 : i32
      scf.if %cond3A_187 {
        %dma_wait3A_262 = arith.constant 1 : i32
        %dma_wait3A_263 = arith.constant 0 : i32
        %dma_wait3A_264 = arith.constant 0 : i32
        %dma_wait3A_265 = tpu.memref_slice %arg6[%dma_wait3A_262, %dma_wait3A_263, %dma_wait3A_264] : memref<5x120x128xf32, #tpu.memory_space<vmem>> -> memref<1x120x128xf32, #tpu.memory_space<vmem>>
        %dma_wait3A_266 = tpu.memref_squeeze %dma_wait3A_265 : memref<1x120x128xf32, #tpu.memory_space<vmem>> -> memref<120x128xf32, #tpu.memory_space<vmem>>
        %dma_wait3A_267 = arith.constant 0 : i32
        %dma_wait3A_268 = tpu.memref_slice %arg4[%mul3A_2, %dma_wait3A_267] : memref<153600x128xf32, #tpu.memory_space<hbm>> -> memref<120x128xf32, #tpu.memory_space<hbm>>
        %dma_wait3A_269 = arith.constant 0 : i32
        %dma_wait3A_270 = tpu.memref_slice %arg4[%mul3A_2, %dma_wait3A_269] : memref<153600x128xf32, #tpu.memory_space<hbm>> -> memref<120x128xf32, #tpu.memory_space<hbm>>
        %dma_wait3A_271 = arith.constant 0 : i32
        %dma_wait3A_272 = arith.constant 0 : i32
        %dma_wait3A_273 = tpu.memref_slice %arg6[%dma_wait3A_262, %dma_wait3A_271, %dma_wait3A_272] : memref<5x120x128xf32, #tpu.memory_space<vmem>> -> memref<1x120x128xf32, #tpu.memory_space<vmem>>
        %dma_wait3A_274 = tpu.memref_squeeze %dma_wait3A_273 : memref<1x120x128xf32, #tpu.memory_space<vmem>> -> memref<120x128xf32, #tpu.memory_space<vmem>>
        tpu.wait_dma2 semaphore(%arg13 : memref<!tpu.dma_semaphore, #tpu.memory_space<semaphore_mem>>) src(%dma_wait3A_274 : memref<120x128xf32, #tpu.memory_space<vmem>>) dst(%dma_wait3A_270 : memref<120x128xf32, #tpu.memory_space<hbm>>)
        %add3A_275 = arith.constant 5 : i32
        %add3A_276 = arith.addi %add3A_154, %add3A_275 : i32
        %sub3A = arith.constant 1 : i32
        %sub3A_277 = arith.subi %add3A_276, %sub3A : i32
        %lt3A = arith.constant 40 : i32
        %lt3A_278 = arith.cmpi slt, %sub3A_277, %lt3A : i32
        %convert_element_type3A_279 = arith.extui %lt3A_278 : i1 to i32
        %cond3A_280 = arith.constant 0 : i32
        %cond3A_281 = arith.cmpi ne, %convert_element_type3A_279, %cond3A_280 : i32
        scf.if %cond3A_281 {
          %add3A_282 = arith.constant 5 : i32
          %add3A_283 = arith.addi %add3A_154, %add3A_282 : i32
          %sub3A_284 = arith.constant 1 : i32
          %sub3A_285 = arith.subi %add3A_283, %sub3A_284 : i32
          %dma_start3A_286 = arith.constant 1 : i32
          %dma_start3A_287 = arith.constant 0 : i32
          %dma_start3A_288 = arith.constant 0 : i32
          %dma_start3A_289 = tpu.memref_slice %arg6[%dma_start3A_286, %dma_start3A_287, %dma_start3A_288] : memref<5x120x128xf32, #tpu.memory_space<vmem>> -> memref<1x120x128xf32, #tpu.memory_space<vmem>>
          %dma_start3A_290 = tpu.memref_squeeze %dma_start3A_289 : memref<1x120x128xf32, #tpu.memory_space<vmem>> -> memref<120x128xf32, #tpu.memory_space<vmem>>
          %dma_start3A_291 = arith.constant 0 : i32
          %dma_start3A_292 = tpu.memref_slice %arg5[%sub3A_285, %dma_start3A_291] : memref<40x120xi32, #tpu.memory_space<vmem>> -> memref<1x120xi32, #tpu.memory_space<vmem>>
          %dma_start3A_293 = tpu.memref_squeeze %dma_start3A_292 : memref<1x120xi32, #tpu.memory_space<vmem>> -> memref<120xi32, #tpu.memory_space<vmem>>
          %dma_start3A_294 = arith.constant 0 : i32
          %dma_start3A_295 = arith.constant 0 : i32
          %dma_start3A_296 = tpu.memref_slice %arg2[%dma_start3A_294, %dma_start3A_295] : memref<100000x128xf32, #tpu.memory_space<hbm>> -> memref<100000x128xf32, #tpu.memory_space<hbm>>
          tpu.enqueue_indirect_dma source(%dma_start3A_296 : memref<100000x128xf32, #tpu.memory_space<hbm>>) target(%dma_start3A_290 : memref<120x128xf32, #tpu.memory_space<vmem>>) offsets(%dma_start3A_293 : memref<120xi32, #tpu.memory_space<vmem>>) semaphore(%arg8 : memref<!tpu.dma_semaphore, #tpu.memory_space<semaphore_mem>>)
        } else {
        }
      } else {
      }
      %mul3A_188 = arith.constant 5 : i32
      %mul3A_189 = arith.muli %scan3A_79, %mul3A_188 : i32
      %add3A_190 = arith.constant 3 : i32
      %add3A_191 = arith.addi %mul3A_189, %add3A_190 : i32
      %dma_wait3A_192 = arith.constant 0 : i32
      %dma_wait3A_193 = arith.constant 3 : i32
      %dma_wait3A_194 = arith.constant 0 : i32
      %dma_wait3A_195 = arith.constant 0 : i32
      %dma_wait3A_196 = tpu.memref_slice %arg6[%dma_wait3A_193, %dma_wait3A_194, %dma_wait3A_195] : memref<5x120x128xf32, #tpu.memory_space<vmem>> -> memref<1x120x128xf32, #tpu.memory_space<vmem>>
      %dma_wait3A_197 = tpu.memref_squeeze %dma_wait3A_196 : memref<1x120x128xf32, #tpu.memory_space<vmem>> -> memref<120x128xf32, #tpu.memory_space<vmem>>
      %dma_wait3A_198 = arith.constant 0 : i32
      %dma_wait3A_199 = tpu.memref_slice %arg5[%dma_wait3A_192, %dma_wait3A_198] : memref<40x120xi32, #tpu.memory_space<vmem>> -> memref<1x120xi32, #tpu.memory_space<vmem>>
      %dma_wait3A_200 = tpu.memref_squeeze %dma_wait3A_199 : memref<1x120xi32, #tpu.memory_space<vmem>> -> memref<120xi32, #tpu.memory_space<vmem>>
      %dma_wait3A_201 = arith.constant 0 : i32
      %dma_wait3A_202 = arith.constant 0 : i32
      %dma_wait3A_203 = tpu.memref_slice %arg2[%dma_wait3A_201, %dma_wait3A_202] : memref<100000x128xf32, #tpu.memory_space<hbm>> -> memref<100000x128xf32, #tpu.memory_space<hbm>>
      tpu.wait_indirect_dma semaphore(%arg10 : memref<!tpu.dma_semaphore, #tpu.memory_space<semaphore_mem>>) src(%dma_wait3A_203 : memref<100000x128xf32, #tpu.memory_space<hbm>>) dst(%dma_wait3A_197 : memref<120x128xf32, #tpu.memory_space<vmem>>)
      %mul3A_204 = arith.constant 120 : i32
      %mul3A_205 = arith.muli %add3A_191, %mul3A_204 : i32
      %add3A_206 = arith.addi %mul3A_2, %mul3A_205 : i32
      %dma_start3A_207 = arith.constant 3 : i32
      %dma_start3A_208 = arith.constant 0 : i32
      %dma_start3A_209 = arith.constant 0 : i32
      %dma_start3A_210 = tpu.memref_slice %arg6[%dma_start3A_207, %dma_start3A_208, %dma_start3A_209] : memref<5x120x128xf32, #tpu.memory_space<vmem>> -> memref<1x120x128xf32, #tpu.memory_space<vmem>>
      %dma_start3A_211 = tpu.memref_squeeze %dma_start3A_210 : memref<1x120x128xf32, #tpu.memory_space<vmem>> -> memref<120x128xf32, #tpu.memory_space<vmem>>
      %dma_start3A_212 = arith.constant 0 : i32
      %dma_start3A_213 = tpu.memref_slice %arg4[%add3A_206, %dma_start3A_212] : memref<153600x128xf32, #tpu.memory_space<hbm>> -> memref<120x128xf32, #tpu.memory_space<hbm>>
      %dma_start3A_214 = arith.constant 0 : i32
      %dma_start3A_215 = tpu.memref_slice %arg4[%add3A_206, %dma_start3A_214] : memref<153600x128xf32, #tpu.memory_space<hbm>> -> memref<120x128xf32, #tpu.memory_space<hbm>>
      %dma_start3A_216 = arith.constant 0 : i32
      %dma_start3A_217 = arith.constant 0 : i32
      %dma_start3A_218 = tpu.memref_slice %arg6[%dma_start3A_207, %dma_start3A_216, %dma_start3A_217] : memref<5x120x128xf32, #tpu.memory_space<vmem>> -> memref<1x120x128xf32, #tpu.memory_space<vmem>>
      %dma_start3A_219 = tpu.memref_squeeze %dma_start3A_218 : memref<1x120x128xf32, #tpu.memory_space<vmem>> -> memref<120x128xf32, #tpu.memory_space<vmem>>
      tpu.enqueue_dma source(%dma_start3A_219 : memref<120x128xf32, #tpu.memory_space<vmem>>) target(%dma_start3A_215 : memref<120x128xf32, #tpu.memory_space<hbm>>) target_semaphore(%arg15 : memref<!tpu.dma_semaphore, #tpu.memory_space<semaphore_mem>>)
      %ge3A_220 = arith.constant 1 : i32
      %ge3A_221 = arith.cmpi sge, %add3A_191, %ge3A_220 : i32
      %convert_element_type3A_222 = arith.extui %ge3A_221 : i1 to i32
      %cond3A_223 = arith.constant 0 : i32
      %cond3A_224 = arith.cmpi ne, %convert_element_type3A_222, %cond3A_223 : i32
      scf.if %cond3A_224 {
        %dma_wait3A_262 = arith.constant 2 : i32
        %dma_wait3A_263 = arith.constant 0 : i32
        %dma_wait3A_264 = arith.constant 0 : i32
        %dma_wait3A_265 = tpu.memref_slice %arg6[%dma_wait3A_262, %dma_wait3A_263, %dma_wait3A_264] : memref<5x120x128xf32, #tpu.memory_space<vmem>> -> memref<1x120x128xf32, #tpu.memory_space<vmem>>
        %dma_wait3A_266 = tpu.memref_squeeze %dma_wait3A_265 : memref<1x120x128xf32, #tpu.memory_space<vmem>> -> memref<120x128xf32, #tpu.memory_space<vmem>>
        %dma_wait3A_267 = arith.constant 0 : i32
        %dma_wait3A_268 = tpu.memref_slice %arg4[%mul3A_2, %dma_wait3A_267] : memref<153600x128xf32, #tpu.memory_space<hbm>> -> memref<120x128xf32, #tpu.memory_space<hbm>>
        %dma_wait3A_269 = arith.constant 0 : i32
        %dma_wait3A_270 = tpu.memref_slice %arg4[%mul3A_2, %dma_wait3A_269] : memref<153600x128xf32, #tpu.memory_space<hbm>> -> memref<120x128xf32, #tpu.memory_space<hbm>>
        %dma_wait3A_271 = arith.constant 0 : i32
        %dma_wait3A_272 = arith.constant 0 : i32
        %dma_wait3A_273 = tpu.memref_slice %arg6[%dma_wait3A_262, %dma_wait3A_271, %dma_wait3A_272] : memref<5x120x128xf32, #tpu.memory_space<vmem>> -> memref<1x120x128xf32, #tpu.memory_space<vmem>>
        %dma_wait3A_274 = tpu.memref_squeeze %dma_wait3A_273 : memref<1x120x128xf32, #tpu.memory_space<vmem>> -> memref<120x128xf32, #tpu.memory_space<vmem>>
        tpu.wait_dma2 semaphore(%arg14 : memref<!tpu.dma_semaphore, #tpu.memory_space<semaphore_mem>>) src(%dma_wait3A_274 : memref<120x128xf32, #tpu.memory_space<vmem>>) dst(%dma_wait3A_270 : memref<120x128xf32, #tpu.memory_space<hbm>>)
        %add3A_275 = arith.constant 5 : i32
        %add3A_276 = arith.addi %add3A_191, %add3A_275 : i32
        %sub3A = arith.constant 1 : i32
        %sub3A_277 = arith.subi %add3A_276, %sub3A : i32
        %lt3A = arith.constant 40 : i32
        %lt3A_278 = arith.cmpi slt, %sub3A_277, %lt3A : i32
        %convert_element_type3A_279 = arith.extui %lt3A_278 : i1 to i32
        %cond3A_280 = arith.constant 0 : i32
        %cond3A_281 = arith.cmpi ne, %convert_element_type3A_279, %cond3A_280 : i32
        scf.if %cond3A_281 {
          %add3A_282 = arith.constant 5 : i32
          %add3A_283 = arith.addi %add3A_191, %add3A_282 : i32
          %sub3A_284 = arith.constant 1 : i32
          %sub3A_285 = arith.subi %add3A_283, %sub3A_284 : i32
          %dma_start3A_286 = arith.constant 2 : i32
          %dma_start3A_287 = arith.constant 0 : i32
          %dma_start3A_288 = arith.constant 0 : i32
          %dma_start3A_289 = tpu.memref_slice %arg6[%dma_start3A_286, %dma_start3A_287, %dma_start3A_288] : memref<5x120x128xf32, #tpu.memory_space<vmem>> -> memref<1x120x128xf32, #tpu.memory_space<vmem>>
          %dma_start3A_290 = tpu.memref_squeeze %dma_start3A_289 : memref<1x120x128xf32, #tpu.memory_space<vmem>> -> memref<120x128xf32, #tpu.memory_space<vmem>>
          %dma_start3A_291 = arith.constant 0 : i32
          %dma_start3A_292 = tpu.memref_slice %arg5[%sub3A_285, %dma_start3A_291] : memref<40x120xi32, #tpu.memory_space<vmem>> -> memref<1x120xi32, #tpu.memory_space<vmem>>
          %dma_start3A_293 = tpu.memref_squeeze %dma_start3A_292 : memref<1x120xi32, #tpu.memory_space<vmem>> -> memref<120xi32, #tpu.memory_space<vmem>>
          %dma_start3A_294 = arith.constant 0 : i32
          %dma_start3A_295 = arith.constant 0 : i32
          %dma_start3A_296 = tpu.memref_slice %arg2[%dma_start3A_294, %dma_start3A_295] : memref<100000x128xf32, #tpu.memory_space<hbm>> -> memref<100000x128xf32, #tpu.memory_space<hbm>>
          tpu.enqueue_indirect_dma source(%dma_start3A_296 : memref<100000x128xf32, #tpu.memory_space<hbm>>) target(%dma_start3A_290 : memref<120x128xf32, #tpu.memory_space<vmem>>) offsets(%dma_start3A_293 : memref<120xi32, #tpu.memory_space<vmem>>) semaphore(%arg9 : memref<!tpu.dma_semaphore, #tpu.memory_space<semaphore_mem>>)
        } else {
        }
      } else {
      }
      %mul3A_225 = arith.constant 5 : i32
      %mul3A_226 = arith.muli %scan3A_79, %mul3A_225 : i32
      %add3A_227 = arith.constant 4 : i32
      %add3A_228 = arith.addi %mul3A_226, %add3A_227 : i32
      %dma_wait3A_229 = arith.constant 0 : i32
      %dma_wait3A_230 = arith.constant 4 : i32
      %dma_wait3A_231 = arith.constant 0 : i32
      %dma_wait3A_232 = arith.constant 0 : i32
      %dma_wait3A_233 = tpu.memref_slice %arg6[%dma_wait3A_230, %dma_wait3A_231, %dma_wait3A_232] : memref<5x120x128xf32, #tpu.memory_space<vmem>> -> memref<1x120x128xf32, #tpu.memory_space<vmem>>
      %dma_wait3A_234 = tpu.memref_squeeze %dma_wait3A_233 : memref<1x120x128xf32, #tpu.memory_space<vmem>> -> memref<120x128xf32, #tpu.memory_space<vmem>>
      %dma_wait3A_235 = arith.constant 0 : i32
      %dma_wait3A_236 = tpu.memref_slice %arg5[%dma_wait3A_229, %dma_wait3A_235] : memref<40x120xi32, #tpu.memory_space<vmem>> -> memref<1x120xi32, #tpu.memory_space<vmem>>
      %dma_wait3A_237 = tpu.memref_squeeze %dma_wait3A_236 : memref<1x120xi32, #tpu.memory_space<vmem>> -> memref<120xi32, #tpu.memory_space<vmem>>
      %dma_wait3A_238 = arith.constant 0 : i32
      %dma_wait3A_239 = arith.constant 0 : i32
      %dma_wait3A_240 = tpu.memref_slice %arg2[%dma_wait3A_238, %dma_wait3A_239] : memref<100000x128xf32, #tpu.memory_space<hbm>> -> memref<100000x128xf32, #tpu.memory_space<hbm>>
      tpu.wait_indirect_dma semaphore(%arg11 : memref<!tpu.dma_semaphore, #tpu.memory_space<semaphore_mem>>) src(%dma_wait3A_240 : memref<100000x128xf32, #tpu.memory_space<hbm>>) dst(%dma_wait3A_234 : memref<120x128xf32, #tpu.memory_space<vmem>>)
      %mul3A_241 = arith.constant 120 : i32
      %mul3A_242 = arith.muli %add3A_228, %mul3A_241 : i32
      %add3A_243 = arith.addi %mul3A_2, %mul3A_242 : i32
      %dma_start3A_244 = arith.constant 4 : i32
      %dma_start3A_245 = arith.constant 0 : i32
      %dma_start3A_246 = arith.constant 0 : i32
      %dma_start3A_247 = tpu.memref_slice %arg6[%dma_start3A_244, %dma_start3A_245, %dma_start3A_246] : memref<5x120x128xf32, #tpu.memory_space<vmem>> -> memref<1x120x128xf32, #tpu.memory_space<vmem>>
      %dma_start3A_248 = tpu.memref_squeeze %dma_start3A_247 : memref<1x120x128xf32, #tpu.memory_space<vmem>> -> memref<120x128xf32, #tpu.memory_space<vmem>>
      %dma_start3A_249 = arith.constant 0 : i32
      %dma_start3A_250 = tpu.memref_slice %arg4[%add3A_243, %dma_start3A_249] : memref<153600x128xf32, #tpu.memory_space<hbm>> -> memref<120x128xf32, #tpu.memory_space<hbm>>
      %dma_start3A_251 = arith.constant 0 : i32
      %dma_start3A_252 = tpu.memref_slice %arg4[%add3A_243, %dma_start3A_251] : memref<153600x128xf32, #tpu.memory_space<hbm>> -> memref<120x128xf32, #tpu.memory_space<hbm>>
      %dma_start3A_253 = arith.constant 0 : i32
      %dma_start3A_254 = arith.constant 0 : i32
      %dma_start3A_255 = tpu.memref_slice %arg6[%dma_start3A_244, %dma_start3A_253, %dma_start3A_254] : memref<5x120x128xf32, #tpu.memory_space<vmem>> -> memref<1x120x128xf32, #tpu.memory_space<vmem>>
      %dma_start3A_256 = tpu.memref_squeeze %dma_start3A_255 : memref<1x120x128xf32, #tpu.memory_space<vmem>> -> memref<120x128xf32, #tpu.memory_space<vmem>>
      tpu.enqueue_dma source(%dma_start3A_256 : memref<120x128xf32, #tpu.memory_space<vmem>>) target(%dma_start3A_252 : memref<120x128xf32, #tpu.memory_space<hbm>>) target_semaphore(%arg16 : memref<!tpu.dma_semaphore, #tpu.memory_space<semaphore_mem>>)
      %ge3A_257 = arith.constant 1 : i32
      %ge3A_258 = arith.cmpi sge, %add3A_228, %ge3A_257 : i32
      %convert_element_type3A_259 = arith.extui %ge3A_258 : i1 to i32
      %cond3A_260 = arith.constant 0 : i32
      %cond3A_261 = arith.cmpi ne, %convert_element_type3A_259, %cond3A_260 : i32
      scf.if %cond3A_261 {
        %dma_wait3A_262 = arith.constant 3 : i32
        %dma_wait3A_263 = arith.constant 0 : i32
        %dma_wait3A_264 = arith.constant 0 : i32
        %dma_wait3A_265 = tpu.memref_slice %arg6[%dma_wait3A_262, %dma_wait3A_263, %dma_wait3A_264] : memref<5x120x128xf32, #tpu.memory_space<vmem>> -> memref<1x120x128xf32, #tpu.memory_space<vmem>>
        %dma_wait3A_266 = tpu.memref_squeeze %dma_wait3A_265 : memref<1x120x128xf32, #tpu.memory_space<vmem>> -> memref<120x128xf32, #tpu.memory_space<vmem>>
        %dma_wait3A_267 = arith.constant 0 : i32
        %dma_wait3A_268 = tpu.memref_slice %arg4[%mul3A_2, %dma_wait3A_267] : memref<153600x128xf32, #tpu.memory_space<hbm>> -> memref<120x128xf32, #tpu.memory_space<hbm>>
        %dma_wait3A_269 = arith.constant 0 : i32
        %dma_wait3A_270 = tpu.memref_slice %arg4[%mul3A_2, %dma_wait3A_269] : memref<153600x128xf32, #tpu.memory_space<hbm>> -> memref<120x128xf32, #tpu.memory_space<hbm>>
        %dma_wait3A_271 = arith.constant 0 : i32
        %dma_wait3A_272 = arith.constant 0 : i32
        %dma_wait3A_273 = tpu.memref_slice %arg6[%dma_wait3A_262, %dma_wait3A_271, %dma_wait3A_272] : memref<5x120x128xf32, #tpu.memory_space<vmem>> -> memref<1x120x128xf32, #tpu.memory_space<vmem>>
        %dma_wait3A_274 = tpu.memref_squeeze %dma_wait3A_273 : memref<1x120x128xf32, #tpu.memory_space<vmem>> -> memref<120x128xf32, #tpu.memory_space<vmem>>
        tpu.wait_dma2 semaphore(%arg15 : memref<!tpu.dma_semaphore, #tpu.memory_space<semaphore_mem>>) src(%dma_wait3A_274 : memref<120x128xf32, #tpu.memory_space<vmem>>) dst(%dma_wait3A_270 : memref<120x128xf32, #tpu.memory_space<hbm>>)
        %add3A_275 = arith.constant 5 : i32
        %add3A_276 = arith.addi %add3A_228, %add3A_275 : i32
        %sub3A = arith.constant 1 : i32
        %sub3A_277 = arith.subi %add3A_276, %sub3A : i32
        %lt3A = arith.constant 40 : i32
        %lt3A_278 = arith.cmpi slt, %sub3A_277, %lt3A : i32
        %convert_element_type3A_279 = arith.extui %lt3A_278 : i1 to i32
        %cond3A_280 = arith.constant 0 : i32
        %cond3A_281 = arith.cmpi ne, %convert_element_type3A_279, %cond3A_280 : i32
        scf.if %cond3A_281 {
          %add3A_282 = arith.constant 5 : i32
          %add3A_283 = arith.addi %add3A_228, %add3A_282 : i32
          %sub3A_284 = arith.constant 1 : i32
          %sub3A_285 = arith.subi %add3A_283, %sub3A_284 : i32
          %dma_start3A_286 = arith.constant 3 : i32
          %dma_start3A_287 = arith.constant 0 : i32
          %dma_start3A_288 = arith.constant 0 : i32
          %dma_start3A_289 = tpu.memref_slice %arg6[%dma_start3A_286, %dma_start3A_287, %dma_start3A_288] : memref<5x120x128xf32, #tpu.memory_space<vmem>> -> memref<1x120x128xf32, #tpu.memory_space<vmem>>
          %dma_start3A_290 = tpu.memref_squeeze %dma_start3A_289 : memref<1x120x128xf32, #tpu.memory_space<vmem>> -> memref<120x128xf32, #tpu.memory_space<vmem>>
          %dma_start3A_291 = arith.constant 0 : i32
          %dma_start3A_292 = tpu.memref_slice %arg5[%sub3A_285, %dma_start3A_291] : memref<40x120xi32, #tpu.memory_space<vmem>> -> memref<1x120xi32, #tpu.memory_space<vmem>>
          %dma_start3A_293 = tpu.memref_squeeze %dma_start3A_292 : memref<1x120xi32, #tpu.memory_space<vmem>> -> memref<120xi32, #tpu.memory_space<vmem>>
          %dma_start3A_294 = arith.constant 0 : i32
          %dma_start3A_295 = arith.constant 0 : i32
          %dma_start3A_296 = tpu.memref_slice %arg2[%dma_start3A_294, %dma_start3A_295] : memref<100000x128xf32, #tpu.memory_space<hbm>> -> memref<100000x128xf32, #tpu.memory_space<hbm>>
          tpu.enqueue_indirect_dma source(%dma_start3A_296 : memref<100000x128xf32, #tpu.memory_space<hbm>>) target(%dma_start3A_290 : memref<120x128xf32, #tpu.memory_space<vmem>>) offsets(%dma_start3A_293 : memref<120xi32, #tpu.memory_space<vmem>>) semaphore(%arg10 : memref<!tpu.dma_semaphore, #tpu.memory_space<semaphore_mem>>)
        } else {
        }
      } else {
      }
    }
    %scan3A_66 = arith.constant 8 : i32
    %dma_wait3A = arith.constant 4 : i32
    %dma_wait3A_67 = arith.constant 0 : i32
    %dma_wait3A_68 = arith.constant 0 : i32
    %dma_wait3A_69 = tpu.memref_slice %arg6[%dma_wait3A, %dma_wait3A_67, %dma_wait3A_68] : memref<5x120x128xf32, #tpu.memory_space<vmem>> -> memref<1x120x128xf32, #tpu.memory_space<vmem>>
    %dma_wait3A_70 = tpu.memref_squeeze %dma_wait3A_69 : memref<1x120x128xf32, #tpu.memory_space<vmem>> -> memref<120x128xf32, #tpu.memory_space<vmem>>
    %dma_wait3A_71 = arith.constant 0 : i32
    %dma_wait3A_72 = tpu.memref_slice %arg4[%mul3A_2, %dma_wait3A_71] : memref<153600x128xf32, #tpu.memory_space<hbm>> -> memref<120x128xf32, #tpu.memory_space<hbm>>
    %dma_wait3A_73 = arith.constant 0 : i32
    %dma_wait3A_74 = tpu.memref_slice %arg4[%mul3A_2, %dma_wait3A_73] : memref<153600x128xf32, #tpu.memory_space<hbm>> -> memref<120x128xf32, #tpu.memory_space<hbm>>
    %dma_wait3A_75 = arith.constant 0 : i32
    %dma_wait3A_76 = arith.constant 0 : i32
    %dma_wait3A_77 = tpu.memref_slice %arg6[%dma_wait3A, %dma_wait3A_75, %dma_wait3A_76] : memref<5x120x128xf32, #tpu.memory_space<vmem>> -> memref<1x120x128xf32, #tpu.memory_space<vmem>>
    %dma_wait3A_78 = tpu.memref_squeeze %dma_wait3A_77 : memref<1x120x128xf32, #tpu.memory_space<vmem>> -> memref<120x128xf32, #tpu.memory_space<vmem>>
    tpu.wait_dma2 semaphore(%arg16 : memref<!tpu.dma_semaphore, #tpu.memory_space<semaphore_mem>>) src(%dma_wait3A_78 : memref<120x128xf32, #tpu.memory_space<vmem>>) dst(%dma_wait3A_74 : memref<120x128xf32, #tpu.memory_space<hbm>>)
    return
  }
}

#map = affine_map<(d0, d1) -> (0, 0)>
#map1 = affine_map<(d0, d1) -> (0, 0, 0)>
module attributes {stable_mosaic.version = 14 : i64} {
  func.func @gather_kernel(%arg0: i32, %arg1: i32, %arg2: memref<100000x128xf32, #tpu.memory_space<hbm>>, %arg3: memref<32x40x120xi32, #tpu.memory_space<hbm>>, %arg4: memref<153600x128xf32, #tpu.memory_space<hbm>>, %arg5: memref<40x120xi32, #tpu.memory_space<vmem>>, %arg6: memref<5x120x128xf32, #tpu.memory_space<vmem>>, %arg7: memref<!tpu.dma_semaphore, #tpu.memory_space<semaphore_mem>>, %arg8: memref<!tpu.dma_semaphore, #tpu.memory_space<semaphore_mem>>, %arg9: memref<!tpu.dma_semaphore, #tpu.memory_space<semaphore_mem>>, %arg10: memref<!tpu.dma_semaphore, #tpu.memory_space<semaphore_mem>>, %arg11: memref<!tpu.dma_semaphore, #tpu.memory_space<semaphore_mem>>, %arg12: memref<!tpu.dma_semaphore, #tpu.memory_space<semaphore_mem>>, %arg13: memref<!tpu.dma_semaphore, #tpu.memory_space<semaphore_mem>>, %arg14: memref<!tpu.dma_semaphore, #tpu.memory_space<semaphore_mem>>, %arg15: memref<!tpu.dma_semaphore, #tpu.memory_space<semaphore_mem>>, %arg16: memref<!tpu.dma_semaphore, #tpu.memory_space<semaphore_mem>>) attributes {dimension_semantics = [#tpu.dimension_semantics<core_parallel>, #tpu.dimension_semantics<subcore_parallel>], iteration_bounds = array<i64: 2, 16>, scalar_prefetch = 0 : i64, scratch_operands = 12 : i64, tpu.core_type = #tpu.core_type<sc_vector_subcore>, window_params = [{transform_indices = #map}, {transform_indices = #map1}, {transform_indices = #map}]} {
    %mul3A = arith.constant 2 : i32
    %mul3A_0 = arith.muli %arg1, %mul3A : i32
    %add3A = arith.addi %mul3A_0, %arg0 : i32
    %mul3A_1 = arith.constant 4800 : i32
    %mul3A_2 = arith.muli %add3A, %mul3A_1 : i32
    "tpu.region"() ({
      %run_scoped3A = tpu.sem_alloc : memref<!tpu.dma_semaphore, #tpu.memory_space<semaphore_mem>>
      %dma_start3A_79 = arith.constant 0 : i32
      %dma_start3A_80 = arith.constant 0 : i32
      %dma_start3A_81 = tpu.memref_slice %arg3[%add3A, %dma_start3A_79, %dma_start3A_80] : memref<32x40x120xi32, #tpu.memory_space<hbm>> -> memref<1x40x120xi32, #tpu.memory_space<hbm>>
      %dma_start3A_82 = tpu.memref_squeeze %dma_start3A_81 : memref<1x40x120xi32, #tpu.memory_space<hbm>> -> memref<40x120xi32, #tpu.memory_space<hbm>>
      %dma_start3A_83 = arith.constant 0 : i32
      %dma_start3A_84 = arith.constant 0 : i32
      %dma_start3A_85 = tpu.memref_slice %arg3[%add3A, %dma_start3A_83, %dma_start3A_84] : memref<32x40x120xi32, #tpu.memory_space<hbm>> -> memref<1x40x120xi32, #tpu.memory_space<hbm>>
      %dma_start3A_86 = tpu.memref_squeeze %dma_start3A_85 : memref<1x40x120xi32, #tpu.memory_space<hbm>> -> memref<40x120xi32, #tpu.memory_space<hbm>>
      tpu.enqueue_dma source(%dma_start3A_86 : memref<40x120xi32, #tpu.memory_space<hbm>>) target(%arg5 : memref<40x120xi32, #tpu.memory_space<vmem>>) target_semaphore(%run_scoped3A : memref<!tpu.dma_semaphore, #tpu.memory_space<semaphore_mem>>)
      %dma_wait3A_87 = arith.constant 0 : i32
      %dma_wait3A_88 = arith.constant 0 : i32
      %dma_wait3A_89 = tpu.memref_slice %arg3[%add3A, %dma_wait3A_87, %dma_wait3A_88] : memref<32x40x120xi32, #tpu.memory_space<hbm>> -> memref<1x40x120xi32, #tpu.memory_space<hbm>>
      %dma_wait3A_90 = tpu.memref_squeeze %dma_wait3A_89 : memref<1x40x120xi32, #tpu.memory_space<hbm>> -> memref<40x120xi32, #tpu.memory_space<hbm>>
      %dma_wait3A_91 = arith.constant 0 : i32
      %dma_wait3A_92 = arith.constant 0 : i32
      %dma_wait3A_93 = tpu.memref_slice %arg3[%add3A, %dma_wait3A_91, %dma_wait3A_92] : memref<32x40x120xi32, #tpu.memory_space<hbm>> -> memref<1x40x120xi32, #tpu.memory_space<hbm>>
      %dma_wait3A_94 = tpu.memref_squeeze %dma_wait3A_93 : memref<1x40x120xi32, #tpu.memory_space<hbm>> -> memref<40x120xi32, #tpu.memory_space<hbm>>
      tpu.wait_dma2 semaphore(%run_scoped3A : memref<!tpu.dma_semaphore, #tpu.memory_space<semaphore_mem>>) src(%dma_wait3A_94 : memref<40x120xi32, #tpu.memory_space<hbm>>) dst(%arg5 : memref<40x120xi32, #tpu.memory_space<vmem>>)
      tpu.yield
    }) : () -> ()
    %dma_start3A = arith.constant 0 : i32
    %dma_start3A_3 = arith.constant 0 : i32
    %dma_start3A_4 = arith.constant 0 : i32
    %dma_start3A_5 = arith.constant 0 : i32
    %dma_start3A_6 = tpu.memref_slice %arg6[%dma_start3A_3, %dma_start3A_4, %dma_start3A_5] : memref<5x120x128xf32, #tpu.memory_space<vmem>> -> memref<1x120x128xf32, #tpu.memory_space<vmem>>
    %dma_start3A_7 = tpu.memref_squeeze %dma_start3A_6 : memref<1x120x128xf32, #tpu.memory_space<vmem>> -> memref<120x128xf32, #tpu.memory_space<vmem>>
    %dma_start3A_8 = arith.constant 0 : i32
    %dma_start3A_9 = tpu.memref_slice %arg5[%dma_start3A, %dma_start3A_8] : memref<40x120xi32, #tpu.memory_space<vmem>> -> memref<1x120xi32, #tpu.memory_space<vmem>>
    %dma_start3A_10 = tpu.memref_squeeze %dma_start3A_9 : memref<1x120xi32, #tpu.memory_space<vmem>> -> memref<120xi32, #tpu.memory_space<vmem>>
    %dma_start3A_11 = arith.constant 0 : i32
    %dma_start3A_12 = arith.constant 0 : i32
    %dma_start3A_13 = tpu.memref_slice %arg2[%dma_start3A_11, %dma_start3A_12] : memref<100000x128xf32, #tpu.memory_space<hbm>> -> memref<100000x128xf32, #tpu.memory_space<hbm>>
    tpu.enqueue_indirect_dma source(%dma_start3A_13 : memref<100000x128xf32, #tpu.memory_space<hbm>>) target(%dma_start3A_7 : memref<120x128xf32, #tpu.memory_space<vmem>>) offsets(%dma_start3A_10 : memref<120xi32, #tpu.memory_space<vmem>>) semaphore(%arg7 : memref<!tpu.dma_semaphore, #tpu.memory_space<semaphore_mem>>)
    %dma_start3A_14 = arith.constant 1 : i32
    %dma_start3A_15 = arith.constant 1 : i32
    %dma_start3A_16 = arith.constant 0 : i32
    %dma_start3A_17 = arith.constant 0 : i32
    %dma_start3A_18 = tpu.memref_slice %arg6[%dma_start3A_15, %dma_start3A_16, %dma_start3A_17] : memref<5x120x128xf32, #tpu.memory_space<vmem>> -> memref<1x120x128xf32, #tpu.memory_space<vmem>>
    %dma_start3A_19 = tpu.memref_squeeze %dma_start3A_18 : memref<1x120x128xf32, #tpu.memory_space<vmem>> -> memref<120x128xf32, #tpu.memory_space<vmem>>
    %dma_start3A_20 = arith.constant 0 : i32
    %dma_start3A_21 = tpu.memref_slice %arg5[%dma_start3A_14, %dma_start3A_20] : memref<40x120xi32, #tpu.memory_space<vmem>> -> memref<1x120xi32, #tpu.memory_space<vmem>>
    %dma_start3A_22 = tpu.memref_squeeze %dma_start3A_21 : memref<1x120xi32, #tpu.memory_space<vmem>> -> memref<120xi32, #tpu.memory_space<vmem>>
    %dma_start3A_23 = arith.constant 0 : i32
    %dma_start3A_24 = arith.constant 0 : i32
    %dma_start3A_25 = tpu.memref_slice %arg2[%dma_start3A_23, %dma_start3A_24] : memref<100000x128xf32, #tpu.memory_space<hbm>> -> memref<100000x128xf32, #tpu.memory_space<hbm>>
    tpu.enqueue_indirect_dma source(%dma_start3A_25 : memref<100000x128xf32, #tpu.memory_space<hbm>>) target(%dma_start3A_19 : memref<120x128xf32, #tpu.memory_space<vmem>>) offsets(%dma_start3A_22 : memref<120xi32, #tpu.memory_space<vmem>>) semaphore(%arg8 : memref<!tpu.dma_semaphore, #tpu.memory_space<semaphore_mem>>)
    %dma_start3A_26 = arith.constant 2 : i32
    %dma_start3A_27 = arith.constant 2 : i32
    %dma_start3A_28 = arith.constant 0 : i32
    %dma_start3A_29 = arith.constant 0 : i32
    %dma_start3A_30 = tpu.memref_slice %arg6[%dma_start3A_27, %dma_start3A_28, %dma_start3A_29] : memref<5x120x128xf32, #tpu.memory_space<vmem>> -> memref<1x120x128xf32, #tpu.memory_space<vmem>>
    %dma_start3A_31 = tpu.memref_squeeze %dma_start3A_30 : memref<1x120x128xf32, #tpu.memory_space<vmem>> -> memref<120x128xf32, #tpu.memory_space<vmem>>
    %dma_start3A_32 = arith.constant 0 : i32
    %dma_start3A_33 = tpu.memref_slice %arg5[%dma_start3A_26, %dma_start3A_32] : memref<40x120xi32, #tpu.memory_space<vmem>> -> memref<1x120xi32, #tpu.memory_space<vmem>>
    %dma_start3A_34 = tpu.memref_squeeze %dma_start3A_33 : memref<1x120xi32, #tpu.memory_space<vmem>> -> memref<120xi32, #tpu.memory_space<vmem>>
    %dma_start3A_35 = arith.constant 0 : i32
    %dma_start3A_36 = arith.constant 0 : i32
    %dma_start3A_37 = tpu.memref_slice %arg2[%dma_start3A_35, %dma_start3A_36] : memref<100000x128xf32, #tpu.memory_space<hbm>> -> memref<100000x128xf32, #tpu.memory_space<hbm>>
    tpu.enqueue_indirect_dma source(%dma_start3A_37 : memref<100000x128xf32, #tpu.memory_space<hbm>>) target(%dma_start3A_31 : memref<120x128xf32, #tpu.memory_space<vmem>>) offsets(%dma_start3A_34 : memref<120xi32, #tpu.memory_space<vmem>>) semaphore(%arg9 : memref<!tpu.dma_semaphore, #tpu.memory_space<semaphore_mem>>)
    %dma_start3A_38 = arith.constant 3 : i32
    %dma_start3A_39 = arith.constant 3 : i32
    %dma_start3A_40 = arith.constant 0 : i32
    %dma_start3A_41 = arith.constant 0 : i32
    %dma_start3A_42 = tpu.memref_slice %arg6[%dma_start3A_39, %dma_start3A_40, %dma_start3A_41] : memref<5x120x128xf32, #tpu.memory_space<vmem>> -> memref<1x120x128xf32, #tpu.memory_space<vmem>>
    %dma_start3A_43 = tpu.memref_squeeze %dma_start3A_42 : memref<1x120x128xf32, #tpu.memory_space<vmem>> -> memref<120x128xf32, #tpu.memory_space<vmem>>
    %dma_start3A_44 = arith.constant 0 : i32
    %dma_start3A_45 = tpu.memref_slice %arg5[%dma_start3A_38, %dma_start3A_44] : memref<40x120xi32, #tpu.memory_space<vmem>> -> memref<1x120xi32, #tpu.memory_space<vmem>>
    %dma_start3A_46 = tpu.memref_squeeze %dma_start3A_45 : memref<1x120xi32, #tpu.memory_space<vmem>> -> memref<120xi32, #tpu.memory_space<vmem>>
    %dma_start3A_47 = arith.constant 0 : i32
    %dma_start3A_48 = arith.constant 0 : i32
    %dma_start3A_49 = tpu.memref_slice %arg2[%dma_start3A_47, %dma_start3A_48] : memref<100000x128xf32, #tpu.memory_space<hbm>> -> memref<100000x128xf32, #tpu.memory_space<hbm>>
    tpu.enqueue_indirect_dma source(%dma_start3A_49 : memref<100000x128xf32, #tpu.memory_space<hbm>>) target(%dma_start3A_43 : memref<120x128xf32, #tpu.memory_space<vmem>>) offsets(%dma_start3A_46 : memref<120xi32, #tpu.memory_space<vmem>>) semaphore(%arg10 : memref<!tpu.dma_semaphore, #tpu.memory_space<semaphore_mem>>)
    %dma_start3A_50 = arith.constant 4 : i32
    %dma_start3A_51 = arith.constant 4 : i32
    %dma_start3A_52 = arith.constant 0 : i32
    %dma_start3A_53 = arith.constant 0 : i32
    %dma_start3A_54 = tpu.memref_slice %arg6[%dma_start3A_51, %dma_start3A_52, %dma_start3A_53] : memref<5x120x128xf32, #tpu.memory_space<vmem>> -> memref<1x120x128xf32, #tpu.memory_space<vmem>>
    %dma_start3A_55 = tpu.memref_squeeze %dma_start3A_54 : memref<1x120x128xf32, #tpu.memory_space<vmem>> -> memref<120x128xf32, #tpu.memory_space<vmem>>
    %dma_start3A_56 = arith.constant 0 : i32
    %dma_start3A_57 = tpu.memref_slice %arg5[%dma_start3A_50, %dma_start3A_56] : memref<40x120xi32, #tpu.memory_space<vmem>> -> memref<1x120xi32, #tpu.memory_space<vmem>>
    %dma_start3A_58 = tpu.memref_squeeze %dma_start3A_57 : memref<1x120xi32, #tpu.memory_space<vmem>> -> memref<120xi32, #tpu.memory_space<vmem>>
    %dma_start3A_59 = arith.constant 0 : i32
    %dma_start3A_60 = arith.constant 0 : i32
    %dma_start3A_61 = tpu.memref_slice %arg2[%dma_start3A_59, %dma_start3A_60] : memref<100000x128xf32, #tpu.memory_space<hbm>> -> memref<100000x128xf32, #tpu.memory_space<hbm>>
    tpu.enqueue_indirect_dma source(%dma_start3A_61 : memref<100000x128xf32, #tpu.memory_space<hbm>>) target(%dma_start3A_55 : memref<120x128xf32, #tpu.memory_space<vmem>>) offsets(%dma_start3A_58 : memref<120xi32, #tpu.memory_space<vmem>>) semaphore(%arg11 : memref<!tpu.dma_semaphore, #tpu.memory_space<semaphore_mem>>)
    %scan3A = arith.constant 0 : i32
    %scan3A_62 = arith.constant 0 : i32
    %scan3A_63 = arith.constant 8 : i32
    %scan3A_64 = arith.addi %scan3A_62, %scan3A_63 : i32
    %scan3A_65 = arith.constant 1 : i32
    scf.for %scan3A_79 = %scan3A_62 to %scan3A_64 step %scan3A_65  : i32 {
      %mul3A_80 = arith.constant 5 : i32
      %mul3A_81 = arith.muli %scan3A_79, %mul3A_80 : i32
      %add3A_82 = arith.constant 0 : i32
      %add3A_83 = arith.addi %mul3A_81, %add3A_82 : i32
      %dma_wait3A_84 = arith.constant 0 : i32
      %dma_wait3A_85 = arith.constant 0 : i32
      %dma_wait3A_86 = arith.constant 0 : i32
      %dma_wait3A_87 = arith.constant 0 : i32
      %dma_wait3A_88 = tpu.memref_slice %arg6[%dma_wait3A_85, %dma_wait3A_86, %dma_wait3A_87] : memref<5x120x128xf32, #tpu.memory_space<vmem>> -> memref<1x120x128xf32, #tpu.memory_space<vmem>>
      %dma_wait3A_89 = tpu.memref_squeeze %dma_wait3A_88 : memref<1x120x128xf32, #tpu.memory_space<vmem>> -> memref<120x128xf32, #tpu.memory_space<vmem>>
      %dma_wait3A_90 = arith.constant 0 : i32
      %dma_wait3A_91 = tpu.memref_slice %arg5[%dma_wait3A_84, %dma_wait3A_90] : memref<40x120xi32, #tpu.memory_space<vmem>> -> memref<1x120xi32, #tpu.memory_space<vmem>>
      %dma_wait3A_92 = tpu.memref_squeeze %dma_wait3A_91 : memref<1x120xi32, #tpu.memory_space<vmem>> -> memref<120xi32, #tpu.memory_space<vmem>>
      %dma_wait3A_93 = arith.constant 0 : i32
      %dma_wait3A_94 = arith.constant 0 : i32
      %dma_wait3A_95 = tpu.memref_slice %arg2[%dma_wait3A_93, %dma_wait3A_94] : memref<100000x128xf32, #tpu.memory_space<hbm>> -> memref<100000x128xf32, #tpu.memory_space<hbm>>
      tpu.wait_indirect_dma semaphore(%arg7 : memref<!tpu.dma_semaphore, #tpu.memory_space<semaphore_mem>>) src(%dma_wait3A_95 : memref<100000x128xf32, #tpu.memory_space<hbm>>) dst(%dma_wait3A_89 : memref<120x128xf32, #tpu.memory_space<vmem>>)
      %mul3A_96 = arith.constant 120 : i32
      %mul3A_97 = arith.muli %add3A_83, %mul3A_96 : i32
      %add3A_98 = arith.addi %mul3A_2, %mul3A_97 : i32
      %dma_start3A_99 = arith.constant 0 : i32
      %dma_start3A_100 = arith.constant 0 : i32
      %dma_start3A_101 = arith.constant 0 : i32
      %dma_start3A_102 = tpu.memref_slice %arg6[%dma_start3A_99, %dma_start3A_100, %dma_start3A_101] : memref<5x120x128xf32, #tpu.memory_space<vmem>> -> memref<1x120x128xf32, #tpu.memory_space<vmem>>
      %dma_start3A_103 = tpu.memref_squeeze %dma_start3A_102 : memref<1x120x128xf32, #tpu.memory_space<vmem>> -> memref<120x128xf32, #tpu.memory_space<vmem>>
      %dma_start3A_104 = arith.constant 0 : i32
      %dma_start3A_105 = tpu.memref_slice %arg4[%add3A_98, %dma_start3A_104] : memref<153600x128xf32, #tpu.memory_space<hbm>> -> memref<120x128xf32, #tpu.memory_space<hbm>>
      %dma_start3A_106 = arith.constant 0 : i32
      %dma_start3A_107 = tpu.memref_slice %arg4[%add3A_98, %dma_start3A_106] : memref<153600x128xf32, #tpu.memory_space<hbm>> -> memref<120x128xf32, #tpu.memory_space<hbm>>
      %dma_start3A_108 = arith.constant 0 : i32
      %dma_start3A_109 = arith.constant 0 : i32
      %dma_start3A_110 = tpu.memref_slice %arg6[%dma_start3A_99, %dma_start3A_108, %dma_start3A_109] : memref<5x120x128xf32, #tpu.memory_space<vmem>> -> memref<1x120x128xf32, #tpu.memory_space<vmem>>
      %dma_start3A_111 = tpu.memref_squeeze %dma_start3A_110 : memref<1x120x128xf32, #tpu.memory_space<vmem>> -> memref<120x128xf32, #tpu.memory_space<vmem>>
      tpu.enqueue_dma source(%dma_start3A_111 : memref<120x128xf32, #tpu.memory_space<vmem>>) target(%dma_start3A_107 : memref<120x128xf32, #tpu.memory_space<hbm>>) target_semaphore(%arg12 : memref<!tpu.dma_semaphore, #tpu.memory_space<semaphore_mem>>)
      %ge3A = arith.constant 1 : i32
      %ge3A_112 = arith.cmpi sge, %add3A_83, %ge3A : i32
      %convert_element_type3A = arith.extui %ge3A_112 : i1 to i32
      %cond3A = arith.constant 0 : i32
      %cond3A_113 = arith.cmpi ne, %convert_element_type3A, %cond3A : i32
      scf.if %cond3A_113 {
        %dma_wait3A_262 = arith.constant 4 : i32
        %dma_wait3A_263 = arith.constant 0 : i32
        %dma_wait3A_264 = arith.constant 0 : i32
        %dma_wait3A_265 = tpu.memref_slice %arg6[%dma_wait3A_262, %dma_wait3A_263, %dma_wait3A_264] : memref<5x120x128xf32, #tpu.memory_space<vmem>> -> memref<1x120x128xf32, #tpu.memory_space<vmem>>
        %dma_wait3A_266 = tpu.memref_squeeze %dma_wait3A_265 : memref<1x120x128xf32, #tpu.memory_space<vmem>> -> memref<120x128xf32, #tpu.memory_space<vmem>>
        %dma_wait3A_267 = arith.constant 0 : i32
        %dma_wait3A_268 = tpu.memref_slice %arg4[%mul3A_2, %dma_wait3A_267] : memref<153600x128xf32, #tpu.memory_space<hbm>> -> memref<120x128xf32, #tpu.memory_space<hbm>>
        %dma_wait3A_269 = arith.constant 0 : i32
        %dma_wait3A_270 = tpu.memref_slice %arg4[%mul3A_2, %dma_wait3A_269] : memref<153600x128xf32, #tpu.memory_space<hbm>> -> memref<120x128xf32, #tpu.memory_space<hbm>>
        %dma_wait3A_271 = arith.constant 0 : i32
        %dma_wait3A_272 = arith.constant 0 : i32
        %dma_wait3A_273 = tpu.memref_slice %arg6[%dma_wait3A_262, %dma_wait3A_271, %dma_wait3A_272] : memref<5x120x128xf32, #tpu.memory_space<vmem>> -> memref<1x120x128xf32, #tpu.memory_space<vmem>>
        %dma_wait3A_274 = tpu.memref_squeeze %dma_wait3A_273 : memref<1x120x128xf32, #tpu.memory_space<vmem>> -> memref<120x128xf32, #tpu.memory_space<vmem>>
        tpu.wait_dma2 semaphore(%arg16 : memref<!tpu.dma_semaphore, #tpu.memory_space<semaphore_mem>>) src(%dma_wait3A_274 : memref<120x128xf32, #tpu.memory_space<vmem>>) dst(%dma_wait3A_270 : memref<120x128xf32, #tpu.memory_space<hbm>>)
        %add3A_275 = arith.constant 5 : i32
        %add3A_276 = arith.addi %add3A_83, %add3A_275 : i32
        %sub3A = arith.constant 1 : i32
        %sub3A_277 = arith.subi %add3A_276, %sub3A : i32
        %lt3A = arith.constant 40 : i32
        %lt3A_278 = arith.cmpi slt, %sub3A_277, %lt3A : i32
        %convert_element_type3A_279 = arith.extui %lt3A_278 : i1 to i32
        %cond3A_280 = arith.constant 0 : i32
        %cond3A_281 = arith.cmpi ne, %convert_element_type3A_279, %cond3A_280 : i32
        scf.if %cond3A_281 {
          %add3A_282 = arith.constant 5 : i32
          %add3A_283 = arith.addi %add3A_83, %add3A_282 : i32
          %sub3A_284 = arith.constant 1 : i32
          %sub3A_285 = arith.subi %add3A_283, %sub3A_284 : i32
          %dma_start3A_286 = arith.constant 4 : i32
          %dma_start3A_287 = arith.constant 0 : i32
          %dma_start3A_288 = arith.constant 0 : i32
          %dma_start3A_289 = tpu.memref_slice %arg6[%dma_start3A_286, %dma_start3A_287, %dma_start3A_288] : memref<5x120x128xf32, #tpu.memory_space<vmem>> -> memref<1x120x128xf32, #tpu.memory_space<vmem>>
          %dma_start3A_290 = tpu.memref_squeeze %dma_start3A_289 : memref<1x120x128xf32, #tpu.memory_space<vmem>> -> memref<120x128xf32, #tpu.memory_space<vmem>>
          %dma_start3A_291 = arith.constant 0 : i32
          %dma_start3A_292 = tpu.memref_slice %arg5[%sub3A_285, %dma_start3A_291] : memref<40x120xi32, #tpu.memory_space<vmem>> -> memref<1x120xi32, #tpu.memory_space<vmem>>
          %dma_start3A_293 = tpu.memref_squeeze %dma_start3A_292 : memref<1x120xi32, #tpu.memory_space<vmem>> -> memref<120xi32, #tpu.memory_space<vmem>>
          %dma_start3A_294 = arith.constant 0 : i32
          %dma_start3A_295 = arith.constant 0 : i32
          %dma_start3A_296 = tpu.memref_slice %arg2[%dma_start3A_294, %dma_start3A_295] : memref<100000x128xf32, #tpu.memory_space<hbm>> -> memref<100000x128xf32, #tpu.memory_space<hbm>>
          tpu.enqueue_indirect_dma source(%dma_start3A_296 : memref<100000x128xf32, #tpu.memory_space<hbm>>) target(%dma_start3A_290 : memref<120x128xf32, #tpu.memory_space<vmem>>) offsets(%dma_start3A_293 : memref<120xi32, #tpu.memory_space<vmem>>) semaphore(%arg11 : memref<!tpu.dma_semaphore, #tpu.memory_space<semaphore_mem>>)
        } else {
        }
      } else {
      }
      %mul3A_114 = arith.constant 5 : i32
      %mul3A_115 = arith.muli %scan3A_79, %mul3A_114 : i32
      %add3A_116 = arith.constant 1 : i32
      %add3A_117 = arith.addi %mul3A_115, %add3A_116 : i32
      %dma_wait3A_118 = arith.constant 0 : i32
      %dma_wait3A_119 = arith.constant 1 : i32
      %dma_wait3A_120 = arith.constant 0 : i32
      %dma_wait3A_121 = arith.constant 0 : i32
      %dma_wait3A_122 = tpu.memref_slice %arg6[%dma_wait3A_119, %dma_wait3A_120, %dma_wait3A_121] : memref<5x120x128xf32, #tpu.memory_space<vmem>> -> memref<1x120x128xf32, #tpu.memory_space<vmem>>
      %dma_wait3A_123 = tpu.memref_squeeze %dma_wait3A_122 : memref<1x120x128xf32, #tpu.memory_space<vmem>> -> memref<120x128xf32, #tpu.memory_space<vmem>>
      %dma_wait3A_124 = arith.constant 0 : i32
      %dma_wait3A_125 = tpu.memref_slice %arg5[%dma_wait3A_118, %dma_wait3A_124] : memref<40x120xi32, #tpu.memory_space<vmem>> -> memref<1x120xi32, #tpu.memory_space<vmem>>
      %dma_wait3A_126 = tpu.memref_squeeze %dma_wait3A_125 : memref<1x120xi32, #tpu.memory_space<vmem>> -> memref<120xi32, #tpu.memory_space<vmem>>
      %dma_wait3A_127 = arith.constant 0 : i32
      %dma_wait3A_128 = arith.constant 0 : i32
      %dma_wait3A_129 = tpu.memref_slice %arg2[%dma_wait3A_127, %dma_wait3A_128] : memref<100000x128xf32, #tpu.memory_space<hbm>> -> memref<100000x128xf32, #tpu.memory_space<hbm>>
      tpu.wait_indirect_dma semaphore(%arg8 : memref<!tpu.dma_semaphore, #tpu.memory_space<semaphore_mem>>) src(%dma_wait3A_129 : memref<100000x128xf32, #tpu.memory_space<hbm>>) dst(%dma_wait3A_123 : memref<120x128xf32, #tpu.memory_space<vmem>>)
      %mul3A_130 = arith.constant 120 : i32
      %mul3A_131 = arith.muli %add3A_117, %mul3A_130 : i32
      %add3A_132 = arith.addi %mul3A_2, %mul3A_131 : i32
      %dma_start3A_133 = arith.constant 1 : i32
      %dma_start3A_134 = arith.constant 0 : i32
      %dma_start3A_135 = arith.constant 0 : i32
      %dma_start3A_136 = tpu.memref_slice %arg6[%dma_start3A_133, %dma_start3A_134, %dma_start3A_135] : memref<5x120x128xf32, #tpu.memory_space<vmem>> -> memref<1x120x128xf32, #tpu.memory_space<vmem>>
      %dma_start3A_137 = tpu.memref_squeeze %dma_start3A_136 : memref<1x120x128xf32, #tpu.memory_space<vmem>> -> memref<120x128xf32, #tpu.memory_space<vmem>>
      %dma_start3A_138 = arith.constant 0 : i32
      %dma_start3A_139 = tpu.memref_slice %arg4[%add3A_132, %dma_start3A_138] : memref<153600x128xf32, #tpu.memory_space<hbm>> -> memref<120x128xf32, #tpu.memory_space<hbm>>
      %dma_start3A_140 = arith.constant 0 : i32
      %dma_start3A_141 = tpu.memref_slice %arg4[%add3A_132, %dma_start3A_140] : memref<153600x128xf32, #tpu.memory_space<hbm>> -> memref<120x128xf32, #tpu.memory_space<hbm>>
      %dma_start3A_142 = arith.constant 0 : i32
      %dma_start3A_143 = arith.constant 0 : i32
      %dma_start3A_144 = tpu.memref_slice %arg6[%dma_start3A_133, %dma_start3A_142, %dma_start3A_143] : memref<5x120x128xf32, #tpu.memory_space<vmem>> -> memref<1x120x128xf32, #tpu.memory_space<vmem>>
      %dma_start3A_145 = tpu.memref_squeeze %dma_start3A_144 : memref<1x120x128xf32, #tpu.memory_space<vmem>> -> memref<120x128xf32, #tpu.memory_space<vmem>>
      tpu.enqueue_dma source(%dma_start3A_145 : memref<120x128xf32, #tpu.memory_space<vmem>>) target(%dma_start3A_141 : memref<120x128xf32, #tpu.memory_space<hbm>>) target_semaphore(%arg13 : memref<!tpu.dma_semaphore, #tpu.memory_space<semaphore_mem>>)
      %ge3A_146 = arith.constant 1 : i32
      %ge3A_147 = arith.cmpi sge, %add3A_117, %ge3A_146 : i32
      %convert_element_type3A_148 = arith.extui %ge3A_147 : i1 to i32
      %cond3A_149 = arith.constant 0 : i32
      %cond3A_150 = arith.cmpi ne, %convert_element_type3A_148, %cond3A_149 : i32
      scf.if %cond3A_150 {
        %dma_wait3A_262 = arith.constant 0 : i32
        %dma_wait3A_263 = arith.constant 0 : i32
        %dma_wait3A_264 = arith.constant 0 : i32
        %dma_wait3A_265 = tpu.memref_slice %arg6[%dma_wait3A_262, %dma_wait3A_263, %dma_wait3A_264] : memref<5x120x128xf32, #tpu.memory_space<vmem>> -> memref<1x120x128xf32, #tpu.memory_space<vmem>>
        %dma_wait3A_266 = tpu.memref_squeeze %dma_wait3A_265 : memref<1x120x128xf32, #tpu.memory_space<vmem>> -> memref<120x128xf32, #tpu.memory_space<vmem>>
        %dma_wait3A_267 = arith.constant 0 : i32
        %dma_wait3A_268 = tpu.memref_slice %arg4[%mul3A_2, %dma_wait3A_267] : memref<153600x128xf32, #tpu.memory_space<hbm>> -> memref<120x128xf32, #tpu.memory_space<hbm>>
        %dma_wait3A_269 = arith.constant 0 : i32
        %dma_wait3A_270 = tpu.memref_slice %arg4[%mul3A_2, %dma_wait3A_269] : memref<153600x128xf32, #tpu.memory_space<hbm>> -> memref<120x128xf32, #tpu.memory_space<hbm>>
        %dma_wait3A_271 = arith.constant 0 : i32
        %dma_wait3A_272 = arith.constant 0 : i32
        %dma_wait3A_273 = tpu.memref_slice %arg6[%dma_wait3A_262, %dma_wait3A_271, %dma_wait3A_272] : memref<5x120x128xf32, #tpu.memory_space<vmem>> -> memref<1x120x128xf32, #tpu.memory_space<vmem>>
        %dma_wait3A_274 = tpu.memref_squeeze %dma_wait3A_273 : memref<1x120x128xf32, #tpu.memory_space<vmem>> -> memref<120x128xf32, #tpu.memory_space<vmem>>
        tpu.wait_dma2 semaphore(%arg12 : memref<!tpu.dma_semaphore, #tpu.memory_space<semaphore_mem>>) src(%dma_wait3A_274 : memref<120x128xf32, #tpu.memory_space<vmem>>) dst(%dma_wait3A_270 : memref<120x128xf32, #tpu.memory_space<hbm>>)
        %add3A_275 = arith.constant 5 : i32
        %add3A_276 = arith.addi %add3A_117, %add3A_275 : i32
        %sub3A = arith.constant 1 : i32
        %sub3A_277 = arith.subi %add3A_276, %sub3A : i32
        %lt3A = arith.constant 40 : i32
        %lt3A_278 = arith.cmpi slt, %sub3A_277, %lt3A : i32
        %convert_element_type3A_279 = arith.extui %lt3A_278 : i1 to i32
        %cond3A_280 = arith.constant 0 : i32
        %cond3A_281 = arith.cmpi ne, %convert_element_type3A_279, %cond3A_280 : i32
        scf.if %cond3A_281 {
          %add3A_282 = arith.constant 5 : i32
          %add3A_283 = arith.addi %add3A_117, %add3A_282 : i32
          %sub3A_284 = arith.constant 1 : i32
          %sub3A_285 = arith.subi %add3A_283, %sub3A_284 : i32
          %dma_start3A_286 = arith.constant 0 : i32
          %dma_start3A_287 = arith.constant 0 : i32
          %dma_start3A_288 = arith.constant 0 : i32
          %dma_start3A_289 = tpu.memref_slice %arg6[%dma_start3A_286, %dma_start3A_287, %dma_start3A_288] : memref<5x120x128xf32, #tpu.memory_space<vmem>> -> memref<1x120x128xf32, #tpu.memory_space<vmem>>
          %dma_start3A_290 = tpu.memref_squeeze %dma_start3A_289 : memref<1x120x128xf32, #tpu.memory_space<vmem>> -> memref<120x128xf32, #tpu.memory_space<vmem>>
          %dma_start3A_291 = arith.constant 0 : i32
          %dma_start3A_292 = tpu.memref_slice %arg5[%sub3A_285, %dma_start3A_291] : memref<40x120xi32, #tpu.memory_space<vmem>> -> memref<1x120xi32, #tpu.memory_space<vmem>>
          %dma_start3A_293 = tpu.memref_squeeze %dma_start3A_292 : memref<1x120xi32, #tpu.memory_space<vmem>> -> memref<120xi32, #tpu.memory_space<vmem>>
          %dma_start3A_294 = arith.constant 0 : i32
          %dma_start3A_295 = arith.constant 0 : i32
          %dma_start3A_296 = tpu.memref_slice %arg2[%dma_start3A_294, %dma_start3A_295] : memref<100000x128xf32, #tpu.memory_space<hbm>> -> memref<100000x128xf32, #tpu.memory_space<hbm>>
          tpu.enqueue_indirect_dma source(%dma_start3A_296 : memref<100000x128xf32, #tpu.memory_space<hbm>>) target(%dma_start3A_290 : memref<120x128xf32, #tpu.memory_space<vmem>>) offsets(%dma_start3A_293 : memref<120xi32, #tpu.memory_space<vmem>>) semaphore(%arg7 : memref<!tpu.dma_semaphore, #tpu.memory_space<semaphore_mem>>)
        } else {
        }
      } else {
      }
      %mul3A_151 = arith.constant 5 : i32
      %mul3A_152 = arith.muli %scan3A_79, %mul3A_151 : i32
      %add3A_153 = arith.constant 2 : i32
      %add3A_154 = arith.addi %mul3A_152, %add3A_153 : i32
      %dma_wait3A_155 = arith.constant 0 : i32
      %dma_wait3A_156 = arith.constant 2 : i32
      %dma_wait3A_157 = arith.constant 0 : i32
      %dma_wait3A_158 = arith.constant 0 : i32
      %dma_wait3A_159 = tpu.memref_slice %arg6[%dma_wait3A_156, %dma_wait3A_157, %dma_wait3A_158] : memref<5x120x128xf32, #tpu.memory_space<vmem>> -> memref<1x120x128xf32, #tpu.memory_space<vmem>>
      %dma_wait3A_160 = tpu.memref_squeeze %dma_wait3A_159 : memref<1x120x128xf32, #tpu.memory_space<vmem>> -> memref<120x128xf32, #tpu.memory_space<vmem>>
      %dma_wait3A_161 = arith.constant 0 : i32
      %dma_wait3A_162 = tpu.memref_slice %arg5[%dma_wait3A_155, %dma_wait3A_161] : memref<40x120xi32, #tpu.memory_space<vmem>> -> memref<1x120xi32, #tpu.memory_space<vmem>>
      %dma_wait3A_163 = tpu.memref_squeeze %dma_wait3A_162 : memref<1x120xi32, #tpu.memory_space<vmem>> -> memref<120xi32, #tpu.memory_space<vmem>>
      %dma_wait3A_164 = arith.constant 0 : i32
      %dma_wait3A_165 = arith.constant 0 : i32
      %dma_wait3A_166 = tpu.memref_slice %arg2[%dma_wait3A_164, %dma_wait3A_165] : memref<100000x128xf32, #tpu.memory_space<hbm>> -> memref<100000x128xf32, #tpu.memory_space<hbm>>
      tpu.wait_indirect_dma semaphore(%arg9 : memref<!tpu.dma_semaphore, #tpu.memory_space<semaphore_mem>>) src(%dma_wait3A_166 : memref<100000x128xf32, #tpu.memory_space<hbm>>) dst(%dma_wait3A_160 : memref<120x128xf32, #tpu.memory_space<vmem>>)
      %mul3A_167 = arith.constant 120 : i32
      %mul3A_168 = arith.muli %add3A_154, %mul3A_167 : i32
      %add3A_169 = arith.addi %mul3A_2, %mul3A_168 : i32
      %dma_start3A_170 = arith.constant 2 : i32
      %dma_start3A_171 = arith.constant 0 : i32
      %dma_start3A_172 = arith.constant 0 : i32
      %dma_start3A_173 = tpu.memref_slice %arg6[%dma_start3A_170, %dma_start3A_171, %dma_start3A_172] : memref<5x120x128xf32, #tpu.memory_space<vmem>> -> memref<1x120x128xf32, #tpu.memory_space<vmem>>
      %dma_start3A_174 = tpu.memref_squeeze %dma_start3A_173 : memref<1x120x128xf32, #tpu.memory_space<vmem>> -> memref<120x128xf32, #tpu.memory_space<vmem>>
      %dma_start3A_175 = arith.constant 0 : i32
      %dma_start3A_176 = tpu.memref_slice %arg4[%add3A_169, %dma_start3A_175] : memref<153600x128xf32, #tpu.memory_space<hbm>> -> memref<120x128xf32, #tpu.memory_space<hbm>>
      %dma_start3A_177 = arith.constant 0 : i32
      %dma_start3A_178 = tpu.memref_slice %arg4[%add3A_169, %dma_start3A_177] : memref<153600x128xf32, #tpu.memory_space<hbm>> -> memref<120x128xf32, #tpu.memory_space<hbm>>
      %dma_start3A_179 = arith.constant 0 : i32
      %dma_start3A_180 = arith.constant 0 : i32
      %dma_start3A_181 = tpu.memref_slice %arg6[%dma_start3A_170, %dma_start3A_179, %dma_start3A_180] : memref<5x120x128xf32, #tpu.memory_space<vmem>> -> memref<1x120x128xf32, #tpu.memory_space<vmem>>
      %dma_start3A_182 = tpu.memref_squeeze %dma_start3A_181 : memref<1x120x128xf32, #tpu.memory_space<vmem>> -> memref<120x128xf32, #tpu.memory_space<vmem>>
      tpu.enqueue_dma source(%dma_start3A_182 : memref<120x128xf32, #tpu.memory_space<vmem>>) target(%dma_start3A_178 : memref<120x128xf32, #tpu.memory_space<hbm>>) target_semaphore(%arg14 : memref<!tpu.dma_semaphore, #tpu.memory_space<semaphore_mem>>)
      %ge3A_183 = arith.constant 1 : i32
      %ge3A_184 = arith.cmpi sge, %add3A_154, %ge3A_183 : i32
      %convert_element_type3A_185 = arith.extui %ge3A_184 : i1 to i32
      %cond3A_186 = arith.constant 0 : i32
      %cond3A_187 = arith.cmpi ne, %convert_element_type3A_185, %cond3A_186 : i32
      scf.if %cond3A_187 {
        %dma_wait3A_262 = arith.constant 1 : i32
        %dma_wait3A_263 = arith.constant 0 : i32
        %dma_wait3A_264 = arith.constant 0 : i32
        %dma_wait3A_265 = tpu.memref_slice %arg6[%dma_wait3A_262, %dma_wait3A_263, %dma_wait3A_264] : memref<5x120x128xf32, #tpu.memory_space<vmem>> -> memref<1x120x128xf32, #tpu.memory_space<vmem>>
        %dma_wait3A_266 = tpu.memref_squeeze %dma_wait3A_265 : memref<1x120x128xf32, #tpu.memory_space<vmem>> -> memref<120x128xf32, #tpu.memory_space<vmem>>
        %dma_wait3A_267 = arith.constant 0 : i32
        %dma_wait3A_268 = tpu.memref_slice %arg4[%mul3A_2, %dma_wait3A_267] : memref<153600x128xf32, #tpu.memory_space<hbm>> -> memref<120x128xf32, #tpu.memory_space<hbm>>
        %dma_wait3A_269 = arith.constant 0 : i32
        %dma_wait3A_270 = tpu.memref_slice %arg4[%mul3A_2, %dma_wait3A_269] : memref<153600x128xf32, #tpu.memory_space<hbm>> -> memref<120x128xf32, #tpu.memory_space<hbm>>
        %dma_wait3A_271 = arith.constant 0 : i32
        %dma_wait3A_272 = arith.constant 0 : i32
        %dma_wait3A_273 = tpu.memref_slice %arg6[%dma_wait3A_262, %dma_wait3A_271, %dma_wait3A_272] : memref<5x120x128xf32, #tpu.memory_space<vmem>> -> memref<1x120x128xf32, #tpu.memory_space<vmem>>
        %dma_wait3A_274 = tpu.memref_squeeze %dma_wait3A_273 : memref<1x120x128xf32, #tpu.memory_space<vmem>> -> memref<120x128xf32, #tpu.memory_space<vmem>>
        tpu.wait_dma2 semaphore(%arg13 : memref<!tpu.dma_semaphore, #tpu.memory_space<semaphore_mem>>) src(%dma_wait3A_274 : memref<120x128xf32, #tpu.memory_space<vmem>>) dst(%dma_wait3A_270 : memref<120x128xf32, #tpu.memory_space<hbm>>)
        %add3A_275 = arith.constant 5 : i32
        %add3A_276 = arith.addi %add3A_154, %add3A_275 : i32
        %sub3A = arith.constant 1 : i32
        %sub3A_277 = arith.subi %add3A_276, %sub3A : i32
        %lt3A = arith.constant 40 : i32
        %lt3A_278 = arith.cmpi slt, %sub3A_277, %lt3A : i32
        %convert_element_type3A_279 = arith.extui %lt3A_278 : i1 to i32
        %cond3A_280 = arith.constant 0 : i32
        %cond3A_281 = arith.cmpi ne, %convert_element_type3A_279, %cond3A_280 : i32
        scf.if %cond3A_281 {
          %add3A_282 = arith.constant 5 : i32
          %add3A_283 = arith.addi %add3A_154, %add3A_282 : i32
          %sub3A_284 = arith.constant 1 : i32
          %sub3A_285 = arith.subi %add3A_283, %sub3A_284 : i32
          %dma_start3A_286 = arith.constant 1 : i32
          %dma_start3A_287 = arith.constant 0 : i32
          %dma_start3A_288 = arith.constant 0 : i32
          %dma_start3A_289 = tpu.memref_slice %arg6[%dma_start3A_286, %dma_start3A_287, %dma_start3A_288] : memref<5x120x128xf32, #tpu.memory_space<vmem>> -> memref<1x120x128xf32, #tpu.memory_space<vmem>>
          %dma_start3A_290 = tpu.memref_squeeze %dma_start3A_289 : memref<1x120x128xf32, #tpu.memory_space<vmem>> -> memref<120x128xf32, #tpu.memory_space<vmem>>
          %dma_start3A_291 = arith.constant 0 : i32
          %dma_start3A_292 = tpu.memref_slice %arg5[%sub3A_285, %dma_start3A_291] : memref<40x120xi32, #tpu.memory_space<vmem>> -> memref<1x120xi32, #tpu.memory_space<vmem>>
          %dma_start3A_293 = tpu.memref_squeeze %dma_start3A_292 : memref<1x120xi32, #tpu.memory_space<vmem>> -> memref<120xi32, #tpu.memory_space<vmem>>
          %dma_start3A_294 = arith.constant 0 : i32
          %dma_start3A_295 = arith.constant 0 : i32
          %dma_start3A_296 = tpu.memref_slice %arg2[%dma_start3A_294, %dma_start3A_295] : memref<100000x128xf32, #tpu.memory_space<hbm>> -> memref<100000x128xf32, #tpu.memory_space<hbm>>
          tpu.enqueue_indirect_dma source(%dma_start3A_296 : memref<100000x128xf32, #tpu.memory_space<hbm>>) target(%dma_start3A_290 : memref<120x128xf32, #tpu.memory_space<vmem>>) offsets(%dma_start3A_293 : memref<120xi32, #tpu.memory_space<vmem>>) semaphore(%arg8 : memref<!tpu.dma_semaphore, #tpu.memory_space<semaphore_mem>>)
        } else {
        }
      } else {
      }
      %mul3A_188 = arith.constant 5 : i32
      %mul3A_189 = arith.muli %scan3A_79, %mul3A_188 : i32
      %add3A_190 = arith.constant 3 : i32
      %add3A_191 = arith.addi %mul3A_189, %add3A_190 : i32
      %dma_wait3A_192 = arith.constant 0 : i32
      %dma_wait3A_193 = arith.constant 3 : i32
      %dma_wait3A_194 = arith.constant 0 : i32
      %dma_wait3A_195 = arith.constant 0 : i32
      %dma_wait3A_196 = tpu.memref_slice %arg6[%dma_wait3A_193, %dma_wait3A_194, %dma_wait3A_195] : memref<5x120x128xf32, #tpu.memory_space<vmem>> -> memref<1x120x128xf32, #tpu.memory_space<vmem>>
      %dma_wait3A_197 = tpu.memref_squeeze %dma_wait3A_196 : memref<1x120x128xf32, #tpu.memory_space<vmem>> -> memref<120x128xf32, #tpu.memory_space<vmem>>
      %dma_wait3A_198 = arith.constant 0 : i32
      %dma_wait3A_199 = tpu.memref_slice %arg5[%dma_wait3A_192, %dma_wait3A_198] : memref<40x120xi32, #tpu.memory_space<vmem>> -> memref<1x120xi32, #tpu.memory_space<vmem>>
      %dma_wait3A_200 = tpu.memref_squeeze %dma_wait3A_199 : memref<1x120xi32, #tpu.memory_space<vmem>> -> memref<120xi32, #tpu.memory_space<vmem>>
      %dma_wait3A_201 = arith.constant 0 : i32
      %dma_wait3A_202 = arith.constant 0 : i32
      %dma_wait3A_203 = tpu.memref_slice %arg2[%dma_wait3A_201, %dma_wait3A_202] : memref<100000x128xf32, #tpu.memory_space<hbm>> -> memref<100000x128xf32, #tpu.memory_space<hbm>>
      tpu.wait_indirect_dma semaphore(%arg10 : memref<!tpu.dma_semaphore, #tpu.memory_space<semaphore_mem>>) src(%dma_wait3A_203 : memref<100000x128xf32, #tpu.memory_space<hbm>>) dst(%dma_wait3A_197 : memref<120x128xf32, #tpu.memory_space<vmem>>)
      %mul3A_204 = arith.constant 120 : i32
      %mul3A_205 = arith.muli %add3A_191, %mul3A_204 : i32
      %add3A_206 = arith.addi %mul3A_2, %mul3A_205 : i32
      %dma_start3A_207 = arith.constant 3 : i32
      %dma_start3A_208 = arith.constant 0 : i32
      %dma_start3A_209 = arith.constant 0 : i32
      %dma_start3A_210 = tpu.memref_slice %arg6[%dma_start3A_207, %dma_start3A_208, %dma_start3A_209] : memref<5x120x128xf32, #tpu.memory_space<vmem>> -> memref<1x120x128xf32, #tpu.memory_space<vmem>>
      %dma_start3A_211 = tpu.memref_squeeze %dma_start3A_210 : memref<1x120x128xf32, #tpu.memory_space<vmem>> -> memref<120x128xf32, #tpu.memory_space<vmem>>
      %dma_start3A_212 = arith.constant 0 : i32
      %dma_start3A_213 = tpu.memref_slice %arg4[%add3A_206, %dma_start3A_212] : memref<153600x128xf32, #tpu.memory_space<hbm>> -> memref<120x128xf32, #tpu.memory_space<hbm>>
      %dma_start3A_214 = arith.constant 0 : i32
      %dma_start3A_215 = tpu.memref_slice %arg4[%add3A_206, %dma_start3A_214] : memref<153600x128xf32, #tpu.memory_space<hbm>> -> memref<120x128xf32, #tpu.memory_space<hbm>>
      %dma_start3A_216 = arith.constant 0 : i32
      %dma_start3A_217 = arith.constant 0 : i32
      %dma_start3A_218 = tpu.memref_slice %arg6[%dma_start3A_207, %dma_start3A_216, %dma_start3A_217] : memref<5x120x128xf32, #tpu.memory_space<vmem>> -> memref<1x120x128xf32, #tpu.memory_space<vmem>>
      %dma_start3A_219 = tpu.memref_squeeze %dma_start3A_218 : memref<1x120x128xf32, #tpu.memory_space<vmem>> -> memref<120x128xf32, #tpu.memory_space<vmem>>
      tpu.enqueue_dma source(%dma_start3A_219 : memref<120x128xf32, #tpu.memory_space<vmem>>) target(%dma_start3A_215 : memref<120x128xf32, #tpu.memory_space<hbm>>) target_semaphore(%arg15 : memref<!tpu.dma_semaphore, #tpu.memory_space<semaphore_mem>>)
      %ge3A_220 = arith.constant 1 : i32
      %ge3A_221 = arith.cmpi sge, %add3A_191, %ge3A_220 : i32
      %convert_element_type3A_222 = arith.extui %ge3A_221 : i1 to i32
      %cond3A_223 = arith.constant 0 : i32
      %cond3A_224 = arith.cmpi ne, %convert_element_type3A_222, %cond3A_223 : i32
      scf.if %cond3A_224 {
        %dma_wait3A_262 = arith.constant 2 : i32
        %dma_wait3A_263 = arith.constant 0 : i32
        %dma_wait3A_264 = arith.constant 0 : i32
        %dma_wait3A_265 = tpu.memref_slice %arg6[%dma_wait3A_262, %dma_wait3A_263, %dma_wait3A_264] : memref<5x120x128xf32, #tpu.memory_space<vmem>> -> memref<1x120x128xf32, #tpu.memory_space<vmem>>
        %dma_wait3A_266 = tpu.memref_squeeze %dma_wait3A_265 : memref<1x120x128xf32, #tpu.memory_space<vmem>> -> memref<120x128xf32, #tpu.memory_space<vmem>>
        %dma_wait3A_267 = arith.constant 0 : i32
        %dma_wait3A_268 = tpu.memref_slice %arg4[%mul3A_2, %dma_wait3A_267] : memref<153600x128xf32, #tpu.memory_space<hbm>> -> memref<120x128xf32, #tpu.memory_space<hbm>>
        %dma_wait3A_269 = arith.constant 0 : i32
        %dma_wait3A_270 = tpu.memref_slice %arg4[%mul3A_2, %dma_wait3A_269] : memref<153600x128xf32, #tpu.memory_space<hbm>> -> memref<120x128xf32, #tpu.memory_space<hbm>>
        %dma_wait3A_271 = arith.constant 0 : i32
        %dma_wait3A_272 = arith.constant 0 : i32
        %dma_wait3A_273 = tpu.memref_slice %arg6[%dma_wait3A_262, %dma_wait3A_271, %dma_wait3A_272] : memref<5x120x128xf32, #tpu.memory_space<vmem>> -> memref<1x120x128xf32, #tpu.memory_space<vmem>>
        %dma_wait3A_274 = tpu.memref_squeeze %dma_wait3A_273 : memref<1x120x128xf32, #tpu.memory_space<vmem>> -> memref<120x128xf32, #tpu.memory_space<vmem>>
        tpu.wait_dma2 semaphore(%arg14 : memref<!tpu.dma_semaphore, #tpu.memory_space<semaphore_mem>>) src(%dma_wait3A_274 : memref<120x128xf32, #tpu.memory_space<vmem>>) dst(%dma_wait3A_270 : memref<120x128xf32, #tpu.memory_space<hbm>>)
        %add3A_275 = arith.constant 5 : i32
        %add3A_276 = arith.addi %add3A_191, %add3A_275 : i32
        %sub3A = arith.constant 1 : i32
        %sub3A_277 = arith.subi %add3A_276, %sub3A : i32
        %lt3A = arith.constant 40 : i32
        %lt3A_278 = arith.cmpi slt, %sub3A_277, %lt3A : i32
        %convert_element_type3A_279 = arith.extui %lt3A_278 : i1 to i32
        %cond3A_280 = arith.constant 0 : i32
        %cond3A_281 = arith.cmpi ne, %convert_element_type3A_279, %cond3A_280 : i32
        scf.if %cond3A_281 {
          %add3A_282 = arith.constant 5 : i32
          %add3A_283 = arith.addi %add3A_191, %add3A_282 : i32
          %sub3A_284 = arith.constant 1 : i32
          %sub3A_285 = arith.subi %add3A_283, %sub3A_284 : i32
          %dma_start3A_286 = arith.constant 2 : i32
          %dma_start3A_287 = arith.constant 0 : i32
          %dma_start3A_288 = arith.constant 0 : i32
          %dma_start3A_289 = tpu.memref_slice %arg6[%dma_start3A_286, %dma_start3A_287, %dma_start3A_288] : memref<5x120x128xf32, #tpu.memory_space<vmem>> -> memref<1x120x128xf32, #tpu.memory_space<vmem>>
          %dma_start3A_290 = tpu.memref_squeeze %dma_start3A_289 : memref<1x120x128xf32, #tpu.memory_space<vmem>> -> memref<120x128xf32, #tpu.memory_space<vmem>>
          %dma_start3A_291 = arith.constant 0 : i32
          %dma_start3A_292 = tpu.memref_slice %arg5[%sub3A_285, %dma_start3A_291] : memref<40x120xi32, #tpu.memory_space<vmem>> -> memref<1x120xi32, #tpu.memory_space<vmem>>
          %dma_start3A_293 = tpu.memref_squeeze %dma_start3A_292 : memref<1x120xi32, #tpu.memory_space<vmem>> -> memref<120xi32, #tpu.memory_space<vmem>>
          %dma_start3A_294 = arith.constant 0 : i32
          %dma_start3A_295 = arith.constant 0 : i32
          %dma_start3A_296 = tpu.memref_slice %arg2[%dma_start3A_294, %dma_start3A_295] : memref<100000x128xf32, #tpu.memory_space<hbm>> -> memref<100000x128xf32, #tpu.memory_space<hbm>>
          tpu.enqueue_indirect_dma source(%dma_start3A_296 : memref<100000x128xf32, #tpu.memory_space<hbm>>) target(%dma_start3A_290 : memref<120x128xf32, #tpu.memory_space<vmem>>) offsets(%dma_start3A_293 : memref<120xi32, #tpu.memory_space<vmem>>) semaphore(%arg9 : memref<!tpu.dma_semaphore, #tpu.memory_space<semaphore_mem>>)
        } else {
        }
      } else {
      }
      %mul3A_225 = arith.constant 5 : i32
      %mul3A_226 = arith.muli %scan3A_79, %mul3A_225 : i32
      %add3A_227 = arith.constant 4 : i32
      %add3A_228 = arith.addi %mul3A_226, %add3A_227 : i32
      %dma_wait3A_229 = arith.constant 0 : i32
      %dma_wait3A_230 = arith.constant 4 : i32
      %dma_wait3A_231 = arith.constant 0 : i32
      %dma_wait3A_232 = arith.constant 0 : i32
      %dma_wait3A_233 = tpu.memref_slice %arg6[%dma_wait3A_230, %dma_wait3A_231, %dma_wait3A_232] : memref<5x120x128xf32, #tpu.memory_space<vmem>> -> memref<1x120x128xf32, #tpu.memory_space<vmem>>
      %dma_wait3A_234 = tpu.memref_squeeze %dma_wait3A_233 : memref<1x120x128xf32, #tpu.memory_space<vmem>> -> memref<120x128xf32, #tpu.memory_space<vmem>>
      %dma_wait3A_235 = arith.constant 0 : i32
      %dma_wait3A_236 = tpu.memref_slice %arg5[%dma_wait3A_229, %dma_wait3A_235] : memref<40x120xi32, #tpu.memory_space<vmem>> -> memref<1x120xi32, #tpu.memory_space<vmem>>
      %dma_wait3A_237 = tpu.memref_squeeze %dma_wait3A_236 : memref<1x120xi32, #tpu.memory_space<vmem>> -> memref<120xi32, #tpu.memory_space<vmem>>
      %dma_wait3A_238 = arith.constant 0 : i32
      %dma_wait3A_239 = arith.constant 0 : i32
      %dma_wait3A_240 = tpu.memref_slice %arg2[%dma_wait3A_238, %dma_wait3A_239] : memref<100000x128xf32, #tpu.memory_space<hbm>> -> memref<100000x128xf32, #tpu.memory_space<hbm>>
      tpu.wait_indirect_dma semaphore(%arg11 : memref<!tpu.dma_semaphore, #tpu.memory_space<semaphore_mem>>) src(%dma_wait3A_240 : memref<100000x128xf32, #tpu.memory_space<hbm>>) dst(%dma_wait3A_234 : memref<120x128xf32, #tpu.memory_space<vmem>>)
      %mul3A_241 = arith.constant 120 : i32
      %mul3A_242 = arith.muli %add3A_228, %mul3A_241 : i32
      %add3A_243 = arith.addi %mul3A_2, %mul3A_242 : i32
      %dma_start3A_244 = arith.constant 4 : i32
      %dma_start3A_245 = arith.constant 0 : i32
      %dma_start3A_246 = arith.constant 0 : i32
      %dma_start3A_247 = tpu.memref_slice %arg6[%dma_start3A_244, %dma_start3A_245, %dma_start3A_246] : memref<5x120x128xf32, #tpu.memory_space<vmem>> -> memref<1x120x128xf32, #tpu.memory_space<vmem>>
      %dma_start3A_248 = tpu.memref_squeeze %dma_start3A_247 : memref<1x120x128xf32, #tpu.memory_space<vmem>> -> memref<120x128xf32, #tpu.memory_space<vmem>>
      %dma_start3A_249 = arith.constant 0 : i32
      %dma_start3A_250 = tpu.memref_slice %arg4[%add3A_243, %dma_start3A_249] : memref<153600x128xf32, #tpu.memory_space<hbm>> -> memref<120x128xf32, #tpu.memory_space<hbm>>
      %dma_start3A_251 = arith.constant 0 : i32
      %dma_start3A_252 = tpu.memref_slice %arg4[%add3A_243, %dma_start3A_251] : memref<153600x128xf32, #tpu.memory_space<hbm>> -> memref<120x128xf32, #tpu.memory_space<hbm>>
      %dma_start3A_253 = arith.constant 0 : i32
      %dma_start3A_254 = arith.constant 0 : i32
      %dma_start3A_255 = tpu.memref_slice %arg6[%dma_start3A_244, %dma_start3A_253, %dma_start3A_254] : memref<5x120x128xf32, #tpu.memory_space<vmem>> -> memref<1x120x128xf32, #tpu.memory_space<vmem>>
      %dma_start3A_256 = tpu.memref_squeeze %dma_start3A_255 : memref<1x120x128xf32, #tpu.memory_space<vmem>> -> memref<120x128xf32, #tpu.memory_space<vmem>>
      tpu.enqueue_dma source(%dma_start3A_256 : memref<120x128xf32, #tpu.memory_space<vmem>>) target(%dma_start3A_252 : memref<120x128xf32, #tpu.memory_space<hbm>>) target_semaphore(%arg16 : memref<!tpu.dma_semaphore, #tpu.memory_space<semaphore_mem>>)
      %ge3A_257 = arith.constant 1 : i32
      %ge3A_258 = arith.cmpi sge, %add3A_228, %ge3A_257 : i32
      %convert_element_type3A_259 = arith.extui %ge3A_258 : i1 to i32
      %cond3A_260 = arith.constant 0 : i32
      %cond3A_261 = arith.cmpi ne, %convert_element_type3A_259, %cond3A_260 : i32
      scf.if %cond3A_261 {
        %dma_wait3A_262 = arith.constant 3 : i32
        %dma_wait3A_263 = arith.constant 0 : i32
        %dma_wait3A_264 = arith.constant 0 : i32
        %dma_wait3A_265 = tpu.memref_slice %arg6[%dma_wait3A_262, %dma_wait3A_263, %dma_wait3A_264] : memref<5x120x128xf32, #tpu.memory_space<vmem>> -> memref<1x120x128xf32, #tpu.memory_space<vmem>>
        %dma_wait3A_266 = tpu.memref_squeeze %dma_wait3A_265 : memref<1x120x128xf32, #tpu.memory_space<vmem>> -> memref<120x128xf32, #tpu.memory_space<vmem>>
        %dma_wait3A_267 = arith.constant 0 : i32
        %dma_wait3A_268 = tpu.memref_slice %arg4[%mul3A_2, %dma_wait3A_267] : memref<153600x128xf32, #tpu.memory_space<hbm>> -> memref<120x128xf32, #tpu.memory_space<hbm>>
        %dma_wait3A_269 = arith.constant 0 : i32
        %dma_wait3A_270 = tpu.memref_slice %arg4[%mul3A_2, %dma_wait3A_269] : memref<153600x128xf32, #tpu.memory_space<hbm>> -> memref<120x128xf32, #tpu.memory_space<hbm>>
        %dma_wait3A_271 = arith.constant 0 : i32
        %dma_wait3A_272 = arith.constant 0 : i32
        %dma_wait3A_273 = tpu.memref_slice %arg6[%dma_wait3A_262, %dma_wait3A_271, %dma_wait3A_272] : memref<5x120x128xf32, #tpu.memory_space<vmem>> -> memref<1x120x128xf32, #tpu.memory_space<vmem>>
        %dma_wait3A_274 = tpu.memref_squeeze %dma_wait3A_273 : memref<1x120x128xf32, #tpu.memory_space<vmem>> -> memref<120x128xf32, #tpu.memory_space<vmem>>
        tpu.wait_dma2 semaphore(%arg15 : memref<!tpu.dma_semaphore, #tpu.memory_space<semaphore_mem>>) src(%dma_wait3A_274 : memref<120x128xf32, #tpu.memory_space<vmem>>) dst(%dma_wait3A_270 : memref<120x128xf32, #tpu.memory_space<hbm>>)
        %add3A_275 = arith.constant 5 : i32
        %add3A_276 = arith.addi %add3A_228, %add3A_275 : i32
        %sub3A = arith.constant 1 : i32
        %sub3A_277 = arith.subi %add3A_276, %sub3A : i32
        %lt3A = arith.constant 40 : i32
        %lt3A_278 = arith.cmpi slt, %sub3A_277, %lt3A : i32
        %convert_element_type3A_279 = arith.extui %lt3A_278 : i1 to i32
        %cond3A_280 = arith.constant 0 : i32
        %cond3A_281 = arith.cmpi ne, %convert_element_type3A_279, %cond3A_280 : i32
        scf.if %cond3A_281 {
          %add3A_282 = arith.constant 5 : i32
          %add3A_283 = arith.addi %add3A_228, %add3A_282 : i32
          %sub3A_284 = arith.constant 1 : i32
          %sub3A_285 = arith.subi %add3A_283, %sub3A_284 : i32
          %dma_start3A_286 = arith.constant 3 : i32
          %dma_start3A_287 = arith.constant 0 : i32
          %dma_start3A_288 = arith.constant 0 : i32
          %dma_start3A_289 = tpu.memref_slice %arg6[%dma_start3A_286, %dma_start3A_287, %dma_start3A_288] : memref<5x120x128xf32, #tpu.memory_space<vmem>> -> memref<1x120x128xf32, #tpu.memory_space<vmem>>
          %dma_start3A_290 = tpu.memref_squeeze %dma_start3A_289 : memref<1x120x128xf32, #tpu.memory_space<vmem>> -> memref<120x128xf32, #tpu.memory_space<vmem>>
          %dma_start3A_291 = arith.constant 0 : i32
          %dma_start3A_292 = tpu.memref_slice %arg5[%sub3A_285, %dma_start3A_291] : memref<40x120xi32, #tpu.memory_space<vmem>> -> memref<1x120xi32, #tpu.memory_space<vmem>>
          %dma_start3A_293 = tpu.memref_squeeze %dma_start3A_292 : memref<1x120xi32, #tpu.memory_space<vmem>> -> memref<120xi32, #tpu.memory_space<vmem>>
          %dma_start3A_294 = arith.constant 0 : i32
          %dma_start3A_295 = arith.constant 0 : i32
          %dma_start3A_296 = tpu.memref_slice %arg2[%dma_start3A_294, %dma_start3A_295] : memref<100000x128xf32, #tpu.memory_space<hbm>> -> memref<100000x128xf32, #tpu.memory_space<hbm>>
          tpu.enqueue_indirect_dma source(%dma_start3A_296 : memref<100000x128xf32, #tpu.memory_space<hbm>>) target(%dma_start3A_290 : memref<120x128xf32, #tpu.memory_space<vmem>>) offsets(%dma_start3A_293 : memref<120xi32, #tpu.memory_space<vmem>>) semaphore(%arg10 : memref<!tpu.dma_semaphore, #tpu.memory_space<semaphore_mem>>)
        } else {
        }
      } else {
      }
    }
    %scan3A_66 = arith.constant 8 : i32
    %dma_wait3A = arith.constant 4 : i32
    %dma_wait3A_67 = arith.constant 0 : i32
    %dma_wait3A_68 = arith.constant 0 : i32
    %dma_wait3A_69 = tpu.memref_slice %arg6[%dma_wait3A, %dma_wait3A_67, %dma_wait3A_68] : memref<5x120x128xf32, #tpu.memory_space<vmem>> -> memref<1x120x128xf32, #tpu.memory_space<vmem>>
    %dma_wait3A_70 = tpu.memref_squeeze %dma_wait3A_69 : memref<1x120x128xf32, #tpu.memory_space<vmem>> -> memref<120x128xf32, #tpu.memory_space<vmem>>
    %dma_wait3A_71 = arith.constant 0 : i32
    %dma_wait3A_72 = tpu.memref_slice %arg4[%mul3A_2, %dma_wait3A_71] : memref<153600x128xf32, #tpu.memory_space<hbm>> -> memref<120x128xf32, #tpu.memory_space<hbm>>
    %dma_wait3A_73 = arith.constant 0 : i32
    %dma_wait3A_74 = tpu.memref_slice %arg4[%mul3A_2, %dma_wait3A_73] : memref<153600x128xf32, #tpu.memory_space<hbm>> -> memref<120x128xf32, #tpu.memory_space<hbm>>
    %dma_wait3A_75 = arith.constant 0 : i32
    %dma_wait3A_76 = arith.constant 0 : i32
    %dma_wait3A_77 = tpu.memref_slice %arg6[%dma_wait3A, %dma_wait3A_75, %dma_wait3A_76] : memref<5x120x128xf32, #tpu.memory_space<vmem>> -> memref<1x120x128xf32, #tpu.memory_space<vmem>>
    %dma_wait3A_78 = tpu.memref_squeeze %dma_wait3A_77 : memref<1x120x128xf32, #tpu.memory_space<vmem>> -> memref<120x128xf32, #tpu.memory_space<vmem>>
    tpu.wait_dma2 semaphore(%arg16 : memref<!tpu.dma_semaphore, #tpu.memory_space<semaphore_mem>>) src(%dma_wait3A_78 : memref<120x128xf32, #tpu.memory_space<vmem>>) dst(%dma_wait3A_74 : memref<120x128xf32, #tpu.memory_space<hbm>>)
    return
  }
}

#map = affine_map<(d0, d1) -> (0, 0)>
#map1 = affine_map<(d0, d1) -> (0, 0, 0)>
module attributes {stable_mosaic.version = 14 : i64} {
  func.func @gather_kernel(%arg0: i32, %arg1: i32, %arg2: memref<100000x128xf32, #tpu.memory_space<hbm>>, %arg3: memref<32x45x120xi32, #tpu.memory_space<hbm>>, %arg4: memref<172800x128xf32, #tpu.memory_space<hbm>>, %arg5: memref<45x120xi32, #tpu.memory_space<vmem>>, %arg6: memref<5x120x128xf32, #tpu.memory_space<vmem>>, %arg7: memref<!tpu.dma_semaphore, #tpu.memory_space<semaphore_mem>>, %arg8: memref<!tpu.dma_semaphore, #tpu.memory_space<semaphore_mem>>, %arg9: memref<!tpu.dma_semaphore, #tpu.memory_space<semaphore_mem>>, %arg10: memref<!tpu.dma_semaphore, #tpu.memory_space<semaphore_mem>>, %arg11: memref<!tpu.dma_semaphore, #tpu.memory_space<semaphore_mem>>, %arg12: memref<!tpu.dma_semaphore, #tpu.memory_space<semaphore_mem>>, %arg13: memref<!tpu.dma_semaphore, #tpu.memory_space<semaphore_mem>>, %arg14: memref<!tpu.dma_semaphore, #tpu.memory_space<semaphore_mem>>, %arg15: memref<!tpu.dma_semaphore, #tpu.memory_space<semaphore_mem>>, %arg16: memref<!tpu.dma_semaphore, #tpu.memory_space<semaphore_mem>>) attributes {dimension_semantics = [#tpu.dimension_semantics<core_parallel>, #tpu.dimension_semantics<subcore_parallel>], iteration_bounds = array<i64: 2, 16>, scalar_prefetch = 0 : i64, scratch_operands = 12 : i64, tpu.core_type = #tpu.core_type<sc_vector_subcore>, window_params = [{transform_indices = #map}, {transform_indices = #map1}, {transform_indices = #map}]} {
    %mul3A = arith.constant 2 : i32
    %mul3A_0 = arith.muli %arg1, %mul3A : i32
    %add3A = arith.addi %mul3A_0, %arg0 : i32
    %mul3A_1 = arith.constant 5400 : i32
    %mul3A_2 = arith.muli %add3A, %mul3A_1 : i32
    "tpu.region"() ({
      %run_scoped3A = tpu.sem_alloc : memref<!tpu.dma_semaphore, #tpu.memory_space<semaphore_mem>>
      %dma_start3A_79 = arith.constant 0 : i32
      %dma_start3A_80 = arith.constant 0 : i32
      %dma_start3A_81 = tpu.memref_slice %arg3[%add3A, %dma_start3A_79, %dma_start3A_80] : memref<32x45x120xi32, #tpu.memory_space<hbm>> -> memref<1x45x120xi32, #tpu.memory_space<hbm>>
      %dma_start3A_82 = tpu.memref_squeeze %dma_start3A_81 : memref<1x45x120xi32, #tpu.memory_space<hbm>> -> memref<45x120xi32, #tpu.memory_space<hbm>>
      %dma_start3A_83 = arith.constant 0 : i32
      %dma_start3A_84 = arith.constant 0 : i32
      %dma_start3A_85 = tpu.memref_slice %arg3[%add3A, %dma_start3A_83, %dma_start3A_84] : memref<32x45x120xi32, #tpu.memory_space<hbm>> -> memref<1x45x120xi32, #tpu.memory_space<hbm>>
      %dma_start3A_86 = tpu.memref_squeeze %dma_start3A_85 : memref<1x45x120xi32, #tpu.memory_space<hbm>> -> memref<45x120xi32, #tpu.memory_space<hbm>>
      tpu.enqueue_dma source(%dma_start3A_86 : memref<45x120xi32, #tpu.memory_space<hbm>>) target(%arg5 : memref<45x120xi32, #tpu.memory_space<vmem>>) target_semaphore(%run_scoped3A : memref<!tpu.dma_semaphore, #tpu.memory_space<semaphore_mem>>)
      %dma_wait3A_87 = arith.constant 0 : i32
      %dma_wait3A_88 = arith.constant 0 : i32
      %dma_wait3A_89 = tpu.memref_slice %arg3[%add3A, %dma_wait3A_87, %dma_wait3A_88] : memref<32x45x120xi32, #tpu.memory_space<hbm>> -> memref<1x45x120xi32, #tpu.memory_space<hbm>>
      %dma_wait3A_90 = tpu.memref_squeeze %dma_wait3A_89 : memref<1x45x120xi32, #tpu.memory_space<hbm>> -> memref<45x120xi32, #tpu.memory_space<hbm>>
      %dma_wait3A_91 = arith.constant 0 : i32
      %dma_wait3A_92 = arith.constant 0 : i32
      %dma_wait3A_93 = tpu.memref_slice %arg3[%add3A, %dma_wait3A_91, %dma_wait3A_92] : memref<32x45x120xi32, #tpu.memory_space<hbm>> -> memref<1x45x120xi32, #tpu.memory_space<hbm>>
      %dma_wait3A_94 = tpu.memref_squeeze %dma_wait3A_93 : memref<1x45x120xi32, #tpu.memory_space<hbm>> -> memref<45x120xi32, #tpu.memory_space<hbm>>
      tpu.wait_dma2 semaphore(%run_scoped3A : memref<!tpu.dma_semaphore, #tpu.memory_space<semaphore_mem>>) src(%dma_wait3A_94 : memref<45x120xi32, #tpu.memory_space<hbm>>) dst(%arg5 : memref<45x120xi32, #tpu.memory_space<vmem>>)
      tpu.yield
    }) : () -> ()
    %dma_start3A = arith.constant 0 : i32
    %dma_start3A_3 = arith.constant 0 : i32
    %dma_start3A_4 = arith.constant 0 : i32
    %dma_start3A_5 = arith.constant 0 : i32
    %dma_start3A_6 = tpu.memref_slice %arg6[%dma_start3A_3, %dma_start3A_4, %dma_start3A_5] : memref<5x120x128xf32, #tpu.memory_space<vmem>> -> memref<1x120x128xf32, #tpu.memory_space<vmem>>
    %dma_start3A_7 = tpu.memref_squeeze %dma_start3A_6 : memref<1x120x128xf32, #tpu.memory_space<vmem>> -> memref<120x128xf32, #tpu.memory_space<vmem>>
    %dma_start3A_8 = arith.constant 0 : i32
    %dma_start3A_9 = tpu.memref_slice %arg5[%dma_start3A, %dma_start3A_8] : memref<45x120xi32, #tpu.memory_space<vmem>> -> memref<1x120xi32, #tpu.memory_space<vmem>>
    %dma_start3A_10 = tpu.memref_squeeze %dma_start3A_9 : memref<1x120xi32, #tpu.memory_space<vmem>> -> memref<120xi32, #tpu.memory_space<vmem>>
    %dma_start3A_11 = arith.constant 0 : i32
    %dma_start3A_12 = arith.constant 0 : i32
    %dma_start3A_13 = tpu.memref_slice %arg2[%dma_start3A_11, %dma_start3A_12] : memref<100000x128xf32, #tpu.memory_space<hbm>> -> memref<100000x128xf32, #tpu.memory_space<hbm>>
    tpu.enqueue_indirect_dma source(%dma_start3A_13 : memref<100000x128xf32, #tpu.memory_space<hbm>>) target(%dma_start3A_7 : memref<120x128xf32, #tpu.memory_space<vmem>>) offsets(%dma_start3A_10 : memref<120xi32, #tpu.memory_space<vmem>>) semaphore(%arg7 : memref<!tpu.dma_semaphore, #tpu.memory_space<semaphore_mem>>)
    %dma_start3A_14 = arith.constant 1 : i32
    %dma_start3A_15 = arith.constant 1 : i32
    %dma_start3A_16 = arith.constant 0 : i32
    %dma_start3A_17 = arith.constant 0 : i32
    %dma_start3A_18 = tpu.memref_slice %arg6[%dma_start3A_15, %dma_start3A_16, %dma_start3A_17] : memref<5x120x128xf32, #tpu.memory_space<vmem>> -> memref<1x120x128xf32, #tpu.memory_space<vmem>>
    %dma_start3A_19 = tpu.memref_squeeze %dma_start3A_18 : memref<1x120x128xf32, #tpu.memory_space<vmem>> -> memref<120x128xf32, #tpu.memory_space<vmem>>
    %dma_start3A_20 = arith.constant 0 : i32
    %dma_start3A_21 = tpu.memref_slice %arg5[%dma_start3A_14, %dma_start3A_20] : memref<45x120xi32, #tpu.memory_space<vmem>> -> memref<1x120xi32, #tpu.memory_space<vmem>>
    %dma_start3A_22 = tpu.memref_squeeze %dma_start3A_21 : memref<1x120xi32, #tpu.memory_space<vmem>> -> memref<120xi32, #tpu.memory_space<vmem>>
    %dma_start3A_23 = arith.constant 0 : i32
    %dma_start3A_24 = arith.constant 0 : i32
    %dma_start3A_25 = tpu.memref_slice %arg2[%dma_start3A_23, %dma_start3A_24] : memref<100000x128xf32, #tpu.memory_space<hbm>> -> memref<100000x128xf32, #tpu.memory_space<hbm>>
    tpu.enqueue_indirect_dma source(%dma_start3A_25 : memref<100000x128xf32, #tpu.memory_space<hbm>>) target(%dma_start3A_19 : memref<120x128xf32, #tpu.memory_space<vmem>>) offsets(%dma_start3A_22 : memref<120xi32, #tpu.memory_space<vmem>>) semaphore(%arg8 : memref<!tpu.dma_semaphore, #tpu.memory_space<semaphore_mem>>)
    %dma_start3A_26 = arith.constant 2 : i32
    %dma_start3A_27 = arith.constant 2 : i32
    %dma_start3A_28 = arith.constant 0 : i32
    %dma_start3A_29 = arith.constant 0 : i32
    %dma_start3A_30 = tpu.memref_slice %arg6[%dma_start3A_27, %dma_start3A_28, %dma_start3A_29] : memref<5x120x128xf32, #tpu.memory_space<vmem>> -> memref<1x120x128xf32, #tpu.memory_space<vmem>>
    %dma_start3A_31 = tpu.memref_squeeze %dma_start3A_30 : memref<1x120x128xf32, #tpu.memory_space<vmem>> -> memref<120x128xf32, #tpu.memory_space<vmem>>
    %dma_start3A_32 = arith.constant 0 : i32
    %dma_start3A_33 = tpu.memref_slice %arg5[%dma_start3A_26, %dma_start3A_32] : memref<45x120xi32, #tpu.memory_space<vmem>> -> memref<1x120xi32, #tpu.memory_space<vmem>>
    %dma_start3A_34 = tpu.memref_squeeze %dma_start3A_33 : memref<1x120xi32, #tpu.memory_space<vmem>> -> memref<120xi32, #tpu.memory_space<vmem>>
    %dma_start3A_35 = arith.constant 0 : i32
    %dma_start3A_36 = arith.constant 0 : i32
    %dma_start3A_37 = tpu.memref_slice %arg2[%dma_start3A_35, %dma_start3A_36] : memref<100000x128xf32, #tpu.memory_space<hbm>> -> memref<100000x128xf32, #tpu.memory_space<hbm>>
    tpu.enqueue_indirect_dma source(%dma_start3A_37 : memref<100000x128xf32, #tpu.memory_space<hbm>>) target(%dma_start3A_31 : memref<120x128xf32, #tpu.memory_space<vmem>>) offsets(%dma_start3A_34 : memref<120xi32, #tpu.memory_space<vmem>>) semaphore(%arg9 : memref<!tpu.dma_semaphore, #tpu.memory_space<semaphore_mem>>)
    %dma_start3A_38 = arith.constant 3 : i32
    %dma_start3A_39 = arith.constant 3 : i32
    %dma_start3A_40 = arith.constant 0 : i32
    %dma_start3A_41 = arith.constant 0 : i32
    %dma_start3A_42 = tpu.memref_slice %arg6[%dma_start3A_39, %dma_start3A_40, %dma_start3A_41] : memref<5x120x128xf32, #tpu.memory_space<vmem>> -> memref<1x120x128xf32, #tpu.memory_space<vmem>>
    %dma_start3A_43 = tpu.memref_squeeze %dma_start3A_42 : memref<1x120x128xf32, #tpu.memory_space<vmem>> -> memref<120x128xf32, #tpu.memory_space<vmem>>
    %dma_start3A_44 = arith.constant 0 : i32
    %dma_start3A_45 = tpu.memref_slice %arg5[%dma_start3A_38, %dma_start3A_44] : memref<45x120xi32, #tpu.memory_space<vmem>> -> memref<1x120xi32, #tpu.memory_space<vmem>>
    %dma_start3A_46 = tpu.memref_squeeze %dma_start3A_45 : memref<1x120xi32, #tpu.memory_space<vmem>> -> memref<120xi32, #tpu.memory_space<vmem>>
    %dma_start3A_47 = arith.constant 0 : i32
    %dma_start3A_48 = arith.constant 0 : i32
    %dma_start3A_49 = tpu.memref_slice %arg2[%dma_start3A_47, %dma_start3A_48] : memref<100000x128xf32, #tpu.memory_space<hbm>> -> memref<100000x128xf32, #tpu.memory_space<hbm>>
    tpu.enqueue_indirect_dma source(%dma_start3A_49 : memref<100000x128xf32, #tpu.memory_space<hbm>>) target(%dma_start3A_43 : memref<120x128xf32, #tpu.memory_space<vmem>>) offsets(%dma_start3A_46 : memref<120xi32, #tpu.memory_space<vmem>>) semaphore(%arg10 : memref<!tpu.dma_semaphore, #tpu.memory_space<semaphore_mem>>)
    %dma_start3A_50 = arith.constant 4 : i32
    %dma_start3A_51 = arith.constant 4 : i32
    %dma_start3A_52 = arith.constant 0 : i32
    %dma_start3A_53 = arith.constant 0 : i32
    %dma_start3A_54 = tpu.memref_slice %arg6[%dma_start3A_51, %dma_start3A_52, %dma_start3A_53] : memref<5x120x128xf32, #tpu.memory_space<vmem>> -> memref<1x120x128xf32, #tpu.memory_space<vmem>>
    %dma_start3A_55 = tpu.memref_squeeze %dma_start3A_54 : memref<1x120x128xf32, #tpu.memory_space<vmem>> -> memref<120x128xf32, #tpu.memory_space<vmem>>
    %dma_start3A_56 = arith.constant 0 : i32
    %dma_start3A_57 = tpu.memref_slice %arg5[%dma_start3A_50, %dma_start3A_56] : memref<45x120xi32, #tpu.memory_space<vmem>> -> memref<1x120xi32, #tpu.memory_space<vmem>>
    %dma_start3A_58 = tpu.memref_squeeze %dma_start3A_57 : memref<1x120xi32, #tpu.memory_space<vmem>> -> memref<120xi32, #tpu.memory_space<vmem>>
    %dma_start3A_59 = arith.constant 0 : i32
    %dma_start3A_60 = arith.constant 0 : i32
    %dma_start3A_61 = tpu.memref_slice %arg2[%dma_start3A_59, %dma_start3A_60] : memref<100000x128xf32, #tpu.memory_space<hbm>> -> memref<100000x128xf32, #tpu.memory_space<hbm>>
    tpu.enqueue_indirect_dma source(%dma_start3A_61 : memref<100000x128xf32, #tpu.memory_space<hbm>>) target(%dma_start3A_55 : memref<120x128xf32, #tpu.memory_space<vmem>>) offsets(%dma_start3A_58 : memref<120xi32, #tpu.memory_space<vmem>>) semaphore(%arg11 : memref<!tpu.dma_semaphore, #tpu.memory_space<semaphore_mem>>)
    %scan3A = arith.constant 0 : i32
    %scan3A_62 = arith.constant 0 : i32
    %scan3A_63 = arith.constant 9 : i32
    %scan3A_64 = arith.addi %scan3A_62, %scan3A_63 : i32
    %scan3A_65 = arith.constant 1 : i32
    scf.for %scan3A_79 = %scan3A_62 to %scan3A_64 step %scan3A_65  : i32 {
      %mul3A_80 = arith.constant 5 : i32
      %mul3A_81 = arith.muli %scan3A_79, %mul3A_80 : i32
      %add3A_82 = arith.constant 0 : i32
      %add3A_83 = arith.addi %mul3A_81, %add3A_82 : i32
      %dma_wait3A_84 = arith.constant 0 : i32
      %dma_wait3A_85 = arith.constant 0 : i32
      %dma_wait3A_86 = arith.constant 0 : i32
      %dma_wait3A_87 = arith.constant 0 : i32
      %dma_wait3A_88 = tpu.memref_slice %arg6[%dma_wait3A_85, %dma_wait3A_86, %dma_wait3A_87] : memref<5x120x128xf32, #tpu.memory_space<vmem>> -> memref<1x120x128xf32, #tpu.memory_space<vmem>>
      %dma_wait3A_89 = tpu.memref_squeeze %dma_wait3A_88 : memref<1x120x128xf32, #tpu.memory_space<vmem>> -> memref<120x128xf32, #tpu.memory_space<vmem>>
      %dma_wait3A_90 = arith.constant 0 : i32
      %dma_wait3A_91 = tpu.memref_slice %arg5[%dma_wait3A_84, %dma_wait3A_90] : memref<45x120xi32, #tpu.memory_space<vmem>> -> memref<1x120xi32, #tpu.memory_space<vmem>>
      %dma_wait3A_92 = tpu.memref_squeeze %dma_wait3A_91 : memref<1x120xi32, #tpu.memory_space<vmem>> -> memref<120xi32, #tpu.memory_space<vmem>>
      %dma_wait3A_93 = arith.constant 0 : i32
      %dma_wait3A_94 = arith.constant 0 : i32
      %dma_wait3A_95 = tpu.memref_slice %arg2[%dma_wait3A_93, %dma_wait3A_94] : memref<100000x128xf32, #tpu.memory_space<hbm>> -> memref<100000x128xf32, #tpu.memory_space<hbm>>
      tpu.wait_indirect_dma semaphore(%arg7 : memref<!tpu.dma_semaphore, #tpu.memory_space<semaphore_mem>>) src(%dma_wait3A_95 : memref<100000x128xf32, #tpu.memory_space<hbm>>) dst(%dma_wait3A_89 : memref<120x128xf32, #tpu.memory_space<vmem>>)
      %mul3A_96 = arith.constant 120 : i32
      %mul3A_97 = arith.muli %add3A_83, %mul3A_96 : i32
      %add3A_98 = arith.addi %mul3A_2, %mul3A_97 : i32
      %dma_start3A_99 = arith.constant 0 : i32
      %dma_start3A_100 = arith.constant 0 : i32
      %dma_start3A_101 = arith.constant 0 : i32
      %dma_start3A_102 = tpu.memref_slice %arg6[%dma_start3A_99, %dma_start3A_100, %dma_start3A_101] : memref<5x120x128xf32, #tpu.memory_space<vmem>> -> memref<1x120x128xf32, #tpu.memory_space<vmem>>
      %dma_start3A_103 = tpu.memref_squeeze %dma_start3A_102 : memref<1x120x128xf32, #tpu.memory_space<vmem>> -> memref<120x128xf32, #tpu.memory_space<vmem>>
      %dma_start3A_104 = arith.constant 0 : i32
      %dma_start3A_105 = tpu.memref_slice %arg4[%add3A_98, %dma_start3A_104] : memref<172800x128xf32, #tpu.memory_space<hbm>> -> memref<120x128xf32, #tpu.memory_space<hbm>>
      %dma_start3A_106 = arith.constant 0 : i32
      %dma_start3A_107 = tpu.memref_slice %arg4[%add3A_98, %dma_start3A_106] : memref<172800x128xf32, #tpu.memory_space<hbm>> -> memref<120x128xf32, #tpu.memory_space<hbm>>
      %dma_start3A_108 = arith.constant 0 : i32
      %dma_start3A_109 = arith.constant 0 : i32
      %dma_start3A_110 = tpu.memref_slice %arg6[%dma_start3A_99, %dma_start3A_108, %dma_start3A_109] : memref<5x120x128xf32, #tpu.memory_space<vmem>> -> memref<1x120x128xf32, #tpu.memory_space<vmem>>
      %dma_start3A_111 = tpu.memref_squeeze %dma_start3A_110 : memref<1x120x128xf32, #tpu.memory_space<vmem>> -> memref<120x128xf32, #tpu.memory_space<vmem>>
      tpu.enqueue_dma source(%dma_start3A_111 : memref<120x128xf32, #tpu.memory_space<vmem>>) target(%dma_start3A_107 : memref<120x128xf32, #tpu.memory_space<hbm>>) target_semaphore(%arg12 : memref<!tpu.dma_semaphore, #tpu.memory_space<semaphore_mem>>)
      %ge3A = arith.constant 1 : i32
      %ge3A_112 = arith.cmpi sge, %add3A_83, %ge3A : i32
      %convert_element_type3A = arith.extui %ge3A_112 : i1 to i32
      %cond3A = arith.constant 0 : i32
      %cond3A_113 = arith.cmpi ne, %convert_element_type3A, %cond3A : i32
      scf.if %cond3A_113 {
        %dma_wait3A_262 = arith.constant 4 : i32
        %dma_wait3A_263 = arith.constant 0 : i32
        %dma_wait3A_264 = arith.constant 0 : i32
        %dma_wait3A_265 = tpu.memref_slice %arg6[%dma_wait3A_262, %dma_wait3A_263, %dma_wait3A_264] : memref<5x120x128xf32, #tpu.memory_space<vmem>> -> memref<1x120x128xf32, #tpu.memory_space<vmem>>
        %dma_wait3A_266 = tpu.memref_squeeze %dma_wait3A_265 : memref<1x120x128xf32, #tpu.memory_space<vmem>> -> memref<120x128xf32, #tpu.memory_space<vmem>>
        %dma_wait3A_267 = arith.constant 0 : i32
        %dma_wait3A_268 = tpu.memref_slice %arg4[%mul3A_2, %dma_wait3A_267] : memref<172800x128xf32, #tpu.memory_space<hbm>> -> memref<120x128xf32, #tpu.memory_space<hbm>>
        %dma_wait3A_269 = arith.constant 0 : i32
        %dma_wait3A_270 = tpu.memref_slice %arg4[%mul3A_2, %dma_wait3A_269] : memref<172800x128xf32, #tpu.memory_space<hbm>> -> memref<120x128xf32, #tpu.memory_space<hbm>>
        %dma_wait3A_271 = arith.constant 0 : i32
        %dma_wait3A_272 = arith.constant 0 : i32
        %dma_wait3A_273 = tpu.memref_slice %arg6[%dma_wait3A_262, %dma_wait3A_271, %dma_wait3A_272] : memref<5x120x128xf32, #tpu.memory_space<vmem>> -> memref<1x120x128xf32, #tpu.memory_space<vmem>>
        %dma_wait3A_274 = tpu.memref_squeeze %dma_wait3A_273 : memref<1x120x128xf32, #tpu.memory_space<vmem>> -> memref<120x128xf32, #tpu.memory_space<vmem>>
        tpu.wait_dma2 semaphore(%arg16 : memref<!tpu.dma_semaphore, #tpu.memory_space<semaphore_mem>>) src(%dma_wait3A_274 : memref<120x128xf32, #tpu.memory_space<vmem>>) dst(%dma_wait3A_270 : memref<120x128xf32, #tpu.memory_space<hbm>>)
        %add3A_275 = arith.constant 5 : i32
        %add3A_276 = arith.addi %add3A_83, %add3A_275 : i32
        %sub3A = arith.constant 1 : i32
        %sub3A_277 = arith.subi %add3A_276, %sub3A : i32
        %lt3A = arith.constant 45 : i32
        %lt3A_278 = arith.cmpi slt, %sub3A_277, %lt3A : i32
        %convert_element_type3A_279 = arith.extui %lt3A_278 : i1 to i32
        %cond3A_280 = arith.constant 0 : i32
        %cond3A_281 = arith.cmpi ne, %convert_element_type3A_279, %cond3A_280 : i32
        scf.if %cond3A_281 {
          %add3A_282 = arith.constant 5 : i32
          %add3A_283 = arith.addi %add3A_83, %add3A_282 : i32
          %sub3A_284 = arith.constant 1 : i32
          %sub3A_285 = arith.subi %add3A_283, %sub3A_284 : i32
          %dma_start3A_286 = arith.constant 4 : i32
          %dma_start3A_287 = arith.constant 0 : i32
          %dma_start3A_288 = arith.constant 0 : i32
          %dma_start3A_289 = tpu.memref_slice %arg6[%dma_start3A_286, %dma_start3A_287, %dma_start3A_288] : memref<5x120x128xf32, #tpu.memory_space<vmem>> -> memref<1x120x128xf32, #tpu.memory_space<vmem>>
          %dma_start3A_290 = tpu.memref_squeeze %dma_start3A_289 : memref<1x120x128xf32, #tpu.memory_space<vmem>> -> memref<120x128xf32, #tpu.memory_space<vmem>>
          %dma_start3A_291 = arith.constant 0 : i32
          %dma_start3A_292 = tpu.memref_slice %arg5[%sub3A_285, %dma_start3A_291] : memref<45x120xi32, #tpu.memory_space<vmem>> -> memref<1x120xi32, #tpu.memory_space<vmem>>
          %dma_start3A_293 = tpu.memref_squeeze %dma_start3A_292 : memref<1x120xi32, #tpu.memory_space<vmem>> -> memref<120xi32, #tpu.memory_space<vmem>>
          %dma_start3A_294 = arith.constant 0 : i32
          %dma_start3A_295 = arith.constant 0 : i32
          %dma_start3A_296 = tpu.memref_slice %arg2[%dma_start3A_294, %dma_start3A_295] : memref<100000x128xf32, #tpu.memory_space<hbm>> -> memref<100000x128xf32, #tpu.memory_space<hbm>>
          tpu.enqueue_indirect_dma source(%dma_start3A_296 : memref<100000x128xf32, #tpu.memory_space<hbm>>) target(%dma_start3A_290 : memref<120x128xf32, #tpu.memory_space<vmem>>) offsets(%dma_start3A_293 : memref<120xi32, #tpu.memory_space<vmem>>) semaphore(%arg11 : memref<!tpu.dma_semaphore, #tpu.memory_space<semaphore_mem>>)
        } else {
        }
      } else {
      }
      %mul3A_114 = arith.constant 5 : i32
      %mul3A_115 = arith.muli %scan3A_79, %mul3A_114 : i32
      %add3A_116 = arith.constant 1 : i32
      %add3A_117 = arith.addi %mul3A_115, %add3A_116 : i32
      %dma_wait3A_118 = arith.constant 0 : i32
      %dma_wait3A_119 = arith.constant 1 : i32
      %dma_wait3A_120 = arith.constant 0 : i32
      %dma_wait3A_121 = arith.constant 0 : i32
      %dma_wait3A_122 = tpu.memref_slice %arg6[%dma_wait3A_119, %dma_wait3A_120, %dma_wait3A_121] : memref<5x120x128xf32, #tpu.memory_space<vmem>> -> memref<1x120x128xf32, #tpu.memory_space<vmem>>
      %dma_wait3A_123 = tpu.memref_squeeze %dma_wait3A_122 : memref<1x120x128xf32, #tpu.memory_space<vmem>> -> memref<120x128xf32, #tpu.memory_space<vmem>>
      %dma_wait3A_124 = arith.constant 0 : i32
      %dma_wait3A_125 = tpu.memref_slice %arg5[%dma_wait3A_118, %dma_wait3A_124] : memref<45x120xi32, #tpu.memory_space<vmem>> -> memref<1x120xi32, #tpu.memory_space<vmem>>
      %dma_wait3A_126 = tpu.memref_squeeze %dma_wait3A_125 : memref<1x120xi32, #tpu.memory_space<vmem>> -> memref<120xi32, #tpu.memory_space<vmem>>
      %dma_wait3A_127 = arith.constant 0 : i32
      %dma_wait3A_128 = arith.constant 0 : i32
      %dma_wait3A_129 = tpu.memref_slice %arg2[%dma_wait3A_127, %dma_wait3A_128] : memref<100000x128xf32, #tpu.memory_space<hbm>> -> memref<100000x128xf32, #tpu.memory_space<hbm>>
      tpu.wait_indirect_dma semaphore(%arg8 : memref<!tpu.dma_semaphore, #tpu.memory_space<semaphore_mem>>) src(%dma_wait3A_129 : memref<100000x128xf32, #tpu.memory_space<hbm>>) dst(%dma_wait3A_123 : memref<120x128xf32, #tpu.memory_space<vmem>>)
      %mul3A_130 = arith.constant 120 : i32
      %mul3A_131 = arith.muli %add3A_117, %mul3A_130 : i32
      %add3A_132 = arith.addi %mul3A_2, %mul3A_131 : i32
      %dma_start3A_133 = arith.constant 1 : i32
      %dma_start3A_134 = arith.constant 0 : i32
      %dma_start3A_135 = arith.constant 0 : i32
      %dma_start3A_136 = tpu.memref_slice %arg6[%dma_start3A_133, %dma_start3A_134, %dma_start3A_135] : memref<5x120x128xf32, #tpu.memory_space<vmem>> -> memref<1x120x128xf32, #tpu.memory_space<vmem>>
      %dma_start3A_137 = tpu.memref_squeeze %dma_start3A_136 : memref<1x120x128xf32, #tpu.memory_space<vmem>> -> memref<120x128xf32, #tpu.memory_space<vmem>>
      %dma_start3A_138 = arith.constant 0 : i32
      %dma_start3A_139 = tpu.memref_slice %arg4[%add3A_132, %dma_start3A_138] : memref<172800x128xf32, #tpu.memory_space<hbm>> -> memref<120x128xf32, #tpu.memory_space<hbm>>
      %dma_start3A_140 = arith.constant 0 : i32
      %dma_start3A_141 = tpu.memref_slice %arg4[%add3A_132, %dma_start3A_140] : memref<172800x128xf32, #tpu.memory_space<hbm>> -> memref<120x128xf32, #tpu.memory_space<hbm>>
      %dma_start3A_142 = arith.constant 0 : i32
      %dma_start3A_143 = arith.constant 0 : i32
      %dma_start3A_144 = tpu.memref_slice %arg6[%dma_start3A_133, %dma_start3A_142, %dma_start3A_143] : memref<5x120x128xf32, #tpu.memory_space<vmem>> -> memref<1x120x128xf32, #tpu.memory_space<vmem>>
      %dma_start3A_145 = tpu.memref_squeeze %dma_start3A_144 : memref<1x120x128xf32, #tpu.memory_space<vmem>> -> memref<120x128xf32, #tpu.memory_space<vmem>>
      tpu.enqueue_dma source(%dma_start3A_145 : memref<120x128xf32, #tpu.memory_space<vmem>>) target(%dma_start3A_141 : memref<120x128xf32, #tpu.memory_space<hbm>>) target_semaphore(%arg13 : memref<!tpu.dma_semaphore, #tpu.memory_space<semaphore_mem>>)
      %ge3A_146 = arith.constant 1 : i32
      %ge3A_147 = arith.cmpi sge, %add3A_117, %ge3A_146 : i32
      %convert_element_type3A_148 = arith.extui %ge3A_147 : i1 to i32
      %cond3A_149 = arith.constant 0 : i32
      %cond3A_150 = arith.cmpi ne, %convert_element_type3A_148, %cond3A_149 : i32
      scf.if %cond3A_150 {
        %dma_wait3A_262 = arith.constant 0 : i32
        %dma_wait3A_263 = arith.constant 0 : i32
        %dma_wait3A_264 = arith.constant 0 : i32
        %dma_wait3A_265 = tpu.memref_slice %arg6[%dma_wait3A_262, %dma_wait3A_263, %dma_wait3A_264] : memref<5x120x128xf32, #tpu.memory_space<vmem>> -> memref<1x120x128xf32, #tpu.memory_space<vmem>>
        %dma_wait3A_266 = tpu.memref_squeeze %dma_wait3A_265 : memref<1x120x128xf32, #tpu.memory_space<vmem>> -> memref<120x128xf32, #tpu.memory_space<vmem>>
        %dma_wait3A_267 = arith.constant 0 : i32
        %dma_wait3A_268 = tpu.memref_slice %arg4[%mul3A_2, %dma_wait3A_267] : memref<172800x128xf32, #tpu.memory_space<hbm>> -> memref<120x128xf32, #tpu.memory_space<hbm>>
        %dma_wait3A_269 = arith.constant 0 : i32
        %dma_wait3A_270 = tpu.memref_slice %arg4[%mul3A_2, %dma_wait3A_269] : memref<172800x128xf32, #tpu.memory_space<hbm>> -> memref<120x128xf32, #tpu.memory_space<hbm>>
        %dma_wait3A_271 = arith.constant 0 : i32
        %dma_wait3A_272 = arith.constant 0 : i32
        %dma_wait3A_273 = tpu.memref_slice %arg6[%dma_wait3A_262, %dma_wait3A_271, %dma_wait3A_272] : memref<5x120x128xf32, #tpu.memory_space<vmem>> -> memref<1x120x128xf32, #tpu.memory_space<vmem>>
        %dma_wait3A_274 = tpu.memref_squeeze %dma_wait3A_273 : memref<1x120x128xf32, #tpu.memory_space<vmem>> -> memref<120x128xf32, #tpu.memory_space<vmem>>
        tpu.wait_dma2 semaphore(%arg12 : memref<!tpu.dma_semaphore, #tpu.memory_space<semaphore_mem>>) src(%dma_wait3A_274 : memref<120x128xf32, #tpu.memory_space<vmem>>) dst(%dma_wait3A_270 : memref<120x128xf32, #tpu.memory_space<hbm>>)
        %add3A_275 = arith.constant 5 : i32
        %add3A_276 = arith.addi %add3A_117, %add3A_275 : i32
        %sub3A = arith.constant 1 : i32
        %sub3A_277 = arith.subi %add3A_276, %sub3A : i32
        %lt3A = arith.constant 45 : i32
        %lt3A_278 = arith.cmpi slt, %sub3A_277, %lt3A : i32
        %convert_element_type3A_279 = arith.extui %lt3A_278 : i1 to i32
        %cond3A_280 = arith.constant 0 : i32
        %cond3A_281 = arith.cmpi ne, %convert_element_type3A_279, %cond3A_280 : i32
        scf.if %cond3A_281 {
          %add3A_282 = arith.constant 5 : i32
          %add3A_283 = arith.addi %add3A_117, %add3A_282 : i32
          %sub3A_284 = arith.constant 1 : i32
          %sub3A_285 = arith.subi %add3A_283, %sub3A_284 : i32
          %dma_start3A_286 = arith.constant 0 : i32
          %dma_start3A_287 = arith.constant 0 : i32
          %dma_start3A_288 = arith.constant 0 : i32
          %dma_start3A_289 = tpu.memref_slice %arg6[%dma_start3A_286, %dma_start3A_287, %dma_start3A_288] : memref<5x120x128xf32, #tpu.memory_space<vmem>> -> memref<1x120x128xf32, #tpu.memory_space<vmem>>
          %dma_start3A_290 = tpu.memref_squeeze %dma_start3A_289 : memref<1x120x128xf32, #tpu.memory_space<vmem>> -> memref<120x128xf32, #tpu.memory_space<vmem>>
          %dma_start3A_291 = arith.constant 0 : i32
          %dma_start3A_292 = tpu.memref_slice %arg5[%sub3A_285, %dma_start3A_291] : memref<45x120xi32, #tpu.memory_space<vmem>> -> memref<1x120xi32, #tpu.memory_space<vmem>>
          %dma_start3A_293 = tpu.memref_squeeze %dma_start3A_292 : memref<1x120xi32, #tpu.memory_space<vmem>> -> memref<120xi32, #tpu.memory_space<vmem>>
          %dma_start3A_294 = arith.constant 0 : i32
          %dma_start3A_295 = arith.constant 0 : i32
          %dma_start3A_296 = tpu.memref_slice %arg2[%dma_start3A_294, %dma_start3A_295] : memref<100000x128xf32, #tpu.memory_space<hbm>> -> memref<100000x128xf32, #tpu.memory_space<hbm>>
          tpu.enqueue_indirect_dma source(%dma_start3A_296 : memref<100000x128xf32, #tpu.memory_space<hbm>>) target(%dma_start3A_290 : memref<120x128xf32, #tpu.memory_space<vmem>>) offsets(%dma_start3A_293 : memref<120xi32, #tpu.memory_space<vmem>>) semaphore(%arg7 : memref<!tpu.dma_semaphore, #tpu.memory_space<semaphore_mem>>)
        } else {
        }
      } else {
      }
      %mul3A_151 = arith.constant 5 : i32
      %mul3A_152 = arith.muli %scan3A_79, %mul3A_151 : i32
      %add3A_153 = arith.constant 2 : i32
      %add3A_154 = arith.addi %mul3A_152, %add3A_153 : i32
      %dma_wait3A_155 = arith.constant 0 : i32
      %dma_wait3A_156 = arith.constant 2 : i32
      %dma_wait3A_157 = arith.constant 0 : i32
      %dma_wait3A_158 = arith.constant 0 : i32
      %dma_wait3A_159 = tpu.memref_slice %arg6[%dma_wait3A_156, %dma_wait3A_157, %dma_wait3A_158] : memref<5x120x128xf32, #tpu.memory_space<vmem>> -> memref<1x120x128xf32, #tpu.memory_space<vmem>>
      %dma_wait3A_160 = tpu.memref_squeeze %dma_wait3A_159 : memref<1x120x128xf32, #tpu.memory_space<vmem>> -> memref<120x128xf32, #tpu.memory_space<vmem>>
      %dma_wait3A_161 = arith.constant 0 : i32
      %dma_wait3A_162 = tpu.memref_slice %arg5[%dma_wait3A_155, %dma_wait3A_161] : memref<45x120xi32, #tpu.memory_space<vmem>> -> memref<1x120xi32, #tpu.memory_space<vmem>>
      %dma_wait3A_163 = tpu.memref_squeeze %dma_wait3A_162 : memref<1x120xi32, #tpu.memory_space<vmem>> -> memref<120xi32, #tpu.memory_space<vmem>>
      %dma_wait3A_164 = arith.constant 0 : i32
      %dma_wait3A_165 = arith.constant 0 : i32
      %dma_wait3A_166 = tpu.memref_slice %arg2[%dma_wait3A_164, %dma_wait3A_165] : memref<100000x128xf32, #tpu.memory_space<hbm>> -> memref<100000x128xf32, #tpu.memory_space<hbm>>
      tpu.wait_indirect_dma semaphore(%arg9 : memref<!tpu.dma_semaphore, #tpu.memory_space<semaphore_mem>>) src(%dma_wait3A_166 : memref<100000x128xf32, #tpu.memory_space<hbm>>) dst(%dma_wait3A_160 : memref<120x128xf32, #tpu.memory_space<vmem>>)
      %mul3A_167 = arith.constant 120 : i32
      %mul3A_168 = arith.muli %add3A_154, %mul3A_167 : i32
      %add3A_169 = arith.addi %mul3A_2, %mul3A_168 : i32
      %dma_start3A_170 = arith.constant 2 : i32
      %dma_start3A_171 = arith.constant 0 : i32
      %dma_start3A_172 = arith.constant 0 : i32
      %dma_start3A_173 = tpu.memref_slice %arg6[%dma_start3A_170, %dma_start3A_171, %dma_start3A_172] : memref<5x120x128xf32, #tpu.memory_space<vmem>> -> memref<1x120x128xf32, #tpu.memory_space<vmem>>
      %dma_start3A_174 = tpu.memref_squeeze %dma_start3A_173 : memref<1x120x128xf32, #tpu.memory_space<vmem>> -> memref<120x128xf32, #tpu.memory_space<vmem>>
      %dma_start3A_175 = arith.constant 0 : i32
      %dma_start3A_176 = tpu.memref_slice %arg4[%add3A_169, %dma_start3A_175] : memref<172800x128xf32, #tpu.memory_space<hbm>> -> memref<120x128xf32, #tpu.memory_space<hbm>>
      %dma_start3A_177 = arith.constant 0 : i32
      %dma_start3A_178 = tpu.memref_slice %arg4[%add3A_169, %dma_start3A_177] : memref<172800x128xf32, #tpu.memory_space<hbm>> -> memref<120x128xf32, #tpu.memory_space<hbm>>
      %dma_start3A_179 = arith.constant 0 : i32
      %dma_start3A_180 = arith.constant 0 : i32
      %dma_start3A_181 = tpu.memref_slice %arg6[%dma_start3A_170, %dma_start3A_179, %dma_start3A_180] : memref<5x120x128xf32, #tpu.memory_space<vmem>> -> memref<1x120x128xf32, #tpu.memory_space<vmem>>
      %dma_start3A_182 = tpu.memref_squeeze %dma_start3A_181 : memref<1x120x128xf32, #tpu.memory_space<vmem>> -> memref<120x128xf32, #tpu.memory_space<vmem>>
      tpu.enqueue_dma source(%dma_start3A_182 : memref<120x128xf32, #tpu.memory_space<vmem>>) target(%dma_start3A_178 : memref<120x128xf32, #tpu.memory_space<hbm>>) target_semaphore(%arg14 : memref<!tpu.dma_semaphore, #tpu.memory_space<semaphore_mem>>)
      %ge3A_183 = arith.constant 1 : i32
      %ge3A_184 = arith.cmpi sge, %add3A_154, %ge3A_183 : i32
      %convert_element_type3A_185 = arith.extui %ge3A_184 : i1 to i32
      %cond3A_186 = arith.constant 0 : i32
      %cond3A_187 = arith.cmpi ne, %convert_element_type3A_185, %cond3A_186 : i32
      scf.if %cond3A_187 {
        %dma_wait3A_262 = arith.constant 1 : i32
        %dma_wait3A_263 = arith.constant 0 : i32
        %dma_wait3A_264 = arith.constant 0 : i32
        %dma_wait3A_265 = tpu.memref_slice %arg6[%dma_wait3A_262, %dma_wait3A_263, %dma_wait3A_264] : memref<5x120x128xf32, #tpu.memory_space<vmem>> -> memref<1x120x128xf32, #tpu.memory_space<vmem>>
        %dma_wait3A_266 = tpu.memref_squeeze %dma_wait3A_265 : memref<1x120x128xf32, #tpu.memory_space<vmem>> -> memref<120x128xf32, #tpu.memory_space<vmem>>
        %dma_wait3A_267 = arith.constant 0 : i32
        %dma_wait3A_268 = tpu.memref_slice %arg4[%mul3A_2, %dma_wait3A_267] : memref<172800x128xf32, #tpu.memory_space<hbm>> -> memref<120x128xf32, #tpu.memory_space<hbm>>
        %dma_wait3A_269 = arith.constant 0 : i32
        %dma_wait3A_270 = tpu.memref_slice %arg4[%mul3A_2, %dma_wait3A_269] : memref<172800x128xf32, #tpu.memory_space<hbm>> -> memref<120x128xf32, #tpu.memory_space<hbm>>
        %dma_wait3A_271 = arith.constant 0 : i32
        %dma_wait3A_272 = arith.constant 0 : i32
        %dma_wait3A_273 = tpu.memref_slice %arg6[%dma_wait3A_262, %dma_wait3A_271, %dma_wait3A_272] : memref<5x120x128xf32, #tpu.memory_space<vmem>> -> memref<1x120x128xf32, #tpu.memory_space<vmem>>
        %dma_wait3A_274 = tpu.memref_squeeze %dma_wait3A_273 : memref<1x120x128xf32, #tpu.memory_space<vmem>> -> memref<120x128xf32, #tpu.memory_space<vmem>>
        tpu.wait_dma2 semaphore(%arg13 : memref<!tpu.dma_semaphore, #tpu.memory_space<semaphore_mem>>) src(%dma_wait3A_274 : memref<120x128xf32, #tpu.memory_space<vmem>>) dst(%dma_wait3A_270 : memref<120x128xf32, #tpu.memory_space<hbm>>)
        %add3A_275 = arith.constant 5 : i32
        %add3A_276 = arith.addi %add3A_154, %add3A_275 : i32
        %sub3A = arith.constant 1 : i32
        %sub3A_277 = arith.subi %add3A_276, %sub3A : i32
        %lt3A = arith.constant 45 : i32
        %lt3A_278 = arith.cmpi slt, %sub3A_277, %lt3A : i32
        %convert_element_type3A_279 = arith.extui %lt3A_278 : i1 to i32
        %cond3A_280 = arith.constant 0 : i32
        %cond3A_281 = arith.cmpi ne, %convert_element_type3A_279, %cond3A_280 : i32
        scf.if %cond3A_281 {
          %add3A_282 = arith.constant 5 : i32
          %add3A_283 = arith.addi %add3A_154, %add3A_282 : i32
          %sub3A_284 = arith.constant 1 : i32
          %sub3A_285 = arith.subi %add3A_283, %sub3A_284 : i32
          %dma_start3A_286 = arith.constant 1 : i32
          %dma_start3A_287 = arith.constant 0 : i32
          %dma_start3A_288 = arith.constant 0 : i32
          %dma_start3A_289 = tpu.memref_slice %arg6[%dma_start3A_286, %dma_start3A_287, %dma_start3A_288] : memref<5x120x128xf32, #tpu.memory_space<vmem>> -> memref<1x120x128xf32, #tpu.memory_space<vmem>>
          %dma_start3A_290 = tpu.memref_squeeze %dma_start3A_289 : memref<1x120x128xf32, #tpu.memory_space<vmem>> -> memref<120x128xf32, #tpu.memory_space<vmem>>
          %dma_start3A_291 = arith.constant 0 : i32
          %dma_start3A_292 = tpu.memref_slice %arg5[%sub3A_285, %dma_start3A_291] : memref<45x120xi32, #tpu.memory_space<vmem>> -> memref<1x120xi32, #tpu.memory_space<vmem>>
          %dma_start3A_293 = tpu.memref_squeeze %dma_start3A_292 : memref<1x120xi32, #tpu.memory_space<vmem>> -> memref<120xi32, #tpu.memory_space<vmem>>
          %dma_start3A_294 = arith.constant 0 : i32
          %dma_start3A_295 = arith.constant 0 : i32
          %dma_start3A_296 = tpu.memref_slice %arg2[%dma_start3A_294, %dma_start3A_295] : memref<100000x128xf32, #tpu.memory_space<hbm>> -> memref<100000x128xf32, #tpu.memory_space<hbm>>
          tpu.enqueue_indirect_dma source(%dma_start3A_296 : memref<100000x128xf32, #tpu.memory_space<hbm>>) target(%dma_start3A_290 : memref<120x128xf32, #tpu.memory_space<vmem>>) offsets(%dma_start3A_293 : memref<120xi32, #tpu.memory_space<vmem>>) semaphore(%arg8 : memref<!tpu.dma_semaphore, #tpu.memory_space<semaphore_mem>>)
        } else {
        }
      } else {
      }
      %mul3A_188 = arith.constant 5 : i32
      %mul3A_189 = arith.muli %scan3A_79, %mul3A_188 : i32
      %add3A_190 = arith.constant 3 : i32
      %add3A_191 = arith.addi %mul3A_189, %add3A_190 : i32
      %dma_wait3A_192 = arith.constant 0 : i32
      %dma_wait3A_193 = arith.constant 3 : i32
      %dma_wait3A_194 = arith.constant 0 : i32
      %dma_wait3A_195 = arith.constant 0 : i32
      %dma_wait3A_196 = tpu.memref_slice %arg6[%dma_wait3A_193, %dma_wait3A_194, %dma_wait3A_195] : memref<5x120x128xf32, #tpu.memory_space<vmem>> -> memref<1x120x128xf32, #tpu.memory_space<vmem>>
      %dma_wait3A_197 = tpu.memref_squeeze %dma_wait3A_196 : memref<1x120x128xf32, #tpu.memory_space<vmem>> -> memref<120x128xf32, #tpu.memory_space<vmem>>
      %dma_wait3A_198 = arith.constant 0 : i32
      %dma_wait3A_199 = tpu.memref_slice %arg5[%dma_wait3A_192, %dma_wait3A_198] : memref<45x120xi32, #tpu.memory_space<vmem>> -> memref<1x120xi32, #tpu.memory_space<vmem>>
      %dma_wait3A_200 = tpu.memref_squeeze %dma_wait3A_199 : memref<1x120xi32, #tpu.memory_space<vmem>> -> memref<120xi32, #tpu.memory_space<vmem>>
      %dma_wait3A_201 = arith.constant 0 : i32
      %dma_wait3A_202 = arith.constant 0 : i32
      %dma_wait3A_203 = tpu.memref_slice %arg2[%dma_wait3A_201, %dma_wait3A_202] : memref<100000x128xf32, #tpu.memory_space<hbm>> -> memref<100000x128xf32, #tpu.memory_space<hbm>>
      tpu.wait_indirect_dma semaphore(%arg10 : memref<!tpu.dma_semaphore, #tpu.memory_space<semaphore_mem>>) src(%dma_wait3A_203 : memref<100000x128xf32, #tpu.memory_space<hbm>>) dst(%dma_wait3A_197 : memref<120x128xf32, #tpu.memory_space<vmem>>)
      %mul3A_204 = arith.constant 120 : i32
      %mul3A_205 = arith.muli %add3A_191, %mul3A_204 : i32
      %add3A_206 = arith.addi %mul3A_2, %mul3A_205 : i32
      %dma_start3A_207 = arith.constant 3 : i32
      %dma_start3A_208 = arith.constant 0 : i32
      %dma_start3A_209 = arith.constant 0 : i32
      %dma_start3A_210 = tpu.memref_slice %arg6[%dma_start3A_207, %dma_start3A_208, %dma_start3A_209] : memref<5x120x128xf32, #tpu.memory_space<vmem>> -> memref<1x120x128xf32, #tpu.memory_space<vmem>>
      %dma_start3A_211 = tpu.memref_squeeze %dma_start3A_210 : memref<1x120x128xf32, #tpu.memory_space<vmem>> -> memref<120x128xf32, #tpu.memory_space<vmem>>
      %dma_start3A_212 = arith.constant 0 : i32
      %dma_start3A_213 = tpu.memref_slice %arg4[%add3A_206, %dma_start3A_212] : memref<172800x128xf32, #tpu.memory_space<hbm>> -> memref<120x128xf32, #tpu.memory_space<hbm>>
      %dma_start3A_214 = arith.constant 0 : i32
      %dma_start3A_215 = tpu.memref_slice %arg4[%add3A_206, %dma_start3A_214] : memref<172800x128xf32, #tpu.memory_space<hbm>> -> memref<120x128xf32, #tpu.memory_space<hbm>>
      %dma_start3A_216 = arith.constant 0 : i32
      %dma_start3A_217 = arith.constant 0 : i32
      %dma_start3A_218 = tpu.memref_slice %arg6[%dma_start3A_207, %dma_start3A_216, %dma_start3A_217] : memref<5x120x128xf32, #tpu.memory_space<vmem>> -> memref<1x120x128xf32, #tpu.memory_space<vmem>>
      %dma_start3A_219 = tpu.memref_squeeze %dma_start3A_218 : memref<1x120x128xf32, #tpu.memory_space<vmem>> -> memref<120x128xf32, #tpu.memory_space<vmem>>
      tpu.enqueue_dma source(%dma_start3A_219 : memref<120x128xf32, #tpu.memory_space<vmem>>) target(%dma_start3A_215 : memref<120x128xf32, #tpu.memory_space<hbm>>) target_semaphore(%arg15 : memref<!tpu.dma_semaphore, #tpu.memory_space<semaphore_mem>>)
      %ge3A_220 = arith.constant 1 : i32
      %ge3A_221 = arith.cmpi sge, %add3A_191, %ge3A_220 : i32
      %convert_element_type3A_222 = arith.extui %ge3A_221 : i1 to i32
      %cond3A_223 = arith.constant 0 : i32
      %cond3A_224 = arith.cmpi ne, %convert_element_type3A_222, %cond3A_223 : i32
      scf.if %cond3A_224 {
        %dma_wait3A_262 = arith.constant 2 : i32
        %dma_wait3A_263 = arith.constant 0 : i32
        %dma_wait3A_264 = arith.constant 0 : i32
        %dma_wait3A_265 = tpu.memref_slice %arg6[%dma_wait3A_262, %dma_wait3A_263, %dma_wait3A_264] : memref<5x120x128xf32, #tpu.memory_space<vmem>> -> memref<1x120x128xf32, #tpu.memory_space<vmem>>
        %dma_wait3A_266 = tpu.memref_squeeze %dma_wait3A_265 : memref<1x120x128xf32, #tpu.memory_space<vmem>> -> memref<120x128xf32, #tpu.memory_space<vmem>>
        %dma_wait3A_267 = arith.constant 0 : i32
        %dma_wait3A_268 = tpu.memref_slice %arg4[%mul3A_2, %dma_wait3A_267] : memref<172800x128xf32, #tpu.memory_space<hbm>> -> memref<120x128xf32, #tpu.memory_space<hbm>>
        %dma_wait3A_269 = arith.constant 0 : i32
        %dma_wait3A_270 = tpu.memref_slice %arg4[%mul3A_2, %dma_wait3A_269] : memref<172800x128xf32, #tpu.memory_space<hbm>> -> memref<120x128xf32, #tpu.memory_space<hbm>>
        %dma_wait3A_271 = arith.constant 0 : i32
        %dma_wait3A_272 = arith.constant 0 : i32
        %dma_wait3A_273 = tpu.memref_slice %arg6[%dma_wait3A_262, %dma_wait3A_271, %dma_wait3A_272] : memref<5x120x128xf32, #tpu.memory_space<vmem>> -> memref<1x120x128xf32, #tpu.memory_space<vmem>>
        %dma_wait3A_274 = tpu.memref_squeeze %dma_wait3A_273 : memref<1x120x128xf32, #tpu.memory_space<vmem>> -> memref<120x128xf32, #tpu.memory_space<vmem>>
        tpu.wait_dma2 semaphore(%arg14 : memref<!tpu.dma_semaphore, #tpu.memory_space<semaphore_mem>>) src(%dma_wait3A_274 : memref<120x128xf32, #tpu.memory_space<vmem>>) dst(%dma_wait3A_270 : memref<120x128xf32, #tpu.memory_space<hbm>>)
        %add3A_275 = arith.constant 5 : i32
        %add3A_276 = arith.addi %add3A_191, %add3A_275 : i32
        %sub3A = arith.constant 1 : i32
        %sub3A_277 = arith.subi %add3A_276, %sub3A : i32
        %lt3A = arith.constant 45 : i32
        %lt3A_278 = arith.cmpi slt, %sub3A_277, %lt3A : i32
        %convert_element_type3A_279 = arith.extui %lt3A_278 : i1 to i32
        %cond3A_280 = arith.constant 0 : i32
        %cond3A_281 = arith.cmpi ne, %convert_element_type3A_279, %cond3A_280 : i32
        scf.if %cond3A_281 {
          %add3A_282 = arith.constant 5 : i32
          %add3A_283 = arith.addi %add3A_191, %add3A_282 : i32
          %sub3A_284 = arith.constant 1 : i32
          %sub3A_285 = arith.subi %add3A_283, %sub3A_284 : i32
          %dma_start3A_286 = arith.constant 2 : i32
          %dma_start3A_287 = arith.constant 0 : i32
          %dma_start3A_288 = arith.constant 0 : i32
          %dma_start3A_289 = tpu.memref_slice %arg6[%dma_start3A_286, %dma_start3A_287, %dma_start3A_288] : memref<5x120x128xf32, #tpu.memory_space<vmem>> -> memref<1x120x128xf32, #tpu.memory_space<vmem>>
          %dma_start3A_290 = tpu.memref_squeeze %dma_start3A_289 : memref<1x120x128xf32, #tpu.memory_space<vmem>> -> memref<120x128xf32, #tpu.memory_space<vmem>>
          %dma_start3A_291 = arith.constant 0 : i32
          %dma_start3A_292 = tpu.memref_slice %arg5[%sub3A_285, %dma_start3A_291] : memref<45x120xi32, #tpu.memory_space<vmem>> -> memref<1x120xi32, #tpu.memory_space<vmem>>
          %dma_start3A_293 = tpu.memref_squeeze %dma_start3A_292 : memref<1x120xi32, #tpu.memory_space<vmem>> -> memref<120xi32, #tpu.memory_space<vmem>>
          %dma_start3A_294 = arith.constant 0 : i32
          %dma_start3A_295 = arith.constant 0 : i32
          %dma_start3A_296 = tpu.memref_slice %arg2[%dma_start3A_294, %dma_start3A_295] : memref<100000x128xf32, #tpu.memory_space<hbm>> -> memref<100000x128xf32, #tpu.memory_space<hbm>>
          tpu.enqueue_indirect_dma source(%dma_start3A_296 : memref<100000x128xf32, #tpu.memory_space<hbm>>) target(%dma_start3A_290 : memref<120x128xf32, #tpu.memory_space<vmem>>) offsets(%dma_start3A_293 : memref<120xi32, #tpu.memory_space<vmem>>) semaphore(%arg9 : memref<!tpu.dma_semaphore, #tpu.memory_space<semaphore_mem>>)
        } else {
        }
      } else {
      }
      %mul3A_225 = arith.constant 5 : i32
      %mul3A_226 = arith.muli %scan3A_79, %mul3A_225 : i32
      %add3A_227 = arith.constant 4 : i32
      %add3A_228 = arith.addi %mul3A_226, %add3A_227 : i32
      %dma_wait3A_229 = arith.constant 0 : i32
      %dma_wait3A_230 = arith.constant 4 : i32
      %dma_wait3A_231 = arith.constant 0 : i32
      %dma_wait3A_232 = arith.constant 0 : i32
      %dma_wait3A_233 = tpu.memref_slice %arg6[%dma_wait3A_230, %dma_wait3A_231, %dma_wait3A_232] : memref<5x120x128xf32, #tpu.memory_space<vmem>> -> memref<1x120x128xf32, #tpu.memory_space<vmem>>
      %dma_wait3A_234 = tpu.memref_squeeze %dma_wait3A_233 : memref<1x120x128xf32, #tpu.memory_space<vmem>> -> memref<120x128xf32, #tpu.memory_space<vmem>>
      %dma_wait3A_235 = arith.constant 0 : i32
      %dma_wait3A_236 = tpu.memref_slice %arg5[%dma_wait3A_229, %dma_wait3A_235] : memref<45x120xi32, #tpu.memory_space<vmem>> -> memref<1x120xi32, #tpu.memory_space<vmem>>
      %dma_wait3A_237 = tpu.memref_squeeze %dma_wait3A_236 : memref<1x120xi32, #tpu.memory_space<vmem>> -> memref<120xi32, #tpu.memory_space<vmem>>
      %dma_wait3A_238 = arith.constant 0 : i32
      %dma_wait3A_239 = arith.constant 0 : i32
      %dma_wait3A_240 = tpu.memref_slice %arg2[%dma_wait3A_238, %dma_wait3A_239] : memref<100000x128xf32, #tpu.memory_space<hbm>> -> memref<100000x128xf32, #tpu.memory_space<hbm>>
      tpu.wait_indirect_dma semaphore(%arg11 : memref<!tpu.dma_semaphore, #tpu.memory_space<semaphore_mem>>) src(%dma_wait3A_240 : memref<100000x128xf32, #tpu.memory_space<hbm>>) dst(%dma_wait3A_234 : memref<120x128xf32, #tpu.memory_space<vmem>>)
      %mul3A_241 = arith.constant 120 : i32
      %mul3A_242 = arith.muli %add3A_228, %mul3A_241 : i32
      %add3A_243 = arith.addi %mul3A_2, %mul3A_242 : i32
      %dma_start3A_244 = arith.constant 4 : i32
      %dma_start3A_245 = arith.constant 0 : i32
      %dma_start3A_246 = arith.constant 0 : i32
      %dma_start3A_247 = tpu.memref_slice %arg6[%dma_start3A_244, %dma_start3A_245, %dma_start3A_246] : memref<5x120x128xf32, #tpu.memory_space<vmem>> -> memref<1x120x128xf32, #tpu.memory_space<vmem>>
      %dma_start3A_248 = tpu.memref_squeeze %dma_start3A_247 : memref<1x120x128xf32, #tpu.memory_space<vmem>> -> memref<120x128xf32, #tpu.memory_space<vmem>>
      %dma_start3A_249 = arith.constant 0 : i32
      %dma_start3A_250 = tpu.memref_slice %arg4[%add3A_243, %dma_start3A_249] : memref<172800x128xf32, #tpu.memory_space<hbm>> -> memref<120x128xf32, #tpu.memory_space<hbm>>
      %dma_start3A_251 = arith.constant 0 : i32
      %dma_start3A_252 = tpu.memref_slice %arg4[%add3A_243, %dma_start3A_251] : memref<172800x128xf32, #tpu.memory_space<hbm>> -> memref<120x128xf32, #tpu.memory_space<hbm>>
      %dma_start3A_253 = arith.constant 0 : i32
      %dma_start3A_254 = arith.constant 0 : i32
      %dma_start3A_255 = tpu.memref_slice %arg6[%dma_start3A_244, %dma_start3A_253, %dma_start3A_254] : memref<5x120x128xf32, #tpu.memory_space<vmem>> -> memref<1x120x128xf32, #tpu.memory_space<vmem>>
      %dma_start3A_256 = tpu.memref_squeeze %dma_start3A_255 : memref<1x120x128xf32, #tpu.memory_space<vmem>> -> memref<120x128xf32, #tpu.memory_space<vmem>>
      tpu.enqueue_dma source(%dma_start3A_256 : memref<120x128xf32, #tpu.memory_space<vmem>>) target(%dma_start3A_252 : memref<120x128xf32, #tpu.memory_space<hbm>>) target_semaphore(%arg16 : memref<!tpu.dma_semaphore, #tpu.memory_space<semaphore_mem>>)
      %ge3A_257 = arith.constant 1 : i32
      %ge3A_258 = arith.cmpi sge, %add3A_228, %ge3A_257 : i32
      %convert_element_type3A_259 = arith.extui %ge3A_258 : i1 to i32
      %cond3A_260 = arith.constant 0 : i32
      %cond3A_261 = arith.cmpi ne, %convert_element_type3A_259, %cond3A_260 : i32
      scf.if %cond3A_261 {
        %dma_wait3A_262 = arith.constant 3 : i32
        %dma_wait3A_263 = arith.constant 0 : i32
        %dma_wait3A_264 = arith.constant 0 : i32
        %dma_wait3A_265 = tpu.memref_slice %arg6[%dma_wait3A_262, %dma_wait3A_263, %dma_wait3A_264] : memref<5x120x128xf32, #tpu.memory_space<vmem>> -> memref<1x120x128xf32, #tpu.memory_space<vmem>>
        %dma_wait3A_266 = tpu.memref_squeeze %dma_wait3A_265 : memref<1x120x128xf32, #tpu.memory_space<vmem>> -> memref<120x128xf32, #tpu.memory_space<vmem>>
        %dma_wait3A_267 = arith.constant 0 : i32
        %dma_wait3A_268 = tpu.memref_slice %arg4[%mul3A_2, %dma_wait3A_267] : memref<172800x128xf32, #tpu.memory_space<hbm>> -> memref<120x128xf32, #tpu.memory_space<hbm>>
        %dma_wait3A_269 = arith.constant 0 : i32
        %dma_wait3A_270 = tpu.memref_slice %arg4[%mul3A_2, %dma_wait3A_269] : memref<172800x128xf32, #tpu.memory_space<hbm>> -> memref<120x128xf32, #tpu.memory_space<hbm>>
        %dma_wait3A_271 = arith.constant 0 : i32
        %dma_wait3A_272 = arith.constant 0 : i32
        %dma_wait3A_273 = tpu.memref_slice %arg6[%dma_wait3A_262, %dma_wait3A_271, %dma_wait3A_272] : memref<5x120x128xf32, #tpu.memory_space<vmem>> -> memref<1x120x128xf32, #tpu.memory_space<vmem>>
        %dma_wait3A_274 = tpu.memref_squeeze %dma_wait3A_273 : memref<1x120x128xf32, #tpu.memory_space<vmem>> -> memref<120x128xf32, #tpu.memory_space<vmem>>
        tpu.wait_dma2 semaphore(%arg15 : memref<!tpu.dma_semaphore, #tpu.memory_space<semaphore_mem>>) src(%dma_wait3A_274 : memref<120x128xf32, #tpu.memory_space<vmem>>) dst(%dma_wait3A_270 : memref<120x128xf32, #tpu.memory_space<hbm>>)
        %add3A_275 = arith.constant 5 : i32
        %add3A_276 = arith.addi %add3A_228, %add3A_275 : i32
        %sub3A = arith.constant 1 : i32
        %sub3A_277 = arith.subi %add3A_276, %sub3A : i32
        %lt3A = arith.constant 45 : i32
        %lt3A_278 = arith.cmpi slt, %sub3A_277, %lt3A : i32
        %convert_element_type3A_279 = arith.extui %lt3A_278 : i1 to i32
        %cond3A_280 = arith.constant 0 : i32
        %cond3A_281 = arith.cmpi ne, %convert_element_type3A_279, %cond3A_280 : i32
        scf.if %cond3A_281 {
          %add3A_282 = arith.constant 5 : i32
          %add3A_283 = arith.addi %add3A_228, %add3A_282 : i32
          %sub3A_284 = arith.constant 1 : i32
          %sub3A_285 = arith.subi %add3A_283, %sub3A_284 : i32
          %dma_start3A_286 = arith.constant 3 : i32
          %dma_start3A_287 = arith.constant 0 : i32
          %dma_start3A_288 = arith.constant 0 : i32
          %dma_start3A_289 = tpu.memref_slice %arg6[%dma_start3A_286, %dma_start3A_287, %dma_start3A_288] : memref<5x120x128xf32, #tpu.memory_space<vmem>> -> memref<1x120x128xf32, #tpu.memory_space<vmem>>
          %dma_start3A_290 = tpu.memref_squeeze %dma_start3A_289 : memref<1x120x128xf32, #tpu.memory_space<vmem>> -> memref<120x128xf32, #tpu.memory_space<vmem>>
          %dma_start3A_291 = arith.constant 0 : i32
          %dma_start3A_292 = tpu.memref_slice %arg5[%sub3A_285, %dma_start3A_291] : memref<45x120xi32, #tpu.memory_space<vmem>> -> memref<1x120xi32, #tpu.memory_space<vmem>>
          %dma_start3A_293 = tpu.memref_squeeze %dma_start3A_292 : memref<1x120xi32, #tpu.memory_space<vmem>> -> memref<120xi32, #tpu.memory_space<vmem>>
          %dma_start3A_294 = arith.constant 0 : i32
          %dma_start3A_295 = arith.constant 0 : i32
          %dma_start3A_296 = tpu.memref_slice %arg2[%dma_start3A_294, %dma_start3A_295] : memref<100000x128xf32, #tpu.memory_space<hbm>> -> memref<100000x128xf32, #tpu.memory_space<hbm>>
          tpu.enqueue_indirect_dma source(%dma_start3A_296 : memref<100000x128xf32, #tpu.memory_space<hbm>>) target(%dma_start3A_290 : memref<120x128xf32, #tpu.memory_space<vmem>>) offsets(%dma_start3A_293 : memref<120xi32, #tpu.memory_space<vmem>>) semaphore(%arg10 : memref<!tpu.dma_semaphore, #tpu.memory_space<semaphore_mem>>)
        } else {
        }
      } else {
      }
    }
    %scan3A_66 = arith.constant 9 : i32
    %dma_wait3A = arith.constant 4 : i32
    %dma_wait3A_67 = arith.constant 0 : i32
    %dma_wait3A_68 = arith.constant 0 : i32
    %dma_wait3A_69 = tpu.memref_slice %arg6[%dma_wait3A, %dma_wait3A_67, %dma_wait3A_68] : memref<5x120x128xf32, #tpu.memory_space<vmem>> -> memref<1x120x128xf32, #tpu.memory_space<vmem>>
    %dma_wait3A_70 = tpu.memref_squeeze %dma_wait3A_69 : memref<1x120x128xf32, #tpu.memory_space<vmem>> -> memref<120x128xf32, #tpu.memory_space<vmem>>
    %dma_wait3A_71 = arith.constant 0 : i32
    %dma_wait3A_72 = tpu.memref_slice %arg4[%mul3A_2, %dma_wait3A_71] : memref<172800x128xf32, #tpu.memory_space<hbm>> -> memref<120x128xf32, #tpu.memory_space<hbm>>
    %dma_wait3A_73 = arith.constant 0 : i32
    %dma_wait3A_74 = tpu.memref_slice %arg4[%mul3A_2, %dma_wait3A_73] : memref<172800x128xf32, #tpu.memory_space<hbm>> -> memref<120x128xf32, #tpu.memory_space<hbm>>
    %dma_wait3A_75 = arith.constant 0 : i32
    %dma_wait3A_76 = arith.constant 0 : i32
    %dma_wait3A_77 = tpu.memref_slice %arg6[%dma_wait3A, %dma_wait3A_75, %dma_wait3A_76] : memref<5x120x128xf32, #tpu.memory_space<vmem>> -> memref<1x120x128xf32, #tpu.memory_space<vmem>>
    %dma_wait3A_78 = tpu.memref_squeeze %dma_wait3A_77 : memref<1x120x128xf32, #tpu.memory_space<vmem>> -> memref<120x128xf32, #tpu.memory_space<vmem>>
    tpu.wait_dma2 semaphore(%arg16 : memref<!tpu.dma_semaphore, #tpu.memory_space<semaphore_mem>>) src(%dma_wait3A_78 : memref<120x128xf32, #tpu.memory_space<vmem>>) dst(%dma_wait3A_74 : memref<120x128xf32, #tpu.memory_space<hbm>>)
    return
  }
}

module attributes {stable_mosaic.version = 14 : i64} {
  func.func @_tc_body(%arg0: i32, %arg1: memref<1200x128xf32, #tpu.memory_space<vmem>>, %arg2: memref<16x1200x128xf32, #tpu.memory_space<vmem>>, %arg3: memref<1200x16xf32, #tpu.memory_space<vmem>>, %arg4: memref<16x128x16xf32, #tpu.memory_space<vmem>>, %arg5: memref<64x128xf32, #tpu.memory_space<vmem>>, %arg6: memref<64x128xf32, #tpu.memory_space<vmem>>, %arg7: memref<128x128xf32, #tpu.memory_space<vmem>>, %arg8: memref<1x128xf32, #tpu.memory_space<vmem>>, %arg9: memref<1x1xf32, #tpu.memory_space<vmem>>, %arg10: memref<1x128xf32, #tpu.memory_space<vmem>>, %arg11: memref<1x128xf32, #tpu.memory_space<vmem>>, %arg12: memref<1200x128xf32, #tpu.memory_space<vmem>>) attributes {dimension_semantics = [#tpu.dimension_semantics<parallel>], iteration_bounds = array<i64: 8>, scalar_prefetch = 0 : i64, scratch_operands = 0 : i64, tpu.core_type = #tpu.core_type<tc>, window_params = [{transform_indices = @transform_0, window_bounds = array<i64: 1200, 128>}, {transform_indices = @transform_1, window_bounds = array<i64: 16, 1200, 128>}, {transform_indices = @transform_2, window_bounds = array<i64: 1200, 16>}, {pipeline_mode = #tpu.pipeline_mode<synchronous>, transform_indices = @transform_3, window_bounds = array<i64: 16, 128, 16>}, {pipeline_mode = #tpu.pipeline_mode<synchronous>, transform_indices = @transform_4, window_bounds = array<i64: 64, 128>}, {pipeline_mode = #tpu.pipeline_mode<synchronous>, transform_indices = @transform_5, window_bounds = array<i64: 64, 128>}, {pipeline_mode = #tpu.pipeline_mode<synchronous>, transform_indices = @transform_6, window_bounds = array<i64: 128, 128>}, {pipeline_mode = #tpu.pipeline_mode<synchronous>, transform_indices = @transform_7, window_bounds = array<i64: 1, 128>}, {pipeline_mode = #tpu.pipeline_mode<synchronous>, transform_indices = @transform_8, window_bounds = array<i64: 1, 1>}, {pipeline_mode = #tpu.pipeline_mode<synchronous>, transform_indices = @transform_9, window_bounds = array<i64: 1, 128>}, {pipeline_mode = #tpu.pipeline_mode<synchronous>, transform_indices = @transform_10, window_bounds = array<i64: 1, 128>}, {transform_indices = @transform_11, window_bounds = array<i64: 1200, 128>}]} {
    %get3A = arith.constant 0 : index
    %get3A_0 = arith.constant 0 : index
    %get3A_1 = vector.load %arg1[%get3A, %get3A_0] : memref<1200x128xf32, #tpu.memory_space<vmem>>, vector<1200x128xf32>
    %get3A_2 = arith.constant 0 : index
    %get3A_3 = arith.constant 0 : index
    %get3A_4 = vector.load %arg3[%get3A_2, %get3A_3] : memref<1200x16xf32, #tpu.memory_space<vmem>>, vector<1200x16xf32>
    %get3A_5 = arith.constant 0 : index
    %get3A_6 = arith.constant 0 : index
    %get3A_7 = vector.load %arg5[%get3A_5, %get3A_6] : memref<64x128xf32, #tpu.memory_space<vmem>>, vector<64x128xf32>
    %dot_general3A = arith.constant dense<0.000000e+00> : vector<1200x64xf32>
    %dot_general3A_8 = tpu.matmul %get3A_1, %get3A_7, %dot_general3A {dimension_numbers = #tpu.dot_dimension_numbers<[1], [1], [0], [0], [0, 0, 1, 0], [], []>, transpose_lhs_hint = false} : vector<1200x128xf32>, vector<64x128xf32>, vector<1200x64xf32> -> vector<1200x64xf32>
    %get3A_9 = arith.constant 0 : index
    %get3A_10 = arith.constant 0 : index
    %get3A_11 = vector.load %arg6[%get3A_9, %get3A_10] : memref<64x128xf32, #tpu.memory_space<vmem>>, vector<64x128xf32>
    %dot_general3A_12 = arith.constant dense<0.000000e+00> : vector<1200x128xf32>
    %dot_general3A_13 = tpu.matmul %dot_general3A_8, %get3A_11, %dot_general3A_12 {dimension_numbers = #tpu.dot_dimension_numbers<[1], [0], [0], [1], [0, 0, 1, 1], [], []>, transpose_lhs_hint = false} : vector<1200x64xf32>, vector<64x128xf32>, vector<1200x128xf32> -> vector<1200x128xf32>
    %mul3A = arith.constant 1.250000e-01 : f32
    %mul3A_14 = vector.broadcast %mul3A : f32 to vector<1200x128xf32>
    %mul3A_15 = arith.mulf %dot_general3A_13, %mul3A_14 : vector<1200x128xf32>
    %get3A_16 = arith.constant 0 : index
    %get3A_17 = arith.constant 0 : index
    %get3A_18 = arith.constant 0 : index
    %get3A_19 = vector.load %arg2[%get3A_16, %get3A_17, %get3A_18] : memref<16x1200x128xf32, #tpu.memory_space<vmem>>, vector<1x1200x128xf32>
    %get3A_20 = vector.shape_cast %get3A_19 : vector<1x1200x128xf32> to vector<1200x128xf32>
    %mul3A_21 = arith.mulf %get3A_20, %mul3A_15 : vector<1200x128xf32>
    %get3A_22 = arith.constant 0 : index
    %get3A_23 = arith.constant 0 : index
    %get3A_24 = arith.constant 0 : index
    %get3A_25 = vector.load %arg4[%get3A_22, %get3A_23, %get3A_24] : memref<16x128x16xf32, #tpu.memory_space<vmem>>, vector<1x128x16xf32>
    %get3A_26 = vector.shape_cast %get3A_25 : vector<1x128x16xf32> to vector<128x16xf32>
    %dot_general3A_27 = arith.constant dense<0.000000e+00> : vector<1200x16xf32>
    %dot_general3A_28 = tpu.matmul %mul3A_21, %get3A_26, %dot_general3A_27 {dimension_numbers = #tpu.dot_dimension_numbers<[1], [0], [0], [1], [0, 0, 1, 1], [], []>, transpose_lhs_hint = false} : vector<1200x128xf32>, vector<128x16xf32>, vector<1200x16xf32> -> vector<1200x16xf32>
    %get3A_29 = arith.constant 1 : index
    %get3A_30 = arith.constant 0 : index
    %get3A_31 = arith.constant 0 : index
    %get3A_32 = vector.load %arg2[%get3A_29, %get3A_30, %get3A_31] : memref<16x1200x128xf32, #tpu.memory_space<vmem>>, vector<1x1200x128xf32>
    %get3A_33 = vector.shape_cast %get3A_32 : vector<1x1200x128xf32> to vector<1200x128xf32>
    %mul3A_34 = arith.mulf %get3A_33, %mul3A_15 : vector<1200x128xf32>
    %get3A_35 = arith.constant 1 : index
    %get3A_36 = arith.constant 0 : index
    %get3A_37 = arith.constant 0 : index
    %get3A_38 = vector.load %arg4[%get3A_35, %get3A_36, %get3A_37] : memref<16x128x16xf32, #tpu.memory_space<vmem>>, vector<1x128x16xf32>
    %get3A_39 = vector.shape_cast %get3A_38 : vector<1x128x16xf32> to vector<128x16xf32>
    %dot_general3A_40 = arith.constant dense<0.000000e+00> : vector<1200x16xf32>
    %dot_general3A_41 = tpu.matmul %mul3A_34, %get3A_39, %dot_general3A_40 {dimension_numbers = #tpu.dot_dimension_numbers<[1], [0], [0], [1], [0, 0, 1, 1], [], []>, transpose_lhs_hint = false} : vector<1200x128xf32>, vector<128x16xf32>, vector<1200x16xf32> -> vector<1200x16xf32>
    %add3A = arith.addf %dot_general3A_28, %dot_general3A_41 : vector<1200x16xf32>
    %get3A_42 = arith.constant 2 : index
    %get3A_43 = arith.constant 0 : index
    %get3A_44 = arith.constant 0 : index
    %get3A_45 = vector.load %arg2[%get3A_42, %get3A_43, %get3A_44] : memref<16x1200x128xf32, #tpu.memory_space<vmem>>, vector<1x1200x128xf32>
    %get3A_46 = vector.shape_cast %get3A_45 : vector<1x1200x128xf32> to vector<1200x128xf32>
    %mul3A_47 = arith.mulf %get3A_46, %mul3A_15 : vector<1200x128xf32>
    %get3A_48 = arith.constant 2 : index
    %get3A_49 = arith.constant 0 : index
    %get3A_50 = arith.constant 0 : index
    %get3A_51 = vector.load %arg4[%get3A_48, %get3A_49, %get3A_50] : memref<16x128x16xf32, #tpu.memory_space<vmem>>, vector<1x128x16xf32>
    %get3A_52 = vector.shape_cast %get3A_51 : vector<1x128x16xf32> to vector<128x16xf32>
    %dot_general3A_53 = arith.constant dense<0.000000e+00> : vector<1200x16xf32>
    %dot_general3A_54 = tpu.matmul %mul3A_47, %get3A_52, %dot_general3A_53 {dimension_numbers = #tpu.dot_dimension_numbers<[1], [0], [0], [1], [0, 0, 1, 1], [], []>, transpose_lhs_hint = false} : vector<1200x128xf32>, vector<128x16xf32>, vector<1200x16xf32> -> vector<1200x16xf32>
    %add3A_55 = arith.addf %add3A, %dot_general3A_54 : vector<1200x16xf32>
    %get3A_56 = arith.constant 3 : index
    %get3A_57 = arith.constant 0 : index
    %get3A_58 = arith.constant 0 : index
    %get3A_59 = vector.load %arg2[%get3A_56, %get3A_57, %get3A_58] : memref<16x1200x128xf32, #tpu.memory_space<vmem>>, vector<1x1200x128xf32>
    %get3A_60 = vector.shape_cast %get3A_59 : vector<1x1200x128xf32> to vector<1200x128xf32>
    %mul3A_61 = arith.mulf %get3A_60, %mul3A_15 : vector<1200x128xf32>
    %get3A_62 = arith.constant 3 : index
    %get3A_63 = arith.constant 0 : index
    %get3A_64 = arith.constant 0 : index
    %get3A_65 = vector.load %arg4[%get3A_62, %get3A_63, %get3A_64] : memref<16x128x16xf32, #tpu.memory_space<vmem>>, vector<1x128x16xf32>
    %get3A_66 = vector.shape_cast %get3A_65 : vector<1x128x16xf32> to vector<128x16xf32>
    %dot_general3A_67 = arith.constant dense<0.000000e+00> : vector<1200x16xf32>
    %dot_general3A_68 = tpu.matmul %mul3A_61, %get3A_66, %dot_general3A_67 {dimension_numbers = #tpu.dot_dimension_numbers<[1], [0], [0], [1], [0, 0, 1, 1], [], []>, transpose_lhs_hint = false} : vector<1200x128xf32>, vector<128x16xf32>, vector<1200x16xf32> -> vector<1200x16xf32>
    %add3A_69 = arith.addf %add3A_55, %dot_general3A_68 : vector<1200x16xf32>
    %get3A_70 = arith.constant 4 : index
    %get3A_71 = arith.constant 0 : index
    %get3A_72 = arith.constant 0 : index
    %get3A_73 = vector.load %arg2[%get3A_70, %get3A_71, %get3A_72] : memref<16x1200x128xf32, #tpu.memory_space<vmem>>, vector<1x1200x128xf32>
    %get3A_74 = vector.shape_cast %get3A_73 : vector<1x1200x128xf32> to vector<1200x128xf32>
    %mul3A_75 = arith.mulf %get3A_74, %mul3A_15 : vector<1200x128xf32>
    %get3A_76 = arith.constant 4 : index
    %get3A_77 = arith.constant 0 : index
    %get3A_78 = arith.constant 0 : index
    %get3A_79 = vector.load %arg4[%get3A_76, %get3A_77, %get3A_78] : memref<16x128x16xf32, #tpu.memory_space<vmem>>, vector<1x128x16xf32>
    %get3A_80 = vector.shape_cast %get3A_79 : vector<1x128x16xf32> to vector<128x16xf32>
    %dot_general3A_81 = arith.constant dense<0.000000e+00> : vector<1200x16xf32>
    %dot_general3A_82 = tpu.matmul %mul3A_75, %get3A_80, %dot_general3A_81 {dimension_numbers = #tpu.dot_dimension_numbers<[1], [0], [0], [1], [0, 0, 1, 1], [], []>, transpose_lhs_hint = false} : vector<1200x128xf32>, vector<128x16xf32>, vector<1200x16xf32> -> vector<1200x16xf32>
    %add3A_83 = arith.addf %add3A_69, %dot_general3A_82 : vector<1200x16xf32>
    %get3A_84 = arith.constant 5 : index
    %get3A_85 = arith.constant 0 : index
    %get3A_86 = arith.constant 0 : index
    %get3A_87 = vector.load %arg2[%get3A_84, %get3A_85, %get3A_86] : memref<16x1200x128xf32, #tpu.memory_space<vmem>>, vector<1x1200x128xf32>
    %get3A_88 = vector.shape_cast %get3A_87 : vector<1x1200x128xf32> to vector<1200x128xf32>
    %mul3A_89 = arith.mulf %get3A_88, %mul3A_15 : vector<1200x128xf32>
    %get3A_90 = arith.constant 5 : index
    %get3A_91 = arith.constant 0 : index
    %get3A_92 = arith.constant 0 : index
    %get3A_93 = vector.load %arg4[%get3A_90, %get3A_91, %get3A_92] : memref<16x128x16xf32, #tpu.memory_space<vmem>>, vector<1x128x16xf32>
    %get3A_94 = vector.shape_cast %get3A_93 : vector<1x128x16xf32> to vector<128x16xf32>
    %dot_general3A_95 = arith.constant dense<0.000000e+00> : vector<1200x16xf32>
    %dot_general3A_96 = tpu.matmul %mul3A_89, %get3A_94, %dot_general3A_95 {dimension_numbers = #tpu.dot_dimension_numbers<[1], [0], [0], [1], [0, 0, 1, 1], [], []>, transpose_lhs_hint = false} : vector<1200x128xf32>, vector<128x16xf32>, vector<1200x16xf32> -> vector<1200x16xf32>
    %add3A_97 = arith.addf %add3A_83, %dot_general3A_96 : vector<1200x16xf32>
    %get3A_98 = arith.constant 6 : index
    %get3A_99 = arith.constant 0 : index
    %get3A_100 = arith.constant 0 : index
    %get3A_101 = vector.load %arg2[%get3A_98, %get3A_99, %get3A_100] : memref<16x1200x128xf32, #tpu.memory_space<vmem>>, vector<1x1200x128xf32>
    %get3A_102 = vector.shape_cast %get3A_101 : vector<1x1200x128xf32> to vector<1200x128xf32>
    %mul3A_103 = arith.mulf %get3A_102, %mul3A_15 : vector<1200x128xf32>
    %get3A_104 = arith.constant 6 : index
    %get3A_105 = arith.constant 0 : index
    %get3A_106 = arith.constant 0 : index
    %get3A_107 = vector.load %arg4[%get3A_104, %get3A_105, %get3A_106] : memref<16x128x16xf32, #tpu.memory_space<vmem>>, vector<1x128x16xf32>
    %get3A_108 = vector.shape_cast %get3A_107 : vector<1x128x16xf32> to vector<128x16xf32>
    %dot_general3A_109 = arith.constant dense<0.000000e+00> : vector<1200x16xf32>
    %dot_general3A_110 = tpu.matmul %mul3A_103, %get3A_108, %dot_general3A_109 {dimension_numbers = #tpu.dot_dimension_numbers<[1], [0], [0], [1], [0, 0, 1, 1], [], []>, transpose_lhs_hint = false} : vector<1200x128xf32>, vector<128x16xf32>, vector<1200x16xf32> -> vector<1200x16xf32>
    %add3A_111 = arith.addf %add3A_97, %dot_general3A_110 : vector<1200x16xf32>
    %get3A_112 = arith.constant 7 : index
    %get3A_113 = arith.constant 0 : index
    %get3A_114 = arith.constant 0 : index
    %get3A_115 = vector.load %arg2[%get3A_112, %get3A_113, %get3A_114] : memref<16x1200x128xf32, #tpu.memory_space<vmem>>, vector<1x1200x128xf32>
    %get3A_116 = vector.shape_cast %get3A_115 : vector<1x1200x128xf32> to vector<1200x128xf32>
    %mul3A_117 = arith.mulf %get3A_116, %mul3A_15 : vector<1200x128xf32>
    %get3A_118 = arith.constant 7 : index
    %get3A_119 = arith.constant 0 : index
    %get3A_120 = arith.constant 0 : index
    %get3A_121 = vector.load %arg4[%get3A_118, %get3A_119, %get3A_120] : memref<16x128x16xf32, #tpu.memory_space<vmem>>, vector<1x128x16xf32>
    %get3A_122 = vector.shape_cast %get3A_121 : vector<1x128x16xf32> to vector<128x16xf32>
    %dot_general3A_123 = arith.constant dense<0.000000e+00> : vector<1200x16xf32>
    %dot_general3A_124 = tpu.matmul %mul3A_117, %get3A_122, %dot_general3A_123 {dimension_numbers = #tpu.dot_dimension_numbers<[1], [0], [0], [1], [0, 0, 1, 1], [], []>, transpose_lhs_hint = false} : vector<1200x128xf32>, vector<128x16xf32>, vector<1200x16xf32> -> vector<1200x16xf32>
    %add3A_125 = arith.addf %add3A_111, %dot_general3A_124 : vector<1200x16xf32>
    %get3A_126 = arith.constant 8 : index
    %get3A_127 = arith.constant 0 : index
    %get3A_128 = arith.constant 0 : index
    %get3A_129 = vector.load %arg2[%get3A_126, %get3A_127, %get3A_128] : memref<16x1200x128xf32, #tpu.memory_space<vmem>>, vector<1x1200x128xf32>
    %get3A_130 = vector.shape_cast %get3A_129 : vector<1x1200x128xf32> to vector<1200x128xf32>
    %mul3A_131 = arith.mulf %get3A_130, %mul3A_15 : vector<1200x128xf32>
    %get3A_132 = arith.constant 8 : index
    %get3A_133 = arith.constant 0 : index
    %get3A_134 = arith.constant 0 : index
    %get3A_135 = vector.load %arg4[%get3A_132, %get3A_133, %get3A_134] : memref<16x128x16xf32, #tpu.memory_space<vmem>>, vector<1x128x16xf32>
    %get3A_136 = vector.shape_cast %get3A_135 : vector<1x128x16xf32> to vector<128x16xf32>
    %dot_general3A_137 = arith.constant dense<0.000000e+00> : vector<1200x16xf32>
    %dot_general3A_138 = tpu.matmul %mul3A_131, %get3A_136, %dot_general3A_137 {dimension_numbers = #tpu.dot_dimension_numbers<[1], [0], [0], [1], [0, 0, 1, 1], [], []>, transpose_lhs_hint = false} : vector<1200x128xf32>, vector<128x16xf32>, vector<1200x16xf32> -> vector<1200x16xf32>
    %add3A_139 = arith.addf %add3A_125, %dot_general3A_138 : vector<1200x16xf32>
    %get3A_140 = arith.constant 9 : index
    %get3A_141 = arith.constant 0 : index
    %get3A_142 = arith.constant 0 : index
    %get3A_143 = vector.load %arg2[%get3A_140, %get3A_141, %get3A_142] : memref<16x1200x128xf32, #tpu.memory_space<vmem>>, vector<1x1200x128xf32>
    %get3A_144 = vector.shape_cast %get3A_143 : vector<1x1200x128xf32> to vector<1200x128xf32>
    %mul3A_145 = arith.mulf %get3A_144, %mul3A_15 : vector<1200x128xf32>
    %get3A_146 = arith.constant 9 : index
    %get3A_147 = arith.constant 0 : index
    %get3A_148 = arith.constant 0 : index
    %get3A_149 = vector.load %arg4[%get3A_146, %get3A_147, %get3A_148] : memref<16x128x16xf32, #tpu.memory_space<vmem>>, vector<1x128x16xf32>
    %get3A_150 = vector.shape_cast %get3A_149 : vector<1x128x16xf32> to vector<128x16xf32>
    %dot_general3A_151 = arith.constant dense<0.000000e+00> : vector<1200x16xf32>
    %dot_general3A_152 = tpu.matmul %mul3A_145, %get3A_150, %dot_general3A_151 {dimension_numbers = #tpu.dot_dimension_numbers<[1], [0], [0], [1], [0, 0, 1, 1], [], []>, transpose_lhs_hint = false} : vector<1200x128xf32>, vector<128x16xf32>, vector<1200x16xf32> -> vector<1200x16xf32>
    %add3A_153 = arith.addf %add3A_139, %dot_general3A_152 : vector<1200x16xf32>
    %get3A_154 = arith.constant 10 : index
    %get3A_155 = arith.constant 0 : index
    %get3A_156 = arith.constant 0 : index
    %get3A_157 = vector.load %arg2[%get3A_154, %get3A_155, %get3A_156] : memref<16x1200x128xf32, #tpu.memory_space<vmem>>, vector<1x1200x128xf32>
    %get3A_158 = vector.shape_cast %get3A_157 : vector<1x1200x128xf32> to vector<1200x128xf32>
    %mul3A_159 = arith.mulf %get3A_158, %mul3A_15 : vector<1200x128xf32>
    %get3A_160 = arith.constant 10 : index
    %get3A_161 = arith.constant 0 : index
    %get3A_162 = arith.constant 0 : index
    %get3A_163 = vector.load %arg4[%get3A_160, %get3A_161, %get3A_162] : memref<16x128x16xf32, #tpu.memory_space<vmem>>, vector<1x128x16xf32>
    %get3A_164 = vector.shape_cast %get3A_163 : vector<1x128x16xf32> to vector<128x16xf32>
    %dot_general3A_165 = arith.constant dense<0.000000e+00> : vector<1200x16xf32>
    %dot_general3A_166 = tpu.matmul %mul3A_159, %get3A_164, %dot_general3A_165 {dimension_numbers = #tpu.dot_dimension_numbers<[1], [0], [0], [1], [0, 0, 1, 1], [], []>, transpose_lhs_hint = false} : vector<1200x128xf32>, vector<128x16xf32>, vector<1200x16xf32> -> vector<1200x16xf32>
    %add3A_167 = arith.addf %add3A_153, %dot_general3A_166 : vector<1200x16xf32>
    %get3A_168 = arith.constant 11 : index
    %get3A_169 = arith.constant 0 : index
    %get3A_170 = arith.constant 0 : index
    %get3A_171 = vector.load %arg2[%get3A_168, %get3A_169, %get3A_170] : memref<16x1200x128xf32, #tpu.memory_space<vmem>>, vector<1x1200x128xf32>
    %get3A_172 = vector.shape_cast %get3A_171 : vector<1x1200x128xf32> to vector<1200x128xf32>
    %mul3A_173 = arith.mulf %get3A_172, %mul3A_15 : vector<1200x128xf32>
    %get3A_174 = arith.constant 11 : index
    %get3A_175 = arith.constant 0 : index
    %get3A_176 = arith.constant 0 : index
    %get3A_177 = vector.load %arg4[%get3A_174, %get3A_175, %get3A_176] : memref<16x128x16xf32, #tpu.memory_space<vmem>>, vector<1x128x16xf32>
    %get3A_178 = vector.shape_cast %get3A_177 : vector<1x128x16xf32> to vector<128x16xf32>
    %dot_general3A_179 = arith.constant dense<0.000000e+00> : vector<1200x16xf32>
    %dot_general3A_180 = tpu.matmul %mul3A_173, %get3A_178, %dot_general3A_179 {dimension_numbers = #tpu.dot_dimension_numbers<[1], [0], [0], [1], [0, 0, 1, 1], [], []>, transpose_lhs_hint = false} : vector<1200x128xf32>, vector<128x16xf32>, vector<1200x16xf32> -> vector<1200x16xf32>
    %add3A_181 = arith.addf %add3A_167, %dot_general3A_180 : vector<1200x16xf32>
    %get3A_182 = arith.constant 12 : index
    %get3A_183 = arith.constant 0 : index
    %get3A_184 = arith.constant 0 : index
    %get3A_185 = vector.load %arg2[%get3A_182, %get3A_183, %get3A_184] : memref<16x1200x128xf32, #tpu.memory_space<vmem>>, vector<1x1200x128xf32>
    %get3A_186 = vector.shape_cast %get3A_185 : vector<1x1200x128xf32> to vector<1200x128xf32>
    %mul3A_187 = arith.mulf %get3A_186, %mul3A_15 : vector<1200x128xf32>
    %get3A_188 = arith.constant 12 : index
    %get3A_189 = arith.constant 0 : index
    %get3A_190 = arith.constant 0 : index
    %get3A_191 = vector.load %arg4[%get3A_188, %get3A_189, %get3A_190] : memref<16x128x16xf32, #tpu.memory_space<vmem>>, vector<1x128x16xf32>
    %get3A_192 = vector.shape_cast %get3A_191 : vector<1x128x16xf32> to vector<128x16xf32>
    %dot_general3A_193 = arith.constant dense<0.000000e+00> : vector<1200x16xf32>
    %dot_general3A_194 = tpu.matmul %mul3A_187, %get3A_192, %dot_general3A_193 {dimension_numbers = #tpu.dot_dimension_numbers<[1], [0], [0], [1], [0, 0, 1, 1], [], []>, transpose_lhs_hint = false} : vector<1200x128xf32>, vector<128x16xf32>, vector<1200x16xf32> -> vector<1200x16xf32>
    %add3A_195 = arith.addf %add3A_181, %dot_general3A_194 : vector<1200x16xf32>
    %get3A_196 = arith.constant 13 : index
    %get3A_197 = arith.constant 0 : index
    %get3A_198 = arith.constant 0 : index
    %get3A_199 = vector.load %arg2[%get3A_196, %get3A_197, %get3A_198] : memref<16x1200x128xf32, #tpu.memory_space<vmem>>, vector<1x1200x128xf32>
    %get3A_200 = vector.shape_cast %get3A_199 : vector<1x1200x128xf32> to vector<1200x128xf32>
    %mul3A_201 = arith.mulf %get3A_200, %mul3A_15 : vector<1200x128xf32>
    %get3A_202 = arith.constant 13 : index
    %get3A_203 = arith.constant 0 : index
    %get3A_204 = arith.constant 0 : index
    %get3A_205 = vector.load %arg4[%get3A_202, %get3A_203, %get3A_204] : memref<16x128x16xf32, #tpu.memory_space<vmem>>, vector<1x128x16xf32>
    %get3A_206 = vector.shape_cast %get3A_205 : vector<1x128x16xf32> to vector<128x16xf32>
    %dot_general3A_207 = arith.constant dense<0.000000e+00> : vector<1200x16xf32>
    %dot_general3A_208 = tpu.matmul %mul3A_201, %get3A_206, %dot_general3A_207 {dimension_numbers = #tpu.dot_dimension_numbers<[1], [0], [0], [1], [0, 0, 1, 1], [], []>, transpose_lhs_hint = false} : vector<1200x128xf32>, vector<128x16xf32>, vector<1200x16xf32> -> vector<1200x16xf32>
    %add3A_209 = arith.addf %add3A_195, %dot_general3A_208 : vector<1200x16xf32>
    %get3A_210 = arith.constant 14 : index
    %get3A_211 = arith.constant 0 : index
    %get3A_212 = arith.constant 0 : index
    %get3A_213 = vector.load %arg2[%get3A_210, %get3A_211, %get3A_212] : memref<16x1200x128xf32, #tpu.memory_space<vmem>>, vector<1x1200x128xf32>
    %get3A_214 = vector.shape_cast %get3A_213 : vector<1x1200x128xf32> to vector<1200x128xf32>
    %mul3A_215 = arith.mulf %get3A_214, %mul3A_15 : vector<1200x128xf32>
    %get3A_216 = arith.constant 14 : index
    %get3A_217 = arith.constant 0 : index
    %get3A_218 = arith.constant 0 : index
    %get3A_219 = vector.load %arg4[%get3A_216, %get3A_217, %get3A_218] : memref<16x128x16xf32, #tpu.memory_space<vmem>>, vector<1x128x16xf32>
    %get3A_220 = vector.shape_cast %get3A_219 : vector<1x128x16xf32> to vector<128x16xf32>
    %dot_general3A_221 = arith.constant dense<0.000000e+00> : vector<1200x16xf32>
    %dot_general3A_222 = tpu.matmul %mul3A_215, %get3A_220, %dot_general3A_221 {dimension_numbers = #tpu.dot_dimension_numbers<[1], [0], [0], [1], [0, 0, 1, 1], [], []>, transpose_lhs_hint = false} : vector<1200x128xf32>, vector<128x16xf32>, vector<1200x16xf32> -> vector<1200x16xf32>
    %add3A_223 = arith.addf %add3A_209, %dot_general3A_222 : vector<1200x16xf32>
    %get3A_224 = arith.constant 15 : index
    %get3A_225 = arith.constant 0 : index
    %get3A_226 = arith.constant 0 : index
    %get3A_227 = vector.load %arg2[%get3A_224, %get3A_225, %get3A_226] : memref<16x1200x128xf32, #tpu.memory_space<vmem>>, vector<1x1200x128xf32>
    %get3A_228 = vector.shape_cast %get3A_227 : vector<1x1200x128xf32> to vector<1200x128xf32>
    %mul3A_229 = arith.mulf %get3A_228, %mul3A_15 : vector<1200x128xf32>
    %get3A_230 = arith.constant 15 : index
    %get3A_231 = arith.constant 0 : index
    %get3A_232 = arith.constant 0 : index
    %get3A_233 = vector.load %arg4[%get3A_230, %get3A_231, %get3A_232] : memref<16x128x16xf32, #tpu.memory_space<vmem>>, vector<1x128x16xf32>
    %get3A_234 = vector.shape_cast %get3A_233 : vector<1x128x16xf32> to vector<128x16xf32>
    %dot_general3A_235 = arith.constant dense<0.000000e+00> : vector<1200x16xf32>
    %dot_general3A_236 = tpu.matmul %mul3A_229, %get3A_234, %dot_general3A_235 {dimension_numbers = #tpu.dot_dimension_numbers<[1], [0], [0], [1], [0, 0, 1, 1], [], []>, transpose_lhs_hint = false} : vector<1200x128xf32>, vector<128x16xf32>, vector<1200x16xf32> -> vector<1200x16xf32>
    %add3A_237 = arith.addf %add3A_223, %dot_general3A_236 : vector<1200x16xf32>
    %reduce_sum3A = arith.constant dense<0.000000e+00> : vector<1200xf32>
    %reduce_sum3A_238 = vector.multi_reduction <add>, %get3A_4, %reduce_sum3A [1] : vector<1200x16xf32> to vector<1200xf32>
    %broadcast_in_dim3A = vector.shape_cast %reduce_sum3A_238 : vector<1200xf32> to vector<1200x1xf32>
    %mul3A_239 = arith.constant 9.99999997E-7 : f32
    %mul3A_240 = vector.broadcast %mul3A_239 : f32 to vector<1200x1xf32>
    %mul3A_241 = arith.mulf %mul3A_240, %broadcast_in_dim3A : vector<1200x1xf32>
    %add3A_242 = vector.broadcast %mul3A_241 : vector<1200x1xf32> to vector<1200x16xf32>
    %add3A_243 = arith.addf %get3A_4, %add3A_242 : vector<1200x16xf32>
    %add3A_244 = arith.constant 9.99999996E-13 : f32
    %add3A_245 = vector.broadcast %add3A_244 : f32 to vector<1200x16xf32>
    %add3A_246 = arith.addf %add3A_243, %add3A_245 : vector<1200x16xf32>
    %log3A = math.log %add3A_246 : vector<1200x16xf32>
    %add3A_247 = arith.addf %add3A_237, %log3A : vector<1200x16xf32>
    %reduce_max3A = arith.constant dense<0xFF800000> : vector<1200xf32>
    %reduce_max3A_248 = vector.multi_reduction <maximumf>, %add3A_247, %reduce_max3A [1] : vector<1200x16xf32> to vector<1200xf32>
    %broadcast_in_dim3A_249 = vector.shape_cast %reduce_max3A_248 : vector<1200xf32> to vector<1200x1xf32>
    %sub3A = vector.broadcast %broadcast_in_dim3A_249 : vector<1200x1xf32> to vector<1200x16xf32>
    %sub3A_250 = arith.subf %add3A_247, %sub3A : vector<1200x16xf32>
    %exp3A = math.exp %sub3A_250 : vector<1200x16xf32>
    %reduce_sum3A_251 = arith.constant dense<0.000000e+00> : vector<1200xf32>
    %reduce_sum3A_252 = vector.multi_reduction <add>, %exp3A, %reduce_sum3A_251 [1] : vector<1200x16xf32> to vector<1200xf32>
    %broadcast_in_dim3A_253 = vector.shape_cast %reduce_sum3A_252 : vector<1200xf32> to vector<1200x1xf32>
    %div3A = vector.broadcast %broadcast_in_dim3A_253 : vector<1200x1xf32> to vector<1200x16xf32>
    %div3A_254 = arith.divf %exp3A, %div3A : vector<1200x16xf32>
    %slice3A = vector.extract_strided_slice %div3A_254 {offsets = [0, 0], sizes = [1200, 1], strides = [1, 1]} : vector<1200x16xf32> to vector<1200x1xf32>
    %get3A_255 = arith.constant 0 : index
    %get3A_256 = arith.constant 0 : index
    %get3A_257 = arith.constant 0 : index
    %get3A_258 = vector.load %arg2[%get3A_255, %get3A_256, %get3A_257] : memref<16x1200x128xf32, #tpu.memory_space<vmem>>, vector<1x1200x128xf32>
    %get3A_259 = vector.shape_cast %get3A_258 : vector<1x1200x128xf32> to vector<1200x128xf32>
    %mul3A_260 = vector.broadcast %slice3A : vector<1200x1xf32> to vector<1200x128xf32>
    %mul3A_261 = arith.mulf %mul3A_260, %get3A_259 : vector<1200x128xf32>
    %slice3A_262 = vector.extract_strided_slice %div3A_254 {offsets = [0, 1], sizes = [1200, 1], strides = [1, 1]} : vector<1200x16xf32> to vector<1200x1xf32>
    %get3A_263 = arith.constant 1 : index
    %get3A_264 = arith.constant 0 : index
    %get3A_265 = arith.constant 0 : index
    %get3A_266 = vector.load %arg2[%get3A_263, %get3A_264, %get3A_265] : memref<16x1200x128xf32, #tpu.memory_space<vmem>>, vector<1x1200x128xf32>
    %get3A_267 = vector.shape_cast %get3A_266 : vector<1x1200x128xf32> to vector<1200x128xf32>
    %mul3A_268 = vector.broadcast %slice3A_262 : vector<1200x1xf32> to vector<1200x128xf32>
    %mul3A_269 = arith.mulf %mul3A_268, %get3A_267 : vector<1200x128xf32>
    %add3A_270 = arith.addf %mul3A_261, %mul3A_269 : vector<1200x128xf32>
    %slice3A_271 = vector.extract_strided_slice %div3A_254 {offsets = [0, 2], sizes = [1200, 1], strides = [1, 1]} : vector<1200x16xf32> to vector<1200x1xf32>
    %get3A_272 = arith.constant 2 : index
    %get3A_273 = arith.constant 0 : index
    %get3A_274 = arith.constant 0 : index
    %get3A_275 = vector.load %arg2[%get3A_272, %get3A_273, %get3A_274] : memref<16x1200x128xf32, #tpu.memory_space<vmem>>, vector<1x1200x128xf32>
    %get3A_276 = vector.shape_cast %get3A_275 : vector<1x1200x128xf32> to vector<1200x128xf32>
    %mul3A_277 = vector.broadcast %slice3A_271 : vector<1200x1xf32> to vector<1200x128xf32>
    %mul3A_278 = arith.mulf %mul3A_277, %get3A_276 : vector<1200x128xf32>
    %add3A_279 = arith.addf %add3A_270, %mul3A_278 : vector<1200x128xf32>
    %slice3A_280 = vector.extract_strided_slice %div3A_254 {offsets = [0, 3], sizes = [1200, 1], strides = [1, 1]} : vector<1200x16xf32> to vector<1200x1xf32>
    %get3A_281 = arith.constant 3 : index
    %get3A_282 = arith.constant 0 : index
    %get3A_283 = arith.constant 0 : index
    %get3A_284 = vector.load %arg2[%get3A_281, %get3A_282, %get3A_283] : memref<16x1200x128xf32, #tpu.memory_space<vmem>>, vector<1x1200x128xf32>
    %get3A_285 = vector.shape_cast %get3A_284 : vector<1x1200x128xf32> to vector<1200x128xf32>
    %mul3A_286 = vector.broadcast %slice3A_280 : vector<1200x1xf32> to vector<1200x128xf32>
    %mul3A_287 = arith.mulf %mul3A_286, %get3A_285 : vector<1200x128xf32>
    %add3A_288 = arith.addf %add3A_279, %mul3A_287 : vector<1200x128xf32>
    %slice3A_289 = vector.extract_strided_slice %div3A_254 {offsets = [0, 4], sizes = [1200, 1], strides = [1, 1]} : vector<1200x16xf32> to vector<1200x1xf32>
    %get3A_290 = arith.constant 4 : index
    %get3A_291 = arith.constant 0 : index
    %get3A_292 = arith.constant 0 : index
    %get3A_293 = vector.load %arg2[%get3A_290, %get3A_291, %get3A_292] : memref<16x1200x128xf32, #tpu.memory_space<vmem>>, vector<1x1200x128xf32>
    %get3A_294 = vector.shape_cast %get3A_293 : vector<1x1200x128xf32> to vector<1200x128xf32>
    %mul3A_295 = vector.broadcast %slice3A_289 : vector<1200x1xf32> to vector<1200x128xf32>
    %mul3A_296 = arith.mulf %mul3A_295, %get3A_294 : vector<1200x128xf32>
    %add3A_297 = arith.addf %add3A_288, %mul3A_296 : vector<1200x128xf32>
    %slice3A_298 = vector.extract_strided_slice %div3A_254 {offsets = [0, 5], sizes = [1200, 1], strides = [1, 1]} : vector<1200x16xf32> to vector<1200x1xf32>
    %get3A_299 = arith.constant 5 : index
    %get3A_300 = arith.constant 0 : index
    %get3A_301 = arith.constant 0 : index
    %get3A_302 = vector.load %arg2[%get3A_299, %get3A_300, %get3A_301] : memref<16x1200x128xf32, #tpu.memory_space<vmem>>, vector<1x1200x128xf32>
    %get3A_303 = vector.shape_cast %get3A_302 : vector<1x1200x128xf32> to vector<1200x128xf32>
    %mul3A_304 = vector.broadcast %slice3A_298 : vector<1200x1xf32> to vector<1200x128xf32>
    %mul3A_305 = arith.mulf %mul3A_304, %get3A_303 : vector<1200x128xf32>
    %add3A_306 = arith.addf %add3A_297, %mul3A_305 : vector<1200x128xf32>
    %slice3A_307 = vector.extract_strided_slice %div3A_254 {offsets = [0, 6], sizes = [1200, 1], strides = [1, 1]} : vector<1200x16xf32> to vector<1200x1xf32>
    %get3A_308 = arith.constant 6 : index
    %get3A_309 = arith.constant 0 : index
    %get3A_310 = arith.constant 0 : index
    %get3A_311 = vector.load %arg2[%get3A_308, %get3A_309, %get3A_310] : memref<16x1200x128xf32, #tpu.memory_space<vmem>>, vector<1x1200x128xf32>
    %get3A_312 = vector.shape_cast %get3A_311 : vector<1x1200x128xf32> to vector<1200x128xf32>
    %mul3A_313 = vector.broadcast %slice3A_307 : vector<1200x1xf32> to vector<1200x128xf32>
    %mul3A_314 = arith.mulf %mul3A_313, %get3A_312 : vector<1200x128xf32>
    %add3A_315 = arith.addf %add3A_306, %mul3A_314 : vector<1200x128xf32>
    %slice3A_316 = vector.extract_strided_slice %div3A_254 {offsets = [0, 7], sizes = [1200, 1], strides = [1, 1]} : vector<1200x16xf32> to vector<1200x1xf32>
    %get3A_317 = arith.constant 7 : index
    %get3A_318 = arith.constant 0 : index
    %get3A_319 = arith.constant 0 : index
    %get3A_320 = vector.load %arg2[%get3A_317, %get3A_318, %get3A_319] : memref<16x1200x128xf32, #tpu.memory_space<vmem>>, vector<1x1200x128xf32>
    %get3A_321 = vector.shape_cast %get3A_320 : vector<1x1200x128xf32> to vector<1200x128xf32>
    %mul3A_322 = vector.broadcast %slice3A_316 : vector<1200x1xf32> to vector<1200x128xf32>
    %mul3A_323 = arith.mulf %mul3A_322, %get3A_321 : vector<1200x128xf32>
    %add3A_324 = arith.addf %add3A_315, %mul3A_323 : vector<1200x128xf32>
    %slice3A_325 = vector.extract_strided_slice %div3A_254 {offsets = [0, 8], sizes = [1200, 1], strides = [1, 1]} : vector<1200x16xf32> to vector<1200x1xf32>
    %get3A_326 = arith.constant 8 : index
    %get3A_327 = arith.constant 0 : index
    %get3A_328 = arith.constant 0 : index
    %get3A_329 = vector.load %arg2[%get3A_326, %get3A_327, %get3A_328] : memref<16x1200x128xf32, #tpu.memory_space<vmem>>, vector<1x1200x128xf32>
    %get3A_330 = vector.shape_cast %get3A_329 : vector<1x1200x128xf32> to vector<1200x128xf32>
    %mul3A_331 = vector.broadcast %slice3A_325 : vector<1200x1xf32> to vector<1200x128xf32>
    %mul3A_332 = arith.mulf %mul3A_331, %get3A_330 : vector<1200x128xf32>
    %add3A_333 = arith.addf %add3A_324, %mul3A_332 : vector<1200x128xf32>
    %slice3A_334 = vector.extract_strided_slice %div3A_254 {offsets = [0, 9], sizes = [1200, 1], strides = [1, 1]} : vector<1200x16xf32> to vector<1200x1xf32>
    %get3A_335 = arith.constant 9 : index
    %get3A_336 = arith.constant 0 : index
    %get3A_337 = arith.constant 0 : index
    %get3A_338 = vector.load %arg2[%get3A_335, %get3A_336, %get3A_337] : memref<16x1200x128xf32, #tpu.memory_space<vmem>>, vector<1x1200x128xf32>
    %get3A_339 = vector.shape_cast %get3A_338 : vector<1x1200x128xf32> to vector<1200x128xf32>
    %mul3A_340 = vector.broadcast %slice3A_334 : vector<1200x1xf32> to vector<1200x128xf32>
    %mul3A_341 = arith.mulf %mul3A_340, %get3A_339 : vector<1200x128xf32>
    %add3A_342 = arith.addf %add3A_333, %mul3A_341 : vector<1200x128xf32>
    %slice3A_343 = vector.extract_strided_slice %div3A_254 {offsets = [0, 10], sizes = [1200, 1], strides = [1, 1]} : vector<1200x16xf32> to vector<1200x1xf32>
    %get3A_344 = arith.constant 10 : index
    %get3A_345 = arith.constant 0 : index
    %get3A_346 = arith.constant 0 : index
    %get3A_347 = vector.load %arg2[%get3A_344, %get3A_345, %get3A_346] : memref<16x1200x128xf32, #tpu.memory_space<vmem>>, vector<1x1200x128xf32>
    %get3A_348 = vector.shape_cast %get3A_347 : vector<1x1200x128xf32> to vector<1200x128xf32>
    %mul3A_349 = vector.broadcast %slice3A_343 : vector<1200x1xf32> to vector<1200x128xf32>
    %mul3A_350 = arith.mulf %mul3A_349, %get3A_348 : vector<1200x128xf32>
    %add3A_351 = arith.addf %add3A_342, %mul3A_350 : vector<1200x128xf32>
    %slice3A_352 = vector.extract_strided_slice %div3A_254 {offsets = [0, 11], sizes = [1200, 1], strides = [1, 1]} : vector<1200x16xf32> to vector<1200x1xf32>
    %get3A_353 = arith.constant 11 : index
    %get3A_354 = arith.constant 0 : index
    %get3A_355 = arith.constant 0 : index
    %get3A_356 = vector.load %arg2[%get3A_353, %get3A_354, %get3A_355] : memref<16x1200x128xf32, #tpu.memory_space<vmem>>, vector<1x1200x128xf32>
    %get3A_357 = vector.shape_cast %get3A_356 : vector<1x1200x128xf32> to vector<1200x128xf32>
    %mul3A_358 = vector.broadcast %slice3A_352 : vector<1200x1xf32> to vector<1200x128xf32>
    %mul3A_359 = arith.mulf %mul3A_358, %get3A_357 : vector<1200x128xf32>
    %add3A_360 = arith.addf %add3A_351, %mul3A_359 : vector<1200x128xf32>
    %slice3A_361 = vector.extract_strided_slice %div3A_254 {offsets = [0, 12], sizes = [1200, 1], strides = [1, 1]} : vector<1200x16xf32> to vector<1200x1xf32>
    %get3A_362 = arith.constant 12 : index
    %get3A_363 = arith.constant 0 : index
    %get3A_364 = arith.constant 0 : index
    %get3A_365 = vector.load %arg2[%get3A_362, %get3A_363, %get3A_364] : memref<16x1200x128xf32, #tpu.memory_space<vmem>>, vector<1x1200x128xf32>
    %get3A_366 = vector.shape_cast %get3A_365 : vector<1x1200x128xf32> to vector<1200x128xf32>
    %mul3A_367 = vector.broadcast %slice3A_361 : vector<1200x1xf32> to vector<1200x128xf32>
    %mul3A_368 = arith.mulf %mul3A_367, %get3A_366 : vector<1200x128xf32>
    %add3A_369 = arith.addf %add3A_360, %mul3A_368 : vector<1200x128xf32>
    %slice3A_370 = vector.extract_strided_slice %div3A_254 {offsets = [0, 13], sizes = [1200, 1], strides = [1, 1]} : vector<1200x16xf32> to vector<1200x1xf32>
    %get3A_371 = arith.constant 13 : index
    %get3A_372 = arith.constant 0 : index
    %get3A_373 = arith.constant 0 : index
    %get3A_374 = vector.load %arg2[%get3A_371, %get3A_372, %get3A_373] : memref<16x1200x128xf32, #tpu.memory_space<vmem>>, vector<1x1200x128xf32>
    %get3A_375 = vector.shape_cast %get3A_374 : vector<1x1200x128xf32> to vector<1200x128xf32>
    %mul3A_376 = vector.broadcast %slice3A_370 : vector<1200x1xf32> to vector<1200x128xf32>
    %mul3A_377 = arith.mulf %mul3A_376, %get3A_375 : vector<1200x128xf32>
    %add3A_378 = arith.addf %add3A_369, %mul3A_377 : vector<1200x128xf32>
    %slice3A_379 = vector.extract_strided_slice %div3A_254 {offsets = [0, 14], sizes = [1200, 1], strides = [1, 1]} : vector<1200x16xf32> to vector<1200x1xf32>
    %get3A_380 = arith.constant 14 : index
    %get3A_381 = arith.constant 0 : index
    %get3A_382 = arith.constant 0 : index
    %get3A_383 = vector.load %arg2[%get3A_380, %get3A_381, %get3A_382] : memref<16x1200x128xf32, #tpu.memory_space<vmem>>, vector<1x1200x128xf32>
    %get3A_384 = vector.shape_cast %get3A_383 : vector<1x1200x128xf32> to vector<1200x128xf32>
    %mul3A_385 = vector.broadcast %slice3A_379 : vector<1200x1xf32> to vector<1200x128xf32>
    %mul3A_386 = arith.mulf %mul3A_385, %get3A_384 : vector<1200x128xf32>
    %add3A_387 = arith.addf %add3A_378, %mul3A_386 : vector<1200x128xf32>
    %slice3A_388 = vector.extract_strided_slice %div3A_254 {offsets = [0, 15], sizes = [1200, 1], strides = [1, 1]} : vector<1200x16xf32> to vector<1200x1xf32>
    %get3A_389 = arith.constant 15 : index
    %get3A_390 = arith.constant 0 : index
    %get3A_391 = arith.constant 0 : index
    %get3A_392 = vector.load %arg2[%get3A_389, %get3A_390, %get3A_391] : memref<16x1200x128xf32, #tpu.memory_space<vmem>>, vector<1x1200x128xf32>
    %get3A_393 = vector.shape_cast %get3A_392 : vector<1x1200x128xf32> to vector<1200x128xf32>
    %mul3A_394 = vector.broadcast %slice3A_388 : vector<1200x1xf32> to vector<1200x128xf32>
    %mul3A_395 = arith.mulf %mul3A_394, %get3A_393 : vector<1200x128xf32>
    %add3A_396 = arith.addf %add3A_387, %mul3A_395 : vector<1200x128xf32>
    %get3A_397 = arith.constant 0 : index
    %get3A_398 = arith.constant 0 : index
    %get3A_399 = vector.load %arg7[%get3A_397, %get3A_398] : memref<128x128xf32, #tpu.memory_space<vmem>>, vector<128x128xf32>
    %dot_general3A_400 = arith.constant dense<0.000000e+00> : vector<1200x128xf32>
    %dot_general3A_401 = tpu.matmul %add3A_396, %get3A_399, %dot_general3A_400 {dimension_numbers = #tpu.dot_dimension_numbers<[1], [1], [0], [0], [0, 0, 1, 0], [], []>, transpose_lhs_hint = false} : vector<1200x128xf32>, vector<128x128xf32>, vector<1200x128xf32> -> vector<1200x128xf32>
    %get3A_402 = arith.constant 0 : index
    %get3A_403 = arith.constant 0 : index
    %get3A_404 = vector.load %arg8[%get3A_402, %get3A_403] : memref<1x128xf32, #tpu.memory_space<vmem>>, vector<1x128xf32>
    %mul3A_405 = vector.broadcast %get3A_404 : vector<1x128xf32> to vector<1200x128xf32>
    %mul3A_406 = arith.mulf %get3A_1, %mul3A_405 : vector<1200x128xf32>
    %reduce_sum3A_407 = arith.constant dense<0.000000e+00> : vector<1200xf32>
    %reduce_sum3A_408 = vector.multi_reduction <add>, %mul3A_406, %reduce_sum3A_407 [1] : vector<1200x128xf32> to vector<1200xf32>
    %broadcast_in_dim3A_409 = vector.shape_cast %reduce_sum3A_408 : vector<1200xf32> to vector<1200x1xf32>
    %get3A_410 = arith.constant 0 : index
    %get3A_411 = arith.constant 0 : index
    %get3A_412 = vector.load %arg9[%get3A_410, %get3A_411] : memref<1x1xf32, #tpu.memory_space<vmem>>, vector<1x1xf32>
    %get3A_413 = vector.extract %get3A_412[0, 0] : f32 from vector<1x1xf32>
    %add3A_414 = vector.broadcast %get3A_413 : f32 to vector<1200x1xf32>
    %add3A_415 = arith.addf %broadcast_in_dim3A_409, %add3A_414 : vector<1200x1xf32>
    %logistic3A = arith.negf %add3A_415 : vector<1200x1xf32>
    %logistic3A_416 = math.exp %logistic3A : vector<1200x1xf32>
    %logistic3A_417 = arith.constant 1.000000e+00 : f32
    %logistic3A_418 = vector.broadcast %logistic3A_417 : f32 to vector<1200x1xf32>
    %logistic3A_419 = arith.addf %logistic3A_418, %logistic3A_416 : vector<1200x1xf32>
    %logistic3A_420 = arith.divf %logistic3A_418, %logistic3A_419 : vector<1200x1xf32>
    %mul3A_421 = vector.broadcast %logistic3A_420 : vector<1200x1xf32> to vector<1200x128xf32>
    %mul3A_422 = arith.mulf %mul3A_421, %dot_general3A_401 : vector<1200x128xf32>
    %add3A_423 = arith.addf %get3A_1, %mul3A_422 : vector<1200x128xf32>
    %reduce_sum3A_424 = arith.constant dense<0.000000e+00> : vector<1200xf32>
    %reduce_sum3A_425 = vector.multi_reduction <add>, %add3A_423, %reduce_sum3A_424 [1] : vector<1200x128xf32> to vector<1200xf32>
    %broadcast_in_dim3A_426 = vector.shape_cast %reduce_sum3A_425 : vector<1200xf32> to vector<1200x1xf32>
    %div3A_427 = arith.constant 1.280000e+02 : f32
    %div3A_428 = vector.broadcast %div3A_427 : f32 to vector<1200x1xf32>
    %div3A_429 = arith.divf %broadcast_in_dim3A_426, %div3A_428 : vector<1200x1xf32>
    %sub3A_430 = vector.broadcast %div3A_429 : vector<1200x1xf32> to vector<1200x128xf32>
    %sub3A_431 = arith.subf %add3A_423, %sub3A_430 : vector<1200x128xf32>
    %integer_pow3A = arith.mulf %sub3A_431, %sub3A_431 : vector<1200x128xf32>
    %reduce_sum3A_432 = arith.constant dense<0.000000e+00> : vector<1200xf32>
    %reduce_sum3A_433 = vector.multi_reduction <add>, %integer_pow3A, %reduce_sum3A_432 [1] : vector<1200x128xf32> to vector<1200xf32>
    %broadcast_in_dim3A_434 = vector.shape_cast %reduce_sum3A_433 : vector<1200xf32> to vector<1200x1xf32>
    %div3A_435 = arith.constant 1.280000e+02 : f32
    %div3A_436 = vector.broadcast %div3A_435 : f32 to vector<1200x1xf32>
    %div3A_437 = arith.divf %broadcast_in_dim3A_434, %div3A_436 : vector<1200x1xf32>
    %sub3A_438 = vector.broadcast %div3A_429 : vector<1200x1xf32> to vector<1200x128xf32>
    %sub3A_439 = arith.subf %add3A_423, %sub3A_438 : vector<1200x128xf32>
    %add3A_440 = arith.constant 9.99999974E-6 : f32
    %add3A_441 = vector.broadcast %add3A_440 : f32 to vector<1200x1xf32>
    %add3A_442 = arith.addf %div3A_437, %add3A_441 : vector<1200x1xf32>
    %rsqrt3A = math.rsqrt %add3A_442 : vector<1200x1xf32>
    %mul3A_443 = vector.broadcast %rsqrt3A : vector<1200x1xf32> to vector<1200x128xf32>
    %mul3A_444 = arith.mulf %sub3A_439, %mul3A_443 : vector<1200x128xf32>
    %get3A_445 = arith.constant 0 : index
    %get3A_446 = arith.constant 0 : index
    %get3A_447 = vector.load %arg10[%get3A_445, %get3A_446] : memref<1x128xf32, #tpu.memory_space<vmem>>, vector<1x128xf32>
    %mul3A_448 = vector.broadcast %get3A_447 : vector<1x128xf32> to vector<1200x128xf32>
    %mul3A_449 = arith.mulf %mul3A_444, %mul3A_448 : vector<1200x128xf32>
    %get3A_450 = arith.constant 0 : index
    %get3A_451 = arith.constant 0 : index
    %get3A_452 = vector.load %arg11[%get3A_450, %get3A_451] : memref<1x128xf32, #tpu.memory_space<vmem>>, vector<1x128xf32>
    %add3A_453 = vector.broadcast %get3A_452 : vector<1x128xf32> to vector<1200x128xf32>
    %add3A_454 = arith.addf %mul3A_449, %add3A_453 : vector<1200x128xf32>
    %swap3A = arith.constant 0 : index
    %swap3A_455 = arith.constant 0 : index
    %swap3A_456 = vector.load %arg12[%swap3A, %swap3A_455] : memref<1200x128xf32, #tpu.memory_space<vmem>>, vector<1200x128xf32>
    tpu.vector_store %arg12[%swap3A, %swap3A_455], %add3A_454 {strides = array<i32>} : memref<1200x128xf32, #tpu.memory_space<vmem>>, vector<1200x128xf32>,
    return
  }
  func.func @transform_0(%arg0: i32) -> (i32, i32) {
    %add3A = arith.constant 0 : i32
    %add3A_0 = arith.addi %arg0, %add3A : i32
    %c0_i32 = arith.constant 0 : i32
    %c0_i32_1 = arith.constant 0 : i32
    return %add3A_0, %c0_i32 : i32, i32
  }
  func.func @transform_1(%arg0: i32) -> (i32, i32, i32) {
    %c0_i32 = arith.constant 0 : i32
    %c0_i32_0 = arith.constant 0 : i32
    %c0_i32_1 = arith.constant 0 : i32
    return %c0_i32, %arg0, %c0_i32_0 : i32, i32, i32
  }
  func.func @transform_2(%arg0: i32) -> (i32, i32) {
    %add3A = arith.constant 0 : i32
    %add3A_0 = arith.addi %arg0, %add3A : i32
    %c0_i32 = arith.constant 0 : i32
    %c0_i32_1 = arith.constant 0 : i32
    return %add3A_0, %c0_i32 : i32, i32
  }
  func.func @transform_3(%arg0: i32) -> (i32, i32, i32) {
    %c0_i32 = arith.constant 0 : i32
    %c0_i32_0 = arith.constant 0 : i32
    %c0_i32_1 = arith.constant 0 : i32
    %c0_i32_2 = arith.constant 0 : i32
    return %c0_i32, %c0_i32_0, %c0_i32_1 : i32, i32, i32
  }
  func.func @transform_4(%arg0: i32) -> (i32, i32) {
    %c0_i32 = arith.constant 0 : i32
    %c0_i32_0 = arith.constant 0 : i32
    %c0_i32_1 = arith.constant 0 : i32
    return %c0_i32, %c0_i32_0 : i32, i32
  }
  func.func @transform_5(%arg0: i32) -> (i32, i32) {
    %c0_i32 = arith.constant 0 : i32
    %c0_i32_0 = arith.constant 0 : i32
    %c0_i32_1 = arith.constant 0 : i32
    return %c0_i32, %c0_i32_0 : i32, i32
  }
  func.func @transform_6(%arg0: i32) -> (i32, i32) {
    %c0_i32 = arith.constant 0 : i32
    %c0_i32_0 = arith.constant 0 : i32
    %c0_i32_1 = arith.constant 0 : i32
    return %c0_i32, %c0_i32_0 : i32, i32
  }
  func.func @transform_7(%arg0: i32) -> (i32, i32) {
    %c0_i32 = arith.constant 0 : i32
    %c0_i32_0 = arith.constant 0 : i32
    %c0_i32_1 = arith.constant 0 : i32
    return %c0_i32, %c0_i32_0 : i32, i32
  }
  func.func @transform_8(%arg0: i32) -> (i32, i32) {
    %c0_i32 = arith.constant 0 : i32
    %c0_i32_0 = arith.constant 0 : i32
    %c0_i32_1 = arith.constant 0 : i32
    return %c0_i32, %c0_i32_0 : i32, i32
  }
  func.func @transform_9(%arg0: i32) -> (i32, i32) {
    %c0_i32 = arith.constant 0 : i32
    %c0_i32_0 = arith.constant 0 : i32
    %c0_i32_1 = arith.constant 0 : i32
    return %c0_i32, %c0_i32_0 : i32, i32
  }
  func.func @transform_10(%arg0: i32) -> (i32, i32) {
    %c0_i32 = arith.constant 0 : i32
    %c0_i32_0 = arith.constant 0 : i32
    %c0_i32_1 = arith.constant 0 : i32
    return %c0_i32, %c0_i32_0 : i32, i32
  }
  func.func @transform_11(%arg0: i32) -> (i32, i32) {
    %add3A = arith.constant 0 : i32
    %add3A_0 = arith.addi %arg0, %add3A : i32
    %c0_i32 = arith.constant 0 : i32
    %c0_i32_1 = arith.constant 0 : i32
    return %add3A_0, %c0_i32 : i32, i32
  }
}

module attributes {stable_mosaic.version = 14 : i64} {
  func.func @_lambda_(%arg0: i32, %arg1: memref<30000x128xf32, #tpu.memory_space<any>>, %arg2: memref<1200x128xf32, #tpu.memory_space<vmem>>, %arg3: memref<16x1200x128xf32, #tpu.memory_space<vmem>>, %arg4: memref<1200x16xf32, #tpu.memory_space<vmem>>, %arg5: memref<16x128x16xf32, #tpu.memory_space<vmem>>, %arg6: memref<64x128xf32, #tpu.memory_space<vmem>>, %arg7: memref<64x128xf32, #tpu.memory_space<vmem>>, %arg8: memref<128x128xf32, #tpu.memory_space<vmem>>, %arg9: memref<1x128xf32, #tpu.memory_space<vmem>>, %arg10: memref<1x1xf32, #tpu.memory_space<vmem>>, %arg11: memref<1x128xf32, #tpu.memory_space<vmem>>, %arg12: memref<1x128xf32, #tpu.memory_space<vmem>>, %arg13: memref<1200x128xf32, #tpu.memory_space<vmem>>) attributes {dimension_semantics = [#tpu.dimension_semantics<parallel>], iteration_bounds = array<i64: 8>, scalar_prefetch = 0 : i64, scratch_operands = 0 : i64, tpu.core_type = #tpu.core_type<tc>, window_params = [{}, {transform_indices = @transform_1, window_bounds = array<i64: 1200, 128>}, {transform_indices = @transform_2, window_bounds = array<i64: 16, 1200, 128>}, {transform_indices = @transform_3, window_bounds = array<i64: 1200, 16>}, {pipeline_mode = #tpu.pipeline_mode<synchronous>, transform_indices = @transform_4, window_bounds = array<i64: 16, 128, 16>}, {pipeline_mode = #tpu.pipeline_mode<synchronous>, transform_indices = @transform_5, window_bounds = array<i64: 64, 128>}, {pipeline_mode = #tpu.pipeline_mode<synchronous>, transform_indices = @transform_6, window_bounds = array<i64: 64, 128>}, {pipeline_mode = #tpu.pipeline_mode<synchronous>, transform_indices = @transform_7, window_bounds = array<i64: 128, 128>}, {pipeline_mode = #tpu.pipeline_mode<synchronous>, transform_indices = @transform_8, window_bounds = array<i64: 1, 128>}, {pipeline_mode = #tpu.pipeline_mode<synchronous>, transform_indices = @transform_9, window_bounds = array<i64: 1, 1>}, {pipeline_mode = #tpu.pipeline_mode<synchronous>, transform_indices = @transform_10, window_bounds = array<i64: 1, 128>}, {pipeline_mode = #tpu.pipeline_mode<synchronous>, transform_indices = @transform_11, window_bounds = array<i64: 1, 128>}, {transform_indices = @transform_12, window_bounds = array<i64: 1200, 128>}]} {
    %get3A = arith.constant 0 : index
    %get3A_0 = arith.constant 0 : index
    %get3A_1 = vector.load %arg2[%get3A, %get3A_0] : memref<1200x128xf32, #tpu.memory_space<vmem>>, vector<1200x128xf32>
    %get3A_2 = arith.constant 0 : index
    %get3A_3 = arith.constant 0 : index
    %get3A_4 = vector.load %arg4[%get3A_2, %get3A_3] : memref<1200x16xf32, #tpu.memory_space<vmem>>, vector<1200x16xf32>
    %get3A_5 = arith.constant 0 : index
    %get3A_6 = arith.constant 0 : index
    %get3A_7 = vector.load %arg6[%get3A_5, %get3A_6] : memref<64x128xf32, #tpu.memory_space<vmem>>, vector<64x128xf32>
    %dot_general3A = arith.constant dense<0.000000e+00> : vector<1200x64xf32>
    %dot_general3A_8 = tpu.matmul %get3A_1, %get3A_7, %dot_general3A {dimension_numbers = #tpu.dot_dimension_numbers<[1], [1], [0], [0], [0, 0, 1, 0], [], []>, transpose_lhs_hint = false} : vector<1200x128xf32>, vector<64x128xf32>, vector<1200x64xf32> -> vector<1200x64xf32>
    %get3A_9 = arith.constant 0 : index
    %get3A_10 = arith.constant 0 : index
    %get3A_11 = vector.load %arg7[%get3A_9, %get3A_10] : memref<64x128xf32, #tpu.memory_space<vmem>>, vector<64x128xf32>
    %dot_general3A_12 = arith.constant dense<0.000000e+00> : vector<1200x128xf32>
    %dot_general3A_13 = tpu.matmul %dot_general3A_8, %get3A_11, %dot_general3A_12 {dimension_numbers = #tpu.dot_dimension_numbers<[1], [0], [0], [1], [0, 0, 1, 1], [], []>, transpose_lhs_hint = false} : vector<1200x64xf32>, vector<64x128xf32>, vector<1200x128xf32> -> vector<1200x128xf32>
    %mul3A = arith.constant 1.250000e-01 : f32
    %mul3A_14 = vector.broadcast %mul3A : f32 to vector<1200x128xf32>
    %mul3A_15 = arith.mulf %dot_general3A_13, %mul3A_14 : vector<1200x128xf32>
    %get3A_16 = arith.constant 0 : index
    %get3A_17 = arith.constant 0 : index
    %get3A_18 = arith.constant 0 : index
    %get3A_19 = vector.load %arg3[%get3A_16, %get3A_17, %get3A_18] : memref<16x1200x128xf32, #tpu.memory_space<vmem>>, vector<1x1200x128xf32>
    %get3A_20 = vector.shape_cast %get3A_19 : vector<1x1200x128xf32> to vector<1200x128xf32>
    %mul3A_21 = arith.mulf %get3A_20, %mul3A_15 : vector<1200x128xf32>
    %get3A_22 = arith.constant 0 : index
    %get3A_23 = arith.constant 0 : index
    %get3A_24 = arith.constant 0 : index
    %get3A_25 = vector.load %arg5[%get3A_22, %get3A_23, %get3A_24] : memref<16x128x16xf32, #tpu.memory_space<vmem>>, vector<1x128x16xf32>
    %get3A_26 = vector.shape_cast %get3A_25 : vector<1x128x16xf32> to vector<128x16xf32>
    %dot_general3A_27 = arith.constant dense<0.000000e+00> : vector<1200x16xf32>
    %dot_general3A_28 = tpu.matmul %mul3A_21, %get3A_26, %dot_general3A_27 {dimension_numbers = #tpu.dot_dimension_numbers<[1], [0], [0], [1], [0, 0, 1, 1], [], []>, transpose_lhs_hint = false} : vector<1200x128xf32>, vector<128x16xf32>, vector<1200x16xf32> -> vector<1200x16xf32>
    %get3A_29 = arith.constant 1 : index
    %get3A_30 = arith.constant 0 : index
    %get3A_31 = arith.constant 0 : index
    %get3A_32 = vector.load %arg3[%get3A_29, %get3A_30, %get3A_31] : memref<16x1200x128xf32, #tpu.memory_space<vmem>>, vector<1x1200x128xf32>
    %get3A_33 = vector.shape_cast %get3A_32 : vector<1x1200x128xf32> to vector<1200x128xf32>
    %mul3A_34 = arith.mulf %get3A_33, %mul3A_15 : vector<1200x128xf32>
    %get3A_35 = arith.constant 1 : index
    %get3A_36 = arith.constant 0 : index
    %get3A_37 = arith.constant 0 : index
    %get3A_38 = vector.load %arg5[%get3A_35, %get3A_36, %get3A_37] : memref<16x128x16xf32, #tpu.memory_space<vmem>>, vector<1x128x16xf32>
    %get3A_39 = vector.shape_cast %get3A_38 : vector<1x128x16xf32> to vector<128x16xf32>
    %dot_general3A_40 = arith.constant dense<0.000000e+00> : vector<1200x16xf32>
    %dot_general3A_41 = tpu.matmul %mul3A_34, %get3A_39, %dot_general3A_40 {dimension_numbers = #tpu.dot_dimension_numbers<[1], [0], [0], [1], [0, 0, 1, 1], [], []>, transpose_lhs_hint = false} : vector<1200x128xf32>, vector<128x16xf32>, vector<1200x16xf32> -> vector<1200x16xf32>
    %add3A = arith.addf %dot_general3A_28, %dot_general3A_41 : vector<1200x16xf32>
    %get3A_42 = arith.constant 2 : index
    %get3A_43 = arith.constant 0 : index
    %get3A_44 = arith.constant 0 : index
    %get3A_45 = vector.load %arg3[%get3A_42, %get3A_43, %get3A_44] : memref<16x1200x128xf32, #tpu.memory_space<vmem>>, vector<1x1200x128xf32>
    %get3A_46 = vector.shape_cast %get3A_45 : vector<1x1200x128xf32> to vector<1200x128xf32>
    %mul3A_47 = arith.mulf %get3A_46, %mul3A_15 : vector<1200x128xf32>
    %get3A_48 = arith.constant 2 : index
    %get3A_49 = arith.constant 0 : index
    %get3A_50 = arith.constant 0 : index
    %get3A_51 = vector.load %arg5[%get3A_48, %get3A_49, %get3A_50] : memref<16x128x16xf32, #tpu.memory_space<vmem>>, vector<1x128x16xf32>
    %get3A_52 = vector.shape_cast %get3A_51 : vector<1x128x16xf32> to vector<128x16xf32>
    %dot_general3A_53 = arith.constant dense<0.000000e+00> : vector<1200x16xf32>
    %dot_general3A_54 = tpu.matmul %mul3A_47, %get3A_52, %dot_general3A_53 {dimension_numbers = #tpu.dot_dimension_numbers<[1], [0], [0], [1], [0, 0, 1, 1], [], []>, transpose_lhs_hint = false} : vector<1200x128xf32>, vector<128x16xf32>, vector<1200x16xf32> -> vector<1200x16xf32>
    %add3A_55 = arith.addf %add3A, %dot_general3A_54 : vector<1200x16xf32>
    %get3A_56 = arith.constant 3 : index
    %get3A_57 = arith.constant 0 : index
    %get3A_58 = arith.constant 0 : index
    %get3A_59 = vector.load %arg3[%get3A_56, %get3A_57, %get3A_58] : memref<16x1200x128xf32, #tpu.memory_space<vmem>>, vector<1x1200x128xf32>
    %get3A_60 = vector.shape_cast %get3A_59 : vector<1x1200x128xf32> to vector<1200x128xf32>
    %mul3A_61 = arith.mulf %get3A_60, %mul3A_15 : vector<1200x128xf32>
    %get3A_62 = arith.constant 3 : index
    %get3A_63 = arith.constant 0 : index
    %get3A_64 = arith.constant 0 : index
    %get3A_65 = vector.load %arg5[%get3A_62, %get3A_63, %get3A_64] : memref<16x128x16xf32, #tpu.memory_space<vmem>>, vector<1x128x16xf32>
    %get3A_66 = vector.shape_cast %get3A_65 : vector<1x128x16xf32> to vector<128x16xf32>
    %dot_general3A_67 = arith.constant dense<0.000000e+00> : vector<1200x16xf32>
    %dot_general3A_68 = tpu.matmul %mul3A_61, %get3A_66, %dot_general3A_67 {dimension_numbers = #tpu.dot_dimension_numbers<[1], [0], [0], [1], [0, 0, 1, 1], [], []>, transpose_lhs_hint = false} : vector<1200x128xf32>, vector<128x16xf32>, vector<1200x16xf32> -> vector<1200x16xf32>
    %add3A_69 = arith.addf %add3A_55, %dot_general3A_68 : vector<1200x16xf32>
    %get3A_70 = arith.constant 4 : index
    %get3A_71 = arith.constant 0 : index
    %get3A_72 = arith.constant 0 : index
    %get3A_73 = vector.load %arg3[%get3A_70, %get3A_71, %get3A_72] : memref<16x1200x128xf32, #tpu.memory_space<vmem>>, vector<1x1200x128xf32>
    %get3A_74 = vector.shape_cast %get3A_73 : vector<1x1200x128xf32> to vector<1200x128xf32>
    %mul3A_75 = arith.mulf %get3A_74, %mul3A_15 : vector<1200x128xf32>
    %get3A_76 = arith.constant 4 : index
    %get3A_77 = arith.constant 0 : index
    %get3A_78 = arith.constant 0 : index
    %get3A_79 = vector.load %arg5[%get3A_76, %get3A_77, %get3A_78] : memref<16x128x16xf32, #tpu.memory_space<vmem>>, vector<1x128x16xf32>
    %get3A_80 = vector.shape_cast %get3A_79 : vector<1x128x16xf32> to vector<128x16xf32>
    %dot_general3A_81 = arith.constant dense<0.000000e+00> : vector<1200x16xf32>
    %dot_general3A_82 = tpu.matmul %mul3A_75, %get3A_80, %dot_general3A_81 {dimension_numbers = #tpu.dot_dimension_numbers<[1], [0], [0], [1], [0, 0, 1, 1], [], []>, transpose_lhs_hint = false} : vector<1200x128xf32>, vector<128x16xf32>, vector<1200x16xf32> -> vector<1200x16xf32>
    %add3A_83 = arith.addf %add3A_69, %dot_general3A_82 : vector<1200x16xf32>
    %get3A_84 = arith.constant 5 : index
    %get3A_85 = arith.constant 0 : index
    %get3A_86 = arith.constant 0 : index
    %get3A_87 = vector.load %arg3[%get3A_84, %get3A_85, %get3A_86] : memref<16x1200x128xf32, #tpu.memory_space<vmem>>, vector<1x1200x128xf32>
    %get3A_88 = vector.shape_cast %get3A_87 : vector<1x1200x128xf32> to vector<1200x128xf32>
    %mul3A_89 = arith.mulf %get3A_88, %mul3A_15 : vector<1200x128xf32>
    %get3A_90 = arith.constant 5 : index
    %get3A_91 = arith.constant 0 : index
    %get3A_92 = arith.constant 0 : index
    %get3A_93 = vector.load %arg5[%get3A_90, %get3A_91, %get3A_92] : memref<16x128x16xf32, #tpu.memory_space<vmem>>, vector<1x128x16xf32>
    %get3A_94 = vector.shape_cast %get3A_93 : vector<1x128x16xf32> to vector<128x16xf32>
    %dot_general3A_95 = arith.constant dense<0.000000e+00> : vector<1200x16xf32>
    %dot_general3A_96 = tpu.matmul %mul3A_89, %get3A_94, %dot_general3A_95 {dimension_numbers = #tpu.dot_dimension_numbers<[1], [0], [0], [1], [0, 0, 1, 1], [], []>, transpose_lhs_hint = false} : vector<1200x128xf32>, vector<128x16xf32>, vector<1200x16xf32> -> vector<1200x16xf32>
    %add3A_97 = arith.addf %add3A_83, %dot_general3A_96 : vector<1200x16xf32>
    %get3A_98 = arith.constant 6 : index
    %get3A_99 = arith.constant 0 : index
    %get3A_100 = arith.constant 0 : index
    %get3A_101 = vector.load %arg3[%get3A_98, %get3A_99, %get3A_100] : memref<16x1200x128xf32, #tpu.memory_space<vmem>>, vector<1x1200x128xf32>
    %get3A_102 = vector.shape_cast %get3A_101 : vector<1x1200x128xf32> to vector<1200x128xf32>
    %mul3A_103 = arith.mulf %get3A_102, %mul3A_15 : vector<1200x128xf32>
    %get3A_104 = arith.constant 6 : index
    %get3A_105 = arith.constant 0 : index
    %get3A_106 = arith.constant 0 : index
    %get3A_107 = vector.load %arg5[%get3A_104, %get3A_105, %get3A_106] : memref<16x128x16xf32, #tpu.memory_space<vmem>>, vector<1x128x16xf32>
    %get3A_108 = vector.shape_cast %get3A_107 : vector<1x128x16xf32> to vector<128x16xf32>
    %dot_general3A_109 = arith.constant dense<0.000000e+00> : vector<1200x16xf32>
    %dot_general3A_110 = tpu.matmul %mul3A_103, %get3A_108, %dot_general3A_109 {dimension_numbers = #tpu.dot_dimension_numbers<[1], [0], [0], [1], [0, 0, 1, 1], [], []>, transpose_lhs_hint = false} : vector<1200x128xf32>, vector<128x16xf32>, vector<1200x16xf32> -> vector<1200x16xf32>
    %add3A_111 = arith.addf %add3A_97, %dot_general3A_110 : vector<1200x16xf32>
    %get3A_112 = arith.constant 7 : index
    %get3A_113 = arith.constant 0 : index
    %get3A_114 = arith.constant 0 : index
    %get3A_115 = vector.load %arg3[%get3A_112, %get3A_113, %get3A_114] : memref<16x1200x128xf32, #tpu.memory_space<vmem>>, vector<1x1200x128xf32>
    %get3A_116 = vector.shape_cast %get3A_115 : vector<1x1200x128xf32> to vector<1200x128xf32>
    %mul3A_117 = arith.mulf %get3A_116, %mul3A_15 : vector<1200x128xf32>
    %get3A_118 = arith.constant 7 : index
    %get3A_119 = arith.constant 0 : index
    %get3A_120 = arith.constant 0 : index
    %get3A_121 = vector.load %arg5[%get3A_118, %get3A_119, %get3A_120] : memref<16x128x16xf32, #tpu.memory_space<vmem>>, vector<1x128x16xf32>
    %get3A_122 = vector.shape_cast %get3A_121 : vector<1x128x16xf32> to vector<128x16xf32>
    %dot_general3A_123 = arith.constant dense<0.000000e+00> : vector<1200x16xf32>
    %dot_general3A_124 = tpu.matmul %mul3A_117, %get3A_122, %dot_general3A_123 {dimension_numbers = #tpu.dot_dimension_numbers<[1], [0], [0], [1], [0, 0, 1, 1], [], []>, transpose_lhs_hint = false} : vector<1200x128xf32>, vector<128x16xf32>, vector<1200x16xf32> -> vector<1200x16xf32>
    %add3A_125 = arith.addf %add3A_111, %dot_general3A_124 : vector<1200x16xf32>
    %get3A_126 = arith.constant 8 : index
    %get3A_127 = arith.constant 0 : index
    %get3A_128 = arith.constant 0 : index
    %get3A_129 = vector.load %arg3[%get3A_126, %get3A_127, %get3A_128] : memref<16x1200x128xf32, #tpu.memory_space<vmem>>, vector<1x1200x128xf32>
    %get3A_130 = vector.shape_cast %get3A_129 : vector<1x1200x128xf32> to vector<1200x128xf32>
    %mul3A_131 = arith.mulf %get3A_130, %mul3A_15 : vector<1200x128xf32>
    %get3A_132 = arith.constant 8 : index
    %get3A_133 = arith.constant 0 : index
    %get3A_134 = arith.constant 0 : index
    %get3A_135 = vector.load %arg5[%get3A_132, %get3A_133, %get3A_134] : memref<16x128x16xf32, #tpu.memory_space<vmem>>, vector<1x128x16xf32>
    %get3A_136 = vector.shape_cast %get3A_135 : vector<1x128x16xf32> to vector<128x16xf32>
    %dot_general3A_137 = arith.constant dense<0.000000e+00> : vector<1200x16xf32>
    %dot_general3A_138 = tpu.matmul %mul3A_131, %get3A_136, %dot_general3A_137 {dimension_numbers = #tpu.dot_dimension_numbers<[1], [0], [0], [1], [0, 0, 1, 1], [], []>, transpose_lhs_hint = false} : vector<1200x128xf32>, vector<128x16xf32>, vector<1200x16xf32> -> vector<1200x16xf32>
    %add3A_139 = arith.addf %add3A_125, %dot_general3A_138 : vector<1200x16xf32>
    %get3A_140 = arith.constant 9 : index
    %get3A_141 = arith.constant 0 : index
    %get3A_142 = arith.constant 0 : index
    %get3A_143 = vector.load %arg3[%get3A_140, %get3A_141, %get3A_142] : memref<16x1200x128xf32, #tpu.memory_space<vmem>>, vector<1x1200x128xf32>
    %get3A_144 = vector.shape_cast %get3A_143 : vector<1x1200x128xf32> to vector<1200x128xf32>
    %mul3A_145 = arith.mulf %get3A_144, %mul3A_15 : vector<1200x128xf32>
    %get3A_146 = arith.constant 9 : index
    %get3A_147 = arith.constant 0 : index
    %get3A_148 = arith.constant 0 : index
    %get3A_149 = vector.load %arg5[%get3A_146, %get3A_147, %get3A_148] : memref<16x128x16xf32, #tpu.memory_space<vmem>>, vector<1x128x16xf32>
    %get3A_150 = vector.shape_cast %get3A_149 : vector<1x128x16xf32> to vector<128x16xf32>
    %dot_general3A_151 = arith.constant dense<0.000000e+00> : vector<1200x16xf32>
    %dot_general3A_152 = tpu.matmul %mul3A_145, %get3A_150, %dot_general3A_151 {dimension_numbers = #tpu.dot_dimension_numbers<[1], [0], [0], [1], [0, 0, 1, 1], [], []>, transpose_lhs_hint = false} : vector<1200x128xf32>, vector<128x16xf32>, vector<1200x16xf32> -> vector<1200x16xf32>
    %add3A_153 = arith.addf %add3A_139, %dot_general3A_152 : vector<1200x16xf32>
    %get3A_154 = arith.constant 10 : index
    %get3A_155 = arith.constant 0 : index
    %get3A_156 = arith.constant 0 : index
    %get3A_157 = vector.load %arg3[%get3A_154, %get3A_155, %get3A_156] : memref<16x1200x128xf32, #tpu.memory_space<vmem>>, vector<1x1200x128xf32>
    %get3A_158 = vector.shape_cast %get3A_157 : vector<1x1200x128xf32> to vector<1200x128xf32>
    %mul3A_159 = arith.mulf %get3A_158, %mul3A_15 : vector<1200x128xf32>
    %get3A_160 = arith.constant 10 : index
    %get3A_161 = arith.constant 0 : index
    %get3A_162 = arith.constant 0 : index
    %get3A_163 = vector.load %arg5[%get3A_160, %get3A_161, %get3A_162] : memref<16x128x16xf32, #tpu.memory_space<vmem>>, vector<1x128x16xf32>
    %get3A_164 = vector.shape_cast %get3A_163 : vector<1x128x16xf32> to vector<128x16xf32>
    %dot_general3A_165 = arith.constant dense<0.000000e+00> : vector<1200x16xf32>
    %dot_general3A_166 = tpu.matmul %mul3A_159, %get3A_164, %dot_general3A_165 {dimension_numbers = #tpu.dot_dimension_numbers<[1], [0], [0], [1], [0, 0, 1, 1], [], []>, transpose_lhs_hint = false} : vector<1200x128xf32>, vector<128x16xf32>, vector<1200x16xf32> -> vector<1200x16xf32>
    %add3A_167 = arith.addf %add3A_153, %dot_general3A_166 : vector<1200x16xf32>
    %get3A_168 = arith.constant 11 : index
    %get3A_169 = arith.constant 0 : index
    %get3A_170 = arith.constant 0 : index
    %get3A_171 = vector.load %arg3[%get3A_168, %get3A_169, %get3A_170] : memref<16x1200x128xf32, #tpu.memory_space<vmem>>, vector<1x1200x128xf32>
    %get3A_172 = vector.shape_cast %get3A_171 : vector<1x1200x128xf32> to vector<1200x128xf32>
    %mul3A_173 = arith.mulf %get3A_172, %mul3A_15 : vector<1200x128xf32>
    %get3A_174 = arith.constant 11 : index
    %get3A_175 = arith.constant 0 : index
    %get3A_176 = arith.constant 0 : index
    %get3A_177 = vector.load %arg5[%get3A_174, %get3A_175, %get3A_176] : memref<16x128x16xf32, #tpu.memory_space<vmem>>, vector<1x128x16xf32>
    %get3A_178 = vector.shape_cast %get3A_177 : vector<1x128x16xf32> to vector<128x16xf32>
    %dot_general3A_179 = arith.constant dense<0.000000e+00> : vector<1200x16xf32>
    %dot_general3A_180 = tpu.matmul %mul3A_173, %get3A_178, %dot_general3A_179 {dimension_numbers = #tpu.dot_dimension_numbers<[1], [0], [0], [1], [0, 0, 1, 1], [], []>, transpose_lhs_hint = false} : vector<1200x128xf32>, vector<128x16xf32>, vector<1200x16xf32> -> vector<1200x16xf32>
    %add3A_181 = arith.addf %add3A_167, %dot_general3A_180 : vector<1200x16xf32>
    %get3A_182 = arith.constant 12 : index
    %get3A_183 = arith.constant 0 : index
    %get3A_184 = arith.constant 0 : index
    %get3A_185 = vector.load %arg3[%get3A_182, %get3A_183, %get3A_184] : memref<16x1200x128xf32, #tpu.memory_space<vmem>>, vector<1x1200x128xf32>
    %get3A_186 = vector.shape_cast %get3A_185 : vector<1x1200x128xf32> to vector<1200x128xf32>
    %mul3A_187 = arith.mulf %get3A_186, %mul3A_15 : vector<1200x128xf32>
    %get3A_188 = arith.constant 12 : index
    %get3A_189 = arith.constant 0 : index
    %get3A_190 = arith.constant 0 : index
    %get3A_191 = vector.load %arg5[%get3A_188, %get3A_189, %get3A_190] : memref<16x128x16xf32, #tpu.memory_space<vmem>>, vector<1x128x16xf32>
    %get3A_192 = vector.shape_cast %get3A_191 : vector<1x128x16xf32> to vector<128x16xf32>
    %dot_general3A_193 = arith.constant dense<0.000000e+00> : vector<1200x16xf32>
    %dot_general3A_194 = tpu.matmul %mul3A_187, %get3A_192, %dot_general3A_193 {dimension_numbers = #tpu.dot_dimension_numbers<[1], [0], [0], [1], [0, 0, 1, 1], [], []>, transpose_lhs_hint = false} : vector<1200x128xf32>, vector<128x16xf32>, vector<1200x16xf32> -> vector<1200x16xf32>
    %add3A_195 = arith.addf %add3A_181, %dot_general3A_194 : vector<1200x16xf32>
    %get3A_196 = arith.constant 13 : index
    %get3A_197 = arith.constant 0 : index
    %get3A_198 = arith.constant 0 : index
    %get3A_199 = vector.load %arg3[%get3A_196, %get3A_197, %get3A_198] : memref<16x1200x128xf32, #tpu.memory_space<vmem>>, vector<1x1200x128xf32>
    %get3A_200 = vector.shape_cast %get3A_199 : vector<1x1200x128xf32> to vector<1200x128xf32>
    %mul3A_201 = arith.mulf %get3A_200, %mul3A_15 : vector<1200x128xf32>
    %get3A_202 = arith.constant 13 : index
    %get3A_203 = arith.constant 0 : index
    %get3A_204 = arith.constant 0 : index
    %get3A_205 = vector.load %arg5[%get3A_202, %get3A_203, %get3A_204] : memref<16x128x16xf32, #tpu.memory_space<vmem>>, vector<1x128x16xf32>
    %get3A_206 = vector.shape_cast %get3A_205 : vector<1x128x16xf32> to vector<128x16xf32>
    %dot_general3A_207 = arith.constant dense<0.000000e+00> : vector<1200x16xf32>
    %dot_general3A_208 = tpu.matmul %mul3A_201, %get3A_206, %dot_general3A_207 {dimension_numbers = #tpu.dot_dimension_numbers<[1], [0], [0], [1], [0, 0, 1, 1], [], []>, transpose_lhs_hint = false} : vector<1200x128xf32>, vector<128x16xf32>, vector<1200x16xf32> -> vector<1200x16xf32>
    %add3A_209 = arith.addf %add3A_195, %dot_general3A_208 : vector<1200x16xf32>
    %get3A_210 = arith.constant 14 : index
    %get3A_211 = arith.constant 0 : index
    %get3A_212 = arith.constant 0 : index
    %get3A_213 = vector.load %arg3[%get3A_210, %get3A_211, %get3A_212] : memref<16x1200x128xf32, #tpu.memory_space<vmem>>, vector<1x1200x128xf32>
    %get3A_214 = vector.shape_cast %get3A_213 : vector<1x1200x128xf32> to vector<1200x128xf32>
    %mul3A_215 = arith.mulf %get3A_214, %mul3A_15 : vector<1200x128xf32>
    %get3A_216 = arith.constant 14 : index
    %get3A_217 = arith.constant 0 : index
    %get3A_218 = arith.constant 0 : index
    %get3A_219 = vector.load %arg5[%get3A_216, %get3A_217, %get3A_218] : memref<16x128x16xf32, #tpu.memory_space<vmem>>, vector<1x128x16xf32>
    %get3A_220 = vector.shape_cast %get3A_219 : vector<1x128x16xf32> to vector<128x16xf32>
    %dot_general3A_221 = arith.constant dense<0.000000e+00> : vector<1200x16xf32>
    %dot_general3A_222 = tpu.matmul %mul3A_215, %get3A_220, %dot_general3A_221 {dimension_numbers = #tpu.dot_dimension_numbers<[1], [0], [0], [1], [0, 0, 1, 1], [], []>, transpose_lhs_hint = false} : vector<1200x128xf32>, vector<128x16xf32>, vector<1200x16xf32> -> vector<1200x16xf32>
    %add3A_223 = arith.addf %add3A_209, %dot_general3A_222 : vector<1200x16xf32>
    %get3A_224 = arith.constant 15 : index
    %get3A_225 = arith.constant 0 : index
    %get3A_226 = arith.constant 0 : index
    %get3A_227 = vector.load %arg3[%get3A_224, %get3A_225, %get3A_226] : memref<16x1200x128xf32, #tpu.memory_space<vmem>>, vector<1x1200x128xf32>
    %get3A_228 = vector.shape_cast %get3A_227 : vector<1x1200x128xf32> to vector<1200x128xf32>
    %mul3A_229 = arith.mulf %get3A_228, %mul3A_15 : vector<1200x128xf32>
    %get3A_230 = arith.constant 15 : index
    %get3A_231 = arith.constant 0 : index
    %get3A_232 = arith.constant 0 : index
    %get3A_233 = vector.load %arg5[%get3A_230, %get3A_231, %get3A_232] : memref<16x128x16xf32, #tpu.memory_space<vmem>>, vector<1x128x16xf32>
    %get3A_234 = vector.shape_cast %get3A_233 : vector<1x128x16xf32> to vector<128x16xf32>
    %dot_general3A_235 = arith.constant dense<0.000000e+00> : vector<1200x16xf32>
    %dot_general3A_236 = tpu.matmul %mul3A_229, %get3A_234, %dot_general3A_235 {dimension_numbers = #tpu.dot_dimension_numbers<[1], [0], [0], [1], [0, 0, 1, 1], [], []>, transpose_lhs_hint = false} : vector<1200x128xf32>, vector<128x16xf32>, vector<1200x16xf32> -> vector<1200x16xf32>
    %add3A_237 = arith.addf %add3A_223, %dot_general3A_236 : vector<1200x16xf32>
    %reduce_sum3A = arith.constant dense<0.000000e+00> : vector<1200xf32>
    %reduce_sum3A_238 = vector.multi_reduction <add>, %get3A_4, %reduce_sum3A [1] : vector<1200x16xf32> to vector<1200xf32>
    %broadcast_in_dim3A = vector.shape_cast %reduce_sum3A_238 : vector<1200xf32> to vector<1200x1xf32>
    %mul3A_239 = arith.constant 9.99999997E-7 : f32
    %mul3A_240 = vector.broadcast %mul3A_239 : f32 to vector<1200x1xf32>
    %mul3A_241 = arith.mulf %mul3A_240, %broadcast_in_dim3A : vector<1200x1xf32>
    %add3A_242 = vector.broadcast %mul3A_241 : vector<1200x1xf32> to vector<1200x16xf32>
    %add3A_243 = arith.addf %get3A_4, %add3A_242 : vector<1200x16xf32>
    %add3A_244 = arith.constant 9.99999996E-13 : f32
    %add3A_245 = vector.broadcast %add3A_244 : f32 to vector<1200x16xf32>
    %add3A_246 = arith.addf %add3A_243, %add3A_245 : vector<1200x16xf32>
    %log3A = math.log %add3A_246 : vector<1200x16xf32>
    %add3A_247 = arith.addf %add3A_237, %log3A : vector<1200x16xf32>
    %reduce_max3A = arith.constant dense<0xFF800000> : vector<1200xf32>
    %reduce_max3A_248 = vector.multi_reduction <maximumf>, %add3A_247, %reduce_max3A [1] : vector<1200x16xf32> to vector<1200xf32>
    %broadcast_in_dim3A_249 = vector.shape_cast %reduce_max3A_248 : vector<1200xf32> to vector<1200x1xf32>
    %sub3A = vector.broadcast %broadcast_in_dim3A_249 : vector<1200x1xf32> to vector<1200x16xf32>
    %sub3A_250 = arith.subf %add3A_247, %sub3A : vector<1200x16xf32>
    %exp3A = math.exp %sub3A_250 : vector<1200x16xf32>
    %reduce_sum3A_251 = arith.constant dense<0.000000e+00> : vector<1200xf32>
    %reduce_sum3A_252 = vector.multi_reduction <add>, %exp3A, %reduce_sum3A_251 [1] : vector<1200x16xf32> to vector<1200xf32>
    %broadcast_in_dim3A_253 = vector.shape_cast %reduce_sum3A_252 : vector<1200xf32> to vector<1200x1xf32>
    %div3A = vector.broadcast %broadcast_in_dim3A_253 : vector<1200x1xf32> to vector<1200x16xf32>
    %div3A_254 = arith.divf %exp3A, %div3A : vector<1200x16xf32>
    %slice3A = vector.extract_strided_slice %div3A_254 {offsets = [0, 0], sizes = [1200, 1], strides = [1, 1]} : vector<1200x16xf32> to vector<1200x1xf32>
    %get3A_255 = arith.constant 0 : index
    %get3A_256 = arith.constant 0 : index
    %get3A_257 = arith.constant 0 : index
    %get3A_258 = vector.load %arg3[%get3A_255, %get3A_256, %get3A_257] : memref<16x1200x128xf32, #tpu.memory_space<vmem>>, vector<1x1200x128xf32>
    %get3A_259 = vector.shape_cast %get3A_258 : vector<1x1200x128xf32> to vector<1200x128xf32>
    %mul3A_260 = vector.broadcast %slice3A : vector<1200x1xf32> to vector<1200x128xf32>
    %mul3A_261 = arith.mulf %mul3A_260, %get3A_259 : vector<1200x128xf32>
    %slice3A_262 = vector.extract_strided_slice %div3A_254 {offsets = [0, 1], sizes = [1200, 1], strides = [1, 1]} : vector<1200x16xf32> to vector<1200x1xf32>
    %get3A_263 = arith.constant 1 : index
    %get3A_264 = arith.constant 0 : index
    %get3A_265 = arith.constant 0 : index
    %get3A_266 = vector.load %arg3[%get3A_263, %get3A_264, %get3A_265] : memref<16x1200x128xf32, #tpu.memory_space<vmem>>, vector<1x1200x128xf32>
    %get3A_267 = vector.shape_cast %get3A_266 : vector<1x1200x128xf32> to vector<1200x128xf32>
    %mul3A_268 = vector.broadcast %slice3A_262 : vector<1200x1xf32> to vector<1200x128xf32>
    %mul3A_269 = arith.mulf %mul3A_268, %get3A_267 : vector<1200x128xf32>
    %add3A_270 = arith.addf %mul3A_261, %mul3A_269 : vector<1200x128xf32>
    %slice3A_271 = vector.extract_strided_slice %div3A_254 {offsets = [0, 2], sizes = [1200, 1], strides = [1, 1]} : vector<1200x16xf32> to vector<1200x1xf32>
    %get3A_272 = arith.constant 2 : index
    %get3A_273 = arith.constant 0 : index
    %get3A_274 = arith.constant 0 : index
    %get3A_275 = vector.load %arg3[%get3A_272, %get3A_273, %get3A_274] : memref<16x1200x128xf32, #tpu.memory_space<vmem>>, vector<1x1200x128xf32>
    %get3A_276 = vector.shape_cast %get3A_275 : vector<1x1200x128xf32> to vector<1200x128xf32>
    %mul3A_277 = vector.broadcast %slice3A_271 : vector<1200x1xf32> to vector<1200x128xf32>
    %mul3A_278 = arith.mulf %mul3A_277, %get3A_276 : vector<1200x128xf32>
    %add3A_279 = arith.addf %add3A_270, %mul3A_278 : vector<1200x128xf32>
    %slice3A_280 = vector.extract_strided_slice %div3A_254 {offsets = [0, 3], sizes = [1200, 1], strides = [1, 1]} : vector<1200x16xf32> to vector<1200x1xf32>
    %get3A_281 = arith.constant 3 : index
    %get3A_282 = arith.constant 0 : index
    %get3A_283 = arith.constant 0 : index
    %get3A_284 = vector.load %arg3[%get3A_281, %get3A_282, %get3A_283] : memref<16x1200x128xf32, #tpu.memory_space<vmem>>, vector<1x1200x128xf32>
    %get3A_285 = vector.shape_cast %get3A_284 : vector<1x1200x128xf32> to vector<1200x128xf32>
    %mul3A_286 = vector.broadcast %slice3A_280 : vector<1200x1xf32> to vector<1200x128xf32>
    %mul3A_287 = arith.mulf %mul3A_286, %get3A_285 : vector<1200x128xf32>
    %add3A_288 = arith.addf %add3A_279, %mul3A_287 : vector<1200x128xf32>
    %slice3A_289 = vector.extract_strided_slice %div3A_254 {offsets = [0, 4], sizes = [1200, 1], strides = [1, 1]} : vector<1200x16xf32> to vector<1200x1xf32>
    %get3A_290 = arith.constant 4 : index
    %get3A_291 = arith.constant 0 : index
    %get3A_292 = arith.constant 0 : index
    %get3A_293 = vector.load %arg3[%get3A_290, %get3A_291, %get3A_292] : memref<16x1200x128xf32, #tpu.memory_space<vmem>>, vector<1x1200x128xf32>
    %get3A_294 = vector.shape_cast %get3A_293 : vector<1x1200x128xf32> to vector<1200x128xf32>
    %mul3A_295 = vector.broadcast %slice3A_289 : vector<1200x1xf32> to vector<1200x128xf32>
    %mul3A_296 = arith.mulf %mul3A_295, %get3A_294 : vector<1200x128xf32>
    %add3A_297 = arith.addf %add3A_288, %mul3A_296 : vector<1200x128xf32>
    %slice3A_298 = vector.extract_strided_slice %div3A_254 {offsets = [0, 5], sizes = [1200, 1], strides = [1, 1]} : vector<1200x16xf32> to vector<1200x1xf32>
    %get3A_299 = arith.constant 5 : index
    %get3A_300 = arith.constant 0 : index
    %get3A_301 = arith.constant 0 : index
    %get3A_302 = vector.load %arg3[%get3A_299, %get3A_300, %get3A_301] : memref<16x1200x128xf32, #tpu.memory_space<vmem>>, vector<1x1200x128xf32>
    %get3A_303 = vector.shape_cast %get3A_302 : vector<1x1200x128xf32> to vector<1200x128xf32>
    %mul3A_304 = vector.broadcast %slice3A_298 : vector<1200x1xf32> to vector<1200x128xf32>
    %mul3A_305 = arith.mulf %mul3A_304, %get3A_303 : vector<1200x128xf32>
    %add3A_306 = arith.addf %add3A_297, %mul3A_305 : vector<1200x128xf32>
    %slice3A_307 = vector.extract_strided_slice %div3A_254 {offsets = [0, 6], sizes = [1200, 1], strides = [1, 1]} : vector<1200x16xf32> to vector<1200x1xf32>
    %get3A_308 = arith.constant 6 : index
    %get3A_309 = arith.constant 0 : index
    %get3A_310 = arith.constant 0 : index
    %get3A_311 = vector.load %arg3[%get3A_308, %get3A_309, %get3A_310] : memref<16x1200x128xf32, #tpu.memory_space<vmem>>, vector<1x1200x128xf32>
    %get3A_312 = vector.shape_cast %get3A_311 : vector<1x1200x128xf32> to vector<1200x128xf32>
    %mul3A_313 = vector.broadcast %slice3A_307 : vector<1200x1xf32> to vector<1200x128xf32>
    %mul3A_314 = arith.mulf %mul3A_313, %get3A_312 : vector<1200x128xf32>
    %add3A_315 = arith.addf %add3A_306, %mul3A_314 : vector<1200x128xf32>
    %slice3A_316 = vector.extract_strided_slice %div3A_254 {offsets = [0, 7], sizes = [1200, 1], strides = [1, 1]} : vector<1200x16xf32> to vector<1200x1xf32>
    %get3A_317 = arith.constant 7 : index
    %get3A_318 = arith.constant 0 : index
    %get3A_319 = arith.constant 0 : index
    %get3A_320 = vector.load %arg3[%get3A_317, %get3A_318, %get3A_319] : memref<16x1200x128xf32, #tpu.memory_space<vmem>>, vector<1x1200x128xf32>
    %get3A_321 = vector.shape_cast %get3A_320 : vector<1x1200x128xf32> to vector<1200x128xf32>
    %mul3A_322 = vector.broadcast %slice3A_316 : vector<1200x1xf32> to vector<1200x128xf32>
    %mul3A_323 = arith.mulf %mul3A_322, %get3A_321 : vector<1200x128xf32>
    %add3A_324 = arith.addf %add3A_315, %mul3A_323 : vector<1200x128xf32>
    %slice3A_325 = vector.extract_strided_slice %div3A_254 {offsets = [0, 8], sizes = [1200, 1], strides = [1, 1]} : vector<1200x16xf32> to vector<1200x1xf32>
    %get3A_326 = arith.constant 8 : index
    %get3A_327 = arith.constant 0 : index
    %get3A_328 = arith.constant 0 : index
    %get3A_329 = vector.load %arg3[%get3A_326, %get3A_327, %get3A_328] : memref<16x1200x128xf32, #tpu.memory_space<vmem>>, vector<1x1200x128xf32>
    %get3A_330 = vector.shape_cast %get3A_329 : vector<1x1200x128xf32> to vector<1200x128xf32>
    %mul3A_331 = vector.broadcast %slice3A_325 : vector<1200x1xf32> to vector<1200x128xf32>
    %mul3A_332 = arith.mulf %mul3A_331, %get3A_330 : vector<1200x128xf32>
    %add3A_333 = arith.addf %add3A_324, %mul3A_332 : vector<1200x128xf32>
    %slice3A_334 = vector.extract_strided_slice %div3A_254 {offsets = [0, 9], sizes = [1200, 1], strides = [1, 1]} : vector<1200x16xf32> to vector<1200x1xf32>
    %get3A_335 = arith.constant 9 : index
    %get3A_336 = arith.constant 0 : index
    %get3A_337 = arith.constant 0 : index
    %get3A_338 = vector.load %arg3[%get3A_335, %get3A_336, %get3A_337] : memref<16x1200x128xf32, #tpu.memory_space<vmem>>, vector<1x1200x128xf32>
    %get3A_339 = vector.shape_cast %get3A_338 : vector<1x1200x128xf32> to vector<1200x128xf32>
    %mul3A_340 = vector.broadcast %slice3A_334 : vector<1200x1xf32> to vector<1200x128xf32>
    %mul3A_341 = arith.mulf %mul3A_340, %get3A_339 : vector<1200x128xf32>
    %add3A_342 = arith.addf %add3A_333, %mul3A_341 : vector<1200x128xf32>
    %slice3A_343 = vector.extract_strided_slice %div3A_254 {offsets = [0, 10], sizes = [1200, 1], strides = [1, 1]} : vector<1200x16xf32> to vector<1200x1xf32>
    %get3A_344 = arith.constant 10 : index
    %get3A_345 = arith.constant 0 : index
    %get3A_346 = arith.constant 0 : index
    %get3A_347 = vector.load %arg3[%get3A_344, %get3A_345, %get3A_346] : memref<16x1200x128xf32, #tpu.memory_space<vmem>>, vector<1x1200x128xf32>
    %get3A_348 = vector.shape_cast %get3A_347 : vector<1x1200x128xf32> to vector<1200x128xf32>
    %mul3A_349 = vector.broadcast %slice3A_343 : vector<1200x1xf32> to vector<1200x128xf32>
    %mul3A_350 = arith.mulf %mul3A_349, %get3A_348 : vector<1200x128xf32>
    %add3A_351 = arith.addf %add3A_342, %mul3A_350 : vector<1200x128xf32>
    %slice3A_352 = vector.extract_strided_slice %div3A_254 {offsets = [0, 11], sizes = [1200, 1], strides = [1, 1]} : vector<1200x16xf32> to vector<1200x1xf32>
    %get3A_353 = arith.constant 11 : index
    %get3A_354 = arith.constant 0 : index
    %get3A_355 = arith.constant 0 : index
    %get3A_356 = vector.load %arg3[%get3A_353, %get3A_354, %get3A_355] : memref<16x1200x128xf32, #tpu.memory_space<vmem>>, vector<1x1200x128xf32>
    %get3A_357 = vector.shape_cast %get3A_356 : vector<1x1200x128xf32> to vector<1200x128xf32>
    %mul3A_358 = vector.broadcast %slice3A_352 : vector<1200x1xf32> to vector<1200x128xf32>
    %mul3A_359 = arith.mulf %mul3A_358, %get3A_357 : vector<1200x128xf32>
    %add3A_360 = arith.addf %add3A_351, %mul3A_359 : vector<1200x128xf32>
    %slice3A_361 = vector.extract_strided_slice %div3A_254 {offsets = [0, 12], sizes = [1200, 1], strides = [1, 1]} : vector<1200x16xf32> to vector<1200x1xf32>
    %get3A_362 = arith.constant 12 : index
    %get3A_363 = arith.constant 0 : index
    %get3A_364 = arith.constant 0 : index
    %get3A_365 = vector.load %arg3[%get3A_362, %get3A_363, %get3A_364] : memref<16x1200x128xf32, #tpu.memory_space<vmem>>, vector<1x1200x128xf32>
    %get3A_366 = vector.shape_cast %get3A_365 : vector<1x1200x128xf32> to vector<1200x128xf32>
    %mul3A_367 = vector.broadcast %slice3A_361 : vector<1200x1xf32> to vector<1200x128xf32>
    %mul3A_368 = arith.mulf %mul3A_367, %get3A_366 : vector<1200x128xf32>
    %add3A_369 = arith.addf %add3A_360, %mul3A_368 : vector<1200x128xf32>
    %slice3A_370 = vector.extract_strided_slice %div3A_254 {offsets = [0, 13], sizes = [1200, 1], strides = [1, 1]} : vector<1200x16xf32> to vector<1200x1xf32>
    %get3A_371 = arith.constant 13 : index
    %get3A_372 = arith.constant 0 : index
    %get3A_373 = arith.constant 0 : index
    %get3A_374 = vector.load %arg3[%get3A_371, %get3A_372, %get3A_373] : memref<16x1200x128xf32, #tpu.memory_space<vmem>>, vector<1x1200x128xf32>
    %get3A_375 = vector.shape_cast %get3A_374 : vector<1x1200x128xf32> to vector<1200x128xf32>
    %mul3A_376 = vector.broadcast %slice3A_370 : vector<1200x1xf32> to vector<1200x128xf32>
    %mul3A_377 = arith.mulf %mul3A_376, %get3A_375 : vector<1200x128xf32>
    %add3A_378 = arith.addf %add3A_369, %mul3A_377 : vector<1200x128xf32>
    %slice3A_379 = vector.extract_strided_slice %div3A_254 {offsets = [0, 14], sizes = [1200, 1], strides = [1, 1]} : vector<1200x16xf32> to vector<1200x1xf32>
    %get3A_380 = arith.constant 14 : index
    %get3A_381 = arith.constant 0 : index
    %get3A_382 = arith.constant 0 : index
    %get3A_383 = vector.load %arg3[%get3A_380, %get3A_381, %get3A_382] : memref<16x1200x128xf32, #tpu.memory_space<vmem>>, vector<1x1200x128xf32>
    %get3A_384 = vector.shape_cast %get3A_383 : vector<1x1200x128xf32> to vector<1200x128xf32>
    %mul3A_385 = vector.broadcast %slice3A_379 : vector<1200x1xf32> to vector<1200x128xf32>
    %mul3A_386 = arith.mulf %mul3A_385, %get3A_384 : vector<1200x128xf32>
    %add3A_387 = arith.addf %add3A_378, %mul3A_386 : vector<1200x128xf32>
    %slice3A_388 = vector.extract_strided_slice %div3A_254 {offsets = [0, 15], sizes = [1200, 1], strides = [1, 1]} : vector<1200x16xf32> to vector<1200x1xf32>
    %get3A_389 = arith.constant 15 : index
    %get3A_390 = arith.constant 0 : index
    %get3A_391 = arith.constant 0 : index
    %get3A_392 = vector.load %arg3[%get3A_389, %get3A_390, %get3A_391] : memref<16x1200x128xf32, #tpu.memory_space<vmem>>, vector<1x1200x128xf32>
    %get3A_393 = vector.shape_cast %get3A_392 : vector<1x1200x128xf32> to vector<1200x128xf32>
    %mul3A_394 = vector.broadcast %slice3A_388 : vector<1200x1xf32> to vector<1200x128xf32>
    %mul3A_395 = arith.mulf %mul3A_394, %get3A_393 : vector<1200x128xf32>
    %add3A_396 = arith.addf %add3A_387, %mul3A_395 : vector<1200x128xf32>
    %get3A_397 = arith.constant 0 : index
    %get3A_398 = arith.constant 0 : index
    %get3A_399 = vector.load %arg8[%get3A_397, %get3A_398] : memref<128x128xf32, #tpu.memory_space<vmem>>, vector<128x128xf32>
    %dot_general3A_400 = arith.constant dense<0.000000e+00> : vector<1200x128xf32>
    %dot_general3A_401 = tpu.matmul %add3A_396, %get3A_399, %dot_general3A_400 {dimension_numbers = #tpu.dot_dimension_numbers<[1], [1], [0], [0], [0, 0, 1, 0], [], []>, transpose_lhs_hint = false} : vector<1200x128xf32>, vector<128x128xf32>, vector<1200x128xf32> -> vector<1200x128xf32>
    %get3A_402 = arith.constant 0 : index
    %get3A_403 = arith.constant 0 : index
    %get3A_404 = vector.load %arg9[%get3A_402, %get3A_403] : memref<1x128xf32, #tpu.memory_space<vmem>>, vector<1x128xf32>
    %mul3A_405 = vector.broadcast %get3A_404 : vector<1x128xf32> to vector<1200x128xf32>
    %mul3A_406 = arith.mulf %get3A_1, %mul3A_405 : vector<1200x128xf32>
    %reduce_sum3A_407 = arith.constant dense<0.000000e+00> : vector<1200xf32>
    %reduce_sum3A_408 = vector.multi_reduction <add>, %mul3A_406, %reduce_sum3A_407 [1] : vector<1200x128xf32> to vector<1200xf32>
    %broadcast_in_dim3A_409 = vector.shape_cast %reduce_sum3A_408 : vector<1200xf32> to vector<1200x1xf32>
    %get3A_410 = arith.constant 0 : index
    %get3A_411 = arith.constant 0 : index
    %get3A_412 = vector.load %arg10[%get3A_410, %get3A_411] : memref<1x1xf32, #tpu.memory_space<vmem>>, vector<1x1xf32>
    %get3A_413 = vector.extract %get3A_412[0, 0] : f32 from vector<1x1xf32>
    %add3A_414 = vector.broadcast %get3A_413 : f32 to vector<1200x1xf32>
    %add3A_415 = arith.addf %broadcast_in_dim3A_409, %add3A_414 : vector<1200x1xf32>
    %logistic3A = arith.negf %add3A_415 : vector<1200x1xf32>
    %logistic3A_416 = math.exp %logistic3A : vector<1200x1xf32>
    %logistic3A_417 = arith.constant 1.000000e+00 : f32
    %logistic3A_418 = vector.broadcast %logistic3A_417 : f32 to vector<1200x1xf32>
    %logistic3A_419 = arith.addf %logistic3A_418, %logistic3A_416 : vector<1200x1xf32>
    %logistic3A_420 = arith.divf %logistic3A_418, %logistic3A_419 : vector<1200x1xf32>
    %mul3A_421 = vector.broadcast %logistic3A_420 : vector<1200x1xf32> to vector<1200x128xf32>
    %mul3A_422 = arith.mulf %mul3A_421, %dot_general3A_401 : vector<1200x128xf32>
    %add3A_423 = arith.addf %get3A_1, %mul3A_422 : vector<1200x128xf32>
    %reduce_sum3A_424 = arith.constant dense<0.000000e+00> : vector<1200xf32>
    %reduce_sum3A_425 = vector.multi_reduction <add>, %add3A_423, %reduce_sum3A_424 [1] : vector<1200x128xf32> to vector<1200xf32>
    %broadcast_in_dim3A_426 = vector.shape_cast %reduce_sum3A_425 : vector<1200xf32> to vector<1200x1xf32>
    %div3A_427 = arith.constant 1.280000e+02 : f32
    %div3A_428 = vector.broadcast %div3A_427 : f32 to vector<1200x1xf32>
    %div3A_429 = arith.divf %broadcast_in_dim3A_426, %div3A_428 : vector<1200x1xf32>
    %sub3A_430 = vector.broadcast %div3A_429 : vector<1200x1xf32> to vector<1200x128xf32>
    %sub3A_431 = arith.subf %add3A_423, %sub3A_430 : vector<1200x128xf32>
    %integer_pow3A = arith.mulf %sub3A_431, %sub3A_431 : vector<1200x128xf32>
    %reduce_sum3A_432 = arith.constant dense<0.000000e+00> : vector<1200xf32>
    %reduce_sum3A_433 = vector.multi_reduction <add>, %integer_pow3A, %reduce_sum3A_432 [1] : vector<1200x128xf32> to vector<1200xf32>
    %broadcast_in_dim3A_434 = vector.shape_cast %reduce_sum3A_433 : vector<1200xf32> to vector<1200x1xf32>
    %div3A_435 = arith.constant 1.280000e+02 : f32
    %div3A_436 = vector.broadcast %div3A_435 : f32 to vector<1200x1xf32>
    %div3A_437 = arith.divf %broadcast_in_dim3A_434, %div3A_436 : vector<1200x1xf32>
    %sub3A_438 = vector.broadcast %div3A_429 : vector<1200x1xf32> to vector<1200x128xf32>
    %sub3A_439 = arith.subf %add3A_423, %sub3A_438 : vector<1200x128xf32>
    %add3A_440 = arith.constant 9.99999974E-6 : f32
    %add3A_441 = vector.broadcast %add3A_440 : f32 to vector<1200x1xf32>
    %add3A_442 = arith.addf %div3A_437, %add3A_441 : vector<1200x1xf32>
    %rsqrt3A = math.rsqrt %add3A_442 : vector<1200x1xf32>
    %mul3A_443 = vector.broadcast %rsqrt3A : vector<1200x1xf32> to vector<1200x128xf32>
    %mul3A_444 = arith.mulf %sub3A_439, %mul3A_443 : vector<1200x128xf32>
    %get3A_445 = arith.constant 0 : index
    %get3A_446 = arith.constant 0 : index
    %get3A_447 = vector.load %arg11[%get3A_445, %get3A_446] : memref<1x128xf32, #tpu.memory_space<vmem>>, vector<1x128xf32>
    %mul3A_448 = vector.broadcast %get3A_447 : vector<1x128xf32> to vector<1200x128xf32>
    %mul3A_449 = arith.mulf %mul3A_444, %mul3A_448 : vector<1200x128xf32>
    %get3A_450 = arith.constant 0 : index
    %get3A_451 = arith.constant 0 : index
    %get3A_452 = vector.load %arg12[%get3A_450, %get3A_451] : memref<1x128xf32, #tpu.memory_space<vmem>>, vector<1x128xf32>
    %add3A_453 = vector.broadcast %get3A_452 : vector<1x128xf32> to vector<1200x128xf32>
    %add3A_454 = arith.addf %mul3A_449, %add3A_453 : vector<1200x128xf32>
    %swap3A = arith.constant 0 : index
    %swap3A_455 = arith.constant 0 : index
    %swap3A_456 = vector.load %arg13[%swap3A, %swap3A_455] : memref<1200x128xf32, #tpu.memory_space<vmem>>, vector<1200x128xf32>
    tpu.vector_store %arg13[%swap3A, %swap3A_455], %add3A_454 {strides = array<i32>} : memref<1200x128xf32, #tpu.memory_space<vmem>>, vector<1200x128xf32>,
    return
  }
  func.func @transform_1(%arg0: i32) -> (i32, i32) {
    %add3A = arith.constant 8 : i32
    %add3A_0 = arith.addi %arg0, %add3A : i32
    %c0_i32 = arith.constant 0 : i32
    %c0_i32_1 = arith.constant 0 : i32
    return %add3A_0, %c0_i32 : i32, i32
  }
  func.func @transform_2(%arg0: i32) -> (i32, i32, i32) {
    %c0_i32 = arith.constant 0 : i32
    %c0_i32_0 = arith.constant 0 : i32
    %c0_i32_1 = arith.constant 0 : i32
    return %c0_i32, %arg0, %c0_i32_0 : i32, i32, i32
  }
  func.func @transform_3(%arg0: i32) -> (i32, i32) {
    %add3A = arith.constant 8 : i32
    %add3A_0 = arith.addi %arg0, %add3A : i32
    %c0_i32 = arith.constant 0 : i32
    %c0_i32_1 = arith.constant 0 : i32
    return %add3A_0, %c0_i32 : i32, i32
  }
  func.func @transform_4(%arg0: i32) -> (i32, i32, i32) {
    %c0_i32 = arith.constant 0 : i32
    %c0_i32_0 = arith.constant 0 : i32
    %c0_i32_1 = arith.constant 0 : i32
    %c0_i32_2 = arith.constant 0 : i32
    return %c0_i32, %c0_i32_0, %c0_i32_1 : i32, i32, i32
  }
  func.func @transform_5(%arg0: i32) -> (i32, i32) {
    %c0_i32 = arith.constant 0 : i32
    %c0_i32_0 = arith.constant 0 : i32
    %c0_i32_1 = arith.constant 0 : i32
    return %c0_i32, %c0_i32_0 : i32, i32
  }
  func.func @transform_6(%arg0: i32) -> (i32, i32) {
    %c0_i32 = arith.constant 0 : i32
    %c0_i32_0 = arith.constant 0 : i32
    %c0_i32_1 = arith.constant 0 : i32
    return %c0_i32, %c0_i32_0 : i32, i32
  }
  func.func @transform_7(%arg0: i32) -> (i32, i32) {
    %c0_i32 = arith.constant 0 : i32
    %c0_i32_0 = arith.constant 0 : i32
    %c0_i32_1 = arith.constant 0 : i32
    return %c0_i32, %c0_i32_0 : i32, i32
  }
  func.func @transform_8(%arg0: i32) -> (i32, i32) {
    %c0_i32 = arith.constant 0 : i32
    %c0_i32_0 = arith.constant 0 : i32
    %c0_i32_1 = arith.constant 0 : i32
    return %c0_i32, %c0_i32_0 : i32, i32
  }
  func.func @transform_9(%arg0: i32) -> (i32, i32) {
    %c0_i32 = arith.constant 0 : i32
    %c0_i32_0 = arith.constant 0 : i32
    %c0_i32_1 = arith.constant 0 : i32
    return %c0_i32, %c0_i32_0 : i32, i32
  }
  func.func @transform_10(%arg0: i32) -> (i32, i32) {
    %c0_i32 = arith.constant 0 : i32
    %c0_i32_0 = arith.constant 0 : i32
    %c0_i32_1 = arith.constant 0 : i32
    return %c0_i32, %c0_i32_0 : i32, i32
  }
  func.func @transform_11(%arg0: i32) -> (i32, i32) {
    %c0_i32 = arith.constant 0 : i32
    %c0_i32_0 = arith.constant 0 : i32
    %c0_i32_1 = arith.constant 0 : i32
    return %c0_i32, %c0_i32_0 : i32, i32
  }
  func.func @transform_12(%arg0: i32) -> (i32, i32) {
    %add3A = arith.constant 8 : i32
    %add3A_0 = arith.addi %arg0, %add3A : i32
    %c0_i32 = arith.constant 0 : i32
    %c0_i32_1 = arith.constant 0 : i32
    return %add3A_0, %c0_i32 : i32, i32
  }
}

module attributes {stable_mosaic.version = 14 : i64} {
  func.func @_lambda_(%arg0: i32, %arg1: memref<30000x128xf32, #tpu.memory_space<any>>, %arg2: memref<1200x128xf32, #tpu.memory_space<vmem>>, %arg3: memref<16x1200x128xf32, #tpu.memory_space<vmem>>, %arg4: memref<1200x16xf32, #tpu.memory_space<vmem>>, %arg5: memref<16x128x16xf32, #tpu.memory_space<vmem>>, %arg6: memref<64x128xf32, #tpu.memory_space<vmem>>, %arg7: memref<64x128xf32, #tpu.memory_space<vmem>>, %arg8: memref<128x128xf32, #tpu.memory_space<vmem>>, %arg9: memref<1x128xf32, #tpu.memory_space<vmem>>, %arg10: memref<1x1xf32, #tpu.memory_space<vmem>>, %arg11: memref<1x128xf32, #tpu.memory_space<vmem>>, %arg12: memref<1x128xf32, #tpu.memory_space<vmem>>, %arg13: memref<1200x128xf32, #tpu.memory_space<vmem>>) attributes {dimension_semantics = [#tpu.dimension_semantics<parallel>], iteration_bounds = array<i64: 9>, scalar_prefetch = 0 : i64, scratch_operands = 0 : i64, tpu.core_type = #tpu.core_type<tc>, window_params = [{}, {transform_indices = @transform_1, window_bounds = array<i64: 1200, 128>}, {transform_indices = @transform_2, window_bounds = array<i64: 16, 1200, 128>}, {transform_indices = @transform_3, window_bounds = array<i64: 1200, 16>}, {pipeline_mode = #tpu.pipeline_mode<synchronous>, transform_indices = @transform_4, window_bounds = array<i64: 16, 128, 16>}, {pipeline_mode = #tpu.pipeline_mode<synchronous>, transform_indices = @transform_5, window_bounds = array<i64: 64, 128>}, {pipeline_mode = #tpu.pipeline_mode<synchronous>, transform_indices = @transform_6, window_bounds = array<i64: 64, 128>}, {pipeline_mode = #tpu.pipeline_mode<synchronous>, transform_indices = @transform_7, window_bounds = array<i64: 128, 128>}, {pipeline_mode = #tpu.pipeline_mode<synchronous>, transform_indices = @transform_8, window_bounds = array<i64: 1, 128>}, {pipeline_mode = #tpu.pipeline_mode<synchronous>, transform_indices = @transform_9, window_bounds = array<i64: 1, 1>}, {pipeline_mode = #tpu.pipeline_mode<synchronous>, transform_indices = @transform_10, window_bounds = array<i64: 1, 128>}, {pipeline_mode = #tpu.pipeline_mode<synchronous>, transform_indices = @transform_11, window_bounds = array<i64: 1, 128>}, {transform_indices = @transform_12, window_bounds = array<i64: 1200, 128>}]} {
    %get3A = arith.constant 0 : index
    %get3A_0 = arith.constant 0 : index
    %get3A_1 = vector.load %arg2[%get3A, %get3A_0] : memref<1200x128xf32, #tpu.memory_space<vmem>>, vector<1200x128xf32>
    %get3A_2 = arith.constant 0 : index
    %get3A_3 = arith.constant 0 : index
    %get3A_4 = vector.load %arg4[%get3A_2, %get3A_3] : memref<1200x16xf32, #tpu.memory_space<vmem>>, vector<1200x16xf32>
    %get3A_5 = arith.constant 0 : index
    %get3A_6 = arith.constant 0 : index
    %get3A_7 = vector.load %arg6[%get3A_5, %get3A_6] : memref<64x128xf32, #tpu.memory_space<vmem>>, vector<64x128xf32>
    %dot_general3A = arith.constant dense<0.000000e+00> : vector<1200x64xf32>
    %dot_general3A_8 = tpu.matmul %get3A_1, %get3A_7, %dot_general3A {dimension_numbers = #tpu.dot_dimension_numbers<[1], [1], [0], [0], [0, 0, 1, 0], [], []>, transpose_lhs_hint = false} : vector<1200x128xf32>, vector<64x128xf32>, vector<1200x64xf32> -> vector<1200x64xf32>
    %get3A_9 = arith.constant 0 : index
    %get3A_10 = arith.constant 0 : index
    %get3A_11 = vector.load %arg7[%get3A_9, %get3A_10] : memref<64x128xf32, #tpu.memory_space<vmem>>, vector<64x128xf32>
    %dot_general3A_12 = arith.constant dense<0.000000e+00> : vector<1200x128xf32>
    %dot_general3A_13 = tpu.matmul %dot_general3A_8, %get3A_11, %dot_general3A_12 {dimension_numbers = #tpu.dot_dimension_numbers<[1], [0], [0], [1], [0, 0, 1, 1], [], []>, transpose_lhs_hint = false} : vector<1200x64xf32>, vector<64x128xf32>, vector<1200x128xf32> -> vector<1200x128xf32>
    %mul3A = arith.constant 1.250000e-01 : f32
    %mul3A_14 = vector.broadcast %mul3A : f32 to vector<1200x128xf32>
    %mul3A_15 = arith.mulf %dot_general3A_13, %mul3A_14 : vector<1200x128xf32>
    %get3A_16 = arith.constant 0 : index
    %get3A_17 = arith.constant 0 : index
    %get3A_18 = arith.constant 0 : index
    %get3A_19 = vector.load %arg3[%get3A_16, %get3A_17, %get3A_18] : memref<16x1200x128xf32, #tpu.memory_space<vmem>>, vector<1x1200x128xf32>
    %get3A_20 = vector.shape_cast %get3A_19 : vector<1x1200x128xf32> to vector<1200x128xf32>
    %mul3A_21 = arith.mulf %get3A_20, %mul3A_15 : vector<1200x128xf32>
    %get3A_22 = arith.constant 0 : index
    %get3A_23 = arith.constant 0 : index
    %get3A_24 = arith.constant 0 : index
    %get3A_25 = vector.load %arg5[%get3A_22, %get3A_23, %get3A_24] : memref<16x128x16xf32, #tpu.memory_space<vmem>>, vector<1x128x16xf32>
    %get3A_26 = vector.shape_cast %get3A_25 : vector<1x128x16xf32> to vector<128x16xf32>
    %dot_general3A_27 = arith.constant dense<0.000000e+00> : vector<1200x16xf32>
    %dot_general3A_28 = tpu.matmul %mul3A_21, %get3A_26, %dot_general3A_27 {dimension_numbers = #tpu.dot_dimension_numbers<[1], [0], [0], [1], [0, 0, 1, 1], [], []>, transpose_lhs_hint = false} : vector<1200x128xf32>, vector<128x16xf32>, vector<1200x16xf32> -> vector<1200x16xf32>
    %get3A_29 = arith.constant 1 : index
    %get3A_30 = arith.constant 0 : index
    %get3A_31 = arith.constant 0 : index
    %get3A_32 = vector.load %arg3[%get3A_29, %get3A_30, %get3A_31] : memref<16x1200x128xf32, #tpu.memory_space<vmem>>, vector<1x1200x128xf32>
    %get3A_33 = vector.shape_cast %get3A_32 : vector<1x1200x128xf32> to vector<1200x128xf32>
    %mul3A_34 = arith.mulf %get3A_33, %mul3A_15 : vector<1200x128xf32>
    %get3A_35 = arith.constant 1 : index
    %get3A_36 = arith.constant 0 : index
    %get3A_37 = arith.constant 0 : index
    %get3A_38 = vector.load %arg5[%get3A_35, %get3A_36, %get3A_37] : memref<16x128x16xf32, #tpu.memory_space<vmem>>, vector<1x128x16xf32>
    %get3A_39 = vector.shape_cast %get3A_38 : vector<1x128x16xf32> to vector<128x16xf32>
    %dot_general3A_40 = arith.constant dense<0.000000e+00> : vector<1200x16xf32>
    %dot_general3A_41 = tpu.matmul %mul3A_34, %get3A_39, %dot_general3A_40 {dimension_numbers = #tpu.dot_dimension_numbers<[1], [0], [0], [1], [0, 0, 1, 1], [], []>, transpose_lhs_hint = false} : vector<1200x128xf32>, vector<128x16xf32>, vector<1200x16xf32> -> vector<1200x16xf32>
    %add3A = arith.addf %dot_general3A_28, %dot_general3A_41 : vector<1200x16xf32>
    %get3A_42 = arith.constant 2 : index
    %get3A_43 = arith.constant 0 : index
    %get3A_44 = arith.constant 0 : index
    %get3A_45 = vector.load %arg3[%get3A_42, %get3A_43, %get3A_44] : memref<16x1200x128xf32, #tpu.memory_space<vmem>>, vector<1x1200x128xf32>
    %get3A_46 = vector.shape_cast %get3A_45 : vector<1x1200x128xf32> to vector<1200x128xf32>
    %mul3A_47 = arith.mulf %get3A_46, %mul3A_15 : vector<1200x128xf32>
    %get3A_48 = arith.constant 2 : index
    %get3A_49 = arith.constant 0 : index
    %get3A_50 = arith.constant 0 : index
    %get3A_51 = vector.load %arg5[%get3A_48, %get3A_49, %get3A_50] : memref<16x128x16xf32, #tpu.memory_space<vmem>>, vector<1x128x16xf32>
    %get3A_52 = vector.shape_cast %get3A_51 : vector<1x128x16xf32> to vector<128x16xf32>
    %dot_general3A_53 = arith.constant dense<0.000000e+00> : vector<1200x16xf32>
    %dot_general3A_54 = tpu.matmul %mul3A_47, %get3A_52, %dot_general3A_53 {dimension_numbers = #tpu.dot_dimension_numbers<[1], [0], [0], [1], [0, 0, 1, 1], [], []>, transpose_lhs_hint = false} : vector<1200x128xf32>, vector<128x16xf32>, vector<1200x16xf32> -> vector<1200x16xf32>
    %add3A_55 = arith.addf %add3A, %dot_general3A_54 : vector<1200x16xf32>
    %get3A_56 = arith.constant 3 : index
    %get3A_57 = arith.constant 0 : index
    %get3A_58 = arith.constant 0 : index
    %get3A_59 = vector.load %arg3[%get3A_56, %get3A_57, %get3A_58] : memref<16x1200x128xf32, #tpu.memory_space<vmem>>, vector<1x1200x128xf32>
    %get3A_60 = vector.shape_cast %get3A_59 : vector<1x1200x128xf32> to vector<1200x128xf32>
    %mul3A_61 = arith.mulf %get3A_60, %mul3A_15 : vector<1200x128xf32>
    %get3A_62 = arith.constant 3 : index
    %get3A_63 = arith.constant 0 : index
    %get3A_64 = arith.constant 0 : index
    %get3A_65 = vector.load %arg5[%get3A_62, %get3A_63, %get3A_64] : memref<16x128x16xf32, #tpu.memory_space<vmem>>, vector<1x128x16xf32>
    %get3A_66 = vector.shape_cast %get3A_65 : vector<1x128x16xf32> to vector<128x16xf32>
    %dot_general3A_67 = arith.constant dense<0.000000e+00> : vector<1200x16xf32>
    %dot_general3A_68 = tpu.matmul %mul3A_61, %get3A_66, %dot_general3A_67 {dimension_numbers = #tpu.dot_dimension_numbers<[1], [0], [0], [1], [0, 0, 1, 1], [], []>, transpose_lhs_hint = false} : vector<1200x128xf32>, vector<128x16xf32>, vector<1200x16xf32> -> vector<1200x16xf32>
    %add3A_69 = arith.addf %add3A_55, %dot_general3A_68 : vector<1200x16xf32>
    %get3A_70 = arith.constant 4 : index
    %get3A_71 = arith.constant 0 : index
    %get3A_72 = arith.constant 0 : index
    %get3A_73 = vector.load %arg3[%get3A_70, %get3A_71, %get3A_72] : memref<16x1200x128xf32, #tpu.memory_space<vmem>>, vector<1x1200x128xf32>
    %get3A_74 = vector.shape_cast %get3A_73 : vector<1x1200x128xf32> to vector<1200x128xf32>
    %mul3A_75 = arith.mulf %get3A_74, %mul3A_15 : vector<1200x128xf32>
    %get3A_76 = arith.constant 4 : index
    %get3A_77 = arith.constant 0 : index
    %get3A_78 = arith.constant 0 : index
    %get3A_79 = vector.load %arg5[%get3A_76, %get3A_77, %get3A_78] : memref<16x128x16xf32, #tpu.memory_space<vmem>>, vector<1x128x16xf32>
    %get3A_80 = vector.shape_cast %get3A_79 : vector<1x128x16xf32> to vector<128x16xf32>
    %dot_general3A_81 = arith.constant dense<0.000000e+00> : vector<1200x16xf32>
    %dot_general3A_82 = tpu.matmul %mul3A_75, %get3A_80, %dot_general3A_81 {dimension_numbers = #tpu.dot_dimension_numbers<[1], [0], [0], [1], [0, 0, 1, 1], [], []>, transpose_lhs_hint = false} : vector<1200x128xf32>, vector<128x16xf32>, vector<1200x16xf32> -> vector<1200x16xf32>
    %add3A_83 = arith.addf %add3A_69, %dot_general3A_82 : vector<1200x16xf32>
    %get3A_84 = arith.constant 5 : index
    %get3A_85 = arith.constant 0 : index
    %get3A_86 = arith.constant 0 : index
    %get3A_87 = vector.load %arg3[%get3A_84, %get3A_85, %get3A_86] : memref<16x1200x128xf32, #tpu.memory_space<vmem>>, vector<1x1200x128xf32>
    %get3A_88 = vector.shape_cast %get3A_87 : vector<1x1200x128xf32> to vector<1200x128xf32>
    %mul3A_89 = arith.mulf %get3A_88, %mul3A_15 : vector<1200x128xf32>
    %get3A_90 = arith.constant 5 : index
    %get3A_91 = arith.constant 0 : index
    %get3A_92 = arith.constant 0 : index
    %get3A_93 = vector.load %arg5[%get3A_90, %get3A_91, %get3A_92] : memref<16x128x16xf32, #tpu.memory_space<vmem>>, vector<1x128x16xf32>
    %get3A_94 = vector.shape_cast %get3A_93 : vector<1x128x16xf32> to vector<128x16xf32>
    %dot_general3A_95 = arith.constant dense<0.000000e+00> : vector<1200x16xf32>
    %dot_general3A_96 = tpu.matmul %mul3A_89, %get3A_94, %dot_general3A_95 {dimension_numbers = #tpu.dot_dimension_numbers<[1], [0], [0], [1], [0, 0, 1, 1], [], []>, transpose_lhs_hint = false} : vector<1200x128xf32>, vector<128x16xf32>, vector<1200x16xf32> -> vector<1200x16xf32>
    %add3A_97 = arith.addf %add3A_83, %dot_general3A_96 : vector<1200x16xf32>
    %get3A_98 = arith.constant 6 : index
    %get3A_99 = arith.constant 0 : index
    %get3A_100 = arith.constant 0 : index
    %get3A_101 = vector.load %arg3[%get3A_98, %get3A_99, %get3A_100] : memref<16x1200x128xf32, #tpu.memory_space<vmem>>, vector<1x1200x128xf32>
    %get3A_102 = vector.shape_cast %get3A_101 : vector<1x1200x128xf32> to vector<1200x128xf32>
    %mul3A_103 = arith.mulf %get3A_102, %mul3A_15 : vector<1200x128xf32>
    %get3A_104 = arith.constant 6 : index
    %get3A_105 = arith.constant 0 : index
    %get3A_106 = arith.constant 0 : index
    %get3A_107 = vector.load %arg5[%get3A_104, %get3A_105, %get3A_106] : memref<16x128x16xf32, #tpu.memory_space<vmem>>, vector<1x128x16xf32>
    %get3A_108 = vector.shape_cast %get3A_107 : vector<1x128x16xf32> to vector<128x16xf32>
    %dot_general3A_109 = arith.constant dense<0.000000e+00> : vector<1200x16xf32>
    %dot_general3A_110 = tpu.matmul %mul3A_103, %get3A_108, %dot_general3A_109 {dimension_numbers = #tpu.dot_dimension_numbers<[1], [0], [0], [1], [0, 0, 1, 1], [], []>, transpose_lhs_hint = false} : vector<1200x128xf32>, vector<128x16xf32>, vector<1200x16xf32> -> vector<1200x16xf32>
    %add3A_111 = arith.addf %add3A_97, %dot_general3A_110 : vector<1200x16xf32>
    %get3A_112 = arith.constant 7 : index
    %get3A_113 = arith.constant 0 : index
    %get3A_114 = arith.constant 0 : index
    %get3A_115 = vector.load %arg3[%get3A_112, %get3A_113, %get3A_114] : memref<16x1200x128xf32, #tpu.memory_space<vmem>>, vector<1x1200x128xf32>
    %get3A_116 = vector.shape_cast %get3A_115 : vector<1x1200x128xf32> to vector<1200x128xf32>
    %mul3A_117 = arith.mulf %get3A_116, %mul3A_15 : vector<1200x128xf32>
    %get3A_118 = arith.constant 7 : index
    %get3A_119 = arith.constant 0 : index
    %get3A_120 = arith.constant 0 : index
    %get3A_121 = vector.load %arg5[%get3A_118, %get3A_119, %get3A_120] : memref<16x128x16xf32, #tpu.memory_space<vmem>>, vector<1x128x16xf32>
    %get3A_122 = vector.shape_cast %get3A_121 : vector<1x128x16xf32> to vector<128x16xf32>
    %dot_general3A_123 = arith.constant dense<0.000000e+00> : vector<1200x16xf32>
    %dot_general3A_124 = tpu.matmul %mul3A_117, %get3A_122, %dot_general3A_123 {dimension_numbers = #tpu.dot_dimension_numbers<[1], [0], [0], [1], [0, 0, 1, 1], [], []>, transpose_lhs_hint = false} : vector<1200x128xf32>, vector<128x16xf32>, vector<1200x16xf32> -> vector<1200x16xf32>
    %add3A_125 = arith.addf %add3A_111, %dot_general3A_124 : vector<1200x16xf32>
    %get3A_126 = arith.constant 8 : index
    %get3A_127 = arith.constant 0 : index
    %get3A_128 = arith.constant 0 : index
    %get3A_129 = vector.load %arg3[%get3A_126, %get3A_127, %get3A_128] : memref<16x1200x128xf32, #tpu.memory_space<vmem>>, vector<1x1200x128xf32>
    %get3A_130 = vector.shape_cast %get3A_129 : vector<1x1200x128xf32> to vector<1200x128xf32>
    %mul3A_131 = arith.mulf %get3A_130, %mul3A_15 : vector<1200x128xf32>
    %get3A_132 = arith.constant 8 : index
    %get3A_133 = arith.constant 0 : index
    %get3A_134 = arith.constant 0 : index
    %get3A_135 = vector.load %arg5[%get3A_132, %get3A_133, %get3A_134] : memref<16x128x16xf32, #tpu.memory_space<vmem>>, vector<1x128x16xf32>
    %get3A_136 = vector.shape_cast %get3A_135 : vector<1x128x16xf32> to vector<128x16xf32>
    %dot_general3A_137 = arith.constant dense<0.000000e+00> : vector<1200x16xf32>
    %dot_general3A_138 = tpu.matmul %mul3A_131, %get3A_136, %dot_general3A_137 {dimension_numbers = #tpu.dot_dimension_numbers<[1], [0], [0], [1], [0, 0, 1, 1], [], []>, transpose_lhs_hint = false} : vector<1200x128xf32>, vector<128x16xf32>, vector<1200x16xf32> -> vector<1200x16xf32>
    %add3A_139 = arith.addf %add3A_125, %dot_general3A_138 : vector<1200x16xf32>
    %get3A_140 = arith.constant 9 : index
    %get3A_141 = arith.constant 0 : index
    %get3A_142 = arith.constant 0 : index
    %get3A_143 = vector.load %arg3[%get3A_140, %get3A_141, %get3A_142] : memref<16x1200x128xf32, #tpu.memory_space<vmem>>, vector<1x1200x128xf32>
    %get3A_144 = vector.shape_cast %get3A_143 : vector<1x1200x128xf32> to vector<1200x128xf32>
    %mul3A_145 = arith.mulf %get3A_144, %mul3A_15 : vector<1200x128xf32>
    %get3A_146 = arith.constant 9 : index
    %get3A_147 = arith.constant 0 : index
    %get3A_148 = arith.constant 0 : index
    %get3A_149 = vector.load %arg5[%get3A_146, %get3A_147, %get3A_148] : memref<16x128x16xf32, #tpu.memory_space<vmem>>, vector<1x128x16xf32>
    %get3A_150 = vector.shape_cast %get3A_149 : vector<1x128x16xf32> to vector<128x16xf32>
    %dot_general3A_151 = arith.constant dense<0.000000e+00> : vector<1200x16xf32>
    %dot_general3A_152 = tpu.matmul %mul3A_145, %get3A_150, %dot_general3A_151 {dimension_numbers = #tpu.dot_dimension_numbers<[1], [0], [0], [1], [0, 0, 1, 1], [], []>, transpose_lhs_hint = false} : vector<1200x128xf32>, vector<128x16xf32>, vector<1200x16xf32> -> vector<1200x16xf32>
    %add3A_153 = arith.addf %add3A_139, %dot_general3A_152 : vector<1200x16xf32>
    %get3A_154 = arith.constant 10 : index
    %get3A_155 = arith.constant 0 : index
    %get3A_156 = arith.constant 0 : index
    %get3A_157 = vector.load %arg3[%get3A_154, %get3A_155, %get3A_156] : memref<16x1200x128xf32, #tpu.memory_space<vmem>>, vector<1x1200x128xf32>
    %get3A_158 = vector.shape_cast %get3A_157 : vector<1x1200x128xf32> to vector<1200x128xf32>
    %mul3A_159 = arith.mulf %get3A_158, %mul3A_15 : vector<1200x128xf32>
    %get3A_160 = arith.constant 10 : index
    %get3A_161 = arith.constant 0 : index
    %get3A_162 = arith.constant 0 : index
    %get3A_163 = vector.load %arg5[%get3A_160, %get3A_161, %get3A_162] : memref<16x128x16xf32, #tpu.memory_space<vmem>>, vector<1x128x16xf32>
    %get3A_164 = vector.shape_cast %get3A_163 : vector<1x128x16xf32> to vector<128x16xf32>
    %dot_general3A_165 = arith.constant dense<0.000000e+00> : vector<1200x16xf32>
    %dot_general3A_166 = tpu.matmul %mul3A_159, %get3A_164, %dot_general3A_165 {dimension_numbers = #tpu.dot_dimension_numbers<[1], [0], [0], [1], [0, 0, 1, 1], [], []>, transpose_lhs_hint = false} : vector<1200x128xf32>, vector<128x16xf32>, vector<1200x16xf32> -> vector<1200x16xf32>
    %add3A_167 = arith.addf %add3A_153, %dot_general3A_166 : vector<1200x16xf32>
    %get3A_168 = arith.constant 11 : index
    %get3A_169 = arith.constant 0 : index
    %get3A_170 = arith.constant 0 : index
    %get3A_171 = vector.load %arg3[%get3A_168, %get3A_169, %get3A_170] : memref<16x1200x128xf32, #tpu.memory_space<vmem>>, vector<1x1200x128xf32>
    %get3A_172 = vector.shape_cast %get3A_171 : vector<1x1200x128xf32> to vector<1200x128xf32>
    %mul3A_173 = arith.mulf %get3A_172, %mul3A_15 : vector<1200x128xf32>
    %get3A_174 = arith.constant 11 : index
    %get3A_175 = arith.constant 0 : index
    %get3A_176 = arith.constant 0 : index
    %get3A_177 = vector.load %arg5[%get3A_174, %get3A_175, %get3A_176] : memref<16x128x16xf32, #tpu.memory_space<vmem>>, vector<1x128x16xf32>
    %get3A_178 = vector.shape_cast %get3A_177 : vector<1x128x16xf32> to vector<128x16xf32>
    %dot_general3A_179 = arith.constant dense<0.000000e+00> : vector<1200x16xf32>
    %dot_general3A_180 = tpu.matmul %mul3A_173, %get3A_178, %dot_general3A_179 {dimension_numbers = #tpu.dot_dimension_numbers<[1], [0], [0], [1], [0, 0, 1, 1], [], []>, transpose_lhs_hint = false} : vector<1200x128xf32>, vector<128x16xf32>, vector<1200x16xf32> -> vector<1200x16xf32>
    %add3A_181 = arith.addf %add3A_167, %dot_general3A_180 : vector<1200x16xf32>
    %get3A_182 = arith.constant 12 : index
    %get3A_183 = arith.constant 0 : index
    %get3A_184 = arith.constant 0 : index
    %get3A_185 = vector.load %arg3[%get3A_182, %get3A_183, %get3A_184] : memref<16x1200x128xf32, #tpu.memory_space<vmem>>, vector<1x1200x128xf32>
    %get3A_186 = vector.shape_cast %get3A_185 : vector<1x1200x128xf32> to vector<1200x128xf32>
    %mul3A_187 = arith.mulf %get3A_186, %mul3A_15 : vector<1200x128xf32>
    %get3A_188 = arith.constant 12 : index
    %get3A_189 = arith.constant 0 : index
    %get3A_190 = arith.constant 0 : index
    %get3A_191 = vector.load %arg5[%get3A_188, %get3A_189, %get3A_190] : memref<16x128x16xf32, #tpu.memory_space<vmem>>, vector<1x128x16xf32>
    %get3A_192 = vector.shape_cast %get3A_191 : vector<1x128x16xf32> to vector<128x16xf32>
    %dot_general3A_193 = arith.constant dense<0.000000e+00> : vector<1200x16xf32>
    %dot_general3A_194 = tpu.matmul %mul3A_187, %get3A_192, %dot_general3A_193 {dimension_numbers = #tpu.dot_dimension_numbers<[1], [0], [0], [1], [0, 0, 1, 1], [], []>, transpose_lhs_hint = false} : vector<1200x128xf32>, vector<128x16xf32>, vector<1200x16xf32> -> vector<1200x16xf32>
    %add3A_195 = arith.addf %add3A_181, %dot_general3A_194 : vector<1200x16xf32>
    %get3A_196 = arith.constant 13 : index
    %get3A_197 = arith.constant 0 : index
    %get3A_198 = arith.constant 0 : index
    %get3A_199 = vector.load %arg3[%get3A_196, %get3A_197, %get3A_198] : memref<16x1200x128xf32, #tpu.memory_space<vmem>>, vector<1x1200x128xf32>
    %get3A_200 = vector.shape_cast %get3A_199 : vector<1x1200x128xf32> to vector<1200x128xf32>
    %mul3A_201 = arith.mulf %get3A_200, %mul3A_15 : vector<1200x128xf32>
    %get3A_202 = arith.constant 13 : index
    %get3A_203 = arith.constant 0 : index
    %get3A_204 = arith.constant 0 : index
    %get3A_205 = vector.load %arg5[%get3A_202, %get3A_203, %get3A_204] : memref<16x128x16xf32, #tpu.memory_space<vmem>>, vector<1x128x16xf32>
    %get3A_206 = vector.shape_cast %get3A_205 : vector<1x128x16xf32> to vector<128x16xf32>
    %dot_general3A_207 = arith.constant dense<0.000000e+00> : vector<1200x16xf32>
    %dot_general3A_208 = tpu.matmul %mul3A_201, %get3A_206, %dot_general3A_207 {dimension_numbers = #tpu.dot_dimension_numbers<[1], [0], [0], [1], [0, 0, 1, 1], [], []>, transpose_lhs_hint = false} : vector<1200x128xf32>, vector<128x16xf32>, vector<1200x16xf32> -> vector<1200x16xf32>
    %add3A_209 = arith.addf %add3A_195, %dot_general3A_208 : vector<1200x16xf32>
    %get3A_210 = arith.constant 14 : index
    %get3A_211 = arith.constant 0 : index
    %get3A_212 = arith.constant 0 : index
    %get3A_213 = vector.load %arg3[%get3A_210, %get3A_211, %get3A_212] : memref<16x1200x128xf32, #tpu.memory_space<vmem>>, vector<1x1200x128xf32>
    %get3A_214 = vector.shape_cast %get3A_213 : vector<1x1200x128xf32> to vector<1200x128xf32>
    %mul3A_215 = arith.mulf %get3A_214, %mul3A_15 : vector<1200x128xf32>
    %get3A_216 = arith.constant 14 : index
    %get3A_217 = arith.constant 0 : index
    %get3A_218 = arith.constant 0 : index
    %get3A_219 = vector.load %arg5[%get3A_216, %get3A_217, %get3A_218] : memref<16x128x16xf32, #tpu.memory_space<vmem>>, vector<1x128x16xf32>
    %get3A_220 = vector.shape_cast %get3A_219 : vector<1x128x16xf32> to vector<128x16xf32>
    %dot_general3A_221 = arith.constant dense<0.000000e+00> : vector<1200x16xf32>
    %dot_general3A_222 = tpu.matmul %mul3A_215, %get3A_220, %dot_general3A_221 {dimension_numbers = #tpu.dot_dimension_numbers<[1], [0], [0], [1], [0, 0, 1, 1], [], []>, transpose_lhs_hint = false} : vector<1200x128xf32>, vector<128x16xf32>, vector<1200x16xf32> -> vector<1200x16xf32>
    %add3A_223 = arith.addf %add3A_209, %dot_general3A_222 : vector<1200x16xf32>
    %get3A_224 = arith.constant 15 : index
    %get3A_225 = arith.constant 0 : index
    %get3A_226 = arith.constant 0 : index
    %get3A_227 = vector.load %arg3[%get3A_224, %get3A_225, %get3A_226] : memref<16x1200x128xf32, #tpu.memory_space<vmem>>, vector<1x1200x128xf32>
    %get3A_228 = vector.shape_cast %get3A_227 : vector<1x1200x128xf32> to vector<1200x128xf32>
    %mul3A_229 = arith.mulf %get3A_228, %mul3A_15 : vector<1200x128xf32>
    %get3A_230 = arith.constant 15 : index
    %get3A_231 = arith.constant 0 : index
    %get3A_232 = arith.constant 0 : index
    %get3A_233 = vector.load %arg5[%get3A_230, %get3A_231, %get3A_232] : memref<16x128x16xf32, #tpu.memory_space<vmem>>, vector<1x128x16xf32>
    %get3A_234 = vector.shape_cast %get3A_233 : vector<1x128x16xf32> to vector<128x16xf32>
    %dot_general3A_235 = arith.constant dense<0.000000e+00> : vector<1200x16xf32>
    %dot_general3A_236 = tpu.matmul %mul3A_229, %get3A_234, %dot_general3A_235 {dimension_numbers = #tpu.dot_dimension_numbers<[1], [0], [0], [1], [0, 0, 1, 1], [], []>, transpose_lhs_hint = false} : vector<1200x128xf32>, vector<128x16xf32>, vector<1200x16xf32> -> vector<1200x16xf32>
    %add3A_237 = arith.addf %add3A_223, %dot_general3A_236 : vector<1200x16xf32>
    %reduce_sum3A = arith.constant dense<0.000000e+00> : vector<1200xf32>
    %reduce_sum3A_238 = vector.multi_reduction <add>, %get3A_4, %reduce_sum3A [1] : vector<1200x16xf32> to vector<1200xf32>
    %broadcast_in_dim3A = vector.shape_cast %reduce_sum3A_238 : vector<1200xf32> to vector<1200x1xf32>
    %mul3A_239 = arith.constant 9.99999997E-7 : f32
    %mul3A_240 = vector.broadcast %mul3A_239 : f32 to vector<1200x1xf32>
    %mul3A_241 = arith.mulf %mul3A_240, %broadcast_in_dim3A : vector<1200x1xf32>
    %add3A_242 = vector.broadcast %mul3A_241 : vector<1200x1xf32> to vector<1200x16xf32>
    %add3A_243 = arith.addf %get3A_4, %add3A_242 : vector<1200x16xf32>
    %add3A_244 = arith.constant 9.99999996E-13 : f32
    %add3A_245 = vector.broadcast %add3A_244 : f32 to vector<1200x16xf32>
    %add3A_246 = arith.addf %add3A_243, %add3A_245 : vector<1200x16xf32>
    %log3A = math.log %add3A_246 : vector<1200x16xf32>
    %add3A_247 = arith.addf %add3A_237, %log3A : vector<1200x16xf32>
    %reduce_max3A = arith.constant dense<0xFF800000> : vector<1200xf32>
    %reduce_max3A_248 = vector.multi_reduction <maximumf>, %add3A_247, %reduce_max3A [1] : vector<1200x16xf32> to vector<1200xf32>
    %broadcast_in_dim3A_249 = vector.shape_cast %reduce_max3A_248 : vector<1200xf32> to vector<1200x1xf32>
    %sub3A = vector.broadcast %broadcast_in_dim3A_249 : vector<1200x1xf32> to vector<1200x16xf32>
    %sub3A_250 = arith.subf %add3A_247, %sub3A : vector<1200x16xf32>
    %exp3A = math.exp %sub3A_250 : vector<1200x16xf32>
    %reduce_sum3A_251 = arith.constant dense<0.000000e+00> : vector<1200xf32>
    %reduce_sum3A_252 = vector.multi_reduction <add>, %exp3A, %reduce_sum3A_251 [1] : vector<1200x16xf32> to vector<1200xf32>
    %broadcast_in_dim3A_253 = vector.shape_cast %reduce_sum3A_252 : vector<1200xf32> to vector<1200x1xf32>
    %div3A = vector.broadcast %broadcast_in_dim3A_253 : vector<1200x1xf32> to vector<1200x16xf32>
    %div3A_254 = arith.divf %exp3A, %div3A : vector<1200x16xf32>
    %slice3A = vector.extract_strided_slice %div3A_254 {offsets = [0, 0], sizes = [1200, 1], strides = [1, 1]} : vector<1200x16xf32> to vector<1200x1xf32>
    %get3A_255 = arith.constant 0 : index
    %get3A_256 = arith.constant 0 : index
    %get3A_257 = arith.constant 0 : index
    %get3A_258 = vector.load %arg3[%get3A_255, %get3A_256, %get3A_257] : memref<16x1200x128xf32, #tpu.memory_space<vmem>>, vector<1x1200x128xf32>
    %get3A_259 = vector.shape_cast %get3A_258 : vector<1x1200x128xf32> to vector<1200x128xf32>
    %mul3A_260 = vector.broadcast %slice3A : vector<1200x1xf32> to vector<1200x128xf32>
    %mul3A_261 = arith.mulf %mul3A_260, %get3A_259 : vector<1200x128xf32>
    %slice3A_262 = vector.extract_strided_slice %div3A_254 {offsets = [0, 1], sizes = [1200, 1], strides = [1, 1]} : vector<1200x16xf32> to vector<1200x1xf32>
    %get3A_263 = arith.constant 1 : index
    %get3A_264 = arith.constant 0 : index
    %get3A_265 = arith.constant 0 : index
    %get3A_266 = vector.load %arg3[%get3A_263, %get3A_264, %get3A_265] : memref<16x1200x128xf32, #tpu.memory_space<vmem>>, vector<1x1200x128xf32>
    %get3A_267 = vector.shape_cast %get3A_266 : vector<1x1200x128xf32> to vector<1200x128xf32>
    %mul3A_268 = vector.broadcast %slice3A_262 : vector<1200x1xf32> to vector<1200x128xf32>
    %mul3A_269 = arith.mulf %mul3A_268, %get3A_267 : vector<1200x128xf32>
    %add3A_270 = arith.addf %mul3A_261, %mul3A_269 : vector<1200x128xf32>
    %slice3A_271 = vector.extract_strided_slice %div3A_254 {offsets = [0, 2], sizes = [1200, 1], strides = [1, 1]} : vector<1200x16xf32> to vector<1200x1xf32>
    %get3A_272 = arith.constant 2 : index
    %get3A_273 = arith.constant 0 : index
    %get3A_274 = arith.constant 0 : index
    %get3A_275 = vector.load %arg3[%get3A_272, %get3A_273, %get3A_274] : memref<16x1200x128xf32, #tpu.memory_space<vmem>>, vector<1x1200x128xf32>
    %get3A_276 = vector.shape_cast %get3A_275 : vector<1x1200x128xf32> to vector<1200x128xf32>
    %mul3A_277 = vector.broadcast %slice3A_271 : vector<1200x1xf32> to vector<1200x128xf32>
    %mul3A_278 = arith.mulf %mul3A_277, %get3A_276 : vector<1200x128xf32>
    %add3A_279 = arith.addf %add3A_270, %mul3A_278 : vector<1200x128xf32>
    %slice3A_280 = vector.extract_strided_slice %div3A_254 {offsets = [0, 3], sizes = [1200, 1], strides = [1, 1]} : vector<1200x16xf32> to vector<1200x1xf32>
    %get3A_281 = arith.constant 3 : index
    %get3A_282 = arith.constant 0 : index
    %get3A_283 = arith.constant 0 : index
    %get3A_284 = vector.load %arg3[%get3A_281, %get3A_282, %get3A_283] : memref<16x1200x128xf32, #tpu.memory_space<vmem>>, vector<1x1200x128xf32>
    %get3A_285 = vector.shape_cast %get3A_284 : vector<1x1200x128xf32> to vector<1200x128xf32>
    %mul3A_286 = vector.broadcast %slice3A_280 : vector<1200x1xf32> to vector<1200x128xf32>
    %mul3A_287 = arith.mulf %mul3A_286, %get3A_285 : vector<1200x128xf32>
    %add3A_288 = arith.addf %add3A_279, %mul3A_287 : vector<1200x128xf32>
    %slice3A_289 = vector.extract_strided_slice %div3A_254 {offsets = [0, 4], sizes = [1200, 1], strides = [1, 1]} : vector<1200x16xf32> to vector<1200x1xf32>
    %get3A_290 = arith.constant 4 : index
    %get3A_291 = arith.constant 0 : index
    %get3A_292 = arith.constant 0 : index
    %get3A_293 = vector.load %arg3[%get3A_290, %get3A_291, %get3A_292] : memref<16x1200x128xf32, #tpu.memory_space<vmem>>, vector<1x1200x128xf32>
    %get3A_294 = vector.shape_cast %get3A_293 : vector<1x1200x128xf32> to vector<1200x128xf32>
    %mul3A_295 = vector.broadcast %slice3A_289 : vector<1200x1xf32> to vector<1200x128xf32>
    %mul3A_296 = arith.mulf %mul3A_295, %get3A_294 : vector<1200x128xf32>
    %add3A_297 = arith.addf %add3A_288, %mul3A_296 : vector<1200x128xf32>
    %slice3A_298 = vector.extract_strided_slice %div3A_254 {offsets = [0, 5], sizes = [1200, 1], strides = [1, 1]} : vector<1200x16xf32> to vector<1200x1xf32>
    %get3A_299 = arith.constant 5 : index
    %get3A_300 = arith.constant 0 : index
    %get3A_301 = arith.constant 0 : index
    %get3A_302 = vector.load %arg3[%get3A_299, %get3A_300, %get3A_301] : memref<16x1200x128xf32, #tpu.memory_space<vmem>>, vector<1x1200x128xf32>
    %get3A_303 = vector.shape_cast %get3A_302 : vector<1x1200x128xf32> to vector<1200x128xf32>
    %mul3A_304 = vector.broadcast %slice3A_298 : vector<1200x1xf32> to vector<1200x128xf32>
    %mul3A_305 = arith.mulf %mul3A_304, %get3A_303 : vector<1200x128xf32>
    %add3A_306 = arith.addf %add3A_297, %mul3A_305 : vector<1200x128xf32>
    %slice3A_307 = vector.extract_strided_slice %div3A_254 {offsets = [0, 6], sizes = [1200, 1], strides = [1, 1]} : vector<1200x16xf32> to vector<1200x1xf32>
    %get3A_308 = arith.constant 6 : index
    %get3A_309 = arith.constant 0 : index
    %get3A_310 = arith.constant 0 : index
    %get3A_311 = vector.load %arg3[%get3A_308, %get3A_309, %get3A_310] : memref<16x1200x128xf32, #tpu.memory_space<vmem>>, vector<1x1200x128xf32>
    %get3A_312 = vector.shape_cast %get3A_311 : vector<1x1200x128xf32> to vector<1200x128xf32>
    %mul3A_313 = vector.broadcast %slice3A_307 : vector<1200x1xf32> to vector<1200x128xf32>
    %mul3A_314 = arith.mulf %mul3A_313, %get3A_312 : vector<1200x128xf32>
    %add3A_315 = arith.addf %add3A_306, %mul3A_314 : vector<1200x128xf32>
    %slice3A_316 = vector.extract_strided_slice %div3A_254 {offsets = [0, 7], sizes = [1200, 1], strides = [1, 1]} : vector<1200x16xf32> to vector<1200x1xf32>
    %get3A_317 = arith.constant 7 : index
    %get3A_318 = arith.constant 0 : index
    %get3A_319 = arith.constant 0 : index
    %get3A_320 = vector.load %arg3[%get3A_317, %get3A_318, %get3A_319] : memref<16x1200x128xf32, #tpu.memory_space<vmem>>, vector<1x1200x128xf32>
    %get3A_321 = vector.shape_cast %get3A_320 : vector<1x1200x128xf32> to vector<1200x128xf32>
    %mul3A_322 = vector.broadcast %slice3A_316 : vector<1200x1xf32> to vector<1200x128xf32>
    %mul3A_323 = arith.mulf %mul3A_322, %get3A_321 : vector<1200x128xf32>
    %add3A_324 = arith.addf %add3A_315, %mul3A_323 : vector<1200x128xf32>
    %slice3A_325 = vector.extract_strided_slice %div3A_254 {offsets = [0, 8], sizes = [1200, 1], strides = [1, 1]} : vector<1200x16xf32> to vector<1200x1xf32>
    %get3A_326 = arith.constant 8 : index
    %get3A_327 = arith.constant 0 : index
    %get3A_328 = arith.constant 0 : index
    %get3A_329 = vector.load %arg3[%get3A_326, %get3A_327, %get3A_328] : memref<16x1200x128xf32, #tpu.memory_space<vmem>>, vector<1x1200x128xf32>
    %get3A_330 = vector.shape_cast %get3A_329 : vector<1x1200x128xf32> to vector<1200x128xf32>
    %mul3A_331 = vector.broadcast %slice3A_325 : vector<1200x1xf32> to vector<1200x128xf32>
    %mul3A_332 = arith.mulf %mul3A_331, %get3A_330 : vector<1200x128xf32>
    %add3A_333 = arith.addf %add3A_324, %mul3A_332 : vector<1200x128xf32>
    %slice3A_334 = vector.extract_strided_slice %div3A_254 {offsets = [0, 9], sizes = [1200, 1], strides = [1, 1]} : vector<1200x16xf32> to vector<1200x1xf32>
    %get3A_335 = arith.constant 9 : index
    %get3A_336 = arith.constant 0 : index
    %get3A_337 = arith.constant 0 : index
    %get3A_338 = vector.load %arg3[%get3A_335, %get3A_336, %get3A_337] : memref<16x1200x128xf32, #tpu.memory_space<vmem>>, vector<1x1200x128xf32>
    %get3A_339 = vector.shape_cast %get3A_338 : vector<1x1200x128xf32> to vector<1200x128xf32>
    %mul3A_340 = vector.broadcast %slice3A_334 : vector<1200x1xf32> to vector<1200x128xf32>
    %mul3A_341 = arith.mulf %mul3A_340, %get3A_339 : vector<1200x128xf32>
    %add3A_342 = arith.addf %add3A_333, %mul3A_341 : vector<1200x128xf32>
    %slice3A_343 = vector.extract_strided_slice %div3A_254 {offsets = [0, 10], sizes = [1200, 1], strides = [1, 1]} : vector<1200x16xf32> to vector<1200x1xf32>
    %get3A_344 = arith.constant 10 : index
    %get3A_345 = arith.constant 0 : index
    %get3A_346 = arith.constant 0 : index
    %get3A_347 = vector.load %arg3[%get3A_344, %get3A_345, %get3A_346] : memref<16x1200x128xf32, #tpu.memory_space<vmem>>, vector<1x1200x128xf32>
    %get3A_348 = vector.shape_cast %get3A_347 : vector<1x1200x128xf32> to vector<1200x128xf32>
    %mul3A_349 = vector.broadcast %slice3A_343 : vector<1200x1xf32> to vector<1200x128xf32>
    %mul3A_350 = arith.mulf %mul3A_349, %get3A_348 : vector<1200x128xf32>
    %add3A_351 = arith.addf %add3A_342, %mul3A_350 : vector<1200x128xf32>
    %slice3A_352 = vector.extract_strided_slice %div3A_254 {offsets = [0, 11], sizes = [1200, 1], strides = [1, 1]} : vector<1200x16xf32> to vector<1200x1xf32>
    %get3A_353 = arith.constant 11 : index
    %get3A_354 = arith.constant 0 : index
    %get3A_355 = arith.constant 0 : index
    %get3A_356 = vector.load %arg3[%get3A_353, %get3A_354, %get3A_355] : memref<16x1200x128xf32, #tpu.memory_space<vmem>>, vector<1x1200x128xf32>
    %get3A_357 = vector.shape_cast %get3A_356 : vector<1x1200x128xf32> to vector<1200x128xf32>
    %mul3A_358 = vector.broadcast %slice3A_352 : vector<1200x1xf32> to vector<1200x128xf32>
    %mul3A_359 = arith.mulf %mul3A_358, %get3A_357 : vector<1200x128xf32>
    %add3A_360 = arith.addf %add3A_351, %mul3A_359 : vector<1200x128xf32>
    %slice3A_361 = vector.extract_strided_slice %div3A_254 {offsets = [0, 12], sizes = [1200, 1], strides = [1, 1]} : vector<1200x16xf32> to vector<1200x1xf32>
    %get3A_362 = arith.constant 12 : index
    %get3A_363 = arith.constant 0 : index
    %get3A_364 = arith.constant 0 : index
    %get3A_365 = vector.load %arg3[%get3A_362, %get3A_363, %get3A_364] : memref<16x1200x128xf32, #tpu.memory_space<vmem>>, vector<1x1200x128xf32>
    %get3A_366 = vector.shape_cast %get3A_365 : vector<1x1200x128xf32> to vector<1200x128xf32>
    %mul3A_367 = vector.broadcast %slice3A_361 : vector<1200x1xf32> to vector<1200x128xf32>
    %mul3A_368 = arith.mulf %mul3A_367, %get3A_366 : vector<1200x128xf32>
    %add3A_369 = arith.addf %add3A_360, %mul3A_368 : vector<1200x128xf32>
    %slice3A_370 = vector.extract_strided_slice %div3A_254 {offsets = [0, 13], sizes = [1200, 1], strides = [1, 1]} : vector<1200x16xf32> to vector<1200x1xf32>
    %get3A_371 = arith.constant 13 : index
    %get3A_372 = arith.constant 0 : index
    %get3A_373 = arith.constant 0 : index
    %get3A_374 = vector.load %arg3[%get3A_371, %get3A_372, %get3A_373] : memref<16x1200x128xf32, #tpu.memory_space<vmem>>, vector<1x1200x128xf32>
    %get3A_375 = vector.shape_cast %get3A_374 : vector<1x1200x128xf32> to vector<1200x128xf32>
    %mul3A_376 = vector.broadcast %slice3A_370 : vector<1200x1xf32> to vector<1200x128xf32>
    %mul3A_377 = arith.mulf %mul3A_376, %get3A_375 : vector<1200x128xf32>
    %add3A_378 = arith.addf %add3A_369, %mul3A_377 : vector<1200x128xf32>
    %slice3A_379 = vector.extract_strided_slice %div3A_254 {offsets = [0, 14], sizes = [1200, 1], strides = [1, 1]} : vector<1200x16xf32> to vector<1200x1xf32>
    %get3A_380 = arith.constant 14 : index
    %get3A_381 = arith.constant 0 : index
    %get3A_382 = arith.constant 0 : index
    %get3A_383 = vector.load %arg3[%get3A_380, %get3A_381, %get3A_382] : memref<16x1200x128xf32, #tpu.memory_space<vmem>>, vector<1x1200x128xf32>
    %get3A_384 = vector.shape_cast %get3A_383 : vector<1x1200x128xf32> to vector<1200x128xf32>
    %mul3A_385 = vector.broadcast %slice3A_379 : vector<1200x1xf32> to vector<1200x128xf32>
    %mul3A_386 = arith.mulf %mul3A_385, %get3A_384 : vector<1200x128xf32>
    %add3A_387 = arith.addf %add3A_378, %mul3A_386 : vector<1200x128xf32>
    %slice3A_388 = vector.extract_strided_slice %div3A_254 {offsets = [0, 15], sizes = [1200, 1], strides = [1, 1]} : vector<1200x16xf32> to vector<1200x1xf32>
    %get3A_389 = arith.constant 15 : index
    %get3A_390 = arith.constant 0 : index
    %get3A_391 = arith.constant 0 : index
    %get3A_392 = vector.load %arg3[%get3A_389, %get3A_390, %get3A_391] : memref<16x1200x128xf32, #tpu.memory_space<vmem>>, vector<1x1200x128xf32>
    %get3A_393 = vector.shape_cast %get3A_392 : vector<1x1200x128xf32> to vector<1200x128xf32>
    %mul3A_394 = vector.broadcast %slice3A_388 : vector<1200x1xf32> to vector<1200x128xf32>
    %mul3A_395 = arith.mulf %mul3A_394, %get3A_393 : vector<1200x128xf32>
    %add3A_396 = arith.addf %add3A_387, %mul3A_395 : vector<1200x128xf32>
    %get3A_397 = arith.constant 0 : index
    %get3A_398 = arith.constant 0 : index
    %get3A_399 = vector.load %arg8[%get3A_397, %get3A_398] : memref<128x128xf32, #tpu.memory_space<vmem>>, vector<128x128xf32>
    %dot_general3A_400 = arith.constant dense<0.000000e+00> : vector<1200x128xf32>
    %dot_general3A_401 = tpu.matmul %add3A_396, %get3A_399, %dot_general3A_400 {dimension_numbers = #tpu.dot_dimension_numbers<[1], [1], [0], [0], [0, 0, 1, 0], [], []>, transpose_lhs_hint = false} : vector<1200x128xf32>, vector<128x128xf32>, vector<1200x128xf32> -> vector<1200x128xf32>
    %get3A_402 = arith.constant 0 : index
    %get3A_403 = arith.constant 0 : index
    %get3A_404 = vector.load %arg9[%get3A_402, %get3A_403] : memref<1x128xf32, #tpu.memory_space<vmem>>, vector<1x128xf32>
    %mul3A_405 = vector.broadcast %get3A_404 : vector<1x128xf32> to vector<1200x128xf32>
    %mul3A_406 = arith.mulf %get3A_1, %mul3A_405 : vector<1200x128xf32>
    %reduce_sum3A_407 = arith.constant dense<0.000000e+00> : vector<1200xf32>
    %reduce_sum3A_408 = vector.multi_reduction <add>, %mul3A_406, %reduce_sum3A_407 [1] : vector<1200x128xf32> to vector<1200xf32>
    %broadcast_in_dim3A_409 = vector.shape_cast %reduce_sum3A_408 : vector<1200xf32> to vector<1200x1xf32>
    %get3A_410 = arith.constant 0 : index
    %get3A_411 = arith.constant 0 : index
    %get3A_412 = vector.load %arg10[%get3A_410, %get3A_411] : memref<1x1xf32, #tpu.memory_space<vmem>>, vector<1x1xf32>
    %get3A_413 = vector.extract %get3A_412[0, 0] : f32 from vector<1x1xf32>
    %add3A_414 = vector.broadcast %get3A_413 : f32 to vector<1200x1xf32>
    %add3A_415 = arith.addf %broadcast_in_dim3A_409, %add3A_414 : vector<1200x1xf32>
    %logistic3A = arith.negf %add3A_415 : vector<1200x1xf32>
    %logistic3A_416 = math.exp %logistic3A : vector<1200x1xf32>
    %logistic3A_417 = arith.constant 1.000000e+00 : f32
    %logistic3A_418 = vector.broadcast %logistic3A_417 : f32 to vector<1200x1xf32>
    %logistic3A_419 = arith.addf %logistic3A_418, %logistic3A_416 : vector<1200x1xf32>
    %logistic3A_420 = arith.divf %logistic3A_418, %logistic3A_419 : vector<1200x1xf32>
    %mul3A_421 = vector.broadcast %logistic3A_420 : vector<1200x1xf32> to vector<1200x128xf32>
    %mul3A_422 = arith.mulf %mul3A_421, %dot_general3A_401 : vector<1200x128xf32>
    %add3A_423 = arith.addf %get3A_1, %mul3A_422 : vector<1200x128xf32>
    %reduce_sum3A_424 = arith.constant dense<0.000000e+00> : vector<1200xf32>
    %reduce_sum3A_425 = vector.multi_reduction <add>, %add3A_423, %reduce_sum3A_424 [1] : vector<1200x128xf32> to vector<1200xf32>
    %broadcast_in_dim3A_426 = vector.shape_cast %reduce_sum3A_425 : vector<1200xf32> to vector<1200x1xf32>
    %div3A_427 = arith.constant 1.280000e+02 : f32
    %div3A_428 = vector.broadcast %div3A_427 : f32 to vector<1200x1xf32>
    %div3A_429 = arith.divf %broadcast_in_dim3A_426, %div3A_428 : vector<1200x1xf32>
    %sub3A_430 = vector.broadcast %div3A_429 : vector<1200x1xf32> to vector<1200x128xf32>
    %sub3A_431 = arith.subf %add3A_423, %sub3A_430 : vector<1200x128xf32>
    %integer_pow3A = arith.mulf %sub3A_431, %sub3A_431 : vector<1200x128xf32>
    %reduce_sum3A_432 = arith.constant dense<0.000000e+00> : vector<1200xf32>
    %reduce_sum3A_433 = vector.multi_reduction <add>, %integer_pow3A, %reduce_sum3A_432 [1] : vector<1200x128xf32> to vector<1200xf32>
    %broadcast_in_dim3A_434 = vector.shape_cast %reduce_sum3A_433 : vector<1200xf32> to vector<1200x1xf32>
    %div3A_435 = arith.constant 1.280000e+02 : f32
    %div3A_436 = vector.broadcast %div3A_435 : f32 to vector<1200x1xf32>
    %div3A_437 = arith.divf %broadcast_in_dim3A_434, %div3A_436 : vector<1200x1xf32>
    %sub3A_438 = vector.broadcast %div3A_429 : vector<1200x1xf32> to vector<1200x128xf32>
    %sub3A_439 = arith.subf %add3A_423, %sub3A_438 : vector<1200x128xf32>
    %add3A_440 = arith.constant 9.99999974E-6 : f32
    %add3A_441 = vector.broadcast %add3A_440 : f32 to vector<1200x1xf32>
    %add3A_442 = arith.addf %div3A_437, %add3A_441 : vector<1200x1xf32>
    %rsqrt3A = math.rsqrt %add3A_442 : vector<1200x1xf32>
    %mul3A_443 = vector.broadcast %rsqrt3A : vector<1200x1xf32> to vector<1200x128xf32>
    %mul3A_444 = arith.mulf %sub3A_439, %mul3A_443 : vector<1200x128xf32>
    %get3A_445 = arith.constant 0 : index
    %get3A_446 = arith.constant 0 : index
    %get3A_447 = vector.load %arg11[%get3A_445, %get3A_446] : memref<1x128xf32, #tpu.memory_space<vmem>>, vector<1x128xf32>
    %mul3A_448 = vector.broadcast %get3A_447 : vector<1x128xf32> to vector<1200x128xf32>
    %mul3A_449 = arith.mulf %mul3A_444, %mul3A_448 : vector<1200x128xf32>
    %get3A_450 = arith.constant 0 : index
    %get3A_451 = arith.constant 0 : index
    %get3A_452 = vector.load %arg12[%get3A_450, %get3A_451] : memref<1x128xf32, #tpu.memory_space<vmem>>, vector<1x128xf32>
    %add3A_453 = vector.broadcast %get3A_452 : vector<1x128xf32> to vector<1200x128xf32>
    %add3A_454 = arith.addf %mul3A_449, %add3A_453 : vector<1200x128xf32>
    %swap3A = arith.constant 0 : index
    %swap3A_455 = arith.constant 0 : index
    %swap3A_456 = vector.load %arg13[%swap3A, %swap3A_455] : memref<1200x128xf32, #tpu.memory_space<vmem>>, vector<1200x128xf32>
    tpu.vector_store %arg13[%swap3A, %swap3A_455], %add3A_454 {strides = array<i32>} : memref<1200x128xf32, #tpu.memory_space<vmem>>, vector<1200x128xf32>,
    return
  }
  func.func @transform_1(%arg0: i32) -> (i32, i32) {
    %add3A = arith.constant 16 : i32
    %add3A_0 = arith.addi %arg0, %add3A : i32
    %c0_i32 = arith.constant 0 : i32
    %c0_i32_1 = arith.constant 0 : i32
    return %add3A_0, %c0_i32 : i32, i32
  }
  func.func @transform_2(%arg0: i32) -> (i32, i32, i32) {
    %c0_i32 = arith.constant 0 : i32
    %c0_i32_0 = arith.constant 0 : i32
    %c0_i32_1 = arith.constant 0 : i32
    return %c0_i32, %arg0, %c0_i32_0 : i32, i32, i32
  }
  func.func @transform_3(%arg0: i32) -> (i32, i32) {
    %add3A = arith.constant 16 : i32
    %add3A_0 = arith.addi %arg0, %add3A : i32
    %c0_i32 = arith.constant 0 : i32
    %c0_i32_1 = arith.constant 0 : i32
    return %add3A_0, %c0_i32 : i32, i32
  }
  func.func @transform_4(%arg0: i32) -> (i32, i32, i32) {
    %c0_i32 = arith.constant 0 : i32
    %c0_i32_0 = arith.constant 0 : i32
    %c0_i32_1 = arith.constant 0 : i32
    %c0_i32_2 = arith.constant 0 : i32
    return %c0_i32, %c0_i32_0, %c0_i32_1 : i32, i32, i32
  }
  func.func @transform_5(%arg0: i32) -> (i32, i32) {
    %c0_i32 = arith.constant 0 : i32
    %c0_i32_0 = arith.constant 0 : i32
    %c0_i32_1 = arith.constant 0 : i32
    return %c0_i32, %c0_i32_0 : i32, i32
  }
  func.func @transform_6(%arg0: i32) -> (i32, i32) {
    %c0_i32 = arith.constant 0 : i32
    %c0_i32_0 = arith.constant 0 : i32
    %c0_i32_1 = arith.constant 0 : i32
    return %c0_i32, %c0_i32_0 : i32, i32
  }
  func.func @transform_7(%arg0: i32) -> (i32, i32) {
    %c0_i32 = arith.constant 0 : i32
    %c0_i32_0 = arith.constant 0 : i32
    %c0_i32_1 = arith.constant 0 : i32
    return %c0_i32, %c0_i32_0 : i32, i32
  }
  func.func @transform_8(%arg0: i32) -> (i32, i32) {
    %c0_i32 = arith.constant 0 : i32
    %c0_i32_0 = arith.constant 0 : i32
    %c0_i32_1 = arith.constant 0 : i32
    return %c0_i32, %c0_i32_0 : i32, i32
  }
  func.func @transform_9(%arg0: i32) -> (i32, i32) {
    %c0_i32 = arith.constant 0 : i32
    %c0_i32_0 = arith.constant 0 : i32
    %c0_i32_1 = arith.constant 0 : i32
    return %c0_i32, %c0_i32_0 : i32, i32
  }
  func.func @transform_10(%arg0: i32) -> (i32, i32) {
    %c0_i32 = arith.constant 0 : i32
    %c0_i32_0 = arith.constant 0 : i32
    %c0_i32_1 = arith.constant 0 : i32
    return %c0_i32, %c0_i32_0 : i32, i32
  }
  func.func @transform_11(%arg0: i32) -> (i32, i32) {
    %c0_i32 = arith.constant 0 : i32
    %c0_i32_0 = arith.constant 0 : i32
    %c0_i32_1 = arith.constant 0 : i32
    return %c0_i32, %c0_i32_0 : i32, i32
  }
  func.func @transform_12(%arg0: i32) -> (i32, i32) {
    %add3A = arith.constant 16 : i32
    %add3A_0 = arith.addi %arg0, %add3A : i32
    %c0_i32 = arith.constant 0 : i32
    %c0_i32_1 = arith.constant 0 : i32
    return %add3A_0, %c0_i32 : i32, i32
  }
}

</mosaic_0001>

<sc_bundles>
// kernel: kernel.11.cloned.1.call-start
scs
__scs_entry_jumppad:
0x0: {  	(pc) =	sbr.rel $0x88, $3  }
0x1: {  	(tag) =	ssettag $0x0;
	lr =	simm.s32 $0x1  }
0x2: {  	[smem:$0x3F96] =	sst lr;
	_ =	strace $0xD0000000  }
0x3: {  	_ = 	snop  }
0x4: {  	_ = 	snop  }
0x5: {  	_ = 	snop  }
0x6: {  	_ = 	snop  }
0x7: {  	_ = 	snop  }
__scs_overlays_trampoline_lowered:
0x8: {  	[smem:$0x3FA5] =	sst s0  }
0x9: {  	[smem:$0x3FA6] =	sst s1  }
0xa: {  	[smem:$0x3FA7] =	sst s2  }
0xb: {  	[smem:$0x3FA8] =	sst s3  }
0xc: {  	[smem:$0x3FA9] =	sst s4  }
0xd: {  	[smem:$0x3FAA] =	sst s5  }
0xe: {  	[smem:$0x3FAB] =	sst s6  }
0xf: {  	[smem:$0x3FAC] =	sst s7  }
0x10: {  	[smem:$0x3FAD] =	sst s8  }
0x11: {  	[smem:$0x3FAE] =	sst s9;
	s0 =	simm.s32 @!p0 $0x0  }
0x12: {  	s1 =	sld [smem:$0x3F94];
	s0 =	simm.s32 @p0 $0x1  }
0x13: {  	[smem:$0x3FAF] =	sst s0;
	s0 =	simm.s32 @!p1 $0x0  }
0x14: {  	s2 =	sld [smem:$0x3F93];
	s0 =	simm.s32 @p1 $0x1  }
0x15: {  	[smem:$0x3FB0] =	sst s0;
	s0 =	simm.s32 @!p2 $0x0  }
0x16: {  	s3 =	sld [smem:$0x3FDB];
	s0 =	simm.s32 @p2 $0x1  }
0x17: {  	s4 =	simm.s32 $0x1BF5;
	[smem:$0x3FB2] =	sst s0  }
0x18: {  	s0 =	sld [smem:$0x3F95];
	_ =	swait.ge [sflag:s4], $0x0  }
0x19: {  	s7 =	sld [smem:$0x3F96]  }
0x1a: {  	s8 =	sadd.s32 $0xFFFFE003, lr  }
0x1b: {  	s9 =	sadd.s32 $0xFFFFFEF7, lr;
	s5 =	simm.s32 $0xFFFFFFFF;
	p2 =	slt.u32 s8, $0xFFFFF086  }
0x1c: {  	p1 =	slt.u32 s9, $0xF7A;
	s5 =	simm.s32 @!p2 $0x0  }
0x1d: {  	s5 =	simm.s32 @p1 $0x1;
	p0 =	seq.s32 s7, s2  }
0x1e: {  	s7 =	smul.u32 @!p0 $0xF7A, s2;
	p2 =	seq.s32 @!p0 s5, $0x0  }
0x1f: {  	s9 =	smul.u32 $0xF7A, s1;
	s8 =	simm.s32 @!p0 $0x1BF5;
	p2 =	por !p2, p0  }
0x20: {  	[sflag:s8] =	ssyncset.s32 @!p0 $0xFFFFF086;
	s6 =	sadd.s32 @!p0 s3, s7;
	s7 =	simm.s32 @!p0 $0x108  }
0x21: {  	s3 =	sadd.s32 s3, s9;
	s6 =	sadd.s32 @!p0 $0x88, s6;
	s7 =	simm.s32 @p2 $0x1082  }
0x22: {  	[simem:s7], [sflag:s8] =	dma.local @!p0 [hbm:s6], $0xF7A  }
0x23: {  	s9 =	sor.u32 $0xD0000000, s2;
	s6 =	simm.s32 $0x108;
	_ =	swait.ge @!p0 [sflag:s8], $0x0  }
0x24: {  	s3 =	sadd.s32 $0x88, s3;
	s6 =	simm.s32 @!p1 $0x1082;
	[sflag:s4] =	ssyncset.s32 $0xFFFFF086  }
0x25: {  	[simem:s6], [sflag:s4] =	dma.local [hbm:s3], $0xF7A  }
0x26: {  	[smem:$0x3F96] =	sst s1;
	(tag) =	ssettag s2;
	_ =	strace s9  }
0x27: {  	s1 =	sld [smem:$0x3FA6]  }
0x28: {  	s2 =	sld [smem:$0x3FA7]  }
0x29: {  	s4 =	sld [smem:$0x3FA9]  }
0x2a: {  	p0 =	seq.s32 s5, $0x0;
	s5 =	sld [smem:$0x3FAA]  }
0x2b: {  	s6 =	sld [smem:$0x3FAB]  }
0x2c: {  	s7 =	sld [smem:$0x3FAC]  }
0x2d: {  	s3 =	simm.s32 $0x108;
	s8 =	sld [smem:$0x3FAD]  }
0x2e: {  	s3 =	simm.s32 @!p0 $0x1082;
	s9 =	sld [smem:$0x3FAE]  }
0x2f: {  	lr =	sadd.s32 s0, s3;
	s0 =	sld [smem:$0x3FA5]  }
0x30: {  	s3 =	sld [smem:$0x3FA8]  }
0x31: {  	[smem:$0x3FB1] =	sst s10  }
0x32: {  	s10 =	sld [smem:$0x3FAF];
	_ =	sdelay $0x3  }
0x33: {  	p0 =	seq.s32 s10, $0x1;
	s10 =	sld [smem:$0x3FB1];
	_ =	sdelay $0x3  }
0x34: {  	[smem:$0x3FB1] =	sst s10  }
0x35: {  	s10 =	sld [smem:$0x3FB0];
	_ =	sdelay $0x3  }
0x36: {  	p1 =	seq.s32 s10, $0x1;
	s10 =	sld [smem:$0x3FB1];
	_ =	sdelay $0x3  }
0x37: {  	[smem:$0x3FB1] =	sst s10  }
0x38: {  	s10 =	sld [smem:$0x3FB2]  }
0x39: {  	_ = 	snop;
	(pc) =	sbr.ind lr, $3  }
0x3a: {  	_ = 	snop  }
0x3b: {  	_ = 	snop  }
0x3c: {  	p2 =	seq.s32 s10, $0x1;
	s10 =	sld [smem:$0x3FB1]  }
0x3d: {  	_ =	shalt  }
0x3e: {  	_ =	shalt  }
0x3f: {  	_ =	shalt  }
0x40: {  	_ =	shalt  }
0x41: {  	_ =	shalt  }
0x42: {  	_ =	shalt  }
0x43: {  	_ =	shalt  }
0x44: {  	_ =	shalt  }
0x45: {  	_ =	shalt  }
0x46: {  	_ =	shalt  }
0x47: {  	_ =	shalt  }
0x48: {  	_ =	shalt  }
0x49: {  	_ =	shalt  }
0x4a: {  	_ =	shalt  }
0x4b: {  	_ =	shalt  }
0x4c: {  	_ =	shalt  }
0x4d: {  	_ =	shalt  }
0x4e: {  	_ =	shalt  }
0x4f: {  	_ =	shalt  }
0x50: {  	_ =	shalt  }
0x51: {  	_ =	shalt  }
0x52: {  	_ =	shalt  }
0x53: {  	_ =	shalt  }
0x54: {  	_ =	shalt  }
0x55: {  	_ =	shalt  }
0x56: {  	_ =	shalt  }
0x57: {  	_ =	shalt  }
0x58: {  	_ =	shalt  }
0x59: {  	_ =	shalt  }
0x5a: {  	_ =	shalt  }
0x5b: {  	_ =	shalt  }
0x5c: {  	_ =	shalt  }
0x5d: {  	_ =	shalt  }
0x5e: {  	_ =	shalt  }
0x5f: {  	_ =	shalt  }
0x60: {  	_ =	shalt  }
0x61: {  	_ =	shalt  }
0x62: {  	_ =	shalt  }
0x63: {  	_ =	shalt  }
0x64: {  	_ =	shalt  }
0x65: {  	_ =	shalt  }
0x66: {  	_ =	shalt  }
0x67: {  	_ =	shalt  }
0x68: {  	_ =	shalt  }
0x69: {  	_ =	shalt  }
0x6a: {  	_ =	shalt  }
0x6b: {  	_ =	shalt  }
0x6c: {  	_ =	shalt  }
0x6d: {  	_ =	shalt  }
0x6e: {  	_ =	shalt  }
0x6f: {  	_ =	shalt  }
0x70: {  	_ =	shalt  }
0x71: {  	_ =	shalt  }
0x72: {  	_ =	shalt  }
0x73: {  	_ =	shalt  }
0x74: {  	_ =	shalt  }
0x75: {  	_ =	shalt  }
0x76: {  	_ =	shalt  }
0x77: {  	_ =	shalt  }
0x78: {  	_ =	shalt  }
0x79: {  	_ =	shalt  }
0x7a: {  	_ =	shalt  }
0x7b: {  	_ =	shalt  }
0x7c: {  	_ =	shalt  }
0x7d: {  	_ =	shalt  }
0x7e: {  	_ =	shalt  }
0x7f: {  	_ =	shalt  }
0x80: {  	_ =	shalt  }
0x81: {  	_ =	shalt  }
0x82: {  	_ =	shalt  }
0x83: {  	_ =	shalt  }
0x84: {  	_ =	shalt  }
0x85: {  	_ =	shalt  }
0x86: {  	_ =	shalt  }
0x87: {  	_ =	shalt  }
.Lfunc_end0:
.L_simem_size_0:
called_computation.1_lowered:
.L_overlay_start_0:
0x88: {  	s2 =	sld [smem:$0x3FD9]  }
0x89: {  	s3 =	sld [smem:$0x3FFE];
	_ =	sdelay $0x1  }
0x8a: {  	s1 =	srdreg.scid  }
0x8b: {  	s0 =	sand.u32 $0x1, s1  }
0x8c: {  	s17 =	sshll.u32 s0, $0xA;
	s2 =	sadd.s32 s3, s2  }
0x8d: {  	s2 =	sadd.s32 s2, s17  }
0x8e: {  	[smem:$0x3FBD] =	sst s2  }
0x8f: {  	_ = 	snop  }
0x90: {  	s18 =	sld [smem:$0x3FC8];
	(tm) =	ssettm $0x1  }
0x91: {  	s19 =	sld [smem:$0x3FFB];
	_ =	sdelay $0x3  }
0x92: {  	_ =	strace s19  }
0x93: {  	s2 =	sld [smem:$0x3FFC];
	_ =	sdelay $0x3  }
0x94: {  	_ =	strace s2  }
0x95: {  	s2 =	sld [smem:$0x3FFD];
	_ =	sdelay $0x3  }
0x96: {  	_ =	strace s2  }
0x97: {  	_ =	strace $0x8FFFFFFF  }
0x98: {  	s20 =	sld [smem:$0x3FDB];
	_ =	sdelay $0x1  }
0x99: {  	s4 =	simm.s32 $_scs_section_size  }
0x9a: {  	s5 =	simm.s32 $_size__tile_overlayer_lowered;
	s6 =	simm.s32 $_tile_overlayer_lowered  }
0x9b: {  	s7 =	simm.s32 $0x1BFF;
	s21 =	sshll.u32 s6, $0x1;
	s4 =	sadd.s32 s4, s20  }
0x9c: {  	s22 =	simm.s32 $0x0;
	s5 =	sshll.u32 s5, $0x1;
	s6 =	sadd.s32 s21, s4  }
0x9d: {  	[timem:s22], [sflag:s7] =	dma.local [hbm:s6], s5  }
0x9e: {  	_ =	swait.ge [sflag:s7], s5  }
0x9f: {  	s5 =	ssub.s32 $0x0, s5;
	[sflag:s7] =	ssyncset.done $0x0  }
0xa0: {  	[sflag:s7] =	ssyncadd.s32 s5;
	_ =	sdelay $0x1  }
0xa1: {  	s23 =	simm.s32 $0x1B8B  }
0xa2: {  	_ =	swait.ge [sflag:s23], $0x1  }
0xa3: {  	[sflag:s23] =	ssyncset.done $0x0  }
0xa4: {  	[sflag:s23] =	ssyncadd.s32 $0xFFFFFFFF  }
0xa5: {  	s5 =	sld [smem:$0x0]  }
0xa6: {  	s6 =	sand.u32 $0xFFFFFFFE, s1  }
0xa7: {  	p0 =	sne.s32 s1, s6  }
0xa8: {  	s6 =	sshll.u32 @p0 s6, $0xE  }
0xa9: {  	s6 =	sadd.s32 @p0 $0x11B8D, s6;
	s7 =	sshll.u32 @p0 s5, $0x11  }
0xaa: {  	s6 =	sor.u32 @p0 s7, s6  }
0xab: {  	[sflag:s6] =	ssyncadd.remote.s32 @p0 $0x1;
	_ =	sdelay $0x1  }
0xac: {  	s6 =	simm.s32 @p0 $0x1B8D  }
0xad: {  	_ =	swait.eq @p0 [sflag:s6], $0x1  }
0xae: {  	[sflag:s6] =	ssyncadd.s32 @p0 $0xFFFFFFFF  }
0xaf: {  	s7 =	sshll.u32 @!p0 s1, $0xE  }
0xb0: {  	s7 =	sor.u32 @!p0 $0x4000, s7;
	s6 =	simm.s32 @!p0 $0x1B8D  }
0xb1: {  	s5 =	sshll.u32 @!p0 s5, $0x11;
	s7 =	sadd.s32 @!p0 $0x11B8D, s7;
	_ =	swait.eq @!p0 [sflag:s6], $0x1  }
0xb2: {  	s5 =	sor.u32 @!p0 s5, s7;
	[sflag:s6] =	ssyncadd.s32 @!p0 $0xFFFFFFFF  }
0xb3: {  	s25 =	simm.s32 $0x1B8E;
	s24 =	sld [smem:$0x3FFE];
	[sflag:s5] =	ssyncadd.remote.s32 @!p0 $0x1  }
0xb4: {  	s26 =	simm.s32 $execute0_lowered;
	[smem:$0x3FD2] =	sst s25  }
0xb5: {  	s6 =	sshll.u32 s26, $0x1;
	_ =	strace $0x80000049;
	[dreg:$0x1] =	wrdreg $0xFFFFFFFF  }
0xb6: {  	s28 =	simm.s32 $_size_execute0_lowered;
	s4 =	sadd.s32 s4, s6;
	[dreg:$0x0] =	wrdreg $0x0  }
0xb7: {  	s6 =	sshll.u32 s28, $0x1;
	[dreg:$0x2] =	wrdreg s4  }
0xb8: {  	[dreg:$0x3] =	wrdreg s6  }
0xb9: {  	[dreg:$0x4] =	wrdreg $0xC0  }
0xba: {  	_ =	task [dreg:s22], $0x5FFFF  }
0xbb: {  	[dreg:$0x1] =	wrdreg $0xFFFFFFFF  }
0xbc: {  	[dreg:$0x0] =	wrdreg $0x60  }
0xbd: {  	[dreg:$0x2] =	wrdreg s18  }
0xbe: {  	[dreg:$0x3] =	wrdreg s24  }
0xbf: {  	[dreg:$0x4] =	wrdreg $0xA  }
0xc0: {  	_ =	task.clear_ibuf [dreg:s22], $0x5FFFF;
	_ =	strace $0x90000049  }
0xc1: {  	s29 =	simm.s32 $0xA;
	_ =	strace $0x8000004B  }
0xc2: {  	_ =	swait.ge [sflag:s29], $0x1  }
0xc3: {  	[sflag:s29] =	ssyncadd.s32 $0xFFFFFFFF  }
0xc4: {  	_ =	strace $0x9000004B  }
0xc5: {  	_ =	sfence  }
0xc6: {  	s30 =	sld [smem:$0x0];
	_ =	sdelay $0x2  }
0xc7: {  	s31 =	sshll.u32 s1, $0xD;
	s1 =	sshrl.u32 s1, $0x2  }
0xc8: {  	s4 =	sand.u32 $0x4000, s31;
	s1 =	sadd.s32 s1, s30  }
0xc9: {  	s0 =	sor.u32 s4, s0;
	s1 =	sshll.u32 s1, $0x11  }
0xca: {  	s0 =	sor.u32 s1, s0  }
0xcb: {  	s0 =	sadd.s32 $0x8F2B, s0  }
0xcc: {  	[sflag:s0] =	ssyncadd.remote.s32 $0x1  }
0xcd: {  	_ =	sfence.sel $0xFFFF  }
0xce: {  	[dreg:$0x0] =	wrdreg $0xFFFFFFFF;
	(pc) =	sbr.abs _section_cstart, $3  }
0xcf: {  	[dreg:$0x1] =	wrdreg $0xFFFFFFFF  }
0xd0: {  	_ =	task.clear_ibuf [dreg:s22], $0x2FFFF;
	_ =	strace $0x9FFFFFFF  }
0xd1: {  	(tm) =	ssettm $0x7FFFFFFF  }
tec
execute0_lowered:
.L_overlay_start_1:
0x0: {  	(tag) =	ssettag $0x1  }
0x1: {  	s1 =	srdreg.scid;
	s2 =	rddreg [dreg:$0x0]  }
0x2: {  	s0 =	stileid.u32;
	s5 =	rddreg [dreg:$0x1]  }
0x3: {  	s3 =	simm.s32 $0x0;
	s11 =	simm.s32 $0x5000;
	s13 =	simm.s32 $0x8C00  }
0x4: {  	s14 =	simm.s32 $0x180;
	s15 =	simm.s32 $0xC800;
	s16 =	simm.s32 $0x200  }
0x5: {  	s17 =	simm.s32 $0x10400;
	s18 =	simm.s32 $0x1;
	s19 =	simm.s32 $0x2  }
0x6: {  	s20 =	simm.s32 $0x6;
	s21 =	simm.s32 $0x3;
	s22 =	simm.s32 $0x7  }
0x7: {  	s23 =	simm.s32 $0x4;
	s24 =	simm.s32 $0x8;
	s25 =	simm.s32 $0x5  }
0x8: {  	s4 =	sand.u32 $0x1, s1;
	s26 =	sshll.u32 s0, $0x1;
	s7 =	smul.u32 $0x25800, s0  }
0x9: {  	s28 =	simm.s32 $0xA;
	s6 =	sor.u32 s4, s26;
	s9 =	smul.u32 $0x12C00, s4  }
0xa: {  	s29 =	simm.s32 $0x0;
	[smem:$0x7FF] =	sst s3;
	s6 =	smul.u32 $0x280, s6  }
.Ltmp0:
0xb: {  	_ =	strace $0x8000004A;
	s8 =	ssub.s32 $0x2, s4;
	(pc) =	sbr.rel .LBB2_1-.Ltmp0, $4  }
0xc: {  	s26 =	simm.s32 $0x9;
	s31 =	sshrl.u32 s8, $0x1;
	s30 =	sadd.s32 s6, s5  }
0xd: {  	s5 =	sadd.s32 s7, s5;
	s6 =	ssub.s32 s8, s31;
	s8 =	simm.s32 $0x78  }
0xe: {  	s4 =	sadd.s32 $0x25A200, s30;
	s7 =	sadd.s32 s9, s5;
	s5 =	smax.u32 s6, $0x1  }
0xf: {  	s9 =	simm.s32 $0x1400;
	s6 =	sadd.s32 $0x261000, s7;
	s7 =	simm.s32 $0xB  }
.LBB2_4:
0x10: {  	s29 =	sadd.s32 $0x1, s29  }
0x11: {  	p0 =	sne.s32 s29, s5  }
.Ltmp1:
0x12: {  	_ = 	snop;
	(pc) =	sbr.rel @!p0 .LBB2_5-.Ltmp1, $4  }
0x13: {  	_ = 	snop  }
0x14: {  	_ =	swait.ge [sflag:s28], $0x3C00  }
0x15: {  	[sflag:s28] =	ssyncset.done $0x0  }
0x16: {  	[sflag:s28] =	ssyncadd.s32 $0xFFFFC400  }
.LBB2_1:
0x17: {  	[tilespmem:s3], [sflag:$0xB] =	stream.linear.gather [hbm4b:s4+s3], $0x1400, $0x38;
	[tilespmem:$0x14000] =	vst v63  }
0x18: {  	_ =	swait.ge [sflag:s7], $0x1400  }
0x19: {  	[sflag:s7] =	ssyncset.done $0x0  }
0x1a: {  	[sflag:s7] =	ssyncadd.s32 $0xFFFFEC00  }
0x1b: {  	[tilespmem:s9], [sflag:$0x1] =	stream.indirect.gather [hbm4b:s2+s8], $0x80, s3, s8, $0xb8;
	[tilespmem:$0x14000] =	vst v63  }
0x1c: {  	s0 =	simm.s32 $0x80  }
0x1d: {  	[tilespmem:s11], [sflag:$0x2] =	stream.indirect.gather [hbm4b:s2+s8], $0x80, s0, s8, $0xb8;
	[tilespmem:$0x14000] =	vst v63  }
0x1e: {  	s12 =	simm.s32 $0x100  }
0x1f: {  	[tilespmem:s13], [sflag:$0x3] =	stream.indirect.gather [hbm4b:s2+s8], $0x80, s12, s8, $0xb8;
	[tilespmem:$0x14000] =	vst v63  }
0x20: {  	_ = 	snop  }
0x21: {  	[tilespmem:s15], [sflag:$0x4] =	stream.indirect.gather [hbm4b:s2+s8], $0x80, s14, s8, $0xb8;
	[tilespmem:$0x14000] =	vst v63  }
0x22: {  	s30 =	smov.u32 s6;
	s31 =	simm.s32 $0x0  }
0x23: {  	[tilespmem:s17], [sflag:$0x5] =	stream.indirect.gather [hbm4b:s2+s8], $0x80, s16, s8, $0xb8;
	[tilespmem:$0x14000] =	vst v63  }
.LBB2_2:
0x24: {  	_ =	swait.ge [sflag:s18], $0x3C00  }
0x25: {  	[sflag:s18] =	ssyncset.done $0x0  }
0x26: {  	s1 =	sadd.s32 $0xFFFFE200, s30;
	p0 =	seq.s32 s31, $0x0;
	[sflag:s18] =	ssyncadd.s32 $0xFFFFC400  }
0x27: {  	[hbm4b:s1+s3] =	stream.linear.scatter [tilespmem:s9], [sflag:$0x6], $0x3C00, $0x38;
	[tilespmem:$0x14000] =	vst v63  }
0x28: {  	s1 =	simm.s32 @!p0 $0xA  }
0x29: {  	_ =	swait.ge @!p0 [sflag:s1], $0x3C00  }
0x2a: {  	[sflag:s1] =	ssyncset.done @!p0 $0x0  }
0x2b: {  	[sflag:s1] =	ssyncadd.s32 @!p0 $0xFFFFC400;
	s1 =	sshra.s32 @!p0 s31, $0x2  }
0x2c: {  	s0 =	simm.s32 @!p0 $0x78;
	s10 =	simm.s32 @!p0 $0x10400;
	s1 =	sadd.s32 @!p0 $0x200, s1  }
0x2d: {  	[tilespmem:s10], [sflag:$0x5] =	stream.indirect.gather @!p0 [hbm4b:s2+s0], $0x80, s1, s0, $0xb8;
	[tilespmem:$0x14000] =	vst v63  }
0x2e: {  	_ =	swait.ge [sflag:s19], $0x3C00  }
0x2f: {  	[sflag:s19] =	ssyncset.done $0x0  }
0x30: {  	s10 =	sadd.s32 $0xFFFFE980, s30;
	[sflag:s19] =	ssyncadd.s32 $0xFFFFC400  }
0x31: {  	[hbm4b:s10+s3] =	stream.linear.scatter [tilespmem:s11], [sflag:$0x7], $0x3C00, $0x38;
	[tilespmem:$0x14000] =	vst v63  }
0x32: {  	p0 =	seq.s32 s31, $0x4600;
	_ =	swait.ge [sflag:s20], $0x3C00  }
0x33: {  	s0 =	sshra.s32 @!p0 s31, $0x2;
	s12 =	simm.s32 @!p0 $0x1400;
	[sflag:s20] =	ssyncset.done $0x0  }
0x34: {  	s1 =	sadd.s32 @!p0 $0x280, s0;
	s10 =	simm.s32 @!p0 $0x78;
	[sflag:s20] =	ssyncadd.s32 $0xFFFFC400  }
0x35: {  	[tilespmem:s12], [sflag:$0x1] =	stream.indirect.gather @!p0 [hbm4b:s2+s10], $0x80, s1, s10, $0xb8;
	[tilespmem:$0x14000] =	vst v63  }
0x36: {  	_ =	swait.ge [sflag:s21], $0x3C00  }
0x37: {  	[sflag:s21] =	ssyncset.done $0x0  }
0x38: {  	s12 =	sadd.s32 $0xFFFFF100, s30;
	[sflag:s21] =	ssyncadd.s32 $0xFFFFC400  }
0x39: {  	[hbm4b:s12+s3] =	stream.linear.scatter [tilespmem:s13], [sflag:$0x8], $0x3C00, $0x38;
	[tilespmem:$0x14000] =	vst v63  }
0x3a: {  	_ =	swait.ge [sflag:s22], $0x3C00  }
0x3b: {  	[sflag:s22] =	ssyncset.done $0x0  }
0x3c: {  	s1 =	sadd.s32 @!p0 $0x300, s0;
	s12 =	simm.s32 @!p0 $0x5000;
	[sflag:s22] =	ssyncadd.s32 $0xFFFFC400  }
0x3d: {  	[tilespmem:s12], [sflag:$0x2] =	stream.indirect.gather @!p0 [hbm4b:s2+s10], $0x80, s1, s10, $0xb8;
	[tilespmem:$0x14000] =	vst v63  }
0x3e: {  	_ =	swait.ge [sflag:s23], $0x3C00  }
0x3f: {  	[sflag:s23] =	ssyncset.done $0x0  }
0x40: {  	s12 =	sadd.s32 $0xFFFFF880, s30;
	[sflag:s23] =	ssyncadd.s32 $0xFFFFC400  }
0x41: {  	[hbm4b:s12+s3] =	stream.linear.scatter [tilespmem:s15], [sflag:$0x9], $0x3C00, $0x38;
	[tilespmem:$0x14000] =	vst v63  }
0x42: {  	_ =	swait.ge [sflag:s24], $0x3C00  }
0x43: {  	[sflag:s24] =	ssyncset.done $0x0  }
0x44: {  	s0 =	sadd.s32 @!p0 $0x380, s0;
	s1 =	simm.s32 @!p0 $0x8C00;
	[sflag:s24] =	ssyncadd.s32 $0xFFFFC400  }
0x45: {  	[tilespmem:s1], [sflag:$0x3] =	stream.indirect.gather @!p0 [hbm4b:s2+s10], $0x80, s0, s10, $0xb8;
	[tilespmem:$0x14000] =	vst v63  }
0x46: {  	_ =	swait.ge [sflag:s25], $0x3C00  }
0x47: {  	[sflag:s25] =	ssyncset.done $0x0  }
.Ltmp2:
0x48: {  	[sflag:s25] =	ssyncadd.s32 $0xFFFFC400;
	(pc) =	sbr.rel @p0 .LBB2_4-.Ltmp2, $4  }
0x49: {  	[hbm4b:s30+s3] =	stream.linear.scatter [tilespmem:s17], [sflag:$0xA], $0x3C00, $0x38;
	[tilespmem:$0x14000] =	vst v63  }
0x4a: {  	_ =	swait.ge [sflag:s26], $0x3C00  }
0x4b: {  	[sflag:s26] =	ssyncset.done $0x0  }
0x4c: {  	[sflag:s26] =	ssyncadd.s32 $0xFFFFC400  }
.Ltmp3:
0x4d: {  	(pc) =	sbr.rel .LBB2_2-.Ltmp3, $4  }
0x4e: {  	_ = 	snop  }
0x4f: {  	s0 =	sshra.s32 s31, $0x2  }
0x50: {  	s31 =	sadd.s32 $0xA00, s31;
	s30 =	sadd.s32 $0x2580, s30;
	s0 =	sadd.s32 $0x400, s0  }
0x51: {  	[tilespmem:s15], [sflag:$0x4] =	stream.indirect.gather [hbm4b:s2+s8], $0x80, s0, s8, $0xb8;
	[tilespmem:$0x14000] =	vst v63  }
.LBB2_5:
0x52: {  	_ =	sfence.sel $0x180000  }
0x53: {  	[bflag:$0x0] =	sbarrier.arrive $0xFFFF  }
0x54: {  	_ =	strace $0x9000004A  }
0x55: {  	s0 =	stileid.u32;
	[bflag:$0x2] =	sbarrier.arrive $0xFFFF  }
0x56: {  	p0 =	sne.s32 s0, $0x0;
	s0 =	rddreg [dreg:$0x2]  }
0x57: {  	s0 =	sadd.s32 @!p0 $0x100000, s0  }
0x58: {  	[sflag:s0] =	ssyncadd.tile.s32 @!p0 $0x1;
	_ =	shalt  }
.Lfunc_end2:
_tile_overlayer_lowered:
.L_overlay_start_2:
0x59: {  	(tag) =	ssettag $0x2  }
0x5a: {  	s0 =	rddreg [dreg:$0x0];
	s2 =	stileid.u32  }
0x5b: {  	s1 =	rddreg [dreg:$0x1];
	p0 =	sne.s32 s2, $0x0  }
0x5c: {  	s3 =	rddreg [dreg:$0x2];
	[bflag:$0x3] =	sbarrier.arrive $0xFFFF;
	s2 =	simm.s32 @!p0 $0x1C0B  }
0x5d: {  	[timem:s3], [sflag:s2] =	dma.local @!p0 [hbm:s0], s1  }
0x5e: {  	s0 =	simm.s32 @!p0 $0xB  }
0x5f: {  	_ =	swait.ge @!p0 [sflag:s0], s1  }
0x60: {  	s1 =	ssub.s32 @!p0 $0x0, s1;
	[sflag:s0] =	ssyncset.done @!p0 $0x0  }
0x61: {  	[sflag:s0] =	ssyncadd.s32 @!p0 s1  }
0x62: {  	[bflag:$0x3] =	sbarrier.arrive $0xFFFF  }
0x63: {  	_ =	shalt  }

// kernel: kernel.14.cloned.1.call-start
scs
__scs_entry_jumppad:
0x0: {  	(pc) =	sbr.rel $0x88, $3  }
0x1: {  	(tag) =	ssettag $0x0;
	lr =	simm.s32 $0x1  }
0x2: {  	[smem:$0x3F96] =	sst lr;
	_ =	strace $0xD0000000  }
0x3: {  	_ = 	snop  }
0x4: {  	_ = 	snop  }
0x5: {  	_ = 	snop  }
0x6: {  	_ = 	snop  }
0x7: {  	_ = 	snop  }
__scs_overlays_trampoline_lowered:
0x8: {  	[smem:$0x3FA5] =	sst s0  }
0x9: {  	[smem:$0x3FA6] =	sst s1  }
0xa: {  	[smem:$0x3FA7] =	sst s2  }
0xb: {  	[smem:$0x3FA8] =	sst s3  }
0xc: {  	[smem:$0x3FA9] =	sst s4  }
0xd: {  	[smem:$0x3FAA] =	sst s5  }
0xe: {  	[smem:$0x3FAB] =	sst s6  }
0xf: {  	[smem:$0x3FAC] =	sst s7  }
0x10: {  	[smem:$0x3FAD] =	sst s8  }
0x11: {  	[smem:$0x3FAE] =	sst s9;
	s0 =	simm.s32 @!p0 $0x0  }
0x12: {  	s1 =	sld [smem:$0x3F94];
	s0 =	simm.s32 @p0 $0x1  }
0x13: {  	[smem:$0x3FAF] =	sst s0;
	s0 =	simm.s32 @!p1 $0x0  }
0x14: {  	s2 =	sld [smem:$0x3F93];
	s0 =	simm.s32 @p1 $0x1  }
0x15: {  	[smem:$0x3FB0] =	sst s0;
	s0 =	simm.s32 @!p2 $0x0  }
0x16: {  	s3 =	sld [smem:$0x3FDB];
	s0 =	simm.s32 @p2 $0x1  }
0x17: {  	s4 =	simm.s32 $0x1BF5;
	[smem:$0x3FB2] =	sst s0  }
0x18: {  	s0 =	sld [smem:$0x3F95];
	_ =	swait.ge [sflag:s4], $0x0  }
0x19: {  	s7 =	sld [smem:$0x3F96]  }
0x1a: {  	s8 =	sadd.s32 $0xFFFFE003, lr  }
0x1b: {  	s9 =	sadd.s32 $0xFFFFFEF7, lr;
	s5 =	simm.s32 $0xFFFFFFFF;
	p2 =	slt.u32 s8, $0xFFFFF086  }
0x1c: {  	p1 =	slt.u32 s9, $0xF7A;
	s5 =	simm.s32 @!p2 $0x0  }
0x1d: {  	s5 =	simm.s32 @p1 $0x1;
	p0 =	seq.s32 s7, s2  }
0x1e: {  	s7 =	smul.u32 @!p0 $0xF7A, s2;
	p2 =	seq.s32 @!p0 s5, $0x0  }
0x1f: {  	s9 =	smul.u32 $0xF7A, s1;
	s8 =	simm.s32 @!p0 $0x1BF5;
	p2 =	por !p2, p0  }
0x20: {  	[sflag:s8] =	ssyncset.s32 @!p0 $0xFFFFF086;
	s6 =	sadd.s32 @!p0 s3, s7;
	s7 =	simm.s32 @!p0 $0x108  }
0x21: {  	s3 =	sadd.s32 s3, s9;
	s6 =	sadd.s32 @!p0 $0x88, s6;
	s7 =	simm.s32 @p2 $0x1082  }
0x22: {  	[simem:s7], [sflag:s8] =	dma.local @!p0 [hbm:s6], $0xF7A  }
0x23: {  	s9 =	sor.u32 $0xD0000000, s2;
	s6 =	simm.s32 $0x108;
	_ =	swait.ge @!p0 [sflag:s8], $0x0  }
0x24: {  	s3 =	sadd.s32 $0x88, s3;
	s6 =	simm.s32 @!p1 $0x1082;
	[sflag:s4] =	ssyncset.s32 $0xFFFFF086  }
0x25: {  	[simem:s6], [sflag:s4] =	dma.local [hbm:s3], $0xF7A  }
0x26: {  	[smem:$0x3F96] =	sst s1;
	(tag) =	ssettag s2;
	_ =	strace s9  }
0x27: {  	s1 =	sld [smem:$0x3FA6]  }
0x28: {  	s2 =	sld [smem:$0x3FA7]  }
0x29: {  	s4 =	sld [smem:$0x3FA9]  }
0x2a: {  	p0 =	seq.s32 s5, $0x0;
	s5 =	sld [smem:$0x3FAA]  }
0x2b: {  	s6 =	sld [smem:$0x3FAB]  }
0x2c: {  	s7 =	sld [smem:$0x3FAC]  }
0x2d: {  	s3 =	simm.s32 $0x108;
	s8 =	sld [smem:$0x3FAD]  }
0x2e: {  	s3 =	simm.s32 @!p0 $0x1082;
	s9 =	sld [smem:$0x3FAE]  }
0x2f: {  	lr =	sadd.s32 s0, s3;
	s0 =	sld [smem:$0x3FA5]  }
0x30: {  	s3 =	sld [smem:$0x3FA8]  }
0x31: {  	[smem:$0x3FB1] =	sst s10  }
0x32: {  	s10 =	sld [smem:$0x3FAF];
	_ =	sdelay $0x3  }
0x33: {  	p0 =	seq.s32 s10, $0x1;
	s10 =	sld [smem:$0x3FB1];
	_ =	sdelay $0x3  }
0x34: {  	[smem:$0x3FB1] =	sst s10  }
0x35: {  	s10 =	sld [smem:$0x3FB0];
	_ =	sdelay $0x3  }
0x36: {  	p1 =	seq.s32 s10, $0x1;
	s10 =	sld [smem:$0x3FB1];
	_ =	sdelay $0x3  }
0x37: {  	[smem:$0x3FB1] =	sst s10  }
0x38: {  	s10 =	sld [smem:$0x3FB2]  }
0x39: {  	_ = 	snop;
	(pc) =	sbr.ind lr, $3  }
0x3a: {  	_ = 	snop  }
0x3b: {  	_ = 	snop  }
0x3c: {  	p2 =	seq.s32 s10, $0x1;
	s10 =	sld [smem:$0x3FB1]  }
0x3d: {  	_ =	shalt  }
0x3e: {  	_ =	shalt  }
0x3f: {  	_ =	shalt  }
0x40: {  	_ =	shalt  }
0x41: {  	_ =	shalt  }
0x42: {  	_ =	shalt  }
0x43: {  	_ =	shalt  }
0x44: {  	_ =	shalt  }
0x45: {  	_ =	shalt  }
0x46: {  	_ =	shalt  }
0x47: {  	_ =	shalt  }
0x48: {  	_ =	shalt  }
0x49: {  	_ =	shalt  }
0x4a: {  	_ =	shalt  }
0x4b: {  	_ =	shalt  }
0x4c: {  	_ =	shalt  }
0x4d: {  	_ =	shalt  }
0x4e: {  	_ =	shalt  }
0x4f: {  	_ =	shalt  }
0x50: {  	_ =	shalt  }
0x51: {  	_ =	shalt  }
0x52: {  	_ =	shalt  }
0x53: {  	_ =	shalt  }
0x54: {  	_ =	shalt  }
0x55: {  	_ =	shalt  }
0x56: {  	_ =	shalt  }
0x57: {  	_ =	shalt  }
0x58: {  	_ =	shalt  }
0x59: {  	_ =	shalt  }
0x5a: {  	_ =	shalt  }
0x5b: {  	_ =	shalt  }
0x5c: {  	_ =	shalt  }
0x5d: {  	_ =	shalt  }
0x5e: {  	_ =	shalt  }
0x5f: {  	_ =	shalt  }
0x60: {  	_ =	shalt  }
0x61: {  	_ =	shalt  }
0x62: {  	_ =	shalt  }
0x63: {  	_ =	shalt  }
0x64: {  	_ =	shalt  }
0x65: {  	_ =	shalt  }
0x66: {  	_ =	shalt  }
0x67: {  	_ =	shalt  }
0x68: {  	_ =	shalt  }
0x69: {  	_ =	shalt  }
0x6a: {  	_ =	shalt  }
0x6b: {  	_ =	shalt  }
0x6c: {  	_ =	shalt  }
0x6d: {  	_ =	shalt  }
0x6e: {  	_ =	shalt  }
0x6f: {  	_ =	shalt  }
0x70: {  	_ =	shalt  }
0x71: {  	_ =	shalt  }
0x72: {  	_ =	shalt  }
0x73: {  	_ =	shalt  }
0x74: {  	_ =	shalt  }
0x75: {  	_ =	shalt  }
0x76: {  	_ =	shalt  }
0x77: {  	_ =	shalt  }
0x78: {  	_ =	shalt  }
0x79: {  	_ =	shalt  }
0x7a: {  	_ =	shalt  }
0x7b: {  	_ =	shalt  }
0x7c: {  	_ =	shalt  }
0x7d: {  	_ =	shalt  }
0x7e: {  	_ =	shalt  }
0x7f: {  	_ =	shalt  }
0x80: {  	_ =	shalt  }
0x81: {  	_ =	shalt  }
0x82: {  	_ =	shalt  }
0x83: {  	_ =	shalt  }
0x84: {  	_ =	shalt  }
0x85: {  	_ =	shalt  }
0x86: {  	_ =	shalt  }
0x87: {  	_ =	shalt  }
.Lfunc_end0:
.L_simem_size_0:
called_computation.2_lowered:
.L_overlay_start_0:
0x88: {  	s2 =	sld [smem:$0x3FD9]  }
0x89: {  	s3 =	sld [smem:$0x3FFE];
	_ =	sdelay $0x1  }
0x8a: {  	s1 =	srdreg.scid  }
0x8b: {  	s0 =	sand.u32 $0x1, s1  }
0x8c: {  	s17 =	sshll.u32 s0, $0xA;
	s2 =	sadd.s32 s3, s2  }
0x8d: {  	s2 =	sadd.s32 s2, s17  }
0x8e: {  	[smem:$0x3FBD] =	sst s2  }
0x8f: {  	_ = 	snop  }
0x90: {  	s18 =	sld [smem:$0x3FC8];
	(tm) =	ssettm $0x1  }
0x91: {  	s19 =	sld [smem:$0x3FFB];
	_ =	sdelay $0x3  }
0x92: {  	_ =	strace s19  }
0x93: {  	s2 =	sld [smem:$0x3FFC];
	_ =	sdelay $0x3  }
0x94: {  	_ =	strace s2  }
0x95: {  	s2 =	sld [smem:$0x3FFD];
	_ =	sdelay $0x3  }
0x96: {  	_ =	strace s2  }
0x97: {  	_ =	strace $0x8FFFFFFF  }
0x98: {  	s20 =	sld [smem:$0x3FDB];
	_ =	sdelay $0x1  }
0x99: {  	s4 =	simm.s32 $_scs_section_size  }
0x9a: {  	s5 =	simm.s32 $_size__tile_overlayer_lowered;
	s6 =	simm.s32 $_tile_overlayer_lowered  }
0x9b: {  	s7 =	simm.s32 $0x1BFF;
	s21 =	sshll.u32 s6, $0x1;
	s4 =	sadd.s32 s4, s20  }
0x9c: {  	s22 =	simm.s32 $0x0;
	s5 =	sshll.u32 s5, $0x1;
	s6 =	sadd.s32 s21, s4  }
0x9d: {  	[timem:s22], [sflag:s7] =	dma.local [hbm:s6], s5  }
0x9e: {  	_ =	swait.ge [sflag:s7], s5  }
0x9f: {  	s5 =	ssub.s32 $0x0, s5;
	[sflag:s7] =	ssyncset.done $0x0  }
0xa0: {  	[sflag:s7] =	ssyncadd.s32 s5;
	_ =	sdelay $0x1  }
0xa1: {  	s23 =	simm.s32 $0x1B8B  }
0xa2: {  	_ =	swait.ge [sflag:s23], $0x1  }
0xa3: {  	[sflag:s23] =	ssyncset.done $0x0  }
0xa4: {  	[sflag:s23] =	ssyncadd.s32 $0xFFFFFFFF  }
0xa5: {  	s5 =	sld [smem:$0x0]  }
0xa6: {  	s6 =	sand.u32 $0xFFFFFFFE, s1  }
0xa7: {  	p0 =	sne.s32 s1, s6  }
0xa8: {  	s6 =	sshll.u32 @p0 s6, $0xE  }
0xa9: {  	s6 =	sadd.s32 @p0 $0x11B8D, s6;
	s7 =	sshll.u32 @p0 s5, $0x11  }
0xaa: {  	s6 =	sor.u32 @p0 s7, s6  }
0xab: {  	[sflag:s6] =	ssyncadd.remote.s32 @p0 $0x1;
	_ =	sdelay $0x1  }
0xac: {  	s6 =	simm.s32 @p0 $0x1B8D  }
0xad: {  	_ =	swait.eq @p0 [sflag:s6], $0x1  }
0xae: {  	[sflag:s6] =	ssyncadd.s32 @p0 $0xFFFFFFFF  }
0xaf: {  	s7 =	sshll.u32 @!p0 s1, $0xE  }
0xb0: {  	s7 =	sor.u32 @!p0 $0x4000, s7;
	s6 =	simm.s32 @!p0 $0x1B8D  }
0xb1: {  	s5 =	sshll.u32 @!p0 s5, $0x11;
	s7 =	sadd.s32 @!p0 $0x11B8D, s7;
	_ =	swait.eq @!p0 [sflag:s6], $0x1  }
0xb2: {  	s5 =	sor.u32 @!p0 s5, s7;
	[sflag:s6] =	ssyncadd.s32 @!p0 $0xFFFFFFFF  }
0xb3: {  	s25 =	simm.s32 $0x1B8E;
	s24 =	sld [smem:$0x3FFE];
	[sflag:s5] =	ssyncadd.remote.s32 @!p0 $0x1  }
0xb4: {  	s26 =	simm.s32 $execute0_lowered;
	[smem:$0x3FD2] =	sst s25  }
0xb5: {  	s6 =	sshll.u32 s26, $0x1;
	_ =	strace $0x8000004C;
	[dreg:$0x1] =	wrdreg $0xFFFFFFFF  }
0xb6: {  	s28 =	simm.s32 $_size_execute0_lowered;
	s4 =	sadd.s32 s4, s6;
	[dreg:$0x0] =	wrdreg $0x0  }
0xb7: {  	s6 =	sshll.u32 s28, $0x1;
	[dreg:$0x2] =	wrdreg s4  }
0xb8: {  	[dreg:$0x3] =	wrdreg s6  }
0xb9: {  	[dreg:$0x4] =	wrdreg $0xC0  }
0xba: {  	_ =	task [dreg:s22], $0x5FFFF  }
0xbb: {  	[dreg:$0x1] =	wrdreg $0xFFFFFFFF  }
0xbc: {  	[dreg:$0x0] =	wrdreg $0x60  }
0xbd: {  	[dreg:$0x2] =	wrdreg s18  }
0xbe: {  	[dreg:$0x3] =	wrdreg s24  }
0xbf: {  	[dreg:$0x4] =	wrdreg $0xB  }
0xc0: {  	_ =	task.clear_ibuf [dreg:s22], $0x5FFFF;
	_ =	strace $0x9000004C  }
0xc1: {  	s29 =	simm.s32 $0xB;
	_ =	strace $0x8000004E  }
0xc2: {  	_ =	swait.ge [sflag:s29], $0x1  }
0xc3: {  	[sflag:s29] =	ssyncadd.s32 $0xFFFFFFFF  }
0xc4: {  	_ =	strace $0x9000004E  }
0xc5: {  	_ =	sfence  }
0xc6: {  	s30 =	sld [smem:$0x0];
	_ =	sdelay $0x2  }
0xc7: {  	s31 =	sshll.u32 s1, $0xD;
	s1 =	sshrl.u32 s1, $0x2  }
0xc8: {  	s4 =	sand.u32 $0x4000, s31;
	s1 =	sadd.s32 s1, s30  }
0xc9: {  	s0 =	sor.u32 s4, s0;
	s1 =	sshll.u32 s1, $0x11  }
0xca: {  	s0 =	sor.u32 s1, s0  }
0xcb: {  	s0 =	sadd.s32 $0x8F2B, s0  }
0xcc: {  	[sflag:s0] =	ssyncadd.remote.s32 $0x1  }
0xcd: {  	_ =	sfence.sel $0xFFFF  }
0xce: {  	[dreg:$0x0] =	wrdreg $0xFFFFFFFF;
	(pc) =	sbr.abs _section_cstart, $3  }
0xcf: {  	[dreg:$0x1] =	wrdreg $0xFFFFFFFF  }
0xd0: {  	_ =	task.clear_ibuf [dreg:s22], $0x2FFFF;
	_ =	strace $0x9FFFFFFF  }
0xd1: {  	(tm) =	ssettm $0x7FFFFFFF  }
tec
execute0_lowered:
.L_overlay_start_1:
0x0: {  	(tag) =	ssettag $0x1  }
0x1: {  	s1 =	srdreg.scid;
	s2 =	rddreg [dreg:$0x0]  }
0x2: {  	s0 =	stileid.u32;
	s5 =	rddreg [dreg:$0x1]  }
0x3: {  	s3 =	simm.s32 $0x0;
	s11 =	simm.s32 $0x5400;
	s13 =	simm.s32 $0x9000  }
0x4: {  	s14 =	simm.s32 $0x180;
	s15 =	simm.s32 $0xCC00;
	s16 =	simm.s32 $0x200  }
0x5: {  	s17 =	simm.s32 $0x10800;
	s18 =	simm.s32 $0x1;
	s19 =	simm.s32 $0x2  }
0x6: {  	s20 =	simm.s32 $0x6;
	s21 =	simm.s32 $0x3;
	s22 =	simm.s32 $0x7  }
0x7: {  	s23 =	simm.s32 $0x4;
	s24 =	simm.s32 $0x8;
	s25 =	simm.s32 $0x5  }
0x8: {  	s4 =	sand.u32 $0x1, s1;
	s26 =	sshll.u32 s0, $0x1;
	s7 =	smul.u32 $0x2A300, s0  }
0x9: {  	s28 =	simm.s32 $0xA;
	s6 =	sor.u32 s4, s26;
	s9 =	smul.u32 $0x15180, s4  }
0xa: {  	s29 =	simm.s32 $0x0;
	[smem:$0x7FF] =	sst s3;
	s6 =	smul.u32 $0x300, s6  }
.Ltmp0:
0xb: {  	_ =	strace $0x8000004D;
	s8 =	ssub.s32 $0x2, s4;
	(pc) =	sbr.rel .LBB2_1-.Ltmp0, $4  }
0xc: {  	s26 =	simm.s32 $0x9;
	s31 =	sshrl.u32 s8, $0x1;
	s30 =	sadd.s32 s6, s5  }
0xd: {  	s5 =	sadd.s32 s7, s5;
	s6 =	ssub.s32 s8, s31;
	s8 =	simm.s32 $0x78  }
0xe: {  	s4 =	sadd.s32 $0x4B7200, s30;
	s7 =	sadd.s32 s9, s5;
	s5 =	smax.u32 s6, $0x1  }
0xf: {  	s9 =	simm.s32 $0x1800;
	s6 =	sadd.s32 $0x4BF000, s7;
	s7 =	simm.s32 $0xB  }
.LBB2_4:
0x10: {  	s29 =	sadd.s32 $0x1, s29  }
0x11: {  	p0 =	sne.s32 s29, s5  }
.Ltmp1:
0x12: {  	_ = 	snop;
	(pc) =	sbr.rel @!p0 .LBB2_5-.Ltmp1, $4  }
0x13: {  	_ = 	snop  }
0x14: {  	_ =	swait.ge [sflag:s28], $0x3C00  }
0x15: {  	[sflag:s28] =	ssyncset.done $0x0  }
0x16: {  	[sflag:s28] =	ssyncadd.s32 $0xFFFFC400  }
.LBB2_1:
0x17: {  	[tilespmem:s3], [sflag:$0xB] =	stream.linear.gather [hbm4b:s4+s3], $0x1680, $0x38;
	[tilespmem:$0x14400] =	vst v63  }
0x18: {  	_ =	swait.ge [sflag:s7], $0x1680  }
0x19: {  	[sflag:s7] =	ssyncset.done $0x0  }
0x1a: {  	[sflag:s7] =	ssyncadd.s32 $0xFFFFE980  }
0x1b: {  	[tilespmem:s9], [sflag:$0x1] =	stream.indirect.gather [hbm4b:s2+s8], $0x80, s3, s8, $0xb8;
	[tilespmem:$0x14400] =	vst v63  }
0x1c: {  	s0 =	simm.s32 $0x80  }
0x1d: {  	[tilespmem:s11], [sflag:$0x2] =	stream.indirect.gather [hbm4b:s2+s8], $0x80, s0, s8, $0xb8;
	[tilespmem:$0x14400] =	vst v63  }
0x1e: {  	s12 =	simm.s32 $0x100  }
0x1f: {  	[tilespmem:s13], [sflag:$0x3] =	stream.indirect.gather [hbm4b:s2+s8], $0x80, s12, s8, $0xb8;
	[tilespmem:$0x14400] =	vst v63  }
0x20: {  	_ = 	snop  }
0x21: {  	[tilespmem:s15], [sflag:$0x4] =	stream.indirect.gather [hbm4b:s2+s8], $0x80, s14, s8, $0xb8;
	[tilespmem:$0x14400] =	vst v63  }
0x22: {  	s30 =	smov.u32 s6;
	s31 =	simm.s32 $0x0  }
0x23: {  	[tilespmem:s17], [sflag:$0x5] =	stream.indirect.gather [hbm4b:s2+s8], $0x80, s16, s8, $0xb8;
	[tilespmem:$0x14400] =	vst v63  }
.LBB2_2:
0x24: {  	_ =	swait.ge [sflag:s18], $0x3C00  }
0x25: {  	[sflag:s18] =	ssyncset.done $0x0  }
0x26: {  	s1 =	sadd.s32 $0xFFFFE200, s30;
	p0 =	seq.s32 s31, $0x0;
	[sflag:s18] =	ssyncadd.s32 $0xFFFFC400  }
0x27: {  	[hbm4b:s1+s3] =	stream.linear.scatter [tilespmem:s9], [sflag:$0x6], $0x3C00, $0x38;
	[tilespmem:$0x14400] =	vst v63  }
0x28: {  	s1 =	simm.s32 @!p0 $0xA  }
0x29: {  	_ =	swait.ge @!p0 [sflag:s1], $0x3C00  }
0x2a: {  	[sflag:s1] =	ssyncset.done @!p0 $0x0  }
0x2b: {  	[sflag:s1] =	ssyncadd.s32 @!p0 $0xFFFFC400;
	s1 =	sshra.s32 @!p0 s31, $0x2  }
0x2c: {  	s0 =	simm.s32 @!p0 $0x78;
	s10 =	simm.s32 @!p0 $0x10800;
	s1 =	sadd.s32 @!p0 $0x200, s1  }
0x2d: {  	[tilespmem:s10], [sflag:$0x5] =	stream.indirect.gather @!p0 [hbm4b:s2+s0], $0x80, s1, s0, $0xb8;
	[tilespmem:$0x14400] =	vst v63  }
0x2e: {  	_ =	swait.ge [sflag:s19], $0x3C00  }
0x2f: {  	[sflag:s19] =	ssyncset.done $0x0  }
0x30: {  	s10 =	sadd.s32 $0xFFFFE980, s30;
	[sflag:s19] =	ssyncadd.s32 $0xFFFFC400  }
0x31: {  	[hbm4b:s10+s3] =	stream.linear.scatter [tilespmem:s11], [sflag:$0x7], $0x3C00, $0x38;
	[tilespmem:$0x14400] =	vst v63  }
0x32: {  	p0 =	seq.s32 s31, $0x5000;
	_ =	swait.ge [sflag:s20], $0x3C00  }
0x33: {  	s0 =	sshra.s32 @!p0 s31, $0x2;
	s12 =	simm.s32 @!p0 $0x1800;
	[sflag:s20] =	ssyncset.done $0x0  }
0x34: {  	s1 =	sadd.s32 @!p0 $0x280, s0;
	s10 =	simm.s32 @!p0 $0x78;
	[sflag:s20] =	ssyncadd.s32 $0xFFFFC400  }
0x35: {  	[tilespmem:s12], [sflag:$0x1] =	stream.indirect.gather @!p0 [hbm4b:s2+s10], $0x80, s1, s10, $0xb8;
	[tilespmem:$0x14400] =	vst v63  }
0x36: {  	_ =	swait.ge [sflag:s21], $0x3C00  }
0x37: {  	[sflag:s21] =	ssyncset.done $0x0  }
0x38: {  	s12 =	sadd.s32 $0xFFFFF100, s30;
	[sflag:s21] =	ssyncadd.s32 $0xFFFFC400  }
0x39: {  	[hbm4b:s12+s3] =	stream.linear.scatter [tilespmem:s13], [sflag:$0x8], $0x3C00, $0x38;
	[tilespmem:$0x14400] =	vst v63  }
0x3a: {  	_ =	swait.ge [sflag:s22], $0x3C00  }
0x3b: {  	[sflag:s22] =	ssyncset.done $0x0  }
0x3c: {  	s1 =	sadd.s32 @!p0 $0x300, s0;
	s12 =	simm.s32 @!p0 $0x5400;
	[sflag:s22] =	ssyncadd.s32 $0xFFFFC400  }
0x3d: {  	[tilespmem:s12], [sflag:$0x2] =	stream.indirect.gather @!p0 [hbm4b:s2+s10], $0x80, s1, s10, $0xb8;
	[tilespmem:$0x14400] =	vst v63  }
0x3e: {  	_ =	swait.ge [sflag:s23], $0x3C00  }
0x3f: {  	[sflag:s23] =	ssyncset.done $0x0  }
0x40: {  	s12 =	sadd.s32 $0xFFFFF880, s30;
	[sflag:s23] =	ssyncadd.s32 $0xFFFFC400  }
0x41: {  	[hbm4b:s12+s3] =	stream.linear.scatter [tilespmem:s15], [sflag:$0x9], $0x3C00, $0x38;
	[tilespmem:$0x14400] =	vst v63  }
0x42: {  	_ =	swait.ge [sflag:s24], $0x3C00  }
0x43: {  	[sflag:s24] =	ssyncset.done $0x0  }
0x44: {  	s0 =	sadd.s32 @!p0 $0x380, s0;
	s1 =	simm.s32 @!p0 $0x9000;
	[sflag:s24] =	ssyncadd.s32 $0xFFFFC400  }
0x45: {  	[tilespmem:s1], [sflag:$0x3] =	stream.indirect.gather @!p0 [hbm4b:s2+s10], $0x80, s0, s10, $0xb8;
	[tilespmem:$0x14400] =	vst v63  }
0x46: {  	_ =	swait.ge [sflag:s25], $0x3C00  }
0x47: {  	[sflag:s25] =	ssyncset.done $0x0  }
.Ltmp2:
0x48: {  	[sflag:s25] =	ssyncadd.s32 $0xFFFFC400;
	(pc) =	sbr.rel @p0 .LBB2_4-.Ltmp2, $4  }
0x49: {  	[hbm4b:s30+s3] =	stream.linear.scatter [tilespmem:s17], [sflag:$0xA], $0x3C00, $0x38;
	[tilespmem:$0x14400] =	vst v63  }
0x4a: {  	_ =	swait.ge [sflag:s26], $0x3C00  }
0x4b: {  	[sflag:s26] =	ssyncset.done $0x0  }
0x4c: {  	[sflag:s26] =	ssyncadd.s32 $0xFFFFC400  }
.Ltmp3:
0x4d: {  	(pc) =	sbr.rel .LBB2_2-.Ltmp3, $4  }
0x4e: {  	_ = 	snop  }
0x4f: {  	s0 =	sshra.s32 s31, $0x2  }
0x50: {  	s31 =	sadd.s32 $0xA00, s31;
	s30 =	sadd.s32 $0x2580, s30;
	s0 =	sadd.s32 $0x400, s0  }
0x51: {  	[tilespmem:s15], [sflag:$0x4] =	stream.indirect.gather [hbm4b:s2+s8], $0x80, s0, s8, $0xb8;
	[tilespmem:$0x14400] =	vst v63  }
.LBB2_5:
0x52: {  	_ =	sfence.sel $0x180000  }
0x53: {  	[bflag:$0x0] =	sbarrier.arrive $0xFFFF  }
0x54: {  	_ =	strace $0x9000004D  }
0x55: {  	s0 =	stileid.u32;
	[bflag:$0x2] =	sbarrier.arrive $0xFFFF  }
0x56: {  	p0 =	sne.s32 s0, $0x0;
	s0 =	rddreg [dreg:$0x2]  }
0x57: {  	s0 =	sadd.s32 @!p0 $0x100000, s0  }
0x58: {  	[sflag:s0] =	ssyncadd.tile.s32 @!p0 $0x1;
	_ =	shalt  }
.Lfunc_end2:
_tile_overlayer_lowered:
.L_overlay_start_2:
0x59: {  	(tag) =	ssettag $0x2  }
0x5a: {  	s0 =	rddreg [dreg:$0x0];
	s2 =	stileid.u32  }
0x5b: {  	s1 =	rddreg [dreg:$0x1];
	p0 =	sne.s32 s2, $0x0  }
0x5c: {  	s3 =	rddreg [dreg:$0x2];
	[bflag:$0x3] =	sbarrier.arrive $0xFFFF;
	s2 =	simm.s32 @!p0 $0x1C0B  }
0x5d: {  	[timem:s3], [sflag:s2] =	dma.local @!p0 [hbm:s0], s1  }
0x5e: {  	s0 =	simm.s32 @!p0 $0xB  }
0x5f: {  	_ =	swait.ge @!p0 [sflag:s0], s1  }
0x60: {  	s1 =	ssub.s32 @!p0 $0x0, s1;
	[sflag:s0] =	ssyncset.done @!p0 $0x0  }
0x61: {  	[sflag:s0] =	ssyncadd.s32 @!p0 s1  }
0x62: {  	[bflag:$0x3] =	sbarrier.arrive $0xFFFF  }
0x63: {  	_ =	shalt  }

// kernel: kernel.8.cloned.1.call-start
scs
__scs_entry_jumppad:
0x0: {  	(pc) =	sbr.rel $0x88, $3  }
0x1: {  	(tag) =	ssettag $0x0;
	lr =	simm.s32 $0x1  }
0x2: {  	[smem:$0x3F96] =	sst lr;
	_ =	strace $0xD0000000  }
0x3: {  	_ = 	snop  }
0x4: {  	_ = 	snop  }
0x5: {  	_ = 	snop  }
0x6: {  	_ = 	snop  }
0x7: {  	_ = 	snop  }
__scs_overlays_trampoline_lowered:
0x8: {  	[smem:$0x3FA5] =	sst s0  }
0x9: {  	[smem:$0x3FA6] =	sst s1  }
0xa: {  	[smem:$0x3FA7] =	sst s2  }
0xb: {  	[smem:$0x3FA8] =	sst s3  }
0xc: {  	[smem:$0x3FA9] =	sst s4  }
0xd: {  	[smem:$0x3FAA] =	sst s5  }
0xe: {  	[smem:$0x3FAB] =	sst s6  }
0xf: {  	[smem:$0x3FAC] =	sst s7  }
0x10: {  	[smem:$0x3FAD] =	sst s8  }
0x11: {  	[smem:$0x3FAE] =	sst s9;
	s0 =	simm.s32 @!p0 $0x0  }
0x12: {  	s1 =	sld [smem:$0x3F94];
	s0 =	simm.s32 @p0 $0x1  }
0x13: {  	[smem:$0x3FAF] =	sst s0;
	s0 =	simm.s32 @!p1 $0x0  }
0x14: {  	s2 =	sld [smem:$0x3F93];
	s0 =	simm.s32 @p1 $0x1  }
0x15: {  	[smem:$0x3FB0] =	sst s0;
	s0 =	simm.s32 @!p2 $0x0  }
0x16: {  	s3 =	sld [smem:$0x3FDB];
	s0 =	simm.s32 @p2 $0x1  }
0x17: {  	s4 =	simm.s32 $0x1BF5;
	[smem:$0x3FB2] =	sst s0  }
0x18: {  	s0 =	sld [smem:$0x3F95];
	_ =	swait.ge [sflag:s4], $0x0  }
0x19: {  	s7 =	sld [smem:$0x3F96]  }
0x1a: {  	s8 =	sadd.s32 $0xFFFFE003, lr  }
0x1b: {  	s9 =	sadd.s32 $0xFFFFFEF7, lr;
	s5 =	simm.s32 $0xFFFFFFFF;
	p2 =	slt.u32 s8, $0xFFFFF086  }
0x1c: {  	p1 =	slt.u32 s9, $0xF7A;
	s5 =	simm.s32 @!p2 $0x0  }
0x1d: {  	s5 =	simm.s32 @p1 $0x1;
	p0 =	seq.s32 s7, s2  }
0x1e: {  	s7 =	smul.u32 @!p0 $0xF7A, s2;
	p2 =	seq.s32 @!p0 s5, $0x0  }
0x1f: {  	s9 =	smul.u32 $0xF7A, s1;
	s8 =	simm.s32 @!p0 $0x1BF5;
	p2 =	por !p2, p0  }
0x20: {  	[sflag:s8] =	ssyncset.s32 @!p0 $0xFFFFF086;
	s6 =	sadd.s32 @!p0 s3, s7;
	s7 =	simm.s32 @!p0 $0x108  }
0x21: {  	s3 =	sadd.s32 s3, s9;
	s6 =	sadd.s32 @!p0 $0x88, s6;
	s7 =	simm.s32 @p2 $0x1082  }
0x22: {  	[simem:s7], [sflag:s8] =	dma.local @!p0 [hbm:s6], $0xF7A  }
0x23: {  	s9 =	sor.u32 $0xD0000000, s2;
	s6 =	simm.s32 $0x108;
	_ =	swait.ge @!p0 [sflag:s8], $0x0  }
0x24: {  	s3 =	sadd.s32 $0x88, s3;
	s6 =	simm.s32 @!p1 $0x1082;
	[sflag:s4] =	ssyncset.s32 $0xFFFFF086  }
0x25: {  	[simem:s6], [sflag:s4] =	dma.local [hbm:s3], $0xF7A  }
0x26: {  	[smem:$0x3F96] =	sst s1;
	(tag) =	ssettag s2;
	_ =	strace s9  }
0x27: {  	s1 =	sld [smem:$0x3FA6]  }
0x28: {  	s2 =	sld [smem:$0x3FA7]  }
0x29: {  	s4 =	sld [smem:$0x3FA9]  }
0x2a: {  	p0 =	seq.s32 s5, $0x0;
	s5 =	sld [smem:$0x3FAA]  }
0x2b: {  	s6 =	sld [smem:$0x3FAB]  }
0x2c: {  	s7 =	sld [smem:$0x3FAC]  }
0x2d: {  	s3 =	simm.s32 $0x108;
	s8 =	sld [smem:$0x3FAD]  }
0x2e: {  	s3 =	simm.s32 @!p0 $0x1082;
	s9 =	sld [smem:$0x3FAE]  }
0x2f: {  	lr =	sadd.s32 s0, s3;
	s0 =	sld [smem:$0x3FA5]  }
0x30: {  	s3 =	sld [smem:$0x3FA8]  }
0x31: {  	[smem:$0x3FB1] =	sst s10  }
0x32: {  	s10 =	sld [smem:$0x3FAF];
	_ =	sdelay $0x3  }
0x33: {  	p0 =	seq.s32 s10, $0x1;
	s10 =	sld [smem:$0x3FB1];
	_ =	sdelay $0x3  }
0x34: {  	[smem:$0x3FB1] =	sst s10  }
0x35: {  	s10 =	sld [smem:$0x3FB0];
	_ =	sdelay $0x3  }
0x36: {  	p1 =	seq.s32 s10, $0x1;
	s10 =	sld [smem:$0x3FB1];
	_ =	sdelay $0x3  }
0x37: {  	[smem:$0x3FB1] =	sst s10  }
0x38: {  	s10 =	sld [smem:$0x3FB2]  }
0x39: {  	_ = 	snop;
	(pc) =	sbr.ind lr, $3  }
0x3a: {  	_ = 	snop  }
0x3b: {  	_ = 	snop  }
0x3c: {  	p2 =	seq.s32 s10, $0x1;
	s10 =	sld [smem:$0x3FB1]  }
0x3d: {  	_ =	shalt  }
0x3e: {  	_ =	shalt  }
0x3f: {  	_ =	shalt  }
0x40: {  	_ =	shalt  }
0x41: {  	_ =	shalt  }
0x42: {  	_ =	shalt  }
0x43: {  	_ =	shalt  }
0x44: {  	_ =	shalt  }
0x45: {  	_ =	shalt  }
0x46: {  	_ =	shalt  }
0x47: {  	_ =	shalt  }
0x48: {  	_ =	shalt  }
0x49: {  	_ =	shalt  }
0x4a: {  	_ =	shalt  }
0x4b: {  	_ =	shalt  }
0x4c: {  	_ =	shalt  }
0x4d: {  	_ =	shalt  }
0x4e: {  	_ =	shalt  }
0x4f: {  	_ =	shalt  }
0x50: {  	_ =	shalt  }
0x51: {  	_ =	shalt  }
0x52: {  	_ =	shalt  }
0x53: {  	_ =	shalt  }
0x54: {  	_ =	shalt  }
0x55: {  	_ =	shalt  }
0x56: {  	_ =	shalt  }
0x57: {  	_ =	shalt  }
0x58: {  	_ =	shalt  }
0x59: {  	_ =	shalt  }
0x5a: {  	_ =	shalt  }
0x5b: {  	_ =	shalt  }
0x5c: {  	_ =	shalt  }
0x5d: {  	_ =	shalt  }
0x5e: {  	_ =	shalt  }
0x5f: {  	_ =	shalt  }
0x60: {  	_ =	shalt  }
0x61: {  	_ =	shalt  }
0x62: {  	_ =	shalt  }
0x63: {  	_ =	shalt  }
0x64: {  	_ =	shalt  }
0x65: {  	_ =	shalt  }
0x66: {  	_ =	shalt  }
0x67: {  	_ =	shalt  }
0x68: {  	_ =	shalt  }
0x69: {  	_ =	shalt  }
0x6a: {  	_ =	shalt  }
0x6b: {  	_ =	shalt  }
0x6c: {  	_ =	shalt  }
0x6d: {  	_ =	shalt  }
0x6e: {  	_ =	shalt  }
0x6f: {  	_ =	shalt  }
0x70: {  	_ =	shalt  }
0x71: {  	_ =	shalt  }
0x72: {  	_ =	shalt  }
0x73: {  	_ =	shalt  }
0x74: {  	_ =	shalt  }
0x75: {  	_ =	shalt  }
0x76: {  	_ =	shalt  }
0x77: {  	_ =	shalt  }
0x78: {  	_ =	shalt  }
0x79: {  	_ =	shalt  }
0x7a: {  	_ =	shalt  }
0x7b: {  	_ =	shalt  }
0x7c: {  	_ =	shalt  }
0x7d: {  	_ =	shalt  }
0x7e: {  	_ =	shalt  }
0x7f: {  	_ =	shalt  }
0x80: {  	_ =	shalt  }
0x81: {  	_ =	shalt  }
0x82: {  	_ =	shalt  }
0x83: {  	_ =	shalt  }
0x84: {  	_ =	shalt  }
0x85: {  	_ =	shalt  }
0x86: {  	_ =	shalt  }
0x87: {  	_ =	shalt  }
.Lfunc_end0:
.L_simem_size_0:
called_computation_lowered:
.L_overlay_start_0:
0x88: {  	s2 =	sld [smem:$0x3FD9]  }
0x89: {  	s3 =	sld [smem:$0x3FFE];
	_ =	sdelay $0x1  }
0x8a: {  	s1 =	srdreg.scid  }
0x8b: {  	s0 =	sand.u32 $0x1, s1  }
0x8c: {  	s17 =	sshll.u32 s0, $0xA;
	s2 =	sadd.s32 s3, s2  }
0x8d: {  	s2 =	sadd.s32 s2, s17  }
0x8e: {  	[smem:$0x3FBD] =	sst s2  }
0x8f: {  	_ = 	snop  }
0x90: {  	s2 =	sld [smem:$0x3FC8]  }
0x91: {  	s18 =	sld [smem:$0x3FD0];
	(tm) =	ssettm $0x1  }
0x92: {  	s4 =	sld [smem:$0x3FFB];
	_ =	sdelay $0x3  }
0x93: {  	_ =	strace s4  }
0x94: {  	s4 =	sld [smem:$0x3FFC];
	_ =	sdelay $0x3  }
0x95: {  	_ =	strace s4  }
0x96: {  	s4 =	sld [smem:$0x3FFD];
	_ =	sdelay $0x3  }
0x97: {  	_ =	strace s4  }
0x98: {  	_ =	strace $0x8FFFFFFF  }
0x99: {  	s19 =	sld [smem:$0x3FDB];
	_ =	sdelay $0x1  }
0x9a: {  	s5 =	simm.s32 $_scs_section_size  }
0x9b: {  	s6 =	simm.s32 $_size__tile_overlayer_lowered;
	s7 =	simm.s32 $_tile_overlayer_lowered  }
0x9c: {  	s22 =	simm.s32 $0x1BFF;
	s21 =	sshll.u32 s7, $0x1;
	s4 =	sadd.s32 s5, s19  }
0x9d: {  	s8 =	simm.s32 $0x0;
	s20 =	sshll.u32 s6, $0x1;
	s6 =	sadd.s32 s21, s4  }
0x9e: {  	[timem:s8], [sflag:s22] =	dma.local [hbm:s6], s20  }
0x9f: {  	_ =	swait.ge [sflag:s22], s20  }
0xa0: {  	s5 =	ssub.s32 $0x0, s20;
	[sflag:s22] =	ssyncset.done $0x0  }
0xa1: {  	[sflag:s22] =	ssyncadd.s32 s5;
	_ =	sdelay $0x1  }
0xa2: {  	s23 =	simm.s32 $0x1B8B  }
0xa3: {  	_ =	swait.ge [sflag:s23], $0x1  }
0xa4: {  	[sflag:s23] =	ssyncset.done $0x0  }
0xa5: {  	s25 =	simm.s32 $0x1B8E;
	s24 =	sld [smem:$0x3FFE];
	[sflag:s23] =	ssyncadd.s32 $0xFFFFFFFF  }
0xa6: {  	s26 =	simm.s32 $execute0_lowered;
	[smem:$0x3FD2] =	sst s25  }
0xa7: {  	s6 =	sshll.u32 s26, $0x1;
	_ =	strace $0x80000046;
	[dreg:$0x1] =	wrdreg $0xFFFFFFFF  }
0xa8: {  	s28 =	simm.s32 $_size_execute0_lowered;
	s4 =	sadd.s32 s4, s6;
	[dreg:$0x0] =	wrdreg $0x0  }
0xa9: {  	s6 =	sshll.u32 s28, $0x1;
	[dreg:$0x2] =	wrdreg s4  }
0xaa: {  	[dreg:$0x3] =	wrdreg s6  }
0xab: {  	[dreg:$0x4] =	wrdreg $0xC0  }
0xac: {  	_ =	task [dreg:s8], $0x5FFFF  }
0xad: {  	[dreg:$0x1] =	wrdreg $0xFFFFFFFF  }
0xae: {  	[dreg:$0x0] =	wrdreg $0x60  }
0xaf: {  	[dreg:$0x2] =	wrdreg s2  }
0xb0: {  	[dreg:$0x3] =	wrdreg s18  }
0xb1: {  	[dreg:$0x4] =	wrdreg s24  }
0xb2: {  	[dreg:$0x5] =	wrdreg $0x9  }
0xb3: {  	_ =	task.clear_ibuf [dreg:s8], $0x6FFFF;
	_ =	strace $0x90000046  }
0xb4: {  	s29 =	simm.s32 $0x9;
	_ =	strace $0x80000048  }
0xb5: {  	_ =	swait.ge [sflag:s29], $0x1  }
0xb6: {  	[sflag:s29] =	ssyncadd.s32 $0xFFFFFFFF  }
0xb7: {  	_ =	strace $0x90000048  }
0xb8: {  	_ =	sfence  }
0xb9: {  	s30 =	sld [smem:$0x0];
	_ =	sdelay $0x2  }
0xba: {  	s31 =	sshll.u32 s1, $0xD;
	s1 =	sshrl.u32 s1, $0x2  }
0xbb: {  	s3 =	sand.u32 $0x4000, s31;
	s1 =	sadd.s32 s1, s30  }
0xbc: {  	s0 =	sor.u32 s3, s0;
	s1 =	sshll.u32 s1, $0x11  }
0xbd: {  	s0 =	sor.u32 s1, s0  }
0xbe: {  	s0 =	sadd.s32 $0x8F2B, s0  }
0xbf: {  	[sflag:s0] =	ssyncadd.remote.s32 $0x1  }
0xc0: {  	_ =	sfence.sel $0xFFFF  }
0xc1: {  	[dreg:$0x0] =	wrdreg $0xFFFFFFFF;
	(pc) =	sbr.abs _section_cstart, $3  }
0xc2: {  	[dreg:$0x1] =	wrdreg $0xFFFFFFFF  }
0xc3: {  	_ =	task.clear_ibuf [dreg:s8], $0x2FFFF;
	_ =	strace $0x9FFFFFFF  }
0xc4: {  	(tm) =	ssettm $0x7FFFFFFF  }
0xc5: {  	_ =	shalt  }
tec
execute0_lowered:
.L_overlay_start_1:
0x0: {  	(tag) =	ssettag $0x1  }
0x1: {  	s1 =	rddreg [dreg:$0x0];
	s0 =	stileid.u32  }
0x2: {  	s2 =	srdreg.scid;
	s4 =	rddreg [dreg:$0x1]  }
0x3: {  	s6 =	rddreg [dreg:$0x2];
	s3 =	simm.s32 $0x0;
	s11 =	simm.s32 $0x5000  }
0x4: {  	s13 =	simm.s32 $0x8C00;
	s14 =	simm.s32 $0x180;
	s15 =	simm.s32 $0xC800  }
0x5: {  	s16 =	simm.s32 $0x200;
	s17 =	simm.s32 $0x10400;
	s18 =	simm.s32 $0x1  }
0x6: {  	s19 =	simm.s32 $0x2;
	s20 =	simm.s32 $0x6;
	s21 =	simm.s32 $0x3  }
0x7: {  	s22 =	simm.s32 $0x7;
	s23 =	simm.s32 $0x4;
	s24 =	simm.s32 $0x8  }
0x8: {  	s25 =	simm.s32 $0x5;
	s26 =	simm.s32 $0x9;
	s28 =	simm.s32 $0xA  }
0x9: {  	s5 =	sand.u32 $0x1, s2;
	s30 =	sshll.u32 s0, $0x1;
	s7 =	smul.u32 $0x25800, s0  }
0xa: {  	s8 =	sor.u32 s5, s30;
	s9 =	ssub.s32 $0x2, s5;
	s5 =	smul.u32 $0x12C00, s5  }
.Ltmp0:
0xb: {  	s29 =	simm.s32 $0x0;
	[smem:$0x7FF] =	sst s3;
	(pc) =	sbr.rel .LBB2_1-.Ltmp0, $4  }
0xc: {  	s8 =	smul.u32 $0x280, s8;
	s6 =	sadd.s32 s7, s6;
	s31 =	sshrl.u32 s9, $0x1  }
0xd: {  	_ =	strace $0x80000047;
	s7 =	ssub.s32 s9, s31;
	s6 =	sadd.s32 s5, s6  }
0xe: {  	s9 =	simm.s32 $0x1400;
	s4 =	sadd.s32 s4, s8;
	s5 =	smax.u32 s7, $0x1  }
0xf: {  	s6 =	sadd.s32 $0x4000, s6;
	s7 =	simm.s32 $0xB;
	s8 =	simm.s32 $0x78  }
.LBB2_4:
0x10: {  	s29 =	sadd.s32 $0x1, s29  }
0x11: {  	p0 =	sne.s32 s29, s5  }
.Ltmp1:
0x12: {  	_ = 	snop;
	(pc) =	sbr.rel @!p0 .LBB2_5-.Ltmp1, $4  }
0x13: {  	_ = 	snop  }
0x14: {  	_ =	swait.ge [sflag:s28], $0x3C00  }
0x15: {  	[sflag:s28] =	ssyncset.done $0x0  }
0x16: {  	[sflag:s28] =	ssyncadd.s32 $0xFFFFC400  }
.LBB2_1:
0x17: {  	[tilespmem:s3], [sflag:$0xB] =	stream.linear.gather [hbm4b:s4+s3], $0x1400, $0x38;
	[tilespmem:$0x14000] =	vst v63  }
0x18: {  	_ =	swait.ge [sflag:s7], $0x1400  }
0x19: {  	[sflag:s7] =	ssyncset.done $0x0  }
0x1a: {  	[sflag:s7] =	ssyncadd.s32 $0xFFFFEC00  }
0x1b: {  	[tilespmem:s9], [sflag:$0x1] =	stream.indirect.gather [hbm4b:s1+s8], $0x80, s3, s8, $0xb8;
	[tilespmem:$0x14000] =	vst v63  }
0x1c: {  	s0 =	simm.s32 $0x80  }
0x1d: {  	[tilespmem:s11], [sflag:$0x2] =	stream.indirect.gather [hbm4b:s1+s8], $0x80, s0, s8, $0xb8;
	[tilespmem:$0x14000] =	vst v63  }
0x1e: {  	s12 =	simm.s32 $0x100  }
0x1f: {  	[tilespmem:s13], [sflag:$0x3] =	stream.indirect.gather [hbm4b:s1+s8], $0x80, s12, s8, $0xb8;
	[tilespmem:$0x14000] =	vst v63  }
0x20: {  	_ = 	snop  }
0x21: {  	[tilespmem:s15], [sflag:$0x4] =	stream.indirect.gather [hbm4b:s1+s8], $0x80, s14, s8, $0xb8;
	[tilespmem:$0x14000] =	vst v63  }
0x22: {  	s30 =	smov.u32 s6;
	s31 =	simm.s32 $0x0  }
0x23: {  	[tilespmem:s17], [sflag:$0x5] =	stream.indirect.gather [hbm4b:s1+s8], $0x80, s16, s8, $0xb8;
	[tilespmem:$0x14000] =	vst v63  }
.LBB2_2:
0x24: {  	_ =	swait.ge [sflag:s18], $0x3C00  }
0x25: {  	[sflag:s18] =	ssyncset.done $0x0  }
0x26: {  	s2 =	sadd.s32 $0xFFFFE200, s30;
	p0 =	seq.s32 s31, $0x0;
	[sflag:s18] =	ssyncadd.s32 $0xFFFFC400  }
0x27: {  	[hbm4b:s2+s3] =	stream.linear.scatter [tilespmem:s9], [sflag:$0x6], $0x3C00, $0x38;
	[tilespmem:$0x14000] =	vst v63  }
0x28: {  	s2 =	simm.s32 @!p0 $0xA  }
0x29: {  	_ =	swait.ge @!p0 [sflag:s2], $0x3C00  }
0x2a: {  	[sflag:s2] =	ssyncset.done @!p0 $0x0  }
0x2b: {  	[sflag:s2] =	ssyncadd.s32 @!p0 $0xFFFFC400;
	s2 =	sshra.s32 @!p0 s31, $0x2  }
0x2c: {  	s0 =	simm.s32 @!p0 $0x78;
	s10 =	simm.s32 @!p0 $0x10400;
	s2 =	sadd.s32 @!p0 $0x200, s2  }
0x2d: {  	[tilespmem:s10], [sflag:$0x5] =	stream.indirect.gather @!p0 [hbm4b:s1+s0], $0x80, s2, s0, $0xb8;
	[tilespmem:$0x14000] =	vst v63  }
0x2e: {  	_ =	swait.ge [sflag:s19], $0x3C00  }
0x2f: {  	[sflag:s19] =	ssyncset.done $0x0  }
0x30: {  	s10 =	sadd.s32 $0xFFFFE980, s30;
	[sflag:s19] =	ssyncadd.s32 $0xFFFFC400  }
0x31: {  	[hbm4b:s10+s3] =	stream.linear.scatter [tilespmem:s11], [sflag:$0x7], $0x3C00, $0x38;
	[tilespmem:$0x14000] =	vst v63  }
0x32: {  	p0 =	seq.s32 s31, $0x4600;
	_ =	swait.ge [sflag:s20], $0x3C00  }
0x33: {  	s0 =	sshra.s32 @!p0 s31, $0x2;
	s12 =	simm.s32 @!p0 $0x1400;
	[sflag:s20] =	ssyncset.done $0x0  }
0x34: {  	s2 =	sadd.s32 @!p0 $0x280, s0;
	s10 =	simm.s32 @!p0 $0x78;
	[sflag:s20] =	ssyncadd.s32 $0xFFFFC400  }
0x35: {  	[tilespmem:s12], [sflag:$0x1] =	stream.indirect.gather @!p0 [hbm4b:s1+s10], $0x80, s2, s10, $0xb8;
	[tilespmem:$0x14000] =	vst v63  }
0x36: {  	_ =	swait.ge [sflag:s21], $0x3C00  }
0x37: {  	[sflag:s21] =	ssyncset.done $0x0  }
0x38: {  	s12 =	sadd.s32 $0xFFFFF100, s30;
	[sflag:s21] =	ssyncadd.s32 $0xFFFFC400  }
0x39: {  	[hbm4b:s12+s3] =	stream.linear.scatter [tilespmem:s13], [sflag:$0x8], $0x3C00, $0x38;
	[tilespmem:$0x14000] =	vst v63  }
0x3a: {  	_ =	swait.ge [sflag:s22], $0x3C00  }
0x3b: {  	[sflag:s22] =	ssyncset.done $0x0  }
0x3c: {  	s2 =	sadd.s32 @!p0 $0x300, s0;
	s12 =	simm.s32 @!p0 $0x5000;
	[sflag:s22] =	ssyncadd.s32 $0xFFFFC400  }
0x3d: {  	[tilespmem:s12], [sflag:$0x2] =	stream.indirect.gather @!p0 [hbm4b:s1+s10], $0x80, s2, s10, $0xb8;
	[tilespmem:$0x14000] =	vst v63  }
0x3e: {  	_ =	swait.ge [sflag:s23], $0x3C00  }
0x3f: {  	[sflag:s23] =	ssyncset.done $0x0  }
0x40: {  	s12 =	sadd.s32 $0xFFFFF880, s30;
	[sflag:s23] =	ssyncadd.s32 $0xFFFFC400  }
0x41: {  	[hbm4b:s12+s3] =	stream.linear.scatter [tilespmem:s15], [sflag:$0x9], $0x3C00, $0x38;
	[tilespmem:$0x14000] =	vst v63  }
0x42: {  	_ =	swait.ge [sflag:s24], $0x3C00  }
0x43: {  	[sflag:s24] =	ssyncset.done $0x0  }
0x44: {  	s0 =	sadd.s32 @!p0 $0x380, s0;
	s2 =	simm.s32 @!p0 $0x8C00;
	[sflag:s24] =	ssyncadd.s32 $0xFFFFC400  }
0x45: {  	[tilespmem:s2], [sflag:$0x3] =	stream.indirect.gather @!p0 [hbm4b:s1+s10], $0x80, s0, s10, $0xb8;
	[tilespmem:$0x14000] =	vst v63  }
0x46: {  	_ =	swait.ge [sflag:s25], $0x3C00  }
0x47: {  	[sflag:s25] =	ssyncset.done $0x0  }
.Ltmp2:
0x48: {  	[sflag:s25] =	ssyncadd.s32 $0xFFFFC400;
	(pc) =	sbr.rel @p0 .LBB2_4-.Ltmp2, $4  }
0x49: {  	[hbm4b:s30+s3] =	stream.linear.scatter [tilespmem:s17], [sflag:$0xA], $0x3C00, $0x38;
	[tilespmem:$0x14000] =	vst v63  }
0x4a: {  	_ =	swait.ge [sflag:s26], $0x3C00  }
0x4b: {  	[sflag:s26] =	ssyncset.done $0x0  }
0x4c: {  	[sflag:s26] =	ssyncadd.s32 $0xFFFFC400  }
.Ltmp3:
0x4d: {  	(pc) =	sbr.rel .LBB2_2-.Ltmp3, $4  }
0x4e: {  	_ = 	snop  }
0x4f: {  	s0 =	sshra.s32 s31, $0x2  }
0x50: {  	s31 =	sadd.s32 $0xA00, s31;
	s30 =	sadd.s32 $0x2580, s30;
	s0 =	sadd.s32 $0x400, s0  }
0x51: {  	[tilespmem:s15], [sflag:$0x4] =	stream.indirect.gather [hbm4b:s1+s8], $0x80, s0, s8, $0xb8;
	[tilespmem:$0x14000] =	vst v63  }
.LBB2_5:
0x52: {  	_ =	sfence.sel $0x180000  }
0x53: {  	[bflag:$0x0] =	sbarrier.arrive $0xFFFF  }
0x54: {  	_ =	strace $0x90000047  }
0x55: {  	s0 =	stileid.u32;
	[bflag:$0x2] =	sbarrier.arrive $0xFFFF  }
0x56: {  	p0 =	sne.s32 s0, $0x0;
	s0 =	rddreg [dreg:$0x3]  }
0x57: {  	s0 =	sadd.s32 @!p0 $0x100000, s0  }
0x58: {  	[sflag:s0] =	ssyncadd.tile.s32 @!p0 $0x1;
	_ =	shalt  }
.Lfunc_end2:
_tile_overlayer_lowered:
.L_overlay_start_2:
0x59: {  	(tag) =	ssettag $0x2  }
0x5a: {  	s0 =	rddreg [dreg:$0x0];
	s2 =	stileid.u32  }
0x5b: {  	s1 =	rddreg [dreg:$0x1];
	p0 =	sne.s32 s2, $0x0  }
0x5c: {  	s3 =	rddreg [dreg:$0x2];
	[bflag:$0x3] =	sbarrier.arrive $0xFFFF;
	s2 =	simm.s32 @!p0 $0x1C0B  }
0x5d: {  	[timem:s3], [sflag:s2] =	dma.local @!p0 [hbm:s0], s1  }
0x5e: {  	s0 =	simm.s32 @!p0 $0xB  }
0x5f: {  	_ =	swait.ge @!p0 [sflag:s0], s1  }
0x60: {  	s1 =	ssub.s32 @!p0 $0x0, s1;
	[sflag:s0] =	ssyncset.done @!p0 $0x0  }
0x61: {  	[sflag:s0] =	ssyncadd.s32 @!p0 s1  }
0x62: {  	[bflag:$0x3] =	sbarrier.arrive $0xFFFF  }
0x63: {  	_ =	shalt  }

</sc_bundles>
